<compile_context>
chip_gen: v7x
topology: tpu7x:2x2x1
jax: 0.10.2.dev20260603
libtpu: 0.0.44.dev20260713+nightly
codegen_flags: <defaults>
</compile_context>

<pallas_src>
import functools

import jax
import jax.numpy as jnp
from jax import lax
from jax.experimental import pallas as pl
from jax.experimental.pallas import tpu as pltpu
from jax.experimental.pallas import tpu_sc as plsc

N = 100000
E = 1600000
F_IN = 34

NC = 2
NS = 16
NW = NC * NS
CHUNK = 128
NB = 8
EPW = 50176
EPAD = EPW * NW
NCHUNKS = EPW // CHUNK
NSTEPS = NCHUNKS // NB
NPAD = 102400
RPS = NPAD // NS

_MESH = plsc.VectorSubcoreMesh(
    core_axis_name="c", subcore_axis_name="s", num_cores=NC, num_subcores=NS
)
_SC_PARAMS = pltpu.CompilerParams(use_tc_tiling_on_sc=False)



@functools.partial(
    pl.kernel,
    out_type=jax.ShapeDtypeStruct((NC, NPAD, 16), jnp.float32),
    mesh=_MESH,
    compiler_params=_SC_PARAMS,
    scratch_types=[
        pltpu.VMEM((NB, CHUNK), jnp.int32),
        pltpu.VMEM((CHUNK, 16), jnp.float32),
        pltpu.VMEM_SHARED((NPAD, 16), jnp.float32),
        [pltpu.SemaphoreType.DMA] * NB,
    ],
)
def _deg_kernel(dst_hbm, out_hbm, dst_b, ones_v, acc_sh, ssems):
    c = lax.axis_index("c")
    s = lax.axis_index("s")
    wid = s * NC + c
    r0 = s * RPS

    def _fill_ones(i, carry):
        ones_v[i, :] = jnp.full((16,), 1.0, jnp.float32)
        return carry

    lax.fori_loop(0, CHUNK, _fill_ones, 0)

    def _init(r, carry):
        pltpu.sync_copy(ones_v, acc_sh.at[pl.ds(r0 + r * CHUNK, CHUNK)])
        return carry

    lax.fori_loop(0, RPS // CHUNK, _init, 0)
    plsc.subcore_barrier()

    row0 = wid * NCHUNKS

    def _step(st, carry):
        pltpu.sync_copy(dst_hbm.at[pl.ds(row0 + st * NB, NB)], dst_b)
        descs = [
            pltpu.async_copy(ones_v, acc_sh.at[dst_b.at[b]], ssems[b], add=True)
            for b in range(NB)
        ]
        for d in descs:
            d.wait()
        return carry

    lax.fori_loop(0, NSTEPS, _step, 0)

    plsc.subcore_barrier()
    pltpu.sync_copy(acc_sh.at[pl.ds(r0, RPS)], out_hbm.at[c, pl.ds(r0, RPS)])


def _make_edge_kernel(f):

    @functools.partial(
        pl.kernel,
        out_type=jax.ShapeDtypeStruct((NC, NPAD, f), jnp.float32),
        mesh=_MESH,
        compiler_params=_SC_PARAMS,
        scratch_types=[
            pltpu.VMEM((NB, CHUNK), jnp.int32),
            pltpu.VMEM((NB, CHUNK), jnp.int32),
            pltpu.VMEM((NB, CHUNK, f), jnp.float32),
            pltpu.VMEM_SHARED((NPAD, f), jnp.float32),
            [pltpu.SemaphoreType.DMA] * NB,
            [pltpu.SemaphoreType.DMA] * NB,
        ],
    )
    def _edge_kernel(
        y_hbm, src_hbm, dst_hbm, out_hbm, src_b, dst_b, rows_b, acc_sh, gsems, ssems
    ):
        c = lax.axis_index("c")
        s = lax.axis_index("s")
        wid = s * NC + c
        r0 = s * RPS

        pltpu.sync_copy(y_hbm.at[pl.ds(r0, RPS)], acc_sh.at[pl.ds(r0, RPS)])
        plsc.subcore_barrier()

        row0 = wid * NCHUNKS

        def _step(st, carry):
            pltpu.sync_copy(src_hbm.at[pl.ds(row0 + st * NB, NB)], src_b)
            pltpu.sync_copy(dst_hbm.at[pl.ds(row0 + st * NB, NB)], dst_b)
            gds = [
                pltpu.async_copy(y_hbm.at[src_b.at[b]], rows_b.at[b], gsems[b])
                for b in range(NB)
            ]
            sds = []
            for b in range(NB):
                gds[b].wait()
                sds.append(
                    pltpu.async_copy(
                        rows_b.at[b], acc_sh.at[dst_b.at[b]], ssems[b], add=True
                    )
                )
            for d in sds:
                d.wait()
            return carry

        lax.fori_loop(0, NSTEPS, _step, 0)

        plsc.subcore_barrier()
        pltpu.sync_copy(
            acc_sh.at[pl.ds(r0, RPS)], out_hbm.at[c, pl.ds(r0, RPS)]
        )

    return _edge_kernel


_edge16 = _make_edge_kernel(16)



BR = 2048
BP = BR // 8
GRID = NPAD // BR


def _packed_spec():
    return pl.BlockSpec((BP, 128), lambda i: (i, 0))


def _ppart_specs():
    return (
        pl.BlockSpec((1, BP, 128), lambda i: (0, i, 0)),
        pl.BlockSpec((1, BP, 128), lambda i: (1, i, 0)),
    )


def _full_spec(r, f):
    return pl.BlockSpec((r, f), lambda i: (0, 0))


NPR = NPAD // 8
TR = 1600
TG = NPR // TR


def _t1_body(d0_ref, d1_ref, *refs):
    h_refs = refs[:8]
    w_ref = refs[8]
    dinvp_ref, yp_ref = refs[9], refs[10]
    dinvp = lax.rsqrt(d0_ref[0] + d1_ref[0] - 1.0)
    dinvp_ref[...] = dinvp
    xw = jnp.concatenate(
        [
            jnp.dot(h_refs[g][...], w_ref[...], preferred_element_type=jnp.float32)
            for g in range(8)
        ],
        axis=1,
    )
    yp_ref[...] = xw * dinvp


def _h_spec(g):
    return pl.BlockSpec((TR, F_IN), lambda i, g=g: (g * TG + i, 0))


def _t1(degp, hpad, W1):
    return pl.pallas_call(
        _t1_body,
        grid=(TG,),
        in_specs=[
            pl.BlockSpec((1, TR, 128), lambda i: (0, i, 0)),
            pl.BlockSpec((1, TR, 128), lambda i: (1, i, 0)),
        ]
        + [_h_spec(g) for g in range(8)]
        + [_full_spec(F_IN, 16)],
        out_specs=[
            pl.BlockSpec((TR, 128), lambda i: (i, 0)),
            pl.BlockSpec((TR, 128), lambda i: (i, 0)),
        ],
        out_shape=[
            jax.ShapeDtypeStruct((NPR, 128), jnp.float32),
            jax.ShapeDtypeStruct((NPR, 128), jnp.float32),
        ],
    )(degp, degp, *([hpad] * 8), W1)


def _tmid_body(yp_ref, p0_ref, p1_ref, bp_ref, dinvp_ref, wbd_ref, ynext_ref):
    aggp = p0_ref[0] + p1_ref[0] - yp_ref[...]
    hnp = jnp.tanh(dinvp_ref[...] * aggp + bp_ref[...])
    ynext_ref[...] = (
        jnp.dot(hnp, wbd_ref[...], preferred_element_type=jnp.float32)
        * dinvp_ref[...]
    )


def _tmid(yp, pp, bp, dinvp, Wbd):
    s0, s1 = _ppart_specs()
    return pl.pallas_call(
        _tmid_body,
        grid=(GRID,),
        in_specs=[
            _packed_spec(),
            s0,
            s1,
            _full_spec(1, 128),
            _packed_spec(),
            _full_spec(128, 128),
        ],
        out_specs=_packed_spec(),
        out_shape=jax.ShapeDtypeStruct((NPAD // 8, 128), jnp.float32),
    )(yp, pp, pp, bp, dinvp, Wbd)


def _t4_body(y_ref, p0_ref, p1_ref, b_ref, dinvp_ref, wc_ref, bc_ref, outp_ref, h3p_ref):
    y = y_ref[...]
    p0 = p0_ref[0]
    p1 = p1_ref[0]
    dinvp = dinvp_ref[...]
    h3s, outs = [], []
    for g in range(8):
        dinvu = dinvp[:, 16 * g : 16 * g + 1]
        h3 = jnp.tanh(
            dinvu
            * (
                p0[:, 16 * g : 16 * g + 2]
                + p1[:, 16 * g : 16 * g + 2]
                - y[:, 16 * g : 16 * g + 2]
            )
            + b_ref[...]
        )
        h3s.append(h3)
        outs.append(
            jnp.dot(h3, wc_ref[...], preferred_element_type=jnp.float32) + bc_ref[...]
        )
    h3p_ref[...] = jnp.concatenate(h3s, axis=1)
    outp_ref[...] = jnp.concatenate(outs, axis=1)


def _t4(yp, pp, b, dinvp, Wc, bc):
    return pl.pallas_call(
        _t4_body,
        grid=(TG,),
        in_specs=[
            pl.BlockSpec((TR, 128), lambda i: (i, 0)),
            pl.BlockSpec((1, TR, 128), lambda i: (0, i, 0)),
            pl.BlockSpec((1, TR, 128), lambda i: (1, i, 0)),
            _full_spec(1, 2),
            pl.BlockSpec((TR, 128), lambda i: (i, 0)),
            _full_spec(2, 4),
            _full_spec(1, 4),
        ],
        out_specs=[
            pl.BlockSpec((TR, 32), lambda i: (i, 0)),
            pl.BlockSpec((TR, 16), lambda i: (i, 0)),
        ],
        out_shape=[
            jax.ShapeDtypeStruct((NPR, 32), jnp.float32),
            jax.ShapeDtypeStruct((NPR, 16), jnp.float32),
        ],
    )(yp, pp, pp, b, dinvp, Wc, bc)



def kernel(h, edge_index, W1, b1, W2, b2, W3, b3, Wc, bc):
    src = edge_index[0]
    dst = edge_index[1]
    pad_idx = jnp.full((EPAD - E,), N, dtype=jnp.int32)
    src_p = jnp.concatenate([src, pad_idx])
    dst_p = jnp.concatenate([dst, pad_idx])
    src_p = ((src_p % NPR) * 8 + src_p // NPR).reshape(EPAD // CHUNK, CHUNK)
    dst_p = ((dst_p % NPR) * 8 + dst_p // NPR).reshape(EPAD // CHUNK, CHUNK)
    hpad = jnp.concatenate([h, jnp.zeros((NPAD - N, F_IN), h.dtype)])

    W2p = jnp.zeros((16, 16), jnp.float32).at[:, :4].set(W2)
    W3p = jnp.zeros((16, 16), jnp.float32).at[:4, :2].set(W3)
    eye8 = jnp.eye(8, dtype=jnp.float32)
    Wbd2 = jnp.kron(eye8, W2p)
    Wbd3 = jnp.kron(eye8, W3p)
    bp1 = jnp.tile(b1, 8).reshape(1, 128)
    bp2 = jnp.tile(jnp.concatenate([b2, jnp.zeros((12,), jnp.float32)]), 8).reshape(1, 128)

    deg = _deg_kernel(dst_p)
    degp = deg.reshape(2, NPAD // 8, 128)
    dinvp, y1p = _t1(degp, hpad, W1)
    p1 = _edge16(y1p.reshape(NPAD, 16), src_p, dst_p)
    y2p = _tmid(y1p, p1.reshape(2, NPAD // 8, 128), bp1, dinvp, Wbd2)
    p2 = _edge16(y2p.reshape(NPAD, 16), src_p, dst_p)
    y3p = _tmid(y2p, p2.reshape(2, NPAD // 8, 128), bp2, dinvp, Wbd3)
    p3 = _edge16(y3p.reshape(NPAD, 16), src_p, dst_p)
    outp, h3p = _t4(y3p, p3.reshape(2, NPAD // 8, 128), b3.reshape(1, -1),
                    dinvp, Wc, bc.reshape(1, -1))
    out = outp.reshape(NPR, 8, 4).swapaxes(0, 1).reshape(NPAD, 4)[:N]
    h3 = h3p.reshape(NPR, 8, 2).swapaxes(0, 1).reshape(NPAD, 2)[:N]
    return (out, h3)

# --- scband reference (transcript-rebuilt; emitter-appended) ---
"""Pipeline reference for scband-gcn-19318762897897 (READ-ONLY COPY).

The authoritative reference and input builder live on the scoring server;
editing this copy changes nothing except your own understanding.
"""

import jax, jax.numpy as jnp
import numpy as np

N = 100000
E = 1600000
F_IN = 34
N_CLASSES = 4


def setup_inputs(seed: int = 0) -> dict:
    key = jax.random.key(seed)
    ks = jax.random.split(key, 12)
    h = jax.random.normal(ks[0], (N, F_IN), dtype=jnp.float32)
    edge_index = jax.random.randint(ks[1], (2, E), 0, N, dtype=jnp.int32)
    W1 = jax.random.normal(ks[2], (F_IN, 16), dtype=jnp.float32) * (1.0 / np.sqrt(F_IN))
    b1 = jnp.zeros((16,), dtype=jnp.float32)
    W2 = jax.random.normal(ks[3], (16, 4), dtype=jnp.float32) * (1.0 / np.sqrt(16))
    b2 = jnp.zeros((4,), dtype=jnp.float32)
    W3 = jax.random.normal(ks[4], (4, 2), dtype=jnp.float32) * (1.0 / np.sqrt(4))
    b3 = jnp.zeros((2,), dtype=jnp.float32)
    Wc = jax.random.normal(ks[5], (2, N_CLASSES), dtype=jnp.float32) * (1.0 / np.sqrt(2))
    bc = jnp.zeros((N_CLASSES,), dtype=jnp.float32)
    return {"h": h, "edge_index": edge_index, "W1": W1, "b1": b1, "W2": W2, "b2": b2, "W3": W3, "b3": b3, "Wc": Wc, "bc": bc}


def reference(h, edge_index, W1, b1, W2, b2, W3, b3, Wc, bc):
    n = h.shape[0]
    # GCNConv: add self-loops, symmetric normalization D^-1/2 (A+I) D^-1/2
    loops = jnp.arange(n, dtype=edge_index.dtype)
    src = jnp.concatenate([edge_index[0], loops])
    dst = jnp.concatenate([edge_index[1], loops])
    deg = jnp.zeros((n,), dtype=h.dtype).at[dst].add(1.0)
    dinv = jnp.where(deg > 0, jax.lax.rsqrt(deg), 0.0)
    norm = dinv[src] * dinv[dst]

    def conv(x, W, b):
        xw = x @ W
        msg = xw[src] * norm[:, None]
        agg = jnp.zeros((n, W.shape[1]), dtype=x.dtype).at[dst].add(msg)
        return agg + b

    h1 = jnp.tanh(conv(h, W1, b1))
    h2 = jnp.tanh(conv(h1, W2, b2))
    h3 = jnp.tanh(conv(h2, W3, b3))
    out = h3 @ Wc + bc
    return (out, h3)

if __name__ == "__main__":
    import jax
    _d = setup_inputs()
    print(jax.jit(kernel)(*tuple(_d.values())))

</pallas_src>

<mosaic_0001>
#map = affine_map<(d0, d1) -> (0, 0)>
#map1 = affine_map<(d0, d1) -> (0, 0, 0)>
module attributes {stable_mosaic.version = 14 : i64} {
  func.func @_edge_kernel(%arg0: i32, %arg1: i32, %arg2: memref<102400x16xf32, #tpu.memory_space<hbm>>, %arg3: memref<12544x128xi32, #tpu.memory_space<hbm>>, %arg4: memref<12544x128xi32, #tpu.memory_space<hbm>>, %arg5: memref<2x102400x16xf32, #tpu.memory_space<hbm>>, %arg6: memref<8x128xi32, #tpu.memory_space<vmem>>, %arg7: memref<8x128xi32, #tpu.memory_space<vmem>>, %arg8: memref<8x128x16xf32, #tpu.memory_space<vmem>>, %arg9: memref<102400x16xf32, #tpu.memory_space<vmem_shared>>, %arg10: memref<!tpu.dma_semaphore, #tpu.memory_space<semaphore_mem>>, %arg11: memref<!tpu.dma_semaphore, #tpu.memory_space<semaphore_mem>>, %arg12: memref<!tpu.dma_semaphore, #tpu.memory_space<semaphore_mem>>, %arg13: memref<!tpu.dma_semaphore, #tpu.memory_space<semaphore_mem>>, %arg14: memref<!tpu.dma_semaphore, #tpu.memory_space<semaphore_mem>>, %arg15: memref<!tpu.dma_semaphore, #tpu.memory_space<semaphore_mem>>, %arg16: memref<!tpu.dma_semaphore, #tpu.memory_space<semaphore_mem>>, %arg17: memref<!tpu.dma_semaphore, #tpu.memory_space<semaphore_mem>>, %arg18: memref<!tpu.dma_semaphore, #tpu.memory_space<semaphore_mem>>, %arg19: memref<!tpu.dma_semaphore, #tpu.memory_space<semaphore_mem>>, %arg20: memref<!tpu.dma_semaphore, #tpu.memory_space<semaphore_mem>>, %arg21: memref<!tpu.dma_semaphore, #tpu.memory_space<semaphore_mem>>, %arg22: memref<!tpu.dma_semaphore, #tpu.memory_space<semaphore_mem>>, %arg23: memref<!tpu.dma_semaphore, #tpu.memory_space<semaphore_mem>>, %arg24: memref<!tpu.dma_semaphore, #tpu.memory_space<semaphore_mem>>, %arg25: memref<!tpu.dma_semaphore, #tpu.memory_space<semaphore_mem>>) attributes {dimension_semantics = [#tpu.dimension_semantics<core_parallel>, #tpu.dimension_semantics<subcore_parallel>], iteration_bounds = array<i64: 2, 16>, scalar_prefetch = 0 : i64, scratch_operands = 20 : i64, tpu.core_type = #tpu.core_type<sc_vector_subcore>, window_params = [{transform_indices = #map}, {transform_indices = #map}, {transform_indices = #map}, {transform_indices = #map1}]} {
    %mul3A = arith.constant 2 : i32
    %mul3A_0 = arith.muli %arg1, %mul3A : i32
    %add3A = arith.addi %mul3A_0, %arg0 : i32
    %mul3A_1 = arith.constant 6400 : i32
    %mul3A_2 = arith.muli %arg1, %mul3A_1 : i32
    "tpu.region"() ({
      %run_scoped3A = tpu.sem_alloc : memref<!tpu.dma_semaphore, #tpu.memory_space<semaphore_mem>>
      %dma_start3A = arith.constant 0 : i32
      %dma_start3A_11 = tpu.memref_slice %arg9[%mul3A_2, %dma_start3A] : memref<102400x16xf32, #tpu.memory_space<vmem_shared>> -> memref<6400x16xf32, #tpu.memory_space<vmem_shared>>
      %dma_start3A_12 = arith.constant 0 : i32
      %dma_start3A_13 = tpu.memref_slice %arg2[%mul3A_2, %dma_start3A_12] : memref<102400x16xf32, #tpu.memory_space<hbm>> -> memref<6400x16xf32, #tpu.memory_space<hbm>>
      tpu.enqueue_dma source(%dma_start3A_13 : memref<6400x16xf32, #tpu.memory_space<hbm>>) target(%dma_start3A_11 : memref<6400x16xf32, #tpu.memory_space<vmem_shared>>) target_semaphore(%run_scoped3A : memref<!tpu.dma_semaphore, #tpu.memory_space<semaphore_mem>>)
      %dma_wait3A = arith.constant 0 : i32
      %dma_wait3A_14 = tpu.memref_slice %arg9[%mul3A_2, %dma_wait3A] : memref<102400x16xf32, #tpu.memory_space<vmem_shared>> -> memref<6400x16xf32, #tpu.memory_space<vmem_shared>>
      %dma_wait3A_15 = arith.constant 0 : i32
      %dma_wait3A_16 = tpu.memref_slice %arg2[%mul3A_2, %dma_wait3A_15] : memref<102400x16xf32, #tpu.memory_space<hbm>> -> memref<6400x16xf32, #tpu.memory_space<hbm>>
      tpu.wait_dma2 semaphore(%run_scoped3A : memref<!tpu.dma_semaphore, #tpu.memory_space<semaphore_mem>>) src(%dma_wait3A_16 : memref<6400x16xf32, #tpu.memory_space<hbm>>) dst(%dma_wait3A_14 : memref<6400x16xf32, #tpu.memory_space<vmem_shared>>)
      tpu.yield
    }) : () -> ()
    %barrier3A = arith.constant 0 : index
    tpu.barrier barrier_id(%barrier3A)
    %mul3A_3 = arith.constant 392 : i32
    %mul3A_4 = arith.muli %add3A, %mul3A_3 : i32
    %scan3A = arith.constant 0 : i32
    %scan3A_5 = arith.constant 0 : i32
    %scan3A_6 = arith.constant 49 : i32
    %scan3A_7 = arith.addi %scan3A_5, %scan3A_6 : i32
    %scan3A_8 = arith.constant 1 : i32
    scf.for %scan3A_11 = %scan3A_5 to %scan3A_7 step %scan3A_8  : i32 {
      %mul3A_12 = arith.constant 8 : i32
      %mul3A_13 = arith.muli %scan3A_11, %mul3A_12 : i32
      %add3A_14 = arith.addi %mul3A_4, %mul3A_13 : i32
      "tpu.region"() ({
        %run_scoped3A = tpu.sem_alloc : memref<!tpu.dma_semaphore, #tpu.memory_space<semaphore_mem>>
        %dma_start3A_400 = arith.constant 0 : i32
        %dma_start3A_401 = tpu.memref_slice %arg3[%add3A_14, %dma_start3A_400] : memref<12544x128xi32, #tpu.memory_space<hbm>> -> memref<8x128xi32, #tpu.memory_space<hbm>>
        %dma_start3A_402 = arith.constant 0 : i32
        %dma_start3A_403 = tpu.memref_slice %arg3[%add3A_14, %dma_start3A_402] : memref<12544x128xi32, #tpu.memory_space<hbm>> -> memref<8x128xi32, #tpu.memory_space<hbm>>
        tpu.enqueue_dma source(%dma_start3A_403 : memref<8x128xi32, #tpu.memory_space<hbm>>) target(%arg6 : memref<8x128xi32, #tpu.memory_space<vmem>>) target_semaphore(%run_scoped3A : memref<!tpu.dma_semaphore, #tpu.memory_space<semaphore_mem>>)
        %dma_wait3A_404 = arith.constant 0 : i32
        %dma_wait3A_405 = tpu.memref_slice %arg3[%add3A_14, %dma_wait3A_404] : memref<12544x128xi32, #tpu.memory_space<hbm>> -> memref<8x128xi32, #tpu.memory_space<hbm>>
        %dma_wait3A_406 = arith.constant 0 : i32
        %dma_wait3A_407 = tpu.memref_slice %arg3[%add3A_14, %dma_wait3A_406] : memref<12544x128xi32, #tpu.memory_space<hbm>> -> memref<8x128xi32, #tpu.memory_space<hbm>>
        tpu.wait_dma2 semaphore(%run_scoped3A : memref<!tpu.dma_semaphore, #tpu.memory_space<semaphore_mem>>) src(%dma_wait3A_407 : memref<8x128xi32, #tpu.memory_space<hbm>>) dst(%arg6 : memref<8x128xi32, #tpu.memory_space<vmem>>)
        tpu.yield
      }) : () -> ()
      %mul3A_15 = arith.constant 8 : i32
      %mul3A_16 = arith.muli %scan3A_11, %mul3A_15 : i32
      %add3A_17 = arith.addi %mul3A_4, %mul3A_16 : i32
      "tpu.region"() ({
        %run_scoped3A = tpu.sem_alloc : memref<!tpu.dma_semaphore, #tpu.memory_space<semaphore_mem>>
        %dma_start3A_400 = arith.constant 0 : i32
        %dma_start3A_401 = tpu.memref_slice %arg4[%add3A_17, %dma_start3A_400] : memref<12544x128xi32, #tpu.memory_space<hbm>> -> memref<8x128xi32, #tpu.memory_space<hbm>>
        %dma_start3A_402 = arith.constant 0 : i32
        %dma_start3A_403 = tpu.memref_slice %arg4[%add3A_17, %dma_start3A_402] : memref<12544x128xi32, #tpu.memory_space<hbm>> -> memref<8x128xi32, #tpu.memory_space<hbm>>
        tpu.enqueue_dma source(%dma_start3A_403 : memref<8x128xi32, #tpu.memory_space<hbm>>) target(%arg7 : memref<8x128xi32, #tpu.memory_space<vmem>>) target_semaphore(%run_scoped3A : memref<!tpu.dma_semaphore, #tpu.memory_space<semaphore_mem>>)
        %dma_wait3A_404 = arith.constant 0 : i32
        %dma_wait3A_405 = tpu.memref_slice %arg4[%add3A_17, %dma_wait3A_404] : memref<12544x128xi32, #tpu.memory_space<hbm>> -> memref<8x128xi32, #tpu.memory_space<hbm>>
        %dma_wait3A_406 = arith.constant 0 : i32
        %dma_wait3A_407 = tpu.memref_slice %arg4[%add3A_17, %dma_wait3A_406] : memref<12544x128xi32, #tpu.memory_space<hbm>> -> memref<8x128xi32, #tpu.memory_space<hbm>>
        tpu.wait_dma2 semaphore(%run_scoped3A : memref<!tpu.dma_semaphore, #tpu.memory_space<semaphore_mem>>) src(%dma_wait3A_407 : memref<8x128xi32, #tpu.memory_space<hbm>>) dst(%arg7 : memref<8x128xi32, #tpu.memory_space<vmem>>)
        tpu.yield
      }) : () -> ()
      %dma_start3A = arith.constant 0 : i32
      %dma_start3A_18 = arith.constant 0 : i32
      %dma_start3A_19 = arith.constant 0 : i32
      %dma_start3A_20 = arith.constant 0 : i32
      %dma_start3A_21 = tpu.memref_slice %arg8[%dma_start3A_18, %dma_start3A_19, %dma_start3A_20] : memref<8x128x16xf32, #tpu.memory_space<vmem>> -> memref<1x128x16xf32, #tpu.memory_space<vmem>>
      %dma_start3A_22 = tpu.memref_squeeze %dma_start3A_21 : memref<1x128x16xf32, #tpu.memory_space<vmem>> -> memref<128x16xf32, #tpu.memory_space<vmem>>
      %dma_start3A_23 = arith.constant 0 : i32
      %dma_start3A_24 = tpu.memref_slice %arg6[%dma_start3A, %dma_start3A_23] : memref<8x128xi32, #tpu.memory_space<vmem>> -> memref<1x128xi32, #tpu.memory_space<vmem>>
      %dma_start3A_25 = tpu.memref_squeeze %dma_start3A_24 : memref<1x128xi32, #tpu.memory_space<vmem>> -> memref<128xi32, #tpu.memory_space<vmem>>
      %dma_start3A_26 = arith.constant 0 : i32
      %dma_start3A_27 = arith.constant 0 : i32
      %dma_start3A_28 = tpu.memref_slice %arg2[%dma_start3A_26, %dma_start3A_27] : memref<102400x16xf32, #tpu.memory_space<hbm>> -> memref<102400x16xf32, #tpu.memory_space<hbm>>
      tpu.enqueue_indirect_dma source(%dma_start3A_28 : memref<102400x16xf32, #tpu.memory_space<hbm>>) target(%dma_start3A_22 : memref<128x16xf32, #tpu.memory_space<vmem>>) offsets(%dma_start3A_25 : memref<128xi32, #tpu.memory_space<vmem>>) semaphore(%arg10 : memref<!tpu.dma_semaphore, #tpu.memory_space<semaphore_mem>>)
      %dma_start3A_29 = arith.constant 1 : i32
      %dma_start3A_30 = arith.constant 1 : i32
      %dma_start3A_31 = arith.constant 0 : i32
      %dma_start3A_32 = arith.constant 0 : i32
      %dma_start3A_33 = tpu.memref_slice %arg8[%dma_start3A_30, %dma_start3A_31, %dma_start3A_32] : memref<8x128x16xf32, #tpu.memory_space<vmem>> -> memref<1x128x16xf32, #tpu.memory_space<vmem>>
      %dma_start3A_34 = tpu.memref_squeeze %dma_start3A_33 : memref<1x128x16xf32, #tpu.memory_space<vmem>> -> memref<128x16xf32, #tpu.memory_space<vmem>>
      %dma_start3A_35 = arith.constant 0 : i32
      %dma_start3A_36 = tpu.memref_slice %arg6[%dma_start3A_29, %dma_start3A_35] : memref<8x128xi32, #tpu.memory_space<vmem>> -> memref<1x128xi32, #tpu.memory_space<vmem>>
      %dma_start3A_37 = tpu.memref_squeeze %dma_start3A_36 : memref<1x128xi32, #tpu.memory_space<vmem>> -> memref<128xi32, #tpu.memory_space<vmem>>
      %dma_start3A_38 = arith.constant 0 : i32
      %dma_start3A_39 = arith.constant 0 : i32
      %dma_start3A_40 = tpu.memref_slice %arg2[%dma_start3A_38, %dma_start3A_39] : memref<102400x16xf32, #tpu.memory_space<hbm>> -> memref<102400x16xf32, #tpu.memory_space<hbm>>
      tpu.enqueue_indirect_dma source(%dma_start3A_40 : memref<102400x16xf32, #tpu.memory_space<hbm>>) target(%dma_start3A_34 : memref<128x16xf32, #tpu.memory_space<vmem>>) offsets(%dma_start3A_37 : memref<128xi32, #tpu.memory_space<vmem>>) semaphore(%arg11 : memref<!tpu.dma_semaphore, #tpu.memory_space<semaphore_mem>>)
      %dma_start3A_41 = arith.constant 2 : i32
      %dma_start3A_42 = arith.constant 2 : i32
      %dma_start3A_43 = arith.constant 0 : i32
      %dma_start3A_44 = arith.constant 0 : i32
      %dma_start3A_45 = tpu.memref_slice %arg8[%dma_start3A_42, %dma_start3A_43, %dma_start3A_44] : memref<8x128x16xf32, #tpu.memory_space<vmem>> -> memref<1x128x16xf32, #tpu.memory_space<vmem>>
      %dma_start3A_46 = tpu.memref_squeeze %dma_start3A_45 : memref<1x128x16xf32, #tpu.memory_space<vmem>> -> memref<128x16xf32, #tpu.memory_space<vmem>>
      %dma_start3A_47 = arith.constant 0 : i32
      %dma_start3A_48 = tpu.memref_slice %arg6[%dma_start3A_41, %dma_start3A_47] : memref<8x128xi32, #tpu.memory_space<vmem>> -> memref<1x128xi32, #tpu.memory_space<vmem>>
      %dma_start3A_49 = tpu.memref_squeeze %dma_start3A_48 : memref<1x128xi32, #tpu.memory_space<vmem>> -> memref<128xi32, #tpu.memory_space<vmem>>
      %dma_start3A_50 = arith.constant 0 : i32
      %dma_start3A_51 = arith.constant 0 : i32
      %dma_start3A_52 = tpu.memref_slice %arg2[%dma_start3A_50, %dma_start3A_51] : memref<102400x16xf32, #tpu.memory_space<hbm>> -> memref<102400x16xf32, #tpu.memory_space<hbm>>
      tpu.enqueue_indirect_dma source(%dma_start3A_52 : memref<102400x16xf32, #tpu.memory_space<hbm>>) target(%dma_start3A_46 : memref<128x16xf32, #tpu.memory_space<vmem>>) offsets(%dma_start3A_49 : memref<128xi32, #tpu.memory_space<vmem>>) semaphore(%arg12 : memref<!tpu.dma_semaphore, #tpu.memory_space<semaphore_mem>>)
      %dma_start3A_53 = arith.constant 3 : i32
      %dma_start3A_54 = arith.constant 3 : i32
      %dma_start3A_55 = arith.constant 0 : i32
      %dma_start3A_56 = arith.constant 0 : i32
      %dma_start3A_57 = tpu.memref_slice %arg8[%dma_start3A_54, %dma_start3A_55, %dma_start3A_56] : memref<8x128x16xf32, #tpu.memory_space<vmem>> -> memref<1x128x16xf32, #tpu.memory_space<vmem>>
      %dma_start3A_58 = tpu.memref_squeeze %dma_start3A_57 : memref<1x128x16xf32, #tpu.memory_space<vmem>> -> memref<128x16xf32, #tpu.memory_space<vmem>>
      %dma_start3A_59 = arith.constant 0 : i32
      %dma_start3A_60 = tpu.memref_slice %arg6[%dma_start3A_53, %dma_start3A_59] : memref<8x128xi32, #tpu.memory_space<vmem>> -> memref<1x128xi32, #tpu.memory_space<vmem>>
      %dma_start3A_61 = tpu.memref_squeeze %dma_start3A_60 : memref<1x128xi32, #tpu.memory_space<vmem>> -> memref<128xi32, #tpu.memory_space<vmem>>
      %dma_start3A_62 = arith.constant 0 : i32
      %dma_start3A_63 = arith.constant 0 : i32
      %dma_start3A_64 = tpu.memref_slice %arg2[%dma_start3A_62, %dma_start3A_63] : memref<102400x16xf32, #tpu.memory_space<hbm>> -> memref<102400x16xf32, #tpu.memory_space<hbm>>
      tpu.enqueue_indirect_dma source(%dma_start3A_64 : memref<102400x16xf32, #tpu.memory_space<hbm>>) target(%dma_start3A_58 : memref<128x16xf32, #tpu.memory_space<vmem>>) offsets(%dma_start3A_61 : memref<128xi32, #tpu.memory_space<vmem>>) semaphore(%arg13 : memref<!tpu.dma_semaphore, #tpu.memory_space<semaphore_mem>>)
      %dma_start3A_65 = arith.constant 4 : i32
      %dma_start3A_66 = arith.constant 4 : i32
      %dma_start3A_67 = arith.constant 0 : i32
      %dma_start3A_68 = arith.constant 0 : i32
      %dma_start3A_69 = tpu.memref_slice %arg8[%dma_start3A_66, %dma_start3A_67, %dma_start3A_68] : memref<8x128x16xf32, #tpu.memory_space<vmem>> -> memref<1x128x16xf32, #tpu.memory_space<vmem>>
      %dma_start3A_70 = tpu.memref_squeeze %dma_start3A_69 : memref<1x128x16xf32, #tpu.memory_space<vmem>> -> memref<128x16xf32, #tpu.memory_space<vmem>>
      %dma_start3A_71 = arith.constant 0 : i32
      %dma_start3A_72 = tpu.memref_slice %arg6[%dma_start3A_65, %dma_start3A_71] : memref<8x128xi32, #tpu.memory_space<vmem>> -> memref<1x128xi32, #tpu.memory_space<vmem>>
      %dma_start3A_73 = tpu.memref_squeeze %dma_start3A_72 : memref<1x128xi32, #tpu.memory_space<vmem>> -> memref<128xi32, #tpu.memory_space<vmem>>
      %dma_start3A_74 = arith.constant 0 : i32
      %dma_start3A_75 = arith.constant 0 : i32
      %dma_start3A_76 = tpu.memref_slice %arg2[%dma_start3A_74, %dma_start3A_75] : memref<102400x16xf32, #tpu.memory_space<hbm>> -> memref<102400x16xf32, #tpu.memory_space<hbm>>
      tpu.enqueue_indirect_dma source(%dma_start3A_76 : memref<102400x16xf32, #tpu.memory_space<hbm>>) target(%dma_start3A_70 : memref<128x16xf32, #tpu.memory_space<vmem>>) offsets(%dma_start3A_73 : memref<128xi32, #tpu.memory_space<vmem>>) semaphore(%arg14 : memref<!tpu.dma_semaphore, #tpu.memory_space<semaphore_mem>>)
      %dma_start3A_77 = arith.constant 5 : i32
      %dma_start3A_78 = arith.constant 5 : i32
      %dma_start3A_79 = arith.constant 0 : i32
      %dma_start3A_80 = arith.constant 0 : i32
      %dma_start3A_81 = tpu.memref_slice %arg8[%dma_start3A_78, %dma_start3A_79, %dma_start3A_80] : memref<8x128x16xf32, #tpu.memory_space<vmem>> -> memref<1x128x16xf32, #tpu.memory_space<vmem>>
      %dma_start3A_82 = tpu.memref_squeeze %dma_start3A_81 : memref<1x128x16xf32, #tpu.memory_space<vmem>> -> memref<128x16xf32, #tpu.memory_space<vmem>>
      %dma_start3A_83 = arith.constant 0 : i32
      %dma_start3A_84 = tpu.memref_slice %arg6[%dma_start3A_77, %dma_start3A_83] : memref<8x128xi32, #tpu.memory_space<vmem>> -> memref<1x128xi32, #tpu.memory_space<vmem>>
      %dma_start3A_85 = tpu.memref_squeeze %dma_start3A_84 : memref<1x128xi32, #tpu.memory_space<vmem>> -> memref<128xi32, #tpu.memory_space<vmem>>
      %dma_start3A_86 = arith.constant 0 : i32
      %dma_start3A_87 = arith.constant 0 : i32
      %dma_start3A_88 = tpu.memref_slice %arg2[%dma_start3A_86, %dma_start3A_87] : memref<102400x16xf32, #tpu.memory_space<hbm>> -> memref<102400x16xf32, #tpu.memory_space<hbm>>
      tpu.enqueue_indirect_dma source(%dma_start3A_88 : memref<102400x16xf32, #tpu.memory_space<hbm>>) target(%dma_start3A_82 : memref<128x16xf32, #tpu.memory_space<vmem>>) offsets(%dma_start3A_85 : memref<128xi32, #tpu.memory_space<vmem>>) semaphore(%arg15 : memref<!tpu.dma_semaphore, #tpu.memory_space<semaphore_mem>>)
      %dma_start3A_89 = arith.constant 6 : i32
      %dma_start3A_90 = arith.constant 6 : i32
      %dma_start3A_91 = arith.constant 0 : i32
      %dma_start3A_92 = arith.constant 0 : i32
      %dma_start3A_93 = tpu.memref_slice %arg8[%dma_start3A_90, %dma_start3A_91, %dma_start3A_92] : memref<8x128x16xf32, #tpu.memory_space<vmem>> -> memref<1x128x16xf32, #tpu.memory_space<vmem>>
      %dma_start3A_94 = tpu.memref_squeeze %dma_start3A_93 : memref<1x128x16xf32, #tpu.memory_space<vmem>> -> memref<128x16xf32, #tpu.memory_space<vmem>>
      %dma_start3A_95 = arith.constant 0 : i32
      %dma_start3A_96 = tpu.memref_slice %arg6[%dma_start3A_89, %dma_start3A_95] : memref<8x128xi32, #tpu.memory_space<vmem>> -> memref<1x128xi32, #tpu.memory_space<vmem>>
      %dma_start3A_97 = tpu.memref_squeeze %dma_start3A_96 : memref<1x128xi32, #tpu.memory_space<vmem>> -> memref<128xi32, #tpu.memory_space<vmem>>
      %dma_start3A_98 = arith.constant 0 : i32
      %dma_start3A_99 = arith.constant 0 : i32
      %dma_start3A_100 = tpu.memref_slice %arg2[%dma_start3A_98, %dma_start3A_99] : memref<102400x16xf32, #tpu.memory_space<hbm>> -> memref<102400x16xf32, #tpu.memory_space<hbm>>
      tpu.enqueue_indirect_dma source(%dma_start3A_100 : memref<102400x16xf32, #tpu.memory_space<hbm>>) target(%dma_start3A_94 : memref<128x16xf32, #tpu.memory_space<vmem>>) offsets(%dma_start3A_97 : memref<128xi32, #tpu.memory_space<vmem>>) semaphore(%arg16 : memref<!tpu.dma_semaphore, #tpu.memory_space<semaphore_mem>>)
      %dma_start3A_101 = arith.constant 7 : i32
      %dma_start3A_102 = arith.constant 7 : i32
      %dma_start3A_103 = arith.constant 0 : i32
      %dma_start3A_104 = arith.constant 0 : i32
      %dma_start3A_105 = tpu.memref_slice %arg8[%dma_start3A_102, %dma_start3A_103, %dma_start3A_104] : memref<8x128x16xf32, #tpu.memory_space<vmem>> -> memref<1x128x16xf32, #tpu.memory_space<vmem>>
      %dma_start3A_106 = tpu.memref_squeeze %dma_start3A_105 : memref<1x128x16xf32, #tpu.memory_space<vmem>> -> memref<128x16xf32, #tpu.memory_space<vmem>>
      %dma_start3A_107 = arith.constant 0 : i32
      %dma_start3A_108 = tpu.memref_slice %arg6[%dma_start3A_101, %dma_start3A_107] : memref<8x128xi32, #tpu.memory_space<vmem>> -> memref<1x128xi32, #tpu.memory_space<vmem>>
      %dma_start3A_109 = tpu.memref_squeeze %dma_start3A_108 : memref<1x128xi32, #tpu.memory_space<vmem>> -> memref<128xi32, #tpu.memory_space<vmem>>
      %dma_start3A_110 = arith.constant 0 : i32
      %dma_start3A_111 = arith.constant 0 : i32
      %dma_start3A_112 = tpu.memref_slice %arg2[%dma_start3A_110, %dma_start3A_111] : memref<102400x16xf32, #tpu.memory_space<hbm>> -> memref<102400x16xf32, #tpu.memory_space<hbm>>
      tpu.enqueue_indirect_dma source(%dma_start3A_112 : memref<102400x16xf32, #tpu.memory_space<hbm>>) target(%dma_start3A_106 : memref<128x16xf32, #tpu.memory_space<vmem>>) offsets(%dma_start3A_109 : memref<128xi32, #tpu.memory_space<vmem>>) semaphore(%arg17 : memref<!tpu.dma_semaphore, #tpu.memory_space<semaphore_mem>>)
      %dma_wait3A = arith.constant 0 : i32
      %dma_wait3A_113 = arith.constant 0 : i32
      %dma_wait3A_114 = arith.constant 0 : i32
      %dma_wait3A_115 = arith.constant 0 : i32
      %dma_wait3A_116 = tpu.memref_slice %arg8[%dma_wait3A_113, %dma_wait3A_114, %dma_wait3A_115] : memref<8x128x16xf32, #tpu.memory_space<vmem>> -> memref<1x128x16xf32, #tpu.memory_space<vmem>>
      %dma_wait3A_117 = tpu.memref_squeeze %dma_wait3A_116 : memref<1x128x16xf32, #tpu.memory_space<vmem>> -> memref<128x16xf32, #tpu.memory_space<vmem>>
      %dma_wait3A_118 = arith.constant 0 : i32
      %dma_wait3A_119 = tpu.memref_slice %arg6[%dma_wait3A, %dma_wait3A_118] : memref<8x128xi32, #tpu.memory_space<vmem>> -> memref<1x128xi32, #tpu.memory_space<vmem>>
      %dma_wait3A_120 = tpu.memref_squeeze %dma_wait3A_119 : memref<1x128xi32, #tpu.memory_space<vmem>> -> memref<128xi32, #tpu.memory_space<vmem>>
      %dma_wait3A_121 = arith.constant 0 : i32
      %dma_wait3A_122 = arith.constant 0 : i32
      %dma_wait3A_123 = tpu.memref_slice %arg2[%dma_wait3A_121, %dma_wait3A_122] : memref<102400x16xf32, #tpu.memory_space<hbm>> -> memref<102400x16xf32, #tpu.memory_space<hbm>>
      tpu.wait_indirect_dma semaphore(%arg10 : memref<!tpu.dma_semaphore, #tpu.memory_space<semaphore_mem>>) src(%dma_wait3A_123 : memref<102400x16xf32, #tpu.memory_space<hbm>>) dst(%dma_wait3A_117 : memref<128x16xf32, #tpu.memory_space<vmem>>)
      %dma_start3A_124 = arith.constant 0 : i32
      %dma_start3A_125 = arith.constant 0 : i32
      %dma_start3A_126 = arith.constant 0 : i32
      %dma_start3A_127 = arith.constant 0 : i32
      %dma_start3A_128 = tpu.memref_slice %arg8[%dma_start3A_124, %dma_start3A_126, %dma_start3A_127] : memref<8x128x16xf32, #tpu.memory_space<vmem>> -> memref<1x128x16xf32, #tpu.memory_space<vmem>>
      %dma_start3A_129 = tpu.memref_squeeze %dma_start3A_128 : memref<1x128x16xf32, #tpu.memory_space<vmem>> -> memref<128x16xf32, #tpu.memory_space<vmem>>
      %dma_start3A_130 = arith.constant 0 : i32
      %dma_start3A_131 = tpu.memref_slice %arg7[%dma_start3A_125, %dma_start3A_130] : memref<8x128xi32, #tpu.memory_space<vmem>> -> memref<1x128xi32, #tpu.memory_space<vmem>>
      %dma_start3A_132 = tpu.memref_squeeze %dma_start3A_131 : memref<1x128xi32, #tpu.memory_space<vmem>> -> memref<128xi32, #tpu.memory_space<vmem>>
      %dma_start3A_133 = arith.constant 0 : i32
      %dma_start3A_134 = arith.constant 0 : i32
      %dma_start3A_135 = tpu.memref_slice %arg9[%dma_start3A_133, %dma_start3A_134] : memref<102400x16xf32, #tpu.memory_space<vmem_shared>> -> memref<102400x16xf32, #tpu.memory_space<vmem_shared>>
      tpu.enqueue_indirect_dma source(%dma_start3A_129 : memref<128x16xf32, #tpu.memory_space<vmem>>) target(%dma_start3A_135 : memref<102400x16xf32, #tpu.memory_space<vmem_shared>>) offsets(%dma_start3A_132 : memref<128xi32, #tpu.memory_space<vmem>>) semaphore(%arg18 : memref<!tpu.dma_semaphore, #tpu.memory_space<semaphore_mem>>) {add = true}
      %dma_wait3A_136 = arith.constant 1 : i32
      %dma_wait3A_137 = arith.constant 1 : i32
      %dma_wait3A_138 = arith.constant 0 : i32
      %dma_wait3A_139 = arith.constant 0 : i32
      %dma_wait3A_140 = tpu.memref_slice %arg8[%dma_wait3A_137, %dma_wait3A_138, %dma_wait3A_139] : memref<8x128x16xf32, #tpu.memory_space<vmem>> -> memref<1x128x16xf32, #tpu.memory_space<vmem>>
      %dma_wait3A_141 = tpu.memref_squeeze %dma_wait3A_140 : memref<1x128x16xf32, #tpu.memory_space<vmem>> -> memref<128x16xf32, #tpu.memory_space<vmem>>
      %dma_wait3A_142 = arith.constant 0 : i32
      %dma_wait3A_143 = tpu.memref_slice %arg6[%dma_wait3A_136, %dma_wait3A_142] : memref<8x128xi32, #tpu.memory_space<vmem>> -> memref<1x128xi32, #tpu.memory_space<vmem>>
      %dma_wait3A_144 = tpu.memref_squeeze %dma_wait3A_143 : memref<1x128xi32, #tpu.memory_space<vmem>> -> memref<128xi32, #tpu.memory_space<vmem>>
      %dma_wait3A_145 = arith.constant 0 : i32
      %dma_wait3A_146 = arith.constant 0 : i32
      %dma_wait3A_147 = tpu.memref_slice %arg2[%dma_wait3A_145, %dma_wait3A_146] : memref<102400x16xf32, #tpu.memory_space<hbm>> -> memref<102400x16xf32, #tpu.memory_space<hbm>>
      tpu.wait_indirect_dma semaphore(%arg11 : memref<!tpu.dma_semaphore, #tpu.memory_space<semaphore_mem>>) src(%dma_wait3A_147 : memref<102400x16xf32, #tpu.memory_space<hbm>>) dst(%dma_wait3A_141 : memref<128x16xf32, #tpu.memory_space<vmem>>)
      %dma_start3A_148 = arith.constant 1 : i32
      %dma_start3A_149 = arith.constant 1 : i32
      %dma_start3A_150 = arith.constant 0 : i32
      %dma_start3A_151 = arith.constant 0 : i32
      %dma_start3A_152 = tpu.memref_slice %arg8[%dma_start3A_148, %dma_start3A_150, %dma_start3A_151] : memref<8x128x16xf32, #tpu.memory_space<vmem>> -> memref<1x128x16xf32, #tpu.memory_space<vmem>>
      %dma_start3A_153 = tpu.memref_squeeze %dma_start3A_152 : memref<1x128x16xf32, #tpu.memory_space<vmem>> -> memref<128x16xf32, #tpu.memory_space<vmem>>
      %dma_start3A_154 = arith.constant 0 : i32
      %dma_start3A_155 = tpu.memref_slice %arg7[%dma_start3A_149, %dma_start3A_154] : memref<8x128xi32, #tpu.memory_space<vmem>> -> memref<1x128xi32, #tpu.memory_space<vmem>>
      %dma_start3A_156 = tpu.memref_squeeze %dma_start3A_155 : memref<1x128xi32, #tpu.memory_space<vmem>> -> memref<128xi32, #tpu.memory_space<vmem>>
      %dma_start3A_157 = arith.constant 0 : i32
      %dma_start3A_158 = arith.constant 0 : i32
      %dma_start3A_159 = tpu.memref_slice %arg9[%dma_start3A_157, %dma_start3A_158] : memref<102400x16xf32, #tpu.memory_space<vmem_shared>> -> memref<102400x16xf32, #tpu.memory_space<vmem_shared>>
      tpu.enqueue_indirect_dma source(%dma_start3A_153 : memref<128x16xf32, #tpu.memory_space<vmem>>) target(%dma_start3A_159 : memref<102400x16xf32, #tpu.memory_space<vmem_shared>>) offsets(%dma_start3A_156 : memref<128xi32, #tpu.memory_space<vmem>>) semaphore(%arg19 : memref<!tpu.dma_semaphore, #tpu.memory_space<semaphore_mem>>) {add = true}
      %dma_wait3A_160 = arith.constant 2 : i32
      %dma_wait3A_161 = arith.constant 2 : i32
      %dma_wait3A_162 = arith.constant 0 : i32
      %dma_wait3A_163 = arith.constant 0 : i32
      %dma_wait3A_164 = tpu.memref_slice %arg8[%dma_wait3A_161, %dma_wait3A_162, %dma_wait3A_163] : memref<8x128x16xf32, #tpu.memory_space<vmem>> -> memref<1x128x16xf32, #tpu.memory_space<vmem>>
      %dma_wait3A_165 = tpu.memref_squeeze %dma_wait3A_164 : memref<1x128x16xf32, #tpu.memory_space<vmem>> -> memref<128x16xf32, #tpu.memory_space<vmem>>
      %dma_wait3A_166 = arith.constant 0 : i32
      %dma_wait3A_167 = tpu.memref_slice %arg6[%dma_wait3A_160, %dma_wait3A_166] : memref<8x128xi32, #tpu.memory_space<vmem>> -> memref<1x128xi32, #tpu.memory_space<vmem>>
      %dma_wait3A_168 = tpu.memref_squeeze %dma_wait3A_167 : memref<1x128xi32, #tpu.memory_space<vmem>> -> memref<128xi32, #tpu.memory_space<vmem>>
      %dma_wait3A_169 = arith.constant 0 : i32
      %dma_wait3A_170 = arith.constant 0 : i32
      %dma_wait3A_171 = tpu.memref_slice %arg2[%dma_wait3A_169, %dma_wait3A_170] : memref<102400x16xf32, #tpu.memory_space<hbm>> -> memref<102400x16xf32, #tpu.memory_space<hbm>>
      tpu.wait_indirect_dma semaphore(%arg12 : memref<!tpu.dma_semaphore, #tpu.memory_space<semaphore_mem>>) src(%dma_wait3A_171 : memref<102400x16xf32, #tpu.memory_space<hbm>>) dst(%dma_wait3A_165 : memref<128x16xf32, #tpu.memory_space<vmem>>)
      %dma_start3A_172 = arith.constant 2 : i32
      %dma_start3A_173 = arith.constant 2 : i32
      %dma_start3A_174 = arith.constant 0 : i32
      %dma_start3A_175 = arith.constant 0 : i32
      %dma_start3A_176 = tpu.memref_slice %arg8[%dma_start3A_172, %dma_start3A_174, %dma_start3A_175] : memref<8x128x16xf32, #tpu.memory_space<vmem>> -> memref<1x128x16xf32, #tpu.memory_space<vmem>>
      %dma_start3A_177 = tpu.memref_squeeze %dma_start3A_176 : memref<1x128x16xf32, #tpu.memory_space<vmem>> -> memref<128x16xf32, #tpu.memory_space<vmem>>
      %dma_start3A_178 = arith.constant 0 : i32
      %dma_start3A_179 = tpu.memref_slice %arg7[%dma_start3A_173, %dma_start3A_178] : memref<8x128xi32, #tpu.memory_space<vmem>> -> memref<1x128xi32, #tpu.memory_space<vmem>>
      %dma_start3A_180 = tpu.memref_squeeze %dma_start3A_179 : memref<1x128xi32, #tpu.memory_space<vmem>> -> memref<128xi32, #tpu.memory_space<vmem>>
      %dma_start3A_181 = arith.constant 0 : i32
      %dma_start3A_182 = arith.constant 0 : i32
      %dma_start3A_183 = tpu.memref_slice %arg9[%dma_start3A_181, %dma_start3A_182] : memref<102400x16xf32, #tpu.memory_space<vmem_shared>> -> memref<102400x16xf32, #tpu.memory_space<vmem_shared>>
      tpu.enqueue_indirect_dma source(%dma_start3A_177 : memref<128x16xf32, #tpu.memory_space<vmem>>) target(%dma_start3A_183 : memref<102400x16xf32, #tpu.memory_space<vmem_shared>>) offsets(%dma_start3A_180 : memref<128xi32, #tpu.memory_space<vmem>>) semaphore(%arg20 : memref<!tpu.dma_semaphore, #tpu.memory_space<semaphore_mem>>) {add = true}
      %dma_wait3A_184 = arith.constant 3 : i32
      %dma_wait3A_185 = arith.constant 3 : i32
      %dma_wait3A_186 = arith.constant 0 : i32
      %dma_wait3A_187 = arith.constant 0 : i32
      %dma_wait3A_188 = tpu.memref_slice %arg8[%dma_wait3A_185, %dma_wait3A_186, %dma_wait3A_187] : memref<8x128x16xf32, #tpu.memory_space<vmem>> -> memref<1x128x16xf32, #tpu.memory_space<vmem>>
      %dma_wait3A_189 = tpu.memref_squeeze %dma_wait3A_188 : memref<1x128x16xf32, #tpu.memory_space<vmem>> -> memref<128x16xf32, #tpu.memory_space<vmem>>
      %dma_wait3A_190 = arith.constant 0 : i32
      %dma_wait3A_191 = tpu.memref_slice %arg6[%dma_wait3A_184, %dma_wait3A_190] : memref<8x128xi32, #tpu.memory_space<vmem>> -> memref<1x128xi32, #tpu.memory_space<vmem>>
      %dma_wait3A_192 = tpu.memref_squeeze %dma_wait3A_191 : memref<1x128xi32, #tpu.memory_space<vmem>> -> memref<128xi32, #tpu.memory_space<vmem>>
      %dma_wait3A_193 = arith.constant 0 : i32
      %dma_wait3A_194 = arith.constant 0 : i32
      %dma_wait3A_195 = tpu.memref_slice %arg2[%dma_wait3A_193, %dma_wait3A_194] : memref<102400x16xf32, #tpu.memory_space<hbm>> -> memref<102400x16xf32, #tpu.memory_space<hbm>>
      tpu.wait_indirect_dma semaphore(%arg13 : memref<!tpu.dma_semaphore, #tpu.memory_space<semaphore_mem>>) src(%dma_wait3A_195 : memref<102400x16xf32, #tpu.memory_space<hbm>>) dst(%dma_wait3A_189 : memref<128x16xf32, #tpu.memory_space<vmem>>)
      %dma_start3A_196 = arith.constant 3 : i32
      %dma_start3A_197 = arith.constant 3 : i32
      %dma_start3A_198 = arith.constant 0 : i32
      %dma_start3A_199 = arith.constant 0 : i32
      %dma_start3A_200 = tpu.memref_slice %arg8[%dma_start3A_196, %dma_start3A_198, %dma_start3A_199] : memref<8x128x16xf32, #tpu.memory_space<vmem>> -> memref<1x128x16xf32, #tpu.memory_space<vmem>>
      %dma_start3A_201 = tpu.memref_squeeze %dma_start3A_200 : memref<1x128x16xf32, #tpu.memory_space<vmem>> -> memref<128x16xf32, #tpu.memory_space<vmem>>
      %dma_start3A_202 = arith.constant 0 : i32
      %dma_start3A_203 = tpu.memref_slice %arg7[%dma_start3A_197, %dma_start3A_202] : memref<8x128xi32, #tpu.memory_space<vmem>> -> memref<1x128xi32, #tpu.memory_space<vmem>>
      %dma_start3A_204 = tpu.memref_squeeze %dma_start3A_203 : memref<1x128xi32, #tpu.memory_space<vmem>> -> memref<128xi32, #tpu.memory_space<vmem>>
      %dma_start3A_205 = arith.constant 0 : i32
      %dma_start3A_206 = arith.constant 0 : i32
      %dma_start3A_207 = tpu.memref_slice %arg9[%dma_start3A_205, %dma_start3A_206] : memref<102400x16xf32, #tpu.memory_space<vmem_shared>> -> memref<102400x16xf32, #tpu.memory_space<vmem_shared>>
      tpu.enqueue_indirect_dma source(%dma_start3A_201 : memref<128x16xf32, #tpu.memory_space<vmem>>) target(%dma_start3A_207 : memref<102400x16xf32, #tpu.memory_space<vmem_shared>>) offsets(%dma_start3A_204 : memref<128xi32, #tpu.memory_space<vmem>>) semaphore(%arg21 : memref<!tpu.dma_semaphore, #tpu.memory_space<semaphore_mem>>) {add = true}
      %dma_wait3A_208 = arith.constant 4 : i32
      %dma_wait3A_209 = arith.constant 4 : i32
      %dma_wait3A_210 = arith.constant 0 : i32
      %dma_wait3A_211 = arith.constant 0 : i32
      %dma_wait3A_212 = tpu.memref_slice %arg8[%dma_wait3A_209, %dma_wait3A_210, %dma_wait3A_211] : memref<8x128x16xf32, #tpu.memory_space<vmem>> -> memref<1x128x16xf32, #tpu.memory_space<vmem>>
      %dma_wait3A_213 = tpu.memref_squeeze %dma_wait3A_212 : memref<1x128x16xf32, #tpu.memory_space<vmem>> -> memref<128x16xf32, #tpu.memory_space<vmem>>
      %dma_wait3A_214 = arith.constant 0 : i32
      %dma_wait3A_215 = tpu.memref_slice %arg6[%dma_wait3A_208, %dma_wait3A_214] : memref<8x128xi32, #tpu.memory_space<vmem>> -> memref<1x128xi32, #tpu.memory_space<vmem>>
      %dma_wait3A_216 = tpu.memref_squeeze %dma_wait3A_215 : memref<1x128xi32, #tpu.memory_space<vmem>> -> memref<128xi32, #tpu.memory_space<vmem>>
      %dma_wait3A_217 = arith.constant 0 : i32
      %dma_wait3A_218 = arith.constant 0 : i32
      %dma_wait3A_219 = tpu.memref_slice %arg2[%dma_wait3A_217, %dma_wait3A_218] : memref<102400x16xf32, #tpu.memory_space<hbm>> -> memref<102400x16xf32, #tpu.memory_space<hbm>>
      tpu.wait_indirect_dma semaphore(%arg14 : memref<!tpu.dma_semaphore, #tpu.memory_space<semaphore_mem>>) src(%dma_wait3A_219 : memref<102400x16xf32, #tpu.memory_space<hbm>>) dst(%dma_wait3A_213 : memref<128x16xf32, #tpu.memory_space<vmem>>)
      %dma_start3A_220 = arith.constant 4 : i32
      %dma_start3A_221 = arith.constant 4 : i32
      %dma_start3A_222 = arith.constant 0 : i32
      %dma_start3A_223 = arith.constant 0 : i32
      %dma_start3A_224 = tpu.memref_slice %arg8[%dma_start3A_220, %dma_start3A_222, %dma_start3A_223] : memref<8x128x16xf32, #tpu.memory_space<vmem>> -> memref<1x128x16xf32, #tpu.memory_space<vmem>>
      %dma_start3A_225 = tpu.memref_squeeze %dma_start3A_224 : memref<1x128x16xf32, #tpu.memory_space<vmem>> -> memref<128x16xf32, #tpu.memory_space<vmem>>
      %dma_start3A_226 = arith.constant 0 : i32
      %dma_start3A_227 = tpu.memref_slice %arg7[%dma_start3A_221, %dma_start3A_226] : memref<8x128xi32, #tpu.memory_space<vmem>> -> memref<1x128xi32, #tpu.memory_space<vmem>>
      %dma_start3A_228 = tpu.memref_squeeze %dma_start3A_227 : memref<1x128xi32, #tpu.memory_space<vmem>> -> memref<128xi32, #tpu.memory_space<vmem>>
      %dma_start3A_229 = arith.constant 0 : i32
      %dma_start3A_230 = arith.constant 0 : i32
      %dma_start3A_231 = tpu.memref_slice %arg9[%dma_start3A_229, %dma_start3A_230] : memref<102400x16xf32, #tpu.memory_space<vmem_shared>> -> memref<102400x16xf32, #tpu.memory_space<vmem_shared>>
      tpu.enqueue_indirect_dma source(%dma_start3A_225 : memref<128x16xf32, #tpu.memory_space<vmem>>) target(%dma_start3A_231 : memref<102400x16xf32, #tpu.memory_space<vmem_shared>>) offsets(%dma_start3A_228 : memref<128xi32, #tpu.memory_space<vmem>>) semaphore(%arg22 : memref<!tpu.dma_semaphore, #tpu.memory_space<semaphore_mem>>) {add = true}
      %dma_wait3A_232 = arith.constant 5 : i32
      %dma_wait3A_233 = arith.constant 5 : i32
      %dma_wait3A_234 = arith.constant 0 : i32
      %dma_wait3A_235 = arith.constant 0 : i32
      %dma_wait3A_236 = tpu.memref_slice %arg8[%dma_wait3A_233, %dma_wait3A_234, %dma_wait3A_235] : memref<8x128x16xf32, #tpu.memory_space<vmem>> -> memref<1x128x16xf32, #tpu.memory_space<vmem>>
      %dma_wait3A_237 = tpu.memref_squeeze %dma_wait3A_236 : memref<1x128x16xf32, #tpu.memory_space<vmem>> -> memref<128x16xf32, #tpu.memory_space<vmem>>
      %dma_wait3A_238 = arith.constant 0 : i32
      %dma_wait3A_239 = tpu.memref_slice %arg6[%dma_wait3A_232, %dma_wait3A_238] : memref<8x128xi32, #tpu.memory_space<vmem>> -> memref<1x128xi32, #tpu.memory_space<vmem>>
      %dma_wait3A_240 = tpu.memref_squeeze %dma_wait3A_239 : memref<1x128xi32, #tpu.memory_space<vmem>> -> memref<128xi32, #tpu.memory_space<vmem>>
      %dma_wait3A_241 = arith.constant 0 : i32
      %dma_wait3A_242 = arith.constant 0 : i32
      %dma_wait3A_243 = tpu.memref_slice %arg2[%dma_wait3A_241, %dma_wait3A_242] : memref<102400x16xf32, #tpu.memory_space<hbm>> -> memref<102400x16xf32, #tpu.memory_space<hbm>>
      tpu.wait_indirect_dma semaphore(%arg15 : memref<!tpu.dma_semaphore, #tpu.memory_space<semaphore_mem>>) src(%dma_wait3A_243 : memref<102400x16xf32, #tpu.memory_space<hbm>>) dst(%dma_wait3A_237 : memref<128x16xf32, #tpu.memory_space<vmem>>)
      %dma_start3A_244 = arith.constant 5 : i32
      %dma_start3A_245 = arith.constant 5 : i32
      %dma_start3A_246 = arith.constant 0 : i32
      %dma_start3A_247 = arith.constant 0 : i32
      %dma_start3A_248 = tpu.memref_slice %arg8[%dma_start3A_244, %dma_start3A_246, %dma_start3A_247] : memref<8x128x16xf32, #tpu.memory_space<vmem>> -> memref<1x128x16xf32, #tpu.memory_space<vmem>>
      %dma_start3A_249 = tpu.memref_squeeze %dma_start3A_248 : memref<1x128x16xf32, #tpu.memory_space<vmem>> -> memref<128x16xf32, #tpu.memory_space<vmem>>
      %dma_start3A_250 = arith.constant 0 : i32
      %dma_start3A_251 = tpu.memref_slice %arg7[%dma_start3A_245, %dma_start3A_250] : memref<8x128xi32, #tpu.memory_space<vmem>> -> memref<1x128xi32, #tpu.memory_space<vmem>>
      %dma_start3A_252 = tpu.memref_squeeze %dma_start3A_251 : memref<1x128xi32, #tpu.memory_space<vmem>> -> memref<128xi32, #tpu.memory_space<vmem>>
      %dma_start3A_253 = arith.constant 0 : i32
      %dma_start3A_254 = arith.constant 0 : i32
      %dma_start3A_255 = tpu.memref_slice %arg9[%dma_start3A_253, %dma_start3A_254] : memref<102400x16xf32, #tpu.memory_space<vmem_shared>> -> memref<102400x16xf32, #tpu.memory_space<vmem_shared>>
      tpu.enqueue_indirect_dma source(%dma_start3A_249 : memref<128x16xf32, #tpu.memory_space<vmem>>) target(%dma_start3A_255 : memref<102400x16xf32, #tpu.memory_space<vmem_shared>>) offsets(%dma_start3A_252 : memref<128xi32, #tpu.memory_space<vmem>>) semaphore(%arg23 : memref<!tpu.dma_semaphore, #tpu.memory_space<semaphore_mem>>) {add = true}
      %dma_wait3A_256 = arith.constant 6 : i32
      %dma_wait3A_257 = arith.constant 6 : i32
      %dma_wait3A_258 = arith.constant 0 : i32
      %dma_wait3A_259 = arith.constant 0 : i32
      %dma_wait3A_260 = tpu.memref_slice %arg8[%dma_wait3A_257, %dma_wait3A_258, %dma_wait3A_259] : memref<8x128x16xf32, #tpu.memory_space<vmem>> -> memref<1x128x16xf32, #tpu.memory_space<vmem>>
      %dma_wait3A_261 = tpu.memref_squeeze %dma_wait3A_260 : memref<1x128x16xf32, #tpu.memory_space<vmem>> -> memref<128x16xf32, #tpu.memory_space<vmem>>
      %dma_wait3A_262 = arith.constant 0 : i32
      %dma_wait3A_263 = tpu.memref_slice %arg6[%dma_wait3A_256, %dma_wait3A_262] : memref<8x128xi32, #tpu.memory_space<vmem>> -> memref<1x128xi32, #tpu.memory_space<vmem>>
      %dma_wait3A_264 = tpu.memref_squeeze %dma_wait3A_263 : memref<1x128xi32, #tpu.memory_space<vmem>> -> memref<128xi32, #tpu.memory_space<vmem>>
      %dma_wait3A_265 = arith.constant 0 : i32
      %dma_wait3A_266 = arith.constant 0 : i32
      %dma_wait3A_267 = tpu.memref_slice %arg2[%dma_wait3A_265, %dma_wait3A_266] : memref<102400x16xf32, #tpu.memory_space<hbm>> -> memref<102400x16xf32, #tpu.memory_space<hbm>>
      tpu.wait_indirect_dma semaphore(%arg16 : memref<!tpu.dma_semaphore, #tpu.memory_space<semaphore_mem>>) src(%dma_wait3A_267 : memref<102400x16xf32, #tpu.memory_space<hbm>>) dst(%dma_wait3A_261 : memref<128x16xf32, #tpu.memory_space<vmem>>)
      %dma_start3A_268 = arith.constant 6 : i32
      %dma_start3A_269 = arith.constant 6 : i32
      %dma_start3A_270 = arith.constant 0 : i32
      %dma_start3A_271 = arith.constant 0 : i32
      %dma_start3A_272 = tpu.memref_slice %arg8[%dma_start3A_268, %dma_start3A_270, %dma_start3A_271] : memref<8x128x16xf32, #tpu.memory_space<vmem>> -> memref<1x128x16xf32, #tpu.memory_space<vmem>>
      %dma_start3A_273 = tpu.memref_squeeze %dma_start3A_272 : memref<1x128x16xf32, #tpu.memory_space<vmem>> -> memref<128x16xf32, #tpu.memory_space<vmem>>
      %dma_start3A_274 = arith.constant 0 : i32
      %dma_start3A_275 = tpu.memref_slice %arg7[%dma_start3A_269, %dma_start3A_274] : memref<8x128xi32, #tpu.memory_space<vmem>> -> memref<1x128xi32, #tpu.memory_space<vmem>>
      %dma_start3A_276 = tpu.memref_squeeze %dma_start3A_275 : memref<1x128xi32, #tpu.memory_space<vmem>> -> memref<128xi32, #tpu.memory_space<vmem>>
      %dma_start3A_277 = arith.constant 0 : i32
      %dma_start3A_278 = arith.constant 0 : i32
      %dma_start3A_279 = tpu.memref_slice %arg9[%dma_start3A_277, %dma_start3A_278] : memref<102400x16xf32, #tpu.memory_space<vmem_shared>> -> memref<102400x16xf32, #tpu.memory_space<vmem_shared>>
      tpu.enqueue_indirect_dma source(%dma_start3A_273 : memref<128x16xf32, #tpu.memory_space<vmem>>) target(%dma_start3A_279 : memref<102400x16xf32, #tpu.memory_space<vmem_shared>>) offsets(%dma_start3A_276 : memref<128xi32, #tpu.memory_space<vmem>>) semaphore(%arg24 : memref<!tpu.dma_semaphore, #tpu.memory_space<semaphore_mem>>) {add = true}
      %dma_wait3A_280 = arith.constant 7 : i32
      %dma_wait3A_281 = arith.constant 7 : i32
      %dma_wait3A_282 = arith.constant 0 : i32
      %dma_wait3A_283 = arith.constant 0 : i32
      %dma_wait3A_284 = tpu.memref_slice %arg8[%dma_wait3A_281, %dma_wait3A_282, %dma_wait3A_283] : memref<8x128x16xf32, #tpu.memory_space<vmem>> -> memref<1x128x16xf32, #tpu.memory_space<vmem>>
      %dma_wait3A_285 = tpu.memref_squeeze %dma_wait3A_284 : memref<1x128x16xf32, #tpu.memory_space<vmem>> -> memref<128x16xf32, #tpu.memory_space<vmem>>
      %dma_wait3A_286 = arith.constant 0 : i32
      %dma_wait3A_287 = tpu.memref_slice %arg6[%dma_wait3A_280, %dma_wait3A_286] : memref<8x128xi32, #tpu.memory_space<vmem>> -> memref<1x128xi32, #tpu.memory_space<vmem>>
      %dma_wait3A_288 = tpu.memref_squeeze %dma_wait3A_287 : memref<1x128xi32, #tpu.memory_space<vmem>> -> memref<128xi32, #tpu.memory_space<vmem>>
      %dma_wait3A_289 = arith.constant 0 : i32
      %dma_wait3A_290 = arith.constant 0 : i32
      %dma_wait3A_291 = tpu.memref_slice %arg2[%dma_wait3A_289, %dma_wait3A_290] : memref<102400x16xf32, #tpu.memory_space<hbm>> -> memref<102400x16xf32, #tpu.memory_space<hbm>>
      tpu.wait_indirect_dma semaphore(%arg17 : memref<!tpu.dma_semaphore, #tpu.memory_space<semaphore_mem>>) src(%dma_wait3A_291 : memref<102400x16xf32, #tpu.memory_space<hbm>>) dst(%dma_wait3A_285 : memref<128x16xf32, #tpu.memory_space<vmem>>)
      %dma_start3A_292 = arith.constant 7 : i32
      %dma_start3A_293 = arith.constant 7 : i32
      %dma_start3A_294 = arith.constant 0 : i32
      %dma_start3A_295 = arith.constant 0 : i32
      %dma_start3A_296 = tpu.memref_slice %arg8[%dma_start3A_292, %dma_start3A_294, %dma_start3A_295] : memref<8x128x16xf32, #tpu.memory_space<vmem>> -> memref<1x128x16xf32, #tpu.memory_space<vmem>>
      %dma_start3A_297 = tpu.memref_squeeze %dma_start3A_296 : memref<1x128x16xf32, #tpu.memory_space<vmem>> -> memref<128x16xf32, #tpu.memory_space<vmem>>
      %dma_start3A_298 = arith.constant 0 : i32
      %dma_start3A_299 = tpu.memref_slice %arg7[%dma_start3A_293, %dma_start3A_298] : memref<8x128xi32, #tpu.memory_space<vmem>> -> memref<1x128xi32, #tpu.memory_space<vmem>>
      %dma_start3A_300 = tpu.memref_squeeze %dma_start3A_299 : memref<1x128xi32, #tpu.memory_space<vmem>> -> memref<128xi32, #tpu.memory_space<vmem>>
      %dma_start3A_301 = arith.constant 0 : i32
      %dma_start3A_302 = arith.constant 0 : i32
      %dma_start3A_303 = tpu.memref_slice %arg9[%dma_start3A_301, %dma_start3A_302] : memref<102400x16xf32, #tpu.memory_space<vmem_shared>> -> memref<102400x16xf32, #tpu.memory_space<vmem_shared>>
      tpu.enqueue_indirect_dma source(%dma_start3A_297 : memref<128x16xf32, #tpu.memory_space<vmem>>) target(%dma_start3A_303 : memref<102400x16xf32, #tpu.memory_space<vmem_shared>>) offsets(%dma_start3A_300 : memref<128xi32, #tpu.memory_space<vmem>>) semaphore(%arg25 : memref<!tpu.dma_semaphore, #tpu.memory_space<semaphore_mem>>) {add = true}
      %dma_wait3A_304 = arith.constant 0 : i32
      %dma_wait3A_305 = arith.constant 0 : i32
      %dma_wait3A_306 = arith.constant 0 : i32
      %dma_wait3A_307 = arith.constant 0 : i32
      %dma_wait3A_308 = tpu.memref_slice %arg8[%dma_wait3A_304, %dma_wait3A_306, %dma_wait3A_307] : memref<8x128x16xf32, #tpu.memory_space<vmem>> -> memref<1x128x16xf32, #tpu.memory_space<vmem>>
      %dma_wait3A_309 = tpu.memref_squeeze %dma_wait3A_308 : memref<1x128x16xf32, #tpu.memory_space<vmem>> -> memref<128x16xf32, #tpu.memory_space<vmem>>
      %dma_wait3A_310 = arith.constant 0 : i32
      %dma_wait3A_311 = tpu.memref_slice %arg7[%dma_wait3A_305, %dma_wait3A_310] : memref<8x128xi32, #tpu.memory_space<vmem>> -> memref<1x128xi32, #tpu.memory_space<vmem>>
      %dma_wait3A_312 = tpu.memref_squeeze %dma_wait3A_311 : memref<1x128xi32, #tpu.memory_space<vmem>> -> memref<128xi32, #tpu.memory_space<vmem>>
      %dma_wait3A_313 = arith.constant 0 : i32
      %dma_wait3A_314 = arith.constant 0 : i32
      %dma_wait3A_315 = tpu.memref_slice %arg9[%dma_wait3A_313, %dma_wait3A_314] : memref<102400x16xf32, #tpu.memory_space<vmem_shared>> -> memref<102400x16xf32, #tpu.memory_space<vmem_shared>>
      tpu.wait_indirect_dma semaphore(%arg18 : memref<!tpu.dma_semaphore, #tpu.memory_space<semaphore_mem>>) src(%dma_wait3A_309 : memref<128x16xf32, #tpu.memory_space<vmem>>) dst(%dma_wait3A_315 : memref<102400x16xf32, #tpu.memory_space<vmem_shared>>)
      %dma_wait3A_316 = arith.constant 1 : i32
      %dma_wait3A_317 = arith.constant 1 : i32
      %dma_wait3A_318 = arith.constant 0 : i32
      %dma_wait3A_319 = arith.constant 0 : i32
      %dma_wait3A_320 = tpu.memref_slice %arg8[%dma_wait3A_316, %dma_wait3A_318, %dma_wait3A_319] : memref<8x128x16xf32, #tpu.memory_space<vmem>> -> memref<1x128x16xf32, #tpu.memory_space<vmem>>
      %dma_wait3A_321 = tpu.memref_squeeze %dma_wait3A_320 : memref<1x128x16xf32, #tpu.memory_space<vmem>> -> memref<128x16xf32, #tpu.memory_space<vmem>>
      %dma_wait3A_322 = arith.constant 0 : i32
      %dma_wait3A_323 = tpu.memref_slice %arg7[%dma_wait3A_317, %dma_wait3A_322] : memref<8x128xi32, #tpu.memory_space<vmem>> -> memref<1x128xi32, #tpu.memory_space<vmem>>
      %dma_wait3A_324 = tpu.memref_squeeze %dma_wait3A_323 : memref<1x128xi32, #tpu.memory_space<vmem>> -> memref<128xi32, #tpu.memory_space<vmem>>
      %dma_wait3A_325 = arith.constant 0 : i32
      %dma_wait3A_326 = arith.constant 0 : i32
      %dma_wait3A_327 = tpu.memref_slice %arg9[%dma_wait3A_325, %dma_wait3A_326] : memref<102400x16xf32, #tpu.memory_space<vmem_shared>> -> memref<102400x16xf32, #tpu.memory_space<vmem_shared>>
      tpu.wait_indirect_dma semaphore(%arg19 : memref<!tpu.dma_semaphore, #tpu.memory_space<semaphore_mem>>) src(%dma_wait3A_321 : memref<128x16xf32, #tpu.memory_space<vmem>>) dst(%dma_wait3A_327 : memref<102400x16xf32, #tpu.memory_space<vmem_shared>>)
      %dma_wait3A_328 = arith.constant 2 : i32
      %dma_wait3A_329 = arith.constant 2 : i32
      %dma_wait3A_330 = arith.constant 0 : i32
      %dma_wait3A_331 = arith.constant 0 : i32
      %dma_wait3A_332 = tpu.memref_slice %arg8[%dma_wait3A_328, %dma_wait3A_330, %dma_wait3A_331] : memref<8x128x16xf32, #tpu.memory_space<vmem>> -> memref<1x128x16xf32, #tpu.memory_space<vmem>>
      %dma_wait3A_333 = tpu.memref_squeeze %dma_wait3A_332 : memref<1x128x16xf32, #tpu.memory_space<vmem>> -> memref<128x16xf32, #tpu.memory_space<vmem>>
      %dma_wait3A_334 = arith.constant 0 : i32
      %dma_wait3A_335 = tpu.memref_slice %arg7[%dma_wait3A_329, %dma_wait3A_334] : memref<8x128xi32, #tpu.memory_space<vmem>> -> memref<1x128xi32, #tpu.memory_space<vmem>>
      %dma_wait3A_336 = tpu.memref_squeeze %dma_wait3A_335 : memref<1x128xi32, #tpu.memory_space<vmem>> -> memref<128xi32, #tpu.memory_space<vmem>>
      %dma_wait3A_337 = arith.constant 0 : i32
      %dma_wait3A_338 = arith.constant 0 : i32
      %dma_wait3A_339 = tpu.memref_slice %arg9[%dma_wait3A_337, %dma_wait3A_338] : memref<102400x16xf32, #tpu.memory_space<vmem_shared>> -> memref<102400x16xf32, #tpu.memory_space<vmem_shared>>
      tpu.wait_indirect_dma semaphore(%arg20 : memref<!tpu.dma_semaphore, #tpu.memory_space<semaphore_mem>>) src(%dma_wait3A_333 : memref<128x16xf32, #tpu.memory_space<vmem>>) dst(%dma_wait3A_339 : memref<102400x16xf32, #tpu.memory_space<vmem_shared>>)
      %dma_wait3A_340 = arith.constant 3 : i32
      %dma_wait3A_341 = arith.constant 3 : i32
      %dma_wait3A_342 = arith.constant 0 : i32
      %dma_wait3A_343 = arith.constant 0 : i32
      %dma_wait3A_344 = tpu.memref_slice %arg8[%dma_wait3A_340, %dma_wait3A_342, %dma_wait3A_343] : memref<8x128x16xf32, #tpu.memory_space<vmem>> -> memref<1x128x16xf32, #tpu.memory_space<vmem>>
      %dma_wait3A_345 = tpu.memref_squeeze %dma_wait3A_344 : memref<1x128x16xf32, #tpu.memory_space<vmem>> -> memref<128x16xf32, #tpu.memory_space<vmem>>
      %dma_wait3A_346 = arith.constant 0 : i32
      %dma_wait3A_347 = tpu.memref_slice %arg7[%dma_wait3A_341, %dma_wait3A_346] : memref<8x128xi32, #tpu.memory_space<vmem>> -> memref<1x128xi32, #tpu.memory_space<vmem>>
      %dma_wait3A_348 = tpu.memref_squeeze %dma_wait3A_347 : memref<1x128xi32, #tpu.memory_space<vmem>> -> memref<128xi32, #tpu.memory_space<vmem>>
      %dma_wait3A_349 = arith.constant 0 : i32
      %dma_wait3A_350 = arith.constant 0 : i32
      %dma_wait3A_351 = tpu.memref_slice %arg9[%dma_wait3A_349, %dma_wait3A_350] : memref<102400x16xf32, #tpu.memory_space<vmem_shared>> -> memref<102400x16xf32, #tpu.memory_space<vmem_shared>>
      tpu.wait_indirect_dma semaphore(%arg21 : memref<!tpu.dma_semaphore, #tpu.memory_space<semaphore_mem>>) src(%dma_wait3A_345 : memref<128x16xf32, #tpu.memory_space<vmem>>) dst(%dma_wait3A_351 : memref<102400x16xf32, #tpu.memory_space<vmem_shared>>)
      %dma_wait3A_352 = arith.constant 4 : i32
      %dma_wait3A_353 = arith.constant 4 : i32
      %dma_wait3A_354 = arith.constant 0 : i32
      %dma_wait3A_355 = arith.constant 0 : i32
      %dma_wait3A_356 = tpu.memref_slice %arg8[%dma_wait3A_352, %dma_wait3A_354, %dma_wait3A_355] : memref<8x128x16xf32, #tpu.memory_space<vmem>> -> memref<1x128x16xf32, #tpu.memory_space<vmem>>
      %dma_wait3A_357 = tpu.memref_squeeze %dma_wait3A_356 : memref<1x128x16xf32, #tpu.memory_space<vmem>> -> memref<128x16xf32, #tpu.memory_space<vmem>>
      %dma_wait3A_358 = arith.constant 0 : i32
      %dma_wait3A_359 = tpu.memref_slice %arg7[%dma_wait3A_353, %dma_wait3A_358] : memref<8x128xi32, #tpu.memory_space<vmem>> -> memref<1x128xi32, #tpu.memory_space<vmem>>
      %dma_wait3A_360 = tpu.memref_squeeze %dma_wait3A_359 : memref<1x128xi32, #tpu.memory_space<vmem>> -> memref<128xi32, #tpu.memory_space<vmem>>
      %dma_wait3A_361 = arith.constant 0 : i32
      %dma_wait3A_362 = arith.constant 0 : i32
      %dma_wait3A_363 = tpu.memref_slice %arg9[%dma_wait3A_361, %dma_wait3A_362] : memref<102400x16xf32, #tpu.memory_space<vmem_shared>> -> memref<102400x16xf32, #tpu.memory_space<vmem_shared>>
      tpu.wait_indirect_dma semaphore(%arg22 : memref<!tpu.dma_semaphore, #tpu.memory_space<semaphore_mem>>) src(%dma_wait3A_357 : memref<128x16xf32, #tpu.memory_space<vmem>>) dst(%dma_wait3A_363 : memref<102400x16xf32, #tpu.memory_space<vmem_shared>>)
      %dma_wait3A_364 = arith.constant 5 : i32
      %dma_wait3A_365 = arith.constant 5 : i32
      %dma_wait3A_366 = arith.constant 0 : i32
      %dma_wait3A_367 = arith.constant 0 : i32
      %dma_wait3A_368 = tpu.memref_slice %arg8[%dma_wait3A_364, %dma_wait3A_366, %dma_wait3A_367] : memref<8x128x16xf32, #tpu.memory_space<vmem>> -> memref<1x128x16xf32, #tpu.memory_space<vmem>>
      %dma_wait3A_369 = tpu.memref_squeeze %dma_wait3A_368 : memref<1x128x16xf32, #tpu.memory_space<vmem>> -> memref<128x16xf32, #tpu.memory_space<vmem>>
      %dma_wait3A_370 = arith.constant 0 : i32
      %dma_wait3A_371 = tpu.memref_slice %arg7[%dma_wait3A_365, %dma_wait3A_370] : memref<8x128xi32, #tpu.memory_space<vmem>> -> memref<1x128xi32, #tpu.memory_space<vmem>>
      %dma_wait3A_372 = tpu.memref_squeeze %dma_wait3A_371 : memref<1x128xi32, #tpu.memory_space<vmem>> -> memref<128xi32, #tpu.memory_space<vmem>>
      %dma_wait3A_373 = arith.constant 0 : i32
      %dma_wait3A_374 = arith.constant 0 : i32
      %dma_wait3A_375 = tpu.memref_slice %arg9[%dma_wait3A_373, %dma_wait3A_374] : memref<102400x16xf32, #tpu.memory_space<vmem_shared>> -> memref<102400x16xf32, #tpu.memory_space<vmem_shared>>
      tpu.wait_indirect_dma semaphore(%arg23 : memref<!tpu.dma_semaphore, #tpu.memory_space<semaphore_mem>>) src(%dma_wait3A_369 : memref<128x16xf32, #tpu.memory_space<vmem>>) dst(%dma_wait3A_375 : memref<102400x16xf32, #tpu.memory_space<vmem_shared>>)
      %dma_wait3A_376 = arith.constant 6 : i32
      %dma_wait3A_377 = arith.constant 6 : i32
      %dma_wait3A_378 = arith.constant 0 : i32
      %dma_wait3A_379 = arith.constant 0 : i32
      %dma_wait3A_380 = tpu.memref_slice %arg8[%dma_wait3A_376, %dma_wait3A_378, %dma_wait3A_379] : memref<8x128x16xf32, #tpu.memory_space<vmem>> -> memref<1x128x16xf32, #tpu.memory_space<vmem>>
      %dma_wait3A_381 = tpu.memref_squeeze %dma_wait3A_380 : memref<1x128x16xf32, #tpu.memory_space<vmem>> -> memref<128x16xf32, #tpu.memory_space<vmem>>
      %dma_wait3A_382 = arith.constant 0 : i32
      %dma_wait3A_383 = tpu.memref_slice %arg7[%dma_wait3A_377, %dma_wait3A_382] : memref<8x128xi32, #tpu.memory_space<vmem>> -> memref<1x128xi32, #tpu.memory_space<vmem>>
      %dma_wait3A_384 = tpu.memref_squeeze %dma_wait3A_383 : memref<1x128xi32, #tpu.memory_space<vmem>> -> memref<128xi32, #tpu.memory_space<vmem>>
      %dma_wait3A_385 = arith.constant 0 : i32
      %dma_wait3A_386 = arith.constant 0 : i32
      %dma_wait3A_387 = tpu.memref_slice %arg9[%dma_wait3A_385, %dma_wait3A_386] : memref<102400x16xf32, #tpu.memory_space<vmem_shared>> -> memref<102400x16xf32, #tpu.memory_space<vmem_shared>>
      tpu.wait_indirect_dma semaphore(%arg24 : memref<!tpu.dma_semaphore, #tpu.memory_space<semaphore_mem>>) src(%dma_wait3A_381 : memref<128x16xf32, #tpu.memory_space<vmem>>) dst(%dma_wait3A_387 : memref<102400x16xf32, #tpu.memory_space<vmem_shared>>)
      %dma_wait3A_388 = arith.constant 7 : i32
      %dma_wait3A_389 = arith.constant 7 : i32
      %dma_wait3A_390 = arith.constant 0 : i32
      %dma_wait3A_391 = arith.constant 0 : i32
      %dma_wait3A_392 = tpu.memref_slice %arg8[%dma_wait3A_388, %dma_wait3A_390, %dma_wait3A_391] : memref<8x128x16xf32, #tpu.memory_space<vmem>> -> memref<1x128x16xf32, #tpu.memory_space<vmem>>
      %dma_wait3A_393 = tpu.memref_squeeze %dma_wait3A_392 : memref<1x128x16xf32, #tpu.memory_space<vmem>> -> memref<128x16xf32, #tpu.memory_space<vmem>>
      %dma_wait3A_394 = arith.constant 0 : i32
      %dma_wait3A_395 = tpu.memref_slice %arg7[%dma_wait3A_389, %dma_wait3A_394] : memref<8x128xi32, #tpu.memory_space<vmem>> -> memref<1x128xi32, #tpu.memory_space<vmem>>
      %dma_wait3A_396 = tpu.memref_squeeze %dma_wait3A_395 : memref<1x128xi32, #tpu.memory_space<vmem>> -> memref<128xi32, #tpu.memory_space<vmem>>
      %dma_wait3A_397 = arith.constant 0 : i32
      %dma_wait3A_398 = arith.constant 0 : i32
      %dma_wait3A_399 = tpu.memref_slice %arg9[%dma_wait3A_397, %dma_wait3A_398] : memref<102400x16xf32, #tpu.memory_space<vmem_shared>> -> memref<102400x16xf32, #tpu.memory_space<vmem_shared>>
      tpu.wait_indirect_dma semaphore(%arg25 : memref<!tpu.dma_semaphore, #tpu.memory_space<semaphore_mem>>) src(%dma_wait3A_393 : memref<128x16xf32, #tpu.memory_space<vmem>>) dst(%dma_wait3A_399 : memref<102400x16xf32, #tpu.memory_space<vmem_shared>>)
    }
    %scan3A_9 = arith.constant 49 : i32
    %barrier3A_10 = arith.constant 0 : index
    tpu.barrier barrier_id(%barrier3A_10)
    "tpu.region"() ({
      %run_scoped3A = tpu.sem_alloc : memref<!tpu.dma_semaphore, #tpu.memory_space<semaphore_mem>>
      %dma_start3A = arith.constant 0 : i32
      %dma_start3A_11 = tpu.memref_slice %arg5[%arg0, %mul3A_2, %dma_start3A] : memref<2x102400x16xf32, #tpu.memory_space<hbm>> -> memref<1x6400x16xf32, #tpu.memory_space<hbm>>
      %dma_start3A_12 = tpu.memref_squeeze %dma_start3A_11 : memref<1x6400x16xf32, #tpu.memory_space<hbm>> -> memref<6400x16xf32, #tpu.memory_space<hbm>>
      %dma_start3A_13 = arith.constant 0 : i32
      %dma_start3A_14 = tpu.memref_slice %arg9[%mul3A_2, %dma_start3A_13] : memref<102400x16xf32, #tpu.memory_space<vmem_shared>> -> memref<6400x16xf32, #tpu.memory_space<vmem_shared>>
      tpu.enqueue_dma source(%dma_start3A_14 : memref<6400x16xf32, #tpu.memory_space<vmem_shared>>) target(%dma_start3A_12 : memref<6400x16xf32, #tpu.memory_space<hbm>>) target_semaphore(%run_scoped3A : memref<!tpu.dma_semaphore, #tpu.memory_space<semaphore_mem>>)
      %dma_wait3A = arith.constant 0 : i32
      %dma_wait3A_15 = tpu.memref_slice %arg5[%arg0, %mul3A_2, %dma_wait3A] : memref<2x102400x16xf32, #tpu.memory_space<hbm>> -> memref<1x6400x16xf32, #tpu.memory_space<hbm>>
      %dma_wait3A_16 = tpu.memref_squeeze %dma_wait3A_15 : memref<1x6400x16xf32, #tpu.memory_space<hbm>> -> memref<6400x16xf32, #tpu.memory_space<hbm>>
      %dma_wait3A_17 = arith.constant 0 : i32
      %dma_wait3A_18 = tpu.memref_slice %arg9[%mul3A_2, %dma_wait3A_17] : memref<102400x16xf32, #tpu.memory_space<vmem_shared>> -> memref<6400x16xf32, #tpu.memory_space<vmem_shared>>
      tpu.wait_dma2 semaphore(%run_scoped3A : memref<!tpu.dma_semaphore, #tpu.memory_space<semaphore_mem>>) src(%dma_wait3A_18 : memref<6400x16xf32, #tpu.memory_space<vmem_shared>>) dst(%dma_wait3A_16 : memref<6400x16xf32, #tpu.memory_space<hbm>>)
      tpu.yield
    }) : () -> ()
    return
  }
}

#map = affine_map<(d0, d1) -> (0, 0)>
#map1 = affine_map<(d0, d1) -> (0, 0, 0)>
module attributes {stable_mosaic.version = 14 : i64} {
  func.func @_edge_kernel(%arg0: i32, %arg1: i32, %arg2: memref<102400x16xf32, #tpu.memory_space<hbm>>, %arg3: memref<12544x128xi32, #tpu.memory_space<hbm>>, %arg4: memref<12544x128xi32, #tpu.memory_space<hbm>>, %arg5: memref<2x102400x16xf32, #tpu.memory_space<hbm>>, %arg6: memref<8x128xi32, #tpu.memory_space<vmem>>, %arg7: memref<8x128xi32, #tpu.memory_space<vmem>>, %arg8: memref<8x128x16xf32, #tpu.memory_space<vmem>>, %arg9: memref<102400x16xf32, #tpu.memory_space<vmem_shared>>, %arg10: memref<!tpu.dma_semaphore, #tpu.memory_space<semaphore_mem>>, %arg11: memref<!tpu.dma_semaphore, #tpu.memory_space<semaphore_mem>>, %arg12: memref<!tpu.dma_semaphore, #tpu.memory_space<semaphore_mem>>, %arg13: memref<!tpu.dma_semaphore, #tpu.memory_space<semaphore_mem>>, %arg14: memref<!tpu.dma_semaphore, #tpu.memory_space<semaphore_mem>>, %arg15: memref<!tpu.dma_semaphore, #tpu.memory_space<semaphore_mem>>, %arg16: memref<!tpu.dma_semaphore, #tpu.memory_space<semaphore_mem>>, %arg17: memref<!tpu.dma_semaphore, #tpu.memory_space<semaphore_mem>>, %arg18: memref<!tpu.dma_semaphore, #tpu.memory_space<semaphore_mem>>, %arg19: memref<!tpu.dma_semaphore, #tpu.memory_space<semaphore_mem>>, %arg20: memref<!tpu.dma_semaphore, #tpu.memory_space<semaphore_mem>>, %arg21: memref<!tpu.dma_semaphore, #tpu.memory_space<semaphore_mem>>, %arg22: memref<!tpu.dma_semaphore, #tpu.memory_space<semaphore_mem>>, %arg23: memref<!tpu.dma_semaphore, #tpu.memory_space<semaphore_mem>>, %arg24: memref<!tpu.dma_semaphore, #tpu.memory_space<semaphore_mem>>, %arg25: memref<!tpu.dma_semaphore, #tpu.memory_space<semaphore_mem>>) attributes {dimension_semantics = [#tpu.dimension_semantics<core_parallel>, #tpu.dimension_semantics<subcore_parallel>], iteration_bounds = array<i64: 2, 16>, scalar_prefetch = 0 : i64, scratch_operands = 20 : i64, tpu.core_type = #tpu.core_type<sc_vector_subcore>, window_params = [{transform_indices = #map}, {transform_indices = #map}, {transform_indices = #map}, {transform_indices = #map1}]} {
    %mul3A = arith.constant 2 : i32
    %mul3A_0 = arith.muli %arg1, %mul3A : i32
    %add3A = arith.addi %mul3A_0, %arg0 : i32
    %mul3A_1 = arith.constant 6400 : i32
    %mul3A_2 = arith.muli %arg1, %mul3A_1 : i32
    "tpu.region"() ({
      %run_scoped3A = tpu.sem_alloc : memref<!tpu.dma_semaphore, #tpu.memory_space<semaphore_mem>>
      %dma_start3A = arith.constant 0 : i32
      %dma_start3A_11 = tpu.memref_slice %arg9[%mul3A_2, %dma_start3A] : memref<102400x16xf32, #tpu.memory_space<vmem_shared>> -> memref<6400x16xf32, #tpu.memory_space<vmem_shared>>
      %dma_start3A_12 = arith.constant 0 : i32
      %dma_start3A_13 = tpu.memref_slice %arg2[%mul3A_2, %dma_start3A_12] : memref<102400x16xf32, #tpu.memory_space<hbm>> -> memref<6400x16xf32, #tpu.memory_space<hbm>>
      tpu.enqueue_dma source(%dma_start3A_13 : memref<6400x16xf32, #tpu.memory_space<hbm>>) target(%dma_start3A_11 : memref<6400x16xf32, #tpu.memory_space<vmem_shared>>) target_semaphore(%run_scoped3A : memref<!tpu.dma_semaphore, #tpu.memory_space<semaphore_mem>>)
      %dma_wait3A = arith.constant 0 : i32
      %dma_wait3A_14 = tpu.memref_slice %arg9[%mul3A_2, %dma_wait3A] : memref<102400x16xf32, #tpu.memory_space<vmem_shared>> -> memref<6400x16xf32, #tpu.memory_space<vmem_shared>>
      %dma_wait3A_15 = arith.constant 0 : i32
      %dma_wait3A_16 = tpu.memref_slice %arg2[%mul3A_2, %dma_wait3A_15] : memref<102400x16xf32, #tpu.memory_space<hbm>> -> memref<6400x16xf32, #tpu.memory_space<hbm>>
      tpu.wait_dma2 semaphore(%run_scoped3A : memref<!tpu.dma_semaphore, #tpu.memory_space<semaphore_mem>>) src(%dma_wait3A_16 : memref<6400x16xf32, #tpu.memory_space<hbm>>) dst(%dma_wait3A_14 : memref<6400x16xf32, #tpu.memory_space<vmem_shared>>)
      tpu.yield
    }) : () -> ()
    %barrier3A = arith.constant 0 : index
    tpu.barrier barrier_id(%barrier3A)
    %mul3A_3 = arith.constant 392 : i32
    %mul3A_4 = arith.muli %add3A, %mul3A_3 : i32
    %scan3A = arith.constant 0 : i32
    %scan3A_5 = arith.constant 0 : i32
    %scan3A_6 = arith.constant 49 : i32
    %scan3A_7 = arith.addi %scan3A_5, %scan3A_6 : i32
    %scan3A_8 = arith.constant 1 : i32
    scf.for %scan3A_11 = %scan3A_5 to %scan3A_7 step %scan3A_8  : i32 {
      %mul3A_12 = arith.constant 8 : i32
      %mul3A_13 = arith.muli %scan3A_11, %mul3A_12 : i32
      %add3A_14 = arith.addi %mul3A_4, %mul3A_13 : i32
      "tpu.region"() ({
        %run_scoped3A = tpu.sem_alloc : memref<!tpu.dma_semaphore, #tpu.memory_space<semaphore_mem>>
        %dma_start3A_400 = arith.constant 0 : i32
        %dma_start3A_401 = tpu.memref_slice %arg3[%add3A_14, %dma_start3A_400] : memref<12544x128xi32, #tpu.memory_space<hbm>> -> memref<8x128xi32, #tpu.memory_space<hbm>>
        %dma_start3A_402 = arith.constant 0 : i32
        %dma_start3A_403 = tpu.memref_slice %arg3[%add3A_14, %dma_start3A_402] : memref<12544x128xi32, #tpu.memory_space<hbm>> -> memref<8x128xi32, #tpu.memory_space<hbm>>
        tpu.enqueue_dma source(%dma_start3A_403 : memref<8x128xi32, #tpu.memory_space<hbm>>) target(%arg6 : memref<8x128xi32, #tpu.memory_space<vmem>>) target_semaphore(%run_scoped3A : memref<!tpu.dma_semaphore, #tpu.memory_space<semaphore_mem>>)
        %dma_wait3A_404 = arith.constant 0 : i32
        %dma_wait3A_405 = tpu.memref_slice %arg3[%add3A_14, %dma_wait3A_404] : memref<12544x128xi32, #tpu.memory_space<hbm>> -> memref<8x128xi32, #tpu.memory_space<hbm>>
        %dma_wait3A_406 = arith.constant 0 : i32
        %dma_wait3A_407 = tpu.memref_slice %arg3[%add3A_14, %dma_wait3A_406] : memref<12544x128xi32, #tpu.memory_space<hbm>> -> memref<8x128xi32, #tpu.memory_space<hbm>>
        tpu.wait_dma2 semaphore(%run_scoped3A : memref<!tpu.dma_semaphore, #tpu.memory_space<semaphore_mem>>) src(%dma_wait3A_407 : memref<8x128xi32, #tpu.memory_space<hbm>>) dst(%arg6 : memref<8x128xi32, #tpu.memory_space<vmem>>)
        tpu.yield
      }) : () -> ()
      %mul3A_15 = arith.constant 8 : i32
      %mul3A_16 = arith.muli %scan3A_11, %mul3A_15 : i32
      %add3A_17 = arith.addi %mul3A_4, %mul3A_16 : i32
      "tpu.region"() ({
        %run_scoped3A = tpu.sem_alloc : memref<!tpu.dma_semaphore, #tpu.memory_space<semaphore_mem>>
        %dma_start3A_400 = arith.constant 0 : i32
        %dma_start3A_401 = tpu.memref_slice %arg4[%add3A_17, %dma_start3A_400] : memref<12544x128xi32, #tpu.memory_space<hbm>> -> memref<8x128xi32, #tpu.memory_space<hbm>>
        %dma_start3A_402 = arith.constant 0 : i32
        %dma_start3A_403 = tpu.memref_slice %arg4[%add3A_17, %dma_start3A_402] : memref<12544x128xi32, #tpu.memory_space<hbm>> -> memref<8x128xi32, #tpu.memory_space<hbm>>
        tpu.enqueue_dma source(%dma_start3A_403 : memref<8x128xi32, #tpu.memory_space<hbm>>) target(%arg7 : memref<8x128xi32, #tpu.memory_space<vmem>>) target_semaphore(%run_scoped3A : memref<!tpu.dma_semaphore, #tpu.memory_space<semaphore_mem>>)
        %dma_wait3A_404 = arith.constant 0 : i32
        %dma_wait3A_405 = tpu.memref_slice %arg4[%add3A_17, %dma_wait3A_404] : memref<12544x128xi32, #tpu.memory_space<hbm>> -> memref<8x128xi32, #tpu.memory_space<hbm>>
        %dma_wait3A_406 = arith.constant 0 : i32
        %dma_wait3A_407 = tpu.memref_slice %arg4[%add3A_17, %dma_wait3A_406] : memref<12544x128xi32, #tpu.memory_space<hbm>> -> memref<8x128xi32, #tpu.memory_space<hbm>>
        tpu.wait_dma2 semaphore(%run_scoped3A : memref<!tpu.dma_semaphore, #tpu.memory_space<semaphore_mem>>) src(%dma_wait3A_407 : memref<8x128xi32, #tpu.memory_space<hbm>>) dst(%arg7 : memref<8x128xi32, #tpu.memory_space<vmem>>)
        tpu.yield
      }) : () -> ()
      %dma_start3A = arith.constant 0 : i32
      %dma_start3A_18 = arith.constant 0 : i32
      %dma_start3A_19 = arith.constant 0 : i32
      %dma_start3A_20 = arith.constant 0 : i32
      %dma_start3A_21 = tpu.memref_slice %arg8[%dma_start3A_18, %dma_start3A_19, %dma_start3A_20] : memref<8x128x16xf32, #tpu.memory_space<vmem>> -> memref<1x128x16xf32, #tpu.memory_space<vmem>>
      %dma_start3A_22 = tpu.memref_squeeze %dma_start3A_21 : memref<1x128x16xf32, #tpu.memory_space<vmem>> -> memref<128x16xf32, #tpu.memory_space<vmem>>
      %dma_start3A_23 = arith.constant 0 : i32
      %dma_start3A_24 = tpu.memref_slice %arg6[%dma_start3A, %dma_start3A_23] : memref<8x128xi32, #tpu.memory_space<vmem>> -> memref<1x128xi32, #tpu.memory_space<vmem>>
      %dma_start3A_25 = tpu.memref_squeeze %dma_start3A_24 : memref<1x128xi32, #tpu.memory_space<vmem>> -> memref<128xi32, #tpu.memory_space<vmem>>
      %dma_start3A_26 = arith.constant 0 : i32
      %dma_start3A_27 = arith.constant 0 : i32
      %dma_start3A_28 = tpu.memref_slice %arg2[%dma_start3A_26, %dma_start3A_27] : memref<102400x16xf32, #tpu.memory_space<hbm>> -> memref<102400x16xf32, #tpu.memory_space<hbm>>
      tpu.enqueue_indirect_dma source(%dma_start3A_28 : memref<102400x16xf32, #tpu.memory_space<hbm>>) target(%dma_start3A_22 : memref<128x16xf32, #tpu.memory_space<vmem>>) offsets(%dma_start3A_25 : memref<128xi32, #tpu.memory_space<vmem>>) semaphore(%arg10 : memref<!tpu.dma_semaphore, #tpu.memory_space<semaphore_mem>>)
      %dma_start3A_29 = arith.constant 1 : i32
      %dma_start3A_30 = arith.constant 1 : i32
      %dma_start3A_31 = arith.constant 0 : i32
      %dma_start3A_32 = arith.constant 0 : i32
      %dma_start3A_33 = tpu.memref_slice %arg8[%dma_start3A_30, %dma_start3A_31, %dma_start3A_32] : memref<8x128x16xf32, #tpu.memory_space<vmem>> -> memref<1x128x16xf32, #tpu.memory_space<vmem>>
      %dma_start3A_34 = tpu.memref_squeeze %dma_start3A_33 : memref<1x128x16xf32, #tpu.memory_space<vmem>> -> memref<128x16xf32, #tpu.memory_space<vmem>>
      %dma_start3A_35 = arith.constant 0 : i32
      %dma_start3A_36 = tpu.memref_slice %arg6[%dma_start3A_29, %dma_start3A_35] : memref<8x128xi32, #tpu.memory_space<vmem>> -> memref<1x128xi32, #tpu.memory_space<vmem>>
      %dma_start3A_37 = tpu.memref_squeeze %dma_start3A_36 : memref<1x128xi32, #tpu.memory_space<vmem>> -> memref<128xi32, #tpu.memory_space<vmem>>
      %dma_start3A_38 = arith.constant 0 : i32
      %dma_start3A_39 = arith.constant 0 : i32
      %dma_start3A_40 = tpu.memref_slice %arg2[%dma_start3A_38, %dma_start3A_39] : memref<102400x16xf32, #tpu.memory_space<hbm>> -> memref<102400x16xf32, #tpu.memory_space<hbm>>
      tpu.enqueue_indirect_dma source(%dma_start3A_40 : memref<102400x16xf32, #tpu.memory_space<hbm>>) target(%dma_start3A_34 : memref<128x16xf32, #tpu.memory_space<vmem>>) offsets(%dma_start3A_37 : memref<128xi32, #tpu.memory_space<vmem>>) semaphore(%arg11 : memref<!tpu.dma_semaphore, #tpu.memory_space<semaphore_mem>>)
      %dma_start3A_41 = arith.constant 2 : i32
      %dma_start3A_42 = arith.constant 2 : i32
      %dma_start3A_43 = arith.constant 0 : i32
      %dma_start3A_44 = arith.constant 0 : i32
      %dma_start3A_45 = tpu.memref_slice %arg8[%dma_start3A_42, %dma_start3A_43, %dma_start3A_44] : memref<8x128x16xf32, #tpu.memory_space<vmem>> -> memref<1x128x16xf32, #tpu.memory_space<vmem>>
      %dma_start3A_46 = tpu.memref_squeeze %dma_start3A_45 : memref<1x128x16xf32, #tpu.memory_space<vmem>> -> memref<128x16xf32, #tpu.memory_space<vmem>>
      %dma_start3A_47 = arith.constant 0 : i32
      %dma_start3A_48 = tpu.memref_slice %arg6[%dma_start3A_41, %dma_start3A_47] : memref<8x128xi32, #tpu.memory_space<vmem>> -> memref<1x128xi32, #tpu.memory_space<vmem>>
      %dma_start3A_49 = tpu.memref_squeeze %dma_start3A_48 : memref<1x128xi32, #tpu.memory_space<vmem>> -> memref<128xi32, #tpu.memory_space<vmem>>
      %dma_start3A_50 = arith.constant 0 : i32
      %dma_start3A_51 = arith.constant 0 : i32
      %dma_start3A_52 = tpu.memref_slice %arg2[%dma_start3A_50, %dma_start3A_51] : memref<102400x16xf32, #tpu.memory_space<hbm>> -> memref<102400x16xf32, #tpu.memory_space<hbm>>
      tpu.enqueue_indirect_dma source(%dma_start3A_52 : memref<102400x16xf32, #tpu.memory_space<hbm>>) target(%dma_start3A_46 : memref<128x16xf32, #tpu.memory_space<vmem>>) offsets(%dma_start3A_49 : memref<128xi32, #tpu.memory_space<vmem>>) semaphore(%arg12 : memref<!tpu.dma_semaphore, #tpu.memory_space<semaphore_mem>>)
      %dma_start3A_53 = arith.constant 3 : i32
      %dma_start3A_54 = arith.constant 3 : i32
      %dma_start3A_55 = arith.constant 0 : i32
      %dma_start3A_56 = arith.constant 0 : i32
      %dma_start3A_57 = tpu.memref_slice %arg8[%dma_start3A_54, %dma_start3A_55, %dma_start3A_56] : memref<8x128x16xf32, #tpu.memory_space<vmem>> -> memref<1x128x16xf32, #tpu.memory_space<vmem>>
      %dma_start3A_58 = tpu.memref_squeeze %dma_start3A_57 : memref<1x128x16xf32, #tpu.memory_space<vmem>> -> memref<128x16xf32, #tpu.memory_space<vmem>>
      %dma_start3A_59 = arith.constant 0 : i32
      %dma_start3A_60 = tpu.memref_slice %arg6[%dma_start3A_53, %dma_start3A_59] : memref<8x128xi32, #tpu.memory_space<vmem>> -> memref<1x128xi32, #tpu.memory_space<vmem>>
      %dma_start3A_61 = tpu.memref_squeeze %dma_start3A_60 : memref<1x128xi32, #tpu.memory_space<vmem>> -> memref<128xi32, #tpu.memory_space<vmem>>
      %dma_start3A_62 = arith.constant 0 : i32
      %dma_start3A_63 = arith.constant 0 : i32
      %dma_start3A_64 = tpu.memref_slice %arg2[%dma_start3A_62, %dma_start3A_63] : memref<102400x16xf32, #tpu.memory_space<hbm>> -> memref<102400x16xf32, #tpu.memory_space<hbm>>
      tpu.enqueue_indirect_dma source(%dma_start3A_64 : memref<102400x16xf32, #tpu.memory_space<hbm>>) target(%dma_start3A_58 : memref<128x16xf32, #tpu.memory_space<vmem>>) offsets(%dma_start3A_61 : memref<128xi32, #tpu.memory_space<vmem>>) semaphore(%arg13 : memref<!tpu.dma_semaphore, #tpu.memory_space<semaphore_mem>>)
      %dma_start3A_65 = arith.constant 4 : i32
      %dma_start3A_66 = arith.constant 4 : i32
      %dma_start3A_67 = arith.constant 0 : i32
      %dma_start3A_68 = arith.constant 0 : i32
      %dma_start3A_69 = tpu.memref_slice %arg8[%dma_start3A_66, %dma_start3A_67, %dma_start3A_68] : memref<8x128x16xf32, #tpu.memory_space<vmem>> -> memref<1x128x16xf32, #tpu.memory_space<vmem>>
      %dma_start3A_70 = tpu.memref_squeeze %dma_start3A_69 : memref<1x128x16xf32, #tpu.memory_space<vmem>> -> memref<128x16xf32, #tpu.memory_space<vmem>>
      %dma_start3A_71 = arith.constant 0 : i32
      %dma_start3A_72 = tpu.memref_slice %arg6[%dma_start3A_65, %dma_start3A_71] : memref<8x128xi32, #tpu.memory_space<vmem>> -> memref<1x128xi32, #tpu.memory_space<vmem>>
      %dma_start3A_73 = tpu.memref_squeeze %dma_start3A_72 : memref<1x128xi32, #tpu.memory_space<vmem>> -> memref<128xi32, #tpu.memory_space<vmem>>
      %dma_start3A_74 = arith.constant 0 : i32
      %dma_start3A_75 = arith.constant 0 : i32
      %dma_start3A_76 = tpu.memref_slice %arg2[%dma_start3A_74, %dma_start3A_75] : memref<102400x16xf32, #tpu.memory_space<hbm>> -> memref<102400x16xf32, #tpu.memory_space<hbm>>
      tpu.enqueue_indirect_dma source(%dma_start3A_76 : memref<102400x16xf32, #tpu.memory_space<hbm>>) target(%dma_start3A_70 : memref<128x16xf32, #tpu.memory_space<vmem>>) offsets(%dma_start3A_73 : memref<128xi32, #tpu.memory_space<vmem>>) semaphore(%arg14 : memref<!tpu.dma_semaphore, #tpu.memory_space<semaphore_mem>>)
      %dma_start3A_77 = arith.constant 5 : i32
      %dma_start3A_78 = arith.constant 5 : i32
      %dma_start3A_79 = arith.constant 0 : i32
      %dma_start3A_80 = arith.constant 0 : i32
      %dma_start3A_81 = tpu.memref_slice %arg8[%dma_start3A_78, %dma_start3A_79, %dma_start3A_80] : memref<8x128x16xf32, #tpu.memory_space<vmem>> -> memref<1x128x16xf32, #tpu.memory_space<vmem>>
      %dma_start3A_82 = tpu.memref_squeeze %dma_start3A_81 : memref<1x128x16xf32, #tpu.memory_space<vmem>> -> memref<128x16xf32, #tpu.memory_space<vmem>>
      %dma_start3A_83 = arith.constant 0 : i32
      %dma_start3A_84 = tpu.memref_slice %arg6[%dma_start3A_77, %dma_start3A_83] : memref<8x128xi32, #tpu.memory_space<vmem>> -> memref<1x128xi32, #tpu.memory_space<vmem>>
      %dma_start3A_85 = tpu.memref_squeeze %dma_start3A_84 : memref<1x128xi32, #tpu.memory_space<vmem>> -> memref<128xi32, #tpu.memory_space<vmem>>
      %dma_start3A_86 = arith.constant 0 : i32
      %dma_start3A_87 = arith.constant 0 : i32
      %dma_start3A_88 = tpu.memref_slice %arg2[%dma_start3A_86, %dma_start3A_87] : memref<102400x16xf32, #tpu.memory_space<hbm>> -> memref<102400x16xf32, #tpu.memory_space<hbm>>
      tpu.enqueue_indirect_dma source(%dma_start3A_88 : memref<102400x16xf32, #tpu.memory_space<hbm>>) target(%dma_start3A_82 : memref<128x16xf32, #tpu.memory_space<vmem>>) offsets(%dma_start3A_85 : memref<128xi32, #tpu.memory_space<vmem>>) semaphore(%arg15 : memref<!tpu.dma_semaphore, #tpu.memory_space<semaphore_mem>>)
      %dma_start3A_89 = arith.constant 6 : i32
      %dma_start3A_90 = arith.constant 6 : i32
      %dma_start3A_91 = arith.constant 0 : i32
      %dma_start3A_92 = arith.constant 0 : i32
      %dma_start3A_93 = tpu.memref_slice %arg8[%dma_start3A_90, %dma_start3A_91, %dma_start3A_92] : memref<8x128x16xf32, #tpu.memory_space<vmem>> -> memref<1x128x16xf32, #tpu.memory_space<vmem>>
      %dma_start3A_94 = tpu.memref_squeeze %dma_start3A_93 : memref<1x128x16xf32, #tpu.memory_space<vmem>> -> memref<128x16xf32, #tpu.memory_space<vmem>>
      %dma_start3A_95 = arith.constant 0 : i32
      %dma_start3A_96 = tpu.memref_slice %arg6[%dma_start3A_89, %dma_start3A_95] : memref<8x128xi32, #tpu.memory_space<vmem>> -> memref<1x128xi32, #tpu.memory_space<vmem>>
      %dma_start3A_97 = tpu.memref_squeeze %dma_start3A_96 : memref<1x128xi32, #tpu.memory_space<vmem>> -> memref<128xi32, #tpu.memory_space<vmem>>
      %dma_start3A_98 = arith.constant 0 : i32
      %dma_start3A_99 = arith.constant 0 : i32
      %dma_start3A_100 = tpu.memref_slice %arg2[%dma_start3A_98, %dma_start3A_99] : memref<102400x16xf32, #tpu.memory_space<hbm>> -> memref<102400x16xf32, #tpu.memory_space<hbm>>
      tpu.enqueue_indirect_dma source(%dma_start3A_100 : memref<102400x16xf32, #tpu.memory_space<hbm>>) target(%dma_start3A_94 : memref<128x16xf32, #tpu.memory_space<vmem>>) offsets(%dma_start3A_97 : memref<128xi32, #tpu.memory_space<vmem>>) semaphore(%arg16 : memref<!tpu.dma_semaphore, #tpu.memory_space<semaphore_mem>>)
      %dma_start3A_101 = arith.constant 7 : i32
      %dma_start3A_102 = arith.constant 7 : i32
      %dma_start3A_103 = arith.constant 0 : i32
      %dma_start3A_104 = arith.constant 0 : i32
      %dma_start3A_105 = tpu.memref_slice %arg8[%dma_start3A_102, %dma_start3A_103, %dma_start3A_104] : memref<8x128x16xf32, #tpu.memory_space<vmem>> -> memref<1x128x16xf32, #tpu.memory_space<vmem>>
      %dma_start3A_106 = tpu.memref_squeeze %dma_start3A_105 : memref<1x128x16xf32, #tpu.memory_space<vmem>> -> memref<128x16xf32, #tpu.memory_space<vmem>>
      %dma_start3A_107 = arith.constant 0 : i32
      %dma_start3A_108 = tpu.memref_slice %arg6[%dma_start3A_101, %dma_start3A_107] : memref<8x128xi32, #tpu.memory_space<vmem>> -> memref<1x128xi32, #tpu.memory_space<vmem>>
      %dma_start3A_109 = tpu.memref_squeeze %dma_start3A_108 : memref<1x128xi32, #tpu.memory_space<vmem>> -> memref<128xi32, #tpu.memory_space<vmem>>
      %dma_start3A_110 = arith.constant 0 : i32
      %dma_start3A_111 = arith.constant 0 : i32
      %dma_start3A_112 = tpu.memref_slice %arg2[%dma_start3A_110, %dma_start3A_111] : memref<102400x16xf32, #tpu.memory_space<hbm>> -> memref<102400x16xf32, #tpu.memory_space<hbm>>
      tpu.enqueue_indirect_dma source(%dma_start3A_112 : memref<102400x16xf32, #tpu.memory_space<hbm>>) target(%dma_start3A_106 : memref<128x16xf32, #tpu.memory_space<vmem>>) offsets(%dma_start3A_109 : memref<128xi32, #tpu.memory_space<vmem>>) semaphore(%arg17 : memref<!tpu.dma_semaphore, #tpu.memory_space<semaphore_mem>>)
      %dma_wait3A = arith.constant 0 : i32
      %dma_wait3A_113 = arith.constant 0 : i32
      %dma_wait3A_114 = arith.constant 0 : i32
      %dma_wait3A_115 = arith.constant 0 : i32
      %dma_wait3A_116 = tpu.memref_slice %arg8[%dma_wait3A_113, %dma_wait3A_114, %dma_wait3A_115] : memref<8x128x16xf32, #tpu.memory_space<vmem>> -> memref<1x128x16xf32, #tpu.memory_space<vmem>>
      %dma_wait3A_117 = tpu.memref_squeeze %dma_wait3A_116 : memref<1x128x16xf32, #tpu.memory_space<vmem>> -> memref<128x16xf32, #tpu.memory_space<vmem>>
      %dma_wait3A_118 = arith.constant 0 : i32
      %dma_wait3A_119 = tpu.memref_slice %arg6[%dma_wait3A, %dma_wait3A_118] : memref<8x128xi32, #tpu.memory_space<vmem>> -> memref<1x128xi32, #tpu.memory_space<vmem>>
      %dma_wait3A_120 = tpu.memref_squeeze %dma_wait3A_119 : memref<1x128xi32, #tpu.memory_space<vmem>> -> memref<128xi32, #tpu.memory_space<vmem>>
      %dma_wait3A_121 = arith.constant 0 : i32
      %dma_wait3A_122 = arith.constant 0 : i32
      %dma_wait3A_123 = tpu.memref_slice %arg2[%dma_wait3A_121, %dma_wait3A_122] : memref<102400x16xf32, #tpu.memory_space<hbm>> -> memref<102400x16xf32, #tpu.memory_space<hbm>>
      tpu.wait_indirect_dma semaphore(%arg10 : memref<!tpu.dma_semaphore, #tpu.memory_space<semaphore_mem>>) src(%dma_wait3A_123 : memref<102400x16xf32, #tpu.memory_space<hbm>>) dst(%dma_wait3A_117 : memref<128x16xf32, #tpu.memory_space<vmem>>)
      %dma_start3A_124 = arith.constant 0 : i32
      %dma_start3A_125 = arith.constant 0 : i32
      %dma_start3A_126 = arith.constant 0 : i32
      %dma_start3A_127 = arith.constant 0 : i32
      %dma_start3A_128 = tpu.memref_slice %arg8[%dma_start3A_124, %dma_start3A_126, %dma_start3A_127] : memref<8x128x16xf32, #tpu.memory_space<vmem>> -> memref<1x128x16xf32, #tpu.memory_space<vmem>>
      %dma_start3A_129 = tpu.memref_squeeze %dma_start3A_128 : memref<1x128x16xf32, #tpu.memory_space<vmem>> -> memref<128x16xf32, #tpu.memory_space<vmem>>
      %dma_start3A_130 = arith.constant 0 : i32
      %dma_start3A_131 = tpu.memref_slice %arg7[%dma_start3A_125, %dma_start3A_130] : memref<8x128xi32, #tpu.memory_space<vmem>> -> memref<1x128xi32, #tpu.memory_space<vmem>>
      %dma_start3A_132 = tpu.memref_squeeze %dma_start3A_131 : memref<1x128xi32, #tpu.memory_space<vmem>> -> memref<128xi32, #tpu.memory_space<vmem>>
      %dma_start3A_133 = arith.constant 0 : i32
      %dma_start3A_134 = arith.constant 0 : i32
      %dma_start3A_135 = tpu.memref_slice %arg9[%dma_start3A_133, %dma_start3A_134] : memref<102400x16xf32, #tpu.memory_space<vmem_shared>> -> memref<102400x16xf32, #tpu.memory_space<vmem_shared>>
      tpu.enqueue_indirect_dma source(%dma_start3A_129 : memref<128x16xf32, #tpu.memory_space<vmem>>) target(%dma_start3A_135 : memref<102400x16xf32, #tpu.memory_space<vmem_shared>>) offsets(%dma_start3A_132 : memref<128xi32, #tpu.memory_space<vmem>>) semaphore(%arg18 : memref<!tpu.dma_semaphore, #tpu.memory_space<semaphore_mem>>) {add = true}
      %dma_wait3A_136 = arith.constant 1 : i32
      %dma_wait3A_137 = arith.constant 1 : i32
      %dma_wait3A_138 = arith.constant 0 : i32
      %dma_wait3A_139 = arith.constant 0 : i32
      %dma_wait3A_140 = tpu.memref_slice %arg8[%dma_wait3A_137, %dma_wait3A_138, %dma_wait3A_139] : memref<8x128x16xf32, #tpu.memory_space<vmem>> -> memref<1x128x16xf32, #tpu.memory_space<vmem>>
      %dma_wait3A_141 = tpu.memref_squeeze %dma_wait3A_140 : memref<1x128x16xf32, #tpu.memory_space<vmem>> -> memref<128x16xf32, #tpu.memory_space<vmem>>
      %dma_wait3A_142 = arith.constant 0 : i32
      %dma_wait3A_143 = tpu.memref_slice %arg6[%dma_wait3A_136, %dma_wait3A_142] : memref<8x128xi32, #tpu.memory_space<vmem>> -> memref<1x128xi32, #tpu.memory_space<vmem>>
      %dma_wait3A_144 = tpu.memref_squeeze %dma_wait3A_143 : memref<1x128xi32, #tpu.memory_space<vmem>> -> memref<128xi32, #tpu.memory_space<vmem>>
      %dma_wait3A_145 = arith.constant 0 : i32
      %dma_wait3A_146 = arith.constant 0 : i32
      %dma_wait3A_147 = tpu.memref_slice %arg2[%dma_wait3A_145, %dma_wait3A_146] : memref<102400x16xf32, #tpu.memory_space<hbm>> -> memref<102400x16xf32, #tpu.memory_space<hbm>>
      tpu.wait_indirect_dma semaphore(%arg11 : memref<!tpu.dma_semaphore, #tpu.memory_space<semaphore_mem>>) src(%dma_wait3A_147 : memref<102400x16xf32, #tpu.memory_space<hbm>>) dst(%dma_wait3A_141 : memref<128x16xf32, #tpu.memory_space<vmem>>)
      %dma_start3A_148 = arith.constant 1 : i32
      %dma_start3A_149 = arith.constant 1 : i32
      %dma_start3A_150 = arith.constant 0 : i32
      %dma_start3A_151 = arith.constant 0 : i32
      %dma_start3A_152 = tpu.memref_slice %arg8[%dma_start3A_148, %dma_start3A_150, %dma_start3A_151] : memref<8x128x16xf32, #tpu.memory_space<vmem>> -> memref<1x128x16xf32, #tpu.memory_space<vmem>>
      %dma_start3A_153 = tpu.memref_squeeze %dma_start3A_152 : memref<1x128x16xf32, #tpu.memory_space<vmem>> -> memref<128x16xf32, #tpu.memory_space<vmem>>
      %dma_start3A_154 = arith.constant 0 : i32
      %dma_start3A_155 = tpu.memref_slice %arg7[%dma_start3A_149, %dma_start3A_154] : memref<8x128xi32, #tpu.memory_space<vmem>> -> memref<1x128xi32, #tpu.memory_space<vmem>>
      %dma_start3A_156 = tpu.memref_squeeze %dma_start3A_155 : memref<1x128xi32, #tpu.memory_space<vmem>> -> memref<128xi32, #tpu.memory_space<vmem>>
      %dma_start3A_157 = arith.constant 0 : i32
      %dma_start3A_158 = arith.constant 0 : i32
      %dma_start3A_159 = tpu.memref_slice %arg9[%dma_start3A_157, %dma_start3A_158] : memref<102400x16xf32, #tpu.memory_space<vmem_shared>> -> memref<102400x16xf32, #tpu.memory_space<vmem_shared>>
      tpu.enqueue_indirect_dma source(%dma_start3A_153 : memref<128x16xf32, #tpu.memory_space<vmem>>) target(%dma_start3A_159 : memref<102400x16xf32, #tpu.memory_space<vmem_shared>>) offsets(%dma_start3A_156 : memref<128xi32, #tpu.memory_space<vmem>>) semaphore(%arg19 : memref<!tpu.dma_semaphore, #tpu.memory_space<semaphore_mem>>) {add = true}
      %dma_wait3A_160 = arith.constant 2 : i32
      %dma_wait3A_161 = arith.constant 2 : i32
      %dma_wait3A_162 = arith.constant 0 : i32
      %dma_wait3A_163 = arith.constant 0 : i32
      %dma_wait3A_164 = tpu.memref_slice %arg8[%dma_wait3A_161, %dma_wait3A_162, %dma_wait3A_163] : memref<8x128x16xf32, #tpu.memory_space<vmem>> -> memref<1x128x16xf32, #tpu.memory_space<vmem>>
      %dma_wait3A_165 = tpu.memref_squeeze %dma_wait3A_164 : memref<1x128x16xf32, #tpu.memory_space<vmem>> -> memref<128x16xf32, #tpu.memory_space<vmem>>
      %dma_wait3A_166 = arith.constant 0 : i32
      %dma_wait3A_167 = tpu.memref_slice %arg6[%dma_wait3A_160, %dma_wait3A_166] : memref<8x128xi32, #tpu.memory_space<vmem>> -> memref<1x128xi32, #tpu.memory_space<vmem>>
      %dma_wait3A_168 = tpu.memref_squeeze %dma_wait3A_167 : memref<1x128xi32, #tpu.memory_space<vmem>> -> memref<128xi32, #tpu.memory_space<vmem>>
      %dma_wait3A_169 = arith.constant 0 : i32
      %dma_wait3A_170 = arith.constant 0 : i32
      %dma_wait3A_171 = tpu.memref_slice %arg2[%dma_wait3A_169, %dma_wait3A_170] : memref<102400x16xf32, #tpu.memory_space<hbm>> -> memref<102400x16xf32, #tpu.memory_space<hbm>>
      tpu.wait_indirect_dma semaphore(%arg12 : memref<!tpu.dma_semaphore, #tpu.memory_space<semaphore_mem>>) src(%dma_wait3A_171 : memref<102400x16xf32, #tpu.memory_space<hbm>>) dst(%dma_wait3A_165 : memref<128x16xf32, #tpu.memory_space<vmem>>)
      %dma_start3A_172 = arith.constant 2 : i32
      %dma_start3A_173 = arith.constant 2 : i32
      %dma_start3A_174 = arith.constant 0 : i32
      %dma_start3A_175 = arith.constant 0 : i32
      %dma_start3A_176 = tpu.memref_slice %arg8[%dma_start3A_172, %dma_start3A_174, %dma_start3A_175] : memref<8x128x16xf32, #tpu.memory_space<vmem>> -> memref<1x128x16xf32, #tpu.memory_space<vmem>>
      %dma_start3A_177 = tpu.memref_squeeze %dma_start3A_176 : memref<1x128x16xf32, #tpu.memory_space<vmem>> -> memref<128x16xf32, #tpu.memory_space<vmem>>
      %dma_start3A_178 = arith.constant 0 : i32
      %dma_start3A_179 = tpu.memref_slice %arg7[%dma_start3A_173, %dma_start3A_178] : memref<8x128xi32, #tpu.memory_space<vmem>> -> memref<1x128xi32, #tpu.memory_space<vmem>>
      %dma_start3A_180 = tpu.memref_squeeze %dma_start3A_179 : memref<1x128xi32, #tpu.memory_space<vmem>> -> memref<128xi32, #tpu.memory_space<vmem>>
      %dma_start3A_181 = arith.constant 0 : i32
      %dma_start3A_182 = arith.constant 0 : i32
      %dma_start3A_183 = tpu.memref_slice %arg9[%dma_start3A_181, %dma_start3A_182] : memref<102400x16xf32, #tpu.memory_space<vmem_shared>> -> memref<102400x16xf32, #tpu.memory_space<vmem_shared>>
      tpu.enqueue_indirect_dma source(%dma_start3A_177 : memref<128x16xf32, #tpu.memory_space<vmem>>) target(%dma_start3A_183 : memref<102400x16xf32, #tpu.memory_space<vmem_shared>>) offsets(%dma_start3A_180 : memref<128xi32, #tpu.memory_space<vmem>>) semaphore(%arg20 : memref<!tpu.dma_semaphore, #tpu.memory_space<semaphore_mem>>) {add = true}
      %dma_wait3A_184 = arith.constant 3 : i32
      %dma_wait3A_185 = arith.constant 3 : i32
      %dma_wait3A_186 = arith.constant 0 : i32
      %dma_wait3A_187 = arith.constant 0 : i32
      %dma_wait3A_188 = tpu.memref_slice %arg8[%dma_wait3A_185, %dma_wait3A_186, %dma_wait3A_187] : memref<8x128x16xf32, #tpu.memory_space<vmem>> -> memref<1x128x16xf32, #tpu.memory_space<vmem>>
      %dma_wait3A_189 = tpu.memref_squeeze %dma_wait3A_188 : memref<1x128x16xf32, #tpu.memory_space<vmem>> -> memref<128x16xf32, #tpu.memory_space<vmem>>
      %dma_wait3A_190 = arith.constant 0 : i32
      %dma_wait3A_191 = tpu.memref_slice %arg6[%dma_wait3A_184, %dma_wait3A_190] : memref<8x128xi32, #tpu.memory_space<vmem>> -> memref<1x128xi32, #tpu.memory_space<vmem>>
      %dma_wait3A_192 = tpu.memref_squeeze %dma_wait3A_191 : memref<1x128xi32, #tpu.memory_space<vmem>> -> memref<128xi32, #tpu.memory_space<vmem>>
      %dma_wait3A_193 = arith.constant 0 : i32
      %dma_wait3A_194 = arith.constant 0 : i32
      %dma_wait3A_195 = tpu.memref_slice %arg2[%dma_wait3A_193, %dma_wait3A_194] : memref<102400x16xf32, #tpu.memory_space<hbm>> -> memref<102400x16xf32, #tpu.memory_space<hbm>>
      tpu.wait_indirect_dma semaphore(%arg13 : memref<!tpu.dma_semaphore, #tpu.memory_space<semaphore_mem>>) src(%dma_wait3A_195 : memref<102400x16xf32, #tpu.memory_space<hbm>>) dst(%dma_wait3A_189 : memref<128x16xf32, #tpu.memory_space<vmem>>)
      %dma_start3A_196 = arith.constant 3 : i32
      %dma_start3A_197 = arith.constant 3 : i32
      %dma_start3A_198 = arith.constant 0 : i32
      %dma_start3A_199 = arith.constant 0 : i32
      %dma_start3A_200 = tpu.memref_slice %arg8[%dma_start3A_196, %dma_start3A_198, %dma_start3A_199] : memref<8x128x16xf32, #tpu.memory_space<vmem>> -> memref<1x128x16xf32, #tpu.memory_space<vmem>>
      %dma_start3A_201 = tpu.memref_squeeze %dma_start3A_200 : memref<1x128x16xf32, #tpu.memory_space<vmem>> -> memref<128x16xf32, #tpu.memory_space<vmem>>
      %dma_start3A_202 = arith.constant 0 : i32
      %dma_start3A_203 = tpu.memref_slice %arg7[%dma_start3A_197, %dma_start3A_202] : memref<8x128xi32, #tpu.memory_space<vmem>> -> memref<1x128xi32, #tpu.memory_space<vmem>>
      %dma_start3A_204 = tpu.memref_squeeze %dma_start3A_203 : memref<1x128xi32, #tpu.memory_space<vmem>> -> memref<128xi32, #tpu.memory_space<vmem>>
      %dma_start3A_205 = arith.constant 0 : i32
      %dma_start3A_206 = arith.constant 0 : i32
      %dma_start3A_207 = tpu.memref_slice %arg9[%dma_start3A_205, %dma_start3A_206] : memref<102400x16xf32, #tpu.memory_space<vmem_shared>> -> memref<102400x16xf32, #tpu.memory_space<vmem_shared>>
      tpu.enqueue_indirect_dma source(%dma_start3A_201 : memref<128x16xf32, #tpu.memory_space<vmem>>) target(%dma_start3A_207 : memref<102400x16xf32, #tpu.memory_space<vmem_shared>>) offsets(%dma_start3A_204 : memref<128xi32, #tpu.memory_space<vmem>>) semaphore(%arg21 : memref<!tpu.dma_semaphore, #tpu.memory_space<semaphore_mem>>) {add = true}
      %dma_wait3A_208 = arith.constant 4 : i32
      %dma_wait3A_209 = arith.constant 4 : i32
      %dma_wait3A_210 = arith.constant 0 : i32
      %dma_wait3A_211 = arith.constant 0 : i32
      %dma_wait3A_212 = tpu.memref_slice %arg8[%dma_wait3A_209, %dma_wait3A_210, %dma_wait3A_211] : memref<8x128x16xf32, #tpu.memory_space<vmem>> -> memref<1x128x16xf32, #tpu.memory_space<vmem>>
      %dma_wait3A_213 = tpu.memref_squeeze %dma_wait3A_212 : memref<1x128x16xf32, #tpu.memory_space<vmem>> -> memref<128x16xf32, #tpu.memory_space<vmem>>
      %dma_wait3A_214 = arith.constant 0 : i32
      %dma_wait3A_215 = tpu.memref_slice %arg6[%dma_wait3A_208, %dma_wait3A_214] : memref<8x128xi32, #tpu.memory_space<vmem>> -> memref<1x128xi32, #tpu.memory_space<vmem>>
      %dma_wait3A_216 = tpu.memref_squeeze %dma_wait3A_215 : memref<1x128xi32, #tpu.memory_space<vmem>> -> memref<128xi32, #tpu.memory_space<vmem>>
      %dma_wait3A_217 = arith.constant 0 : i32
      %dma_wait3A_218 = arith.constant 0 : i32
      %dma_wait3A_219 = tpu.memref_slice %arg2[%dma_wait3A_217, %dma_wait3A_218] : memref<102400x16xf32, #tpu.memory_space<hbm>> -> memref<102400x16xf32, #tpu.memory_space<hbm>>
      tpu.wait_indirect_dma semaphore(%arg14 : memref<!tpu.dma_semaphore, #tpu.memory_space<semaphore_mem>>) src(%dma_wait3A_219 : memref<102400x16xf32, #tpu.memory_space<hbm>>) dst(%dma_wait3A_213 : memref<128x16xf32, #tpu.memory_space<vmem>>)
      %dma_start3A_220 = arith.constant 4 : i32
      %dma_start3A_221 = arith.constant 4 : i32
      %dma_start3A_222 = arith.constant 0 : i32
      %dma_start3A_223 = arith.constant 0 : i32
      %dma_start3A_224 = tpu.memref_slice %arg8[%dma_start3A_220, %dma_start3A_222, %dma_start3A_223] : memref<8x128x16xf32, #tpu.memory_space<vmem>> -> memref<1x128x16xf32, #tpu.memory_space<vmem>>
      %dma_start3A_225 = tpu.memref_squeeze %dma_start3A_224 : memref<1x128x16xf32, #tpu.memory_space<vmem>> -> memref<128x16xf32, #tpu.memory_space<vmem>>
      %dma_start3A_226 = arith.constant 0 : i32
      %dma_start3A_227 = tpu.memref_slice %arg7[%dma_start3A_221, %dma_start3A_226] : memref<8x128xi32, #tpu.memory_space<vmem>> -> memref<1x128xi32, #tpu.memory_space<vmem>>
      %dma_start3A_228 = tpu.memref_squeeze %dma_start3A_227 : memref<1x128xi32, #tpu.memory_space<vmem>> -> memref<128xi32, #tpu.memory_space<vmem>>
      %dma_start3A_229 = arith.constant 0 : i32
      %dma_start3A_230 = arith.constant 0 : i32
      %dma_start3A_231 = tpu.memref_slice %arg9[%dma_start3A_229, %dma_start3A_230] : memref<102400x16xf32, #tpu.memory_space<vmem_shared>> -> memref<102400x16xf32, #tpu.memory_space<vmem_shared>>
      tpu.enqueue_indirect_dma source(%dma_start3A_225 : memref<128x16xf32, #tpu.memory_space<vmem>>) target(%dma_start3A_231 : memref<102400x16xf32, #tpu.memory_space<vmem_shared>>) offsets(%dma_start3A_228 : memref<128xi32, #tpu.memory_space<vmem>>) semaphore(%arg22 : memref<!tpu.dma_semaphore, #tpu.memory_space<semaphore_mem>>) {add = true}
      %dma_wait3A_232 = arith.constant 5 : i32
      %dma_wait3A_233 = arith.constant 5 : i32
      %dma_wait3A_234 = arith.constant 0 : i32
      %dma_wait3A_235 = arith.constant 0 : i32
      %dma_wait3A_236 = tpu.memref_slice %arg8[%dma_wait3A_233, %dma_wait3A_234, %dma_wait3A_235] : memref<8x128x16xf32, #tpu.memory_space<vmem>> -> memref<1x128x16xf32, #tpu.memory_space<vmem>>
      %dma_wait3A_237 = tpu.memref_squeeze %dma_wait3A_236 : memref<1x128x16xf32, #tpu.memory_space<vmem>> -> memref<128x16xf32, #tpu.memory_space<vmem>>
      %dma_wait3A_238 = arith.constant 0 : i32
      %dma_wait3A_239 = tpu.memref_slice %arg6[%dma_wait3A_232, %dma_wait3A_238] : memref<8x128xi32, #tpu.memory_space<vmem>> -> memref<1x128xi32, #tpu.memory_space<vmem>>
      %dma_wait3A_240 = tpu.memref_squeeze %dma_wait3A_239 : memref<1x128xi32, #tpu.memory_space<vmem>> -> memref<128xi32, #tpu.memory_space<vmem>>
      %dma_wait3A_241 = arith.constant 0 : i32
      %dma_wait3A_242 = arith.constant 0 : i32
      %dma_wait3A_243 = tpu.memref_slice %arg2[%dma_wait3A_241, %dma_wait3A_242] : memref<102400x16xf32, #tpu.memory_space<hbm>> -> memref<102400x16xf32, #tpu.memory_space<hbm>>
      tpu.wait_indirect_dma semaphore(%arg15 : memref<!tpu.dma_semaphore, #tpu.memory_space<semaphore_mem>>) src(%dma_wait3A_243 : memref<102400x16xf32, #tpu.memory_space<hbm>>) dst(%dma_wait3A_237 : memref<128x16xf32, #tpu.memory_space<vmem>>)
      %dma_start3A_244 = arith.constant 5 : i32
      %dma_start3A_245 = arith.constant 5 : i32
      %dma_start3A_246 = arith.constant 0 : i32
      %dma_start3A_247 = arith.constant 0 : i32
      %dma_start3A_248 = tpu.memref_slice %arg8[%dma_start3A_244, %dma_start3A_246, %dma_start3A_247] : memref<8x128x16xf32, #tpu.memory_space<vmem>> -> memref<1x128x16xf32, #tpu.memory_space<vmem>>
      %dma_start3A_249 = tpu.memref_squeeze %dma_start3A_248 : memref<1x128x16xf32, #tpu.memory_space<vmem>> -> memref<128x16xf32, #tpu.memory_space<vmem>>
      %dma_start3A_250 = arith.constant 0 : i32
      %dma_start3A_251 = tpu.memref_slice %arg7[%dma_start3A_245, %dma_start3A_250] : memref<8x128xi32, #tpu.memory_space<vmem>> -> memref<1x128xi32, #tpu.memory_space<vmem>>
      %dma_start3A_252 = tpu.memref_squeeze %dma_start3A_251 : memref<1x128xi32, #tpu.memory_space<vmem>> -> memref<128xi32, #tpu.memory_space<vmem>>
      %dma_start3A_253 = arith.constant 0 : i32
      %dma_start3A_254 = arith.constant 0 : i32
      %dma_start3A_255 = tpu.memref_slice %arg9[%dma_start3A_253, %dma_start3A_254] : memref<102400x16xf32, #tpu.memory_space<vmem_shared>> -> memref<102400x16xf32, #tpu.memory_space<vmem_shared>>
      tpu.enqueue_indirect_dma source(%dma_start3A_249 : memref<128x16xf32, #tpu.memory_space<vmem>>) target(%dma_start3A_255 : memref<102400x16xf32, #tpu.memory_space<vmem_shared>>) offsets(%dma_start3A_252 : memref<128xi32, #tpu.memory_space<vmem>>) semaphore(%arg23 : memref<!tpu.dma_semaphore, #tpu.memory_space<semaphore_mem>>) {add = true}
      %dma_wait3A_256 = arith.constant 6 : i32
      %dma_wait3A_257 = arith.constant 6 : i32
      %dma_wait3A_258 = arith.constant 0 : i32
      %dma_wait3A_259 = arith.constant 0 : i32
      %dma_wait3A_260 = tpu.memref_slice %arg8[%dma_wait3A_257, %dma_wait3A_258, %dma_wait3A_259] : memref<8x128x16xf32, #tpu.memory_space<vmem>> -> memref<1x128x16xf32, #tpu.memory_space<vmem>>
      %dma_wait3A_261 = tpu.memref_squeeze %dma_wait3A_260 : memref<1x128x16xf32, #tpu.memory_space<vmem>> -> memref<128x16xf32, #tpu.memory_space<vmem>>
      %dma_wait3A_262 = arith.constant 0 : i32
      %dma_wait3A_263 = tpu.memref_slice %arg6[%dma_wait3A_256, %dma_wait3A_262] : memref<8x128xi32, #tpu.memory_space<vmem>> -> memref<1x128xi32, #tpu.memory_space<vmem>>
      %dma_wait3A_264 = tpu.memref_squeeze %dma_wait3A_263 : memref<1x128xi32, #tpu.memory_space<vmem>> -> memref<128xi32, #tpu.memory_space<vmem>>
      %dma_wait3A_265 = arith.constant 0 : i32
      %dma_wait3A_266 = arith.constant 0 : i32
      %dma_wait3A_267 = tpu.memref_slice %arg2[%dma_wait3A_265, %dma_wait3A_266] : memref<102400x16xf32, #tpu.memory_space<hbm>> -> memref<102400x16xf32, #tpu.memory_space<hbm>>
      tpu.wait_indirect_dma semaphore(%arg16 : memref<!tpu.dma_semaphore, #tpu.memory_space<semaphore_mem>>) src(%dma_wait3A_267 : memref<102400x16xf32, #tpu.memory_space<hbm>>) dst(%dma_wait3A_261 : memref<128x16xf32, #tpu.memory_space<vmem>>)
      %dma_start3A_268 = arith.constant 6 : i32
      %dma_start3A_269 = arith.constant 6 : i32
      %dma_start3A_270 = arith.constant 0 : i32
      %dma_start3A_271 = arith.constant 0 : i32
      %dma_start3A_272 = tpu.memref_slice %arg8[%dma_start3A_268, %dma_start3A_270, %dma_start3A_271] : memref<8x128x16xf32, #tpu.memory_space<vmem>> -> memref<1x128x16xf32, #tpu.memory_space<vmem>>
      %dma_start3A_273 = tpu.memref_squeeze %dma_start3A_272 : memref<1x128x16xf32, #tpu.memory_space<vmem>> -> memref<128x16xf32, #tpu.memory_space<vmem>>
      %dma_start3A_274 = arith.constant 0 : i32
      %dma_start3A_275 = tpu.memref_slice %arg7[%dma_start3A_269, %dma_start3A_274] : memref<8x128xi32, #tpu.memory_space<vmem>> -> memref<1x128xi32, #tpu.memory_space<vmem>>
      %dma_start3A_276 = tpu.memref_squeeze %dma_start3A_275 : memref<1x128xi32, #tpu.memory_space<vmem>> -> memref<128xi32, #tpu.memory_space<vmem>>
      %dma_start3A_277 = arith.constant 0 : i32
      %dma_start3A_278 = arith.constant 0 : i32
      %dma_start3A_279 = tpu.memref_slice %arg9[%dma_start3A_277, %dma_start3A_278] : memref<102400x16xf32, #tpu.memory_space<vmem_shared>> -> memref<102400x16xf32, #tpu.memory_space<vmem_shared>>
      tpu.enqueue_indirect_dma source(%dma_start3A_273 : memref<128x16xf32, #tpu.memory_space<vmem>>) target(%dma_start3A_279 : memref<102400x16xf32, #tpu.memory_space<vmem_shared>>) offsets(%dma_start3A_276 : memref<128xi32, #tpu.memory_space<vmem>>) semaphore(%arg24 : memref<!tpu.dma_semaphore, #tpu.memory_space<semaphore_mem>>) {add = true}
      %dma_wait3A_280 = arith.constant 7 : i32
      %dma_wait3A_281 = arith.constant 7 : i32
      %dma_wait3A_282 = arith.constant 0 : i32
      %dma_wait3A_283 = arith.constant 0 : i32
      %dma_wait3A_284 = tpu.memref_slice %arg8[%dma_wait3A_281, %dma_wait3A_282, %dma_wait3A_283] : memref<8x128x16xf32, #tpu.memory_space<vmem>> -> memref<1x128x16xf32, #tpu.memory_space<vmem>>
      %dma_wait3A_285 = tpu.memref_squeeze %dma_wait3A_284 : memref<1x128x16xf32, #tpu.memory_space<vmem>> -> memref<128x16xf32, #tpu.memory_space<vmem>>
      %dma_wait3A_286 = arith.constant 0 : i32
      %dma_wait3A_287 = tpu.memref_slice %arg6[%dma_wait3A_280, %dma_wait3A_286] : memref<8x128xi32, #tpu.memory_space<vmem>> -> memref<1x128xi32, #tpu.memory_space<vmem>>
      %dma_wait3A_288 = tpu.memref_squeeze %dma_wait3A_287 : memref<1x128xi32, #tpu.memory_space<vmem>> -> memref<128xi32, #tpu.memory_space<vmem>>
      %dma_wait3A_289 = arith.constant 0 : i32
      %dma_wait3A_290 = arith.constant 0 : i32
      %dma_wait3A_291 = tpu.memref_slice %arg2[%dma_wait3A_289, %dma_wait3A_290] : memref<102400x16xf32, #tpu.memory_space<hbm>> -> memref<102400x16xf32, #tpu.memory_space<hbm>>
      tpu.wait_indirect_dma semaphore(%arg17 : memref<!tpu.dma_semaphore, #tpu.memory_space<semaphore_mem>>) src(%dma_wait3A_291 : memref<102400x16xf32, #tpu.memory_space<hbm>>) dst(%dma_wait3A_285 : memref<128x16xf32, #tpu.memory_space<vmem>>)
      %dma_start3A_292 = arith.constant 7 : i32
      %dma_start3A_293 = arith.constant 7 : i32
      %dma_start3A_294 = arith.constant 0 : i32
      %dma_start3A_295 = arith.constant 0 : i32
      %dma_start3A_296 = tpu.memref_slice %arg8[%dma_start3A_292, %dma_start3A_294, %dma_start3A_295] : memref<8x128x16xf32, #tpu.memory_space<vmem>> -> memref<1x128x16xf32, #tpu.memory_space<vmem>>
      %dma_start3A_297 = tpu.memref_squeeze %dma_start3A_296 : memref<1x128x16xf32, #tpu.memory_space<vmem>> -> memref<128x16xf32, #tpu.memory_space<vmem>>
      %dma_start3A_298 = arith.constant 0 : i32
      %dma_start3A_299 = tpu.memref_slice %arg7[%dma_start3A_293, %dma_start3A_298] : memref<8x128xi32, #tpu.memory_space<vmem>> -> memref<1x128xi32, #tpu.memory_space<vmem>>
      %dma_start3A_300 = tpu.memref_squeeze %dma_start3A_299 : memref<1x128xi32, #tpu.memory_space<vmem>> -> memref<128xi32, #tpu.memory_space<vmem>>
      %dma_start3A_301 = arith.constant 0 : i32
      %dma_start3A_302 = arith.constant 0 : i32
      %dma_start3A_303 = tpu.memref_slice %arg9[%dma_start3A_301, %dma_start3A_302] : memref<102400x16xf32, #tpu.memory_space<vmem_shared>> -> memref<102400x16xf32, #tpu.memory_space<vmem_shared>>
      tpu.enqueue_indirect_dma source(%dma_start3A_297 : memref<128x16xf32, #tpu.memory_space<vmem>>) target(%dma_start3A_303 : memref<102400x16xf32, #tpu.memory_space<vmem_shared>>) offsets(%dma_start3A_300 : memref<128xi32, #tpu.memory_space<vmem>>) semaphore(%arg25 : memref<!tpu.dma_semaphore, #tpu.memory_space<semaphore_mem>>) {add = true}
      %dma_wait3A_304 = arith.constant 0 : i32
      %dma_wait3A_305 = arith.constant 0 : i32
      %dma_wait3A_306 = arith.constant 0 : i32
      %dma_wait3A_307 = arith.constant 0 : i32
      %dma_wait3A_308 = tpu.memref_slice %arg8[%dma_wait3A_304, %dma_wait3A_306, %dma_wait3A_307] : memref<8x128x16xf32, #tpu.memory_space<vmem>> -> memref<1x128x16xf32, #tpu.memory_space<vmem>>
      %dma_wait3A_309 = tpu.memref_squeeze %dma_wait3A_308 : memref<1x128x16xf32, #tpu.memory_space<vmem>> -> memref<128x16xf32, #tpu.memory_space<vmem>>
      %dma_wait3A_310 = arith.constant 0 : i32
      %dma_wait3A_311 = tpu.memref_slice %arg7[%dma_wait3A_305, %dma_wait3A_310] : memref<8x128xi32, #tpu.memory_space<vmem>> -> memref<1x128xi32, #tpu.memory_space<vmem>>
      %dma_wait3A_312 = tpu.memref_squeeze %dma_wait3A_311 : memref<1x128xi32, #tpu.memory_space<vmem>> -> memref<128xi32, #tpu.memory_space<vmem>>
      %dma_wait3A_313 = arith.constant 0 : i32
      %dma_wait3A_314 = arith.constant 0 : i32
      %dma_wait3A_315 = tpu.memref_slice %arg9[%dma_wait3A_313, %dma_wait3A_314] : memref<102400x16xf32, #tpu.memory_space<vmem_shared>> -> memref<102400x16xf32, #tpu.memory_space<vmem_shared>>
      tpu.wait_indirect_dma semaphore(%arg18 : memref<!tpu.dma_semaphore, #tpu.memory_space<semaphore_mem>>) src(%dma_wait3A_309 : memref<128x16xf32, #tpu.memory_space<vmem>>) dst(%dma_wait3A_315 : memref<102400x16xf32, #tpu.memory_space<vmem_shared>>)
      %dma_wait3A_316 = arith.constant 1 : i32
      %dma_wait3A_317 = arith.constant 1 : i32
      %dma_wait3A_318 = arith.constant 0 : i32
      %dma_wait3A_319 = arith.constant 0 : i32
      %dma_wait3A_320 = tpu.memref_slice %arg8[%dma_wait3A_316, %dma_wait3A_318, %dma_wait3A_319] : memref<8x128x16xf32, #tpu.memory_space<vmem>> -> memref<1x128x16xf32, #tpu.memory_space<vmem>>
      %dma_wait3A_321 = tpu.memref_squeeze %dma_wait3A_320 : memref<1x128x16xf32, #tpu.memory_space<vmem>> -> memref<128x16xf32, #tpu.memory_space<vmem>>
      %dma_wait3A_322 = arith.constant 0 : i32
      %dma_wait3A_323 = tpu.memref_slice %arg7[%dma_wait3A_317, %dma_wait3A_322] : memref<8x128xi32, #tpu.memory_space<vmem>> -> memref<1x128xi32, #tpu.memory_space<vmem>>
      %dma_wait3A_324 = tpu.memref_squeeze %dma_wait3A_323 : memref<1x128xi32, #tpu.memory_space<vmem>> -> memref<128xi32, #tpu.memory_space<vmem>>
      %dma_wait3A_325 = arith.constant 0 : i32
      %dma_wait3A_326 = arith.constant 0 : i32
      %dma_wait3A_327 = tpu.memref_slice %arg9[%dma_wait3A_325, %dma_wait3A_326] : memref<102400x16xf32, #tpu.memory_space<vmem_shared>> -> memref<102400x16xf32, #tpu.memory_space<vmem_shared>>
      tpu.wait_indirect_dma semaphore(%arg19 : memref<!tpu.dma_semaphore, #tpu.memory_space<semaphore_mem>>) src(%dma_wait3A_321 : memref<128x16xf32, #tpu.memory_space<vmem>>) dst(%dma_wait3A_327 : memref<102400x16xf32, #tpu.memory_space<vmem_shared>>)
      %dma_wait3A_328 = arith.constant 2 : i32
      %dma_wait3A_329 = arith.constant 2 : i32
      %dma_wait3A_330 = arith.constant 0 : i32
      %dma_wait3A_331 = arith.constant 0 : i32
      %dma_wait3A_332 = tpu.memref_slice %arg8[%dma_wait3A_328, %dma_wait3A_330, %dma_wait3A_331] : memref<8x128x16xf32, #tpu.memory_space<vmem>> -> memref<1x128x16xf32, #tpu.memory_space<vmem>>
      %dma_wait3A_333 = tpu.memref_squeeze %dma_wait3A_332 : memref<1x128x16xf32, #tpu.memory_space<vmem>> -> memref<128x16xf32, #tpu.memory_space<vmem>>
      %dma_wait3A_334 = arith.constant 0 : i32
      %dma_wait3A_335 = tpu.memref_slice %arg7[%dma_wait3A_329, %dma_wait3A_334] : memref<8x128xi32, #tpu.memory_space<vmem>> -> memref<1x128xi32, #tpu.memory_space<vmem>>
      %dma_wait3A_336 = tpu.memref_squeeze %dma_wait3A_335 : memref<1x128xi32, #tpu.memory_space<vmem>> -> memref<128xi32, #tpu.memory_space<vmem>>
      %dma_wait3A_337 = arith.constant 0 : i32
      %dma_wait3A_338 = arith.constant 0 : i32
      %dma_wait3A_339 = tpu.memref_slice %arg9[%dma_wait3A_337, %dma_wait3A_338] : memref<102400x16xf32, #tpu.memory_space<vmem_shared>> -> memref<102400x16xf32, #tpu.memory_space<vmem_shared>>
      tpu.wait_indirect_dma semaphore(%arg20 : memref<!tpu.dma_semaphore, #tpu.memory_space<semaphore_mem>>) src(%dma_wait3A_333 : memref<128x16xf32, #tpu.memory_space<vmem>>) dst(%dma_wait3A_339 : memref<102400x16xf32, #tpu.memory_space<vmem_shared>>)
      %dma_wait3A_340 = arith.constant 3 : i32
      %dma_wait3A_341 = arith.constant 3 : i32
      %dma_wait3A_342 = arith.constant 0 : i32
      %dma_wait3A_343 = arith.constant 0 : i32
      %dma_wait3A_344 = tpu.memref_slice %arg8[%dma_wait3A_340, %dma_wait3A_342, %dma_wait3A_343] : memref<8x128x16xf32, #tpu.memory_space<vmem>> -> memref<1x128x16xf32, #tpu.memory_space<vmem>>
      %dma_wait3A_345 = tpu.memref_squeeze %dma_wait3A_344 : memref<1x128x16xf32, #tpu.memory_space<vmem>> -> memref<128x16xf32, #tpu.memory_space<vmem>>
      %dma_wait3A_346 = arith.constant 0 : i32
      %dma_wait3A_347 = tpu.memref_slice %arg7[%dma_wait3A_341, %dma_wait3A_346] : memref<8x128xi32, #tpu.memory_space<vmem>> -> memref<1x128xi32, #tpu.memory_space<vmem>>
      %dma_wait3A_348 = tpu.memref_squeeze %dma_wait3A_347 : memref<1x128xi32, #tpu.memory_space<vmem>> -> memref<128xi32, #tpu.memory_space<vmem>>
      %dma_wait3A_349 = arith.constant 0 : i32
      %dma_wait3A_350 = arith.constant 0 : i32
      %dma_wait3A_351 = tpu.memref_slice %arg9[%dma_wait3A_349, %dma_wait3A_350] : memref<102400x16xf32, #tpu.memory_space<vmem_shared>> -> memref<102400x16xf32, #tpu.memory_space<vmem_shared>>
      tpu.wait_indirect_dma semaphore(%arg21 : memref<!tpu.dma_semaphore, #tpu.memory_space<semaphore_mem>>) src(%dma_wait3A_345 : memref<128x16xf32, #tpu.memory_space<vmem>>) dst(%dma_wait3A_351 : memref<102400x16xf32, #tpu.memory_space<vmem_shared>>)
      %dma_wait3A_352 = arith.constant 4 : i32
      %dma_wait3A_353 = arith.constant 4 : i32
      %dma_wait3A_354 = arith.constant 0 : i32
      %dma_wait3A_355 = arith.constant 0 : i32
      %dma_wait3A_356 = tpu.memref_slice %arg8[%dma_wait3A_352, %dma_wait3A_354, %dma_wait3A_355] : memref<8x128x16xf32, #tpu.memory_space<vmem>> -> memref<1x128x16xf32, #tpu.memory_space<vmem>>
      %dma_wait3A_357 = tpu.memref_squeeze %dma_wait3A_356 : memref<1x128x16xf32, #tpu.memory_space<vmem>> -> memref<128x16xf32, #tpu.memory_space<vmem>>
      %dma_wait3A_358 = arith.constant 0 : i32
      %dma_wait3A_359 = tpu.memref_slice %arg7[%dma_wait3A_353, %dma_wait3A_358] : memref<8x128xi32, #tpu.memory_space<vmem>> -> memref<1x128xi32, #tpu.memory_space<vmem>>
      %dma_wait3A_360 = tpu.memref_squeeze %dma_wait3A_359 : memref<1x128xi32, #tpu.memory_space<vmem>> -> memref<128xi32, #tpu.memory_space<vmem>>
      %dma_wait3A_361 = arith.constant 0 : i32
      %dma_wait3A_362 = arith.constant 0 : i32
      %dma_wait3A_363 = tpu.memref_slice %arg9[%dma_wait3A_361, %dma_wait3A_362] : memref<102400x16xf32, #tpu.memory_space<vmem_shared>> -> memref<102400x16xf32, #tpu.memory_space<vmem_shared>>
      tpu.wait_indirect_dma semaphore(%arg22 : memref<!tpu.dma_semaphore, #tpu.memory_space<semaphore_mem>>) src(%dma_wait3A_357 : memref<128x16xf32, #tpu.memory_space<vmem>>) dst(%dma_wait3A_363 : memref<102400x16xf32, #tpu.memory_space<vmem_shared>>)
      %dma_wait3A_364 = arith.constant 5 : i32
      %dma_wait3A_365 = arith.constant 5 : i32
      %dma_wait3A_366 = arith.constant 0 : i32
      %dma_wait3A_367 = arith.constant 0 : i32
      %dma_wait3A_368 = tpu.memref_slice %arg8[%dma_wait3A_364, %dma_wait3A_366, %dma_wait3A_367] : memref<8x128x16xf32, #tpu.memory_space<vmem>> -> memref<1x128x16xf32, #tpu.memory_space<vmem>>
      %dma_wait3A_369 = tpu.memref_squeeze %dma_wait3A_368 : memref<1x128x16xf32, #tpu.memory_space<vmem>> -> memref<128x16xf32, #tpu.memory_space<vmem>>
      %dma_wait3A_370 = arith.constant 0 : i32
      %dma_wait3A_371 = tpu.memref_slice %arg7[%dma_wait3A_365, %dma_wait3A_370] : memref<8x128xi32, #tpu.memory_space<vmem>> -> memref<1x128xi32, #tpu.memory_space<vmem>>
      %dma_wait3A_372 = tpu.memref_squeeze %dma_wait3A_371 : memref<1x128xi32, #tpu.memory_space<vmem>> -> memref<128xi32, #tpu.memory_space<vmem>>
      %dma_wait3A_373 = arith.constant 0 : i32
      %dma_wait3A_374 = arith.constant 0 : i32
      %dma_wait3A_375 = tpu.memref_slice %arg9[%dma_wait3A_373, %dma_wait3A_374] : memref<102400x16xf32, #tpu.memory_space<vmem_shared>> -> memref<102400x16xf32, #tpu.memory_space<vmem_shared>>
      tpu.wait_indirect_dma semaphore(%arg23 : memref<!tpu.dma_semaphore, #tpu.memory_space<semaphore_mem>>) src(%dma_wait3A_369 : memref<128x16xf32, #tpu.memory_space<vmem>>) dst(%dma_wait3A_375 : memref<102400x16xf32, #tpu.memory_space<vmem_shared>>)
      %dma_wait3A_376 = arith.constant 6 : i32
      %dma_wait3A_377 = arith.constant 6 : i32
      %dma_wait3A_378 = arith.constant 0 : i32
      %dma_wait3A_379 = arith.constant 0 : i32
      %dma_wait3A_380 = tpu.memref_slice %arg8[%dma_wait3A_376, %dma_wait3A_378, %dma_wait3A_379] : memref<8x128x16xf32, #tpu.memory_space<vmem>> -> memref<1x128x16xf32, #tpu.memory_space<vmem>>
      %dma_wait3A_381 = tpu.memref_squeeze %dma_wait3A_380 : memref<1x128x16xf32, #tpu.memory_space<vmem>> -> memref<128x16xf32, #tpu.memory_space<vmem>>
      %dma_wait3A_382 = arith.constant 0 : i32
      %dma_wait3A_383 = tpu.memref_slice %arg7[%dma_wait3A_377, %dma_wait3A_382] : memref<8x128xi32, #tpu.memory_space<vmem>> -> memref<1x128xi32, #tpu.memory_space<vmem>>
      %dma_wait3A_384 = tpu.memref_squeeze %dma_wait3A_383 : memref<1x128xi32, #tpu.memory_space<vmem>> -> memref<128xi32, #tpu.memory_space<vmem>>
      %dma_wait3A_385 = arith.constant 0 : i32
      %dma_wait3A_386 = arith.constant 0 : i32
      %dma_wait3A_387 = tpu.memref_slice %arg9[%dma_wait3A_385, %dma_wait3A_386] : memref<102400x16xf32, #tpu.memory_space<vmem_shared>> -> memref<102400x16xf32, #tpu.memory_space<vmem_shared>>
      tpu.wait_indirect_dma semaphore(%arg24 : memref<!tpu.dma_semaphore, #tpu.memory_space<semaphore_mem>>) src(%dma_wait3A_381 : memref<128x16xf32, #tpu.memory_space<vmem>>) dst(%dma_wait3A_387 : memref<102400x16xf32, #tpu.memory_space<vmem_shared>>)
      %dma_wait3A_388 = arith.constant 7 : i32
      %dma_wait3A_389 = arith.constant 7 : i32
      %dma_wait3A_390 = arith.constant 0 : i32
      %dma_wait3A_391 = arith.constant 0 : i32
      %dma_wait3A_392 = tpu.memref_slice %arg8[%dma_wait3A_388, %dma_wait3A_390, %dma_wait3A_391] : memref<8x128x16xf32, #tpu.memory_space<vmem>> -> memref<1x128x16xf32, #tpu.memory_space<vmem>>
      %dma_wait3A_393 = tpu.memref_squeeze %dma_wait3A_392 : memref<1x128x16xf32, #tpu.memory_space<vmem>> -> memref<128x16xf32, #tpu.memory_space<vmem>>
      %dma_wait3A_394 = arith.constant 0 : i32
      %dma_wait3A_395 = tpu.memref_slice %arg7[%dma_wait3A_389, %dma_wait3A_394] : memref<8x128xi32, #tpu.memory_space<vmem>> -> memref<1x128xi32, #tpu.memory_space<vmem>>
      %dma_wait3A_396 = tpu.memref_squeeze %dma_wait3A_395 : memref<1x128xi32, #tpu.memory_space<vmem>> -> memref<128xi32, #tpu.memory_space<vmem>>
      %dma_wait3A_397 = arith.constant 0 : i32
      %dma_wait3A_398 = arith.constant 0 : i32
      %dma_wait3A_399 = tpu.memref_slice %arg9[%dma_wait3A_397, %dma_wait3A_398] : memref<102400x16xf32, #tpu.memory_space<vmem_shared>> -> memref<102400x16xf32, #tpu.memory_space<vmem_shared>>
      tpu.wait_indirect_dma semaphore(%arg25 : memref<!tpu.dma_semaphore, #tpu.memory_space<semaphore_mem>>) src(%dma_wait3A_393 : memref<128x16xf32, #tpu.memory_space<vmem>>) dst(%dma_wait3A_399 : memref<102400x16xf32, #tpu.memory_space<vmem_shared>>)
    }
    %scan3A_9 = arith.constant 49 : i32
    %barrier3A_10 = arith.constant 0 : index
    tpu.barrier barrier_id(%barrier3A_10)
    "tpu.region"() ({
      %run_scoped3A = tpu.sem_alloc : memref<!tpu.dma_semaphore, #tpu.memory_space<semaphore_mem>>
      %dma_start3A = arith.constant 0 : i32
      %dma_start3A_11 = tpu.memref_slice %arg5[%arg0, %mul3A_2, %dma_start3A] : memref<2x102400x16xf32, #tpu.memory_space<hbm>> -> memref<1x6400x16xf32, #tpu.memory_space<hbm>>
      %dma_start3A_12 = tpu.memref_squeeze %dma_start3A_11 : memref<1x6400x16xf32, #tpu.memory_space<hbm>> -> memref<6400x16xf32, #tpu.memory_space<hbm>>
      %dma_start3A_13 = arith.constant 0 : i32
      %dma_start3A_14 = tpu.memref_slice %arg9[%mul3A_2, %dma_start3A_13] : memref<102400x16xf32, #tpu.memory_space<vmem_shared>> -> memref<6400x16xf32, #tpu.memory_space<vmem_shared>>
      tpu.enqueue_dma source(%dma_start3A_14 : memref<6400x16xf32, #tpu.memory_space<vmem_shared>>) target(%dma_start3A_12 : memref<6400x16xf32, #tpu.memory_space<hbm>>) target_semaphore(%run_scoped3A : memref<!tpu.dma_semaphore, #tpu.memory_space<semaphore_mem>>)
      %dma_wait3A = arith.constant 0 : i32
      %dma_wait3A_15 = tpu.memref_slice %arg5[%arg0, %mul3A_2, %dma_wait3A] : memref<2x102400x16xf32, #tpu.memory_space<hbm>> -> memref<1x6400x16xf32, #tpu.memory_space<hbm>>
      %dma_wait3A_16 = tpu.memref_squeeze %dma_wait3A_15 : memref<1x6400x16xf32, #tpu.memory_space<hbm>> -> memref<6400x16xf32, #tpu.memory_space<hbm>>
      %dma_wait3A_17 = arith.constant 0 : i32
      %dma_wait3A_18 = tpu.memref_slice %arg9[%mul3A_2, %dma_wait3A_17] : memref<102400x16xf32, #tpu.memory_space<vmem_shared>> -> memref<6400x16xf32, #tpu.memory_space<vmem_shared>>
      tpu.wait_dma2 semaphore(%run_scoped3A : memref<!tpu.dma_semaphore, #tpu.memory_space<semaphore_mem>>) src(%dma_wait3A_18 : memref<6400x16xf32, #tpu.memory_space<vmem_shared>>) dst(%dma_wait3A_16 : memref<6400x16xf32, #tpu.memory_space<hbm>>)
      tpu.yield
    }) : () -> ()
    return
  }
}

#map = affine_map<(d0, d1) -> (0, 0)>
#map1 = affine_map<(d0, d1) -> (0, 0, 0)>
module attributes {stable_mosaic.version = 14 : i64} {
  func.func @_deg_kernel(%arg0: i32, %arg1: i32, %arg2: memref<12544x128xi32, #tpu.memory_space<hbm>>, %arg3: memref<2x102400x16xf32, #tpu.memory_space<hbm>>, %arg4: memref<8x128xi32, #tpu.memory_space<vmem>>, %arg5: memref<128x16xf32, #tpu.memory_space<vmem>>, %arg6: memref<102400x16xf32, #tpu.memory_space<vmem_shared>>, %arg7: memref<!tpu.dma_semaphore, #tpu.memory_space<semaphore_mem>>, %arg8: memref<!tpu.dma_semaphore, #tpu.memory_space<semaphore_mem>>, %arg9: memref<!tpu.dma_semaphore, #tpu.memory_space<semaphore_mem>>, %arg10: memref<!tpu.dma_semaphore, #tpu.memory_space<semaphore_mem>>, %arg11: memref<!tpu.dma_semaphore, #tpu.memory_space<semaphore_mem>>, %arg12: memref<!tpu.dma_semaphore, #tpu.memory_space<semaphore_mem>>, %arg13: memref<!tpu.dma_semaphore, #tpu.memory_space<semaphore_mem>>, %arg14: memref<!tpu.dma_semaphore, #tpu.memory_space<semaphore_mem>>) attributes {dimension_semantics = [#tpu.dimension_semantics<core_parallel>, #tpu.dimension_semantics<subcore_parallel>], iteration_bounds = array<i64: 2, 16>, scalar_prefetch = 0 : i64, scratch_operands = 11 : i64, tpu.core_type = #tpu.core_type<sc_vector_subcore>, window_params = [{transform_indices = #map}, {transform_indices = #map1}]} {
    %mul3A = arith.constant 2 : i32
    %mul3A_0 = arith.muli %arg1, %mul3A : i32
    %add3A = arith.addi %mul3A_0, %arg0 : i32
    %mul3A_1 = arith.constant 6400 : i32
    %mul3A_2 = arith.muli %arg1, %mul3A_1 : i32
    %scan3A = arith.constant 0 : i32
    %scan3A_3 = arith.constant 0 : i32
    %scan3A_4 = arith.constant 128 : i32
    %scan3A_5 = arith.addi %scan3A_3, %scan3A_4 : i32
    %scan3A_6 = arith.constant 1 : i32
    scf.for %scan3A_23 = %scan3A_3 to %scan3A_5 step %scan3A_6  : i32 {
      %broadcast_in_dim3A = arith.constant 1.000000e+00 : f32
      %broadcast_in_dim3A_24 = vector.broadcast %broadcast_in_dim3A : f32 to vector<16xf32>
      %swap3A = arith.index_cast %scan3A_23 : i32 to index
      %swap3A_25 = arith.constant 0 : index
      %swap3A_26 = tpu.vector_load %arg5[%swap3A, %swap3A_25] {strides = array<i32>} : memref<128x16xf32, #tpu.memory_space<vmem>>, vector<1x16xf32>,
      %swap3A_27 = vector.shape_cast %swap3A_26 : vector<1x16xf32> to vector<16xf32>
      %swap3A_28 = vector.shape_cast %broadcast_in_dim3A_24 : vector<16xf32> to vector<1x16xf32>
      tpu.vector_store %arg5[%swap3A, %swap3A_25], %swap3A_28 {strides = array<i32>} : memref<128x16xf32, #tpu.memory_space<vmem>>, vector<1x16xf32>,
    }
    %scan3A_7 = arith.constant 128 : i32
    %scan3A_8 = arith.constant 0 : i32
    %scan3A_9 = arith.constant 0 : i32
    %scan3A_10 = arith.constant 50 : i32
    %scan3A_11 = arith.addi %scan3A_9, %scan3A_10 : i32
    %scan3A_12 = arith.constant 1 : i32
    scf.for %scan3A_23 = %scan3A_9 to %scan3A_11 step %scan3A_12  : i32 {
      %mul3A_24 = arith.constant 128 : i32
      %mul3A_25 = arith.muli %scan3A_23, %mul3A_24 : i32
      %add3A_26 = arith.addi %mul3A_2, %mul3A_25 : i32
      "tpu.region"() ({
        %run_scoped3A = tpu.sem_alloc : memref<!tpu.dma_semaphore, #tpu.memory_space<semaphore_mem>>
        %dma_start3A = arith.constant 0 : i32
        %dma_start3A_27 = tpu.memref_slice %arg6[%add3A_26, %dma_start3A] : memref<102400x16xf32, #tpu.memory_space<vmem_shared>> -> memref<128x16xf32, #tpu.memory_space<vmem_shared>>
        %dma_start3A_28 = arith.constant 0 : i32
        %dma_start3A_29 = tpu.memref_slice %arg6[%add3A_26, %dma_start3A_28] : memref<102400x16xf32, #tpu.memory_space<vmem_shared>> -> memref<128x16xf32, #tpu.memory_space<vmem_shared>>
        tpu.enqueue_dma source(%arg5 : memref<128x16xf32, #tpu.memory_space<vmem>>) target(%dma_start3A_29 : memref<128x16xf32, #tpu.memory_space<vmem_shared>>) target_semaphore(%run_scoped3A : memref<!tpu.dma_semaphore, #tpu.memory_space<semaphore_mem>>)
        %dma_wait3A = arith.constant 0 : i32
        %dma_wait3A_30 = tpu.memref_slice %arg6[%add3A_26, %dma_wait3A] : memref<102400x16xf32, #tpu.memory_space<vmem_shared>> -> memref<128x16xf32, #tpu.memory_space<vmem_shared>>
        %dma_wait3A_31 = arith.constant 0 : i32
        %dma_wait3A_32 = tpu.memref_slice %arg6[%add3A_26, %dma_wait3A_31] : memref<102400x16xf32, #tpu.memory_space<vmem_shared>> -> memref<128x16xf32, #tpu.memory_space<vmem_shared>>
        tpu.wait_dma2 semaphore(%run_scoped3A : memref<!tpu.dma_semaphore, #tpu.memory_space<semaphore_mem>>) src(%arg5 : memref<128x16xf32, #tpu.memory_space<vmem>>) dst(%dma_wait3A_32 : memref<128x16xf32, #tpu.memory_space<vmem_shared>>)
        tpu.yield
      }) : () -> ()
    }
    %scan3A_13 = arith.constant 50 : i32
    %barrier3A = arith.constant 0 : index
    tpu.barrier barrier_id(%barrier3A)
    %mul3A_14 = arith.constant 392 : i32
    %mul3A_15 = arith.muli %add3A, %mul3A_14 : i32
    %scan3A_16 = arith.constant 0 : i32
    %scan3A_17 = arith.constant 0 : i32
    %scan3A_18 = arith.constant 49 : i32
    %scan3A_19 = arith.addi %scan3A_17, %scan3A_18 : i32
    %scan3A_20 = arith.constant 1 : i32
    scf.for %scan3A_23 = %scan3A_17 to %scan3A_19 step %scan3A_20  : i32 {
      %mul3A_24 = arith.constant 8 : i32
      %mul3A_25 = arith.muli %scan3A_23, %mul3A_24 : i32
      %add3A_26 = arith.addi %mul3A_15, %mul3A_25 : i32
      "tpu.region"() ({
        %run_scoped3A = tpu.sem_alloc : memref<!tpu.dma_semaphore, #tpu.memory_space<semaphore_mem>>
        %dma_start3A_137 = arith.constant 0 : i32
        %dma_start3A_138 = tpu.memref_slice %arg2[%add3A_26, %dma_start3A_137] : memref<12544x128xi32, #tpu.memory_space<hbm>> -> memref<8x128xi32, #tpu.memory_space<hbm>>
        %dma_start3A_139 = arith.constant 0 : i32
        %dma_start3A_140 = tpu.memref_slice %arg2[%add3A_26, %dma_start3A_139] : memref<12544x128xi32, #tpu.memory_space<hbm>> -> memref<8x128xi32, #tpu.memory_space<hbm>>
        tpu.enqueue_dma source(%dma_start3A_140 : memref<8x128xi32, #tpu.memory_space<hbm>>) target(%arg4 : memref<8x128xi32, #tpu.memory_space<vmem>>) target_semaphore(%run_scoped3A : memref<!tpu.dma_semaphore, #tpu.memory_space<semaphore_mem>>)
        %dma_wait3A_141 = arith.constant 0 : i32
        %dma_wait3A_142 = tpu.memref_slice %arg2[%add3A_26, %dma_wait3A_141] : memref<12544x128xi32, #tpu.memory_space<hbm>> -> memref<8x128xi32, #tpu.memory_space<hbm>>
        %dma_wait3A_143 = arith.constant 0 : i32
        %dma_wait3A_144 = tpu.memref_slice %arg2[%add3A_26, %dma_wait3A_143] : memref<12544x128xi32, #tpu.memory_space<hbm>> -> memref<8x128xi32, #tpu.memory_space<hbm>>
        tpu.wait_dma2 semaphore(%run_scoped3A : memref<!tpu.dma_semaphore, #tpu.memory_space<semaphore_mem>>) src(%dma_wait3A_144 : memref<8x128xi32, #tpu.memory_space<hbm>>) dst(%arg4 : memref<8x128xi32, #tpu.memory_space<vmem>>)
        tpu.yield
      }) : () -> ()
      %dma_start3A = arith.constant 0 : i32
      %dma_start3A_27 = arith.constant 0 : i32
      %dma_start3A_28 = tpu.memref_slice %arg4[%dma_start3A, %dma_start3A_27] : memref<8x128xi32, #tpu.memory_space<vmem>> -> memref<1x128xi32, #tpu.memory_space<vmem>>
      %dma_start3A_29 = tpu.memref_squeeze %dma_start3A_28 : memref<1x128xi32, #tpu.memory_space<vmem>> -> memref<128xi32, #tpu.memory_space<vmem>>
      %dma_start3A_30 = arith.constant 0 : i32
      %dma_start3A_31 = arith.constant 0 : i32
      %dma_start3A_32 = tpu.memref_slice %arg6[%dma_start3A_30, %dma_start3A_31] : memref<102400x16xf32, #tpu.memory_space<vmem_shared>> -> memref<102400x16xf32, #tpu.memory_space<vmem_shared>>
      tpu.enqueue_indirect_dma source(%arg5 : memref<128x16xf32, #tpu.memory_space<vmem>>) target(%dma_start3A_32 : memref<102400x16xf32, #tpu.memory_space<vmem_shared>>) offsets(%dma_start3A_29 : memref<128xi32, #tpu.memory_space<vmem>>) semaphore(%arg7 : memref<!tpu.dma_semaphore, #tpu.memory_space<semaphore_mem>>) {add = true}
      %dma_start3A_33 = arith.constant 1 : i32
      %dma_start3A_34 = arith.constant 0 : i32
      %dma_start3A_35 = tpu.memref_slice %arg4[%dma_start3A_33, %dma_start3A_34] : memref<8x128xi32, #tpu.memory_space<vmem>> -> memref<1x128xi32, #tpu.memory_space<vmem>>
      %dma_start3A_36 = tpu.memref_squeeze %dma_start3A_35 : memref<1x128xi32, #tpu.memory_space<vmem>> -> memref<128xi32, #tpu.memory_space<vmem>>
      %dma_start3A_37 = arith.constant 0 : i32
      %dma_start3A_38 = arith.constant 0 : i32
      %dma_start3A_39 = tpu.memref_slice %arg6[%dma_start3A_37, %dma_start3A_38] : memref<102400x16xf32, #tpu.memory_space<vmem_shared>> -> memref<102400x16xf32, #tpu.memory_space<vmem_shared>>
      tpu.enqueue_indirect_dma source(%arg5 : memref<128x16xf32, #tpu.memory_space<vmem>>) target(%dma_start3A_39 : memref<102400x16xf32, #tpu.memory_space<vmem_shared>>) offsets(%dma_start3A_36 : memref<128xi32, #tpu.memory_space<vmem>>) semaphore(%arg8 : memref<!tpu.dma_semaphore, #tpu.memory_space<semaphore_mem>>) {add = true}
      %dma_start3A_40 = arith.constant 2 : i32
      %dma_start3A_41 = arith.constant 0 : i32
      %dma_start3A_42 = tpu.memref_slice %arg4[%dma_start3A_40, %dma_start3A_41] : memref<8x128xi32, #tpu.memory_space<vmem>> -> memref<1x128xi32, #tpu.memory_space<vmem>>
      %dma_start3A_43 = tpu.memref_squeeze %dma_start3A_42 : memref<1x128xi32, #tpu.memory_space<vmem>> -> memref<128xi32, #tpu.memory_space<vmem>>
      %dma_start3A_44 = arith.constant 0 : i32
      %dma_start3A_45 = arith.constant 0 : i32
      %dma_start3A_46 = tpu.memref_slice %arg6[%dma_start3A_44, %dma_start3A_45] : memref<102400x16xf32, #tpu.memory_space<vmem_shared>> -> memref<102400x16xf32, #tpu.memory_space<vmem_shared>>
      tpu.enqueue_indirect_dma source(%arg5 : memref<128x16xf32, #tpu.memory_space<vmem>>) target(%dma_start3A_46 : memref<102400x16xf32, #tpu.memory_space<vmem_shared>>) offsets(%dma_start3A_43 : memref<128xi32, #tpu.memory_space<vmem>>) semaphore(%arg9 : memref<!tpu.dma_semaphore, #tpu.memory_space<semaphore_mem>>) {add = true}
      %dma_start3A_47 = arith.constant 3 : i32
      %dma_start3A_48 = arith.constant 0 : i32
      %dma_start3A_49 = tpu.memref_slice %arg4[%dma_start3A_47, %dma_start3A_48] : memref<8x128xi32, #tpu.memory_space<vmem>> -> memref<1x128xi32, #tpu.memory_space<vmem>>
      %dma_start3A_50 = tpu.memref_squeeze %dma_start3A_49 : memref<1x128xi32, #tpu.memory_space<vmem>> -> memref<128xi32, #tpu.memory_space<vmem>>
      %dma_start3A_51 = arith.constant 0 : i32
      %dma_start3A_52 = arith.constant 0 : i32
      %dma_start3A_53 = tpu.memref_slice %arg6[%dma_start3A_51, %dma_start3A_52] : memref<102400x16xf32, #tpu.memory_space<vmem_shared>> -> memref<102400x16xf32, #tpu.memory_space<vmem_shared>>
      tpu.enqueue_indirect_dma source(%arg5 : memref<128x16xf32, #tpu.memory_space<vmem>>) target(%dma_start3A_53 : memref<102400x16xf32, #tpu.memory_space<vmem_shared>>) offsets(%dma_start3A_50 : memref<128xi32, #tpu.memory_space<vmem>>) semaphore(%arg10 : memref<!tpu.dma_semaphore, #tpu.memory_space<semaphore_mem>>) {add = true}
      %dma_start3A_54 = arith.constant 4 : i32
      %dma_start3A_55 = arith.constant 0 : i32
      %dma_start3A_56 = tpu.memref_slice %arg4[%dma_start3A_54, %dma_start3A_55] : memref<8x128xi32, #tpu.memory_space<vmem>> -> memref<1x128xi32, #tpu.memory_space<vmem>>
      %dma_start3A_57 = tpu.memref_squeeze %dma_start3A_56 : memref<1x128xi32, #tpu.memory_space<vmem>> -> memref<128xi32, #tpu.memory_space<vmem>>
      %dma_start3A_58 = arith.constant 0 : i32
      %dma_start3A_59 = arith.constant 0 : i32
      %dma_start3A_60 = tpu.memref_slice %arg6[%dma_start3A_58, %dma_start3A_59] : memref<102400x16xf32, #tpu.memory_space<vmem_shared>> -> memref<102400x16xf32, #tpu.memory_space<vmem_shared>>
      tpu.enqueue_indirect_dma source(%arg5 : memref<128x16xf32, #tpu.memory_space<vmem>>) target(%dma_start3A_60 : memref<102400x16xf32, #tpu.memory_space<vmem_shared>>) offsets(%dma_start3A_57 : memref<128xi32, #tpu.memory_space<vmem>>) semaphore(%arg11 : memref<!tpu.dma_semaphore, #tpu.memory_space<semaphore_mem>>) {add = true}
      %dma_start3A_61 = arith.constant 5 : i32
      %dma_start3A_62 = arith.constant 0 : i32
      %dma_start3A_63 = tpu.memref_slice %arg4[%dma_start3A_61, %dma_start3A_62] : memref<8x128xi32, #tpu.memory_space<vmem>> -> memref<1x128xi32, #tpu.memory_space<vmem>>
      %dma_start3A_64 = tpu.memref_squeeze %dma_start3A_63 : memref<1x128xi32, #tpu.memory_space<vmem>> -> memref<128xi32, #tpu.memory_space<vmem>>
      %dma_start3A_65 = arith.constant 0 : i32
      %dma_start3A_66 = arith.constant 0 : i32
      %dma_start3A_67 = tpu.memref_slice %arg6[%dma_start3A_65, %dma_start3A_66] : memref<102400x16xf32, #tpu.memory_space<vmem_shared>> -> memref<102400x16xf32, #tpu.memory_space<vmem_shared>>
      tpu.enqueue_indirect_dma source(%arg5 : memref<128x16xf32, #tpu.memory_space<vmem>>) target(%dma_start3A_67 : memref<102400x16xf32, #tpu.memory_space<vmem_shared>>) offsets(%dma_start3A_64 : memref<128xi32, #tpu.memory_space<vmem>>) semaphore(%arg12 : memref<!tpu.dma_semaphore, #tpu.memory_space<semaphore_mem>>) {add = true}
      %dma_start3A_68 = arith.constant 6 : i32
      %dma_start3A_69 = arith.constant 0 : i32
      %dma_start3A_70 = tpu.memref_slice %arg4[%dma_start3A_68, %dma_start3A_69] : memref<8x128xi32, #tpu.memory_space<vmem>> -> memref<1x128xi32, #tpu.memory_space<vmem>>
      %dma_start3A_71 = tpu.memref_squeeze %dma_start3A_70 : memref<1x128xi32, #tpu.memory_space<vmem>> -> memref<128xi32, #tpu.memory_space<vmem>>
      %dma_start3A_72 = arith.constant 0 : i32
      %dma_start3A_73 = arith.constant 0 : i32
      %dma_start3A_74 = tpu.memref_slice %arg6[%dma_start3A_72, %dma_start3A_73] : memref<102400x16xf32, #tpu.memory_space<vmem_shared>> -> memref<102400x16xf32, #tpu.memory_space<vmem_shared>>
      tpu.enqueue_indirect_dma source(%arg5 : memref<128x16xf32, #tpu.memory_space<vmem>>) target(%dma_start3A_74 : memref<102400x16xf32, #tpu.memory_space<vmem_shared>>) offsets(%dma_start3A_71 : memref<128xi32, #tpu.memory_space<vmem>>) semaphore(%arg13 : memref<!tpu.dma_semaphore, #tpu.memory_space<semaphore_mem>>) {add = true}
      %dma_start3A_75 = arith.constant 7 : i32
      %dma_start3A_76 = arith.constant 0 : i32
      %dma_start3A_77 = tpu.memref_slice %arg4[%dma_start3A_75, %dma_start3A_76] : memref<8x128xi32, #tpu.memory_space<vmem>> -> memref<1x128xi32, #tpu.memory_space<vmem>>
      %dma_start3A_78 = tpu.memref_squeeze %dma_start3A_77 : memref<1x128xi32, #tpu.memory_space<vmem>> -> memref<128xi32, #tpu.memory_space<vmem>>
      %dma_start3A_79 = arith.constant 0 : i32
      %dma_start3A_80 = arith.constant 0 : i32
      %dma_start3A_81 = tpu.memref_slice %arg6[%dma_start3A_79, %dma_start3A_80] : memref<102400x16xf32, #tpu.memory_space<vmem_shared>> -> memref<102400x16xf32, #tpu.memory_space<vmem_shared>>
      tpu.enqueue_indirect_dma source(%arg5 : memref<128x16xf32, #tpu.memory_space<vmem>>) target(%dma_start3A_81 : memref<102400x16xf32, #tpu.memory_space<vmem_shared>>) offsets(%dma_start3A_78 : memref<128xi32, #tpu.memory_space<vmem>>) semaphore(%arg14 : memref<!tpu.dma_semaphore, #tpu.memory_space<semaphore_mem>>) {add = true}
      %dma_wait3A = arith.constant 0 : i32
      %dma_wait3A_82 = arith.constant 0 : i32
      %dma_wait3A_83 = tpu.memref_slice %arg4[%dma_wait3A, %dma_wait3A_82] : memref<8x128xi32, #tpu.memory_space<vmem>> -> memref<1x128xi32, #tpu.memory_space<vmem>>
      %dma_wait3A_84 = tpu.memref_squeeze %dma_wait3A_83 : memref<1x128xi32, #tpu.memory_space<vmem>> -> memref<128xi32, #tpu.memory_space<vmem>>
      %dma_wait3A_85 = arith.constant 0 : i32
      %dma_wait3A_86 = arith.constant 0 : i32
      %dma_wait3A_87 = tpu.memref_slice %arg6[%dma_wait3A_85, %dma_wait3A_86] : memref<102400x16xf32, #tpu.memory_space<vmem_shared>> -> memref<102400x16xf32, #tpu.memory_space<vmem_shared>>
      tpu.wait_indirect_dma semaphore(%arg7 : memref<!tpu.dma_semaphore, #tpu.memory_space<semaphore_mem>>) src(%arg5 : memref<128x16xf32, #tpu.memory_space<vmem>>) dst(%dma_wait3A_87 : memref<102400x16xf32, #tpu.memory_space<vmem_shared>>)
      %dma_wait3A_88 = arith.constant 1 : i32
      %dma_wait3A_89 = arith.constant 0 : i32
      %dma_wait3A_90 = tpu.memref_slice %arg4[%dma_wait3A_88, %dma_wait3A_89] : memref<8x128xi32, #tpu.memory_space<vmem>> -> memref<1x128xi32, #tpu.memory_space<vmem>>
      %dma_wait3A_91 = tpu.memref_squeeze %dma_wait3A_90 : memref<1x128xi32, #tpu.memory_space<vmem>> -> memref<128xi32, #tpu.memory_space<vmem>>
      %dma_wait3A_92 = arith.constant 0 : i32
      %dma_wait3A_93 = arith.constant 0 : i32
      %dma_wait3A_94 = tpu.memref_slice %arg6[%dma_wait3A_92, %dma_wait3A_93] : memref<102400x16xf32, #tpu.memory_space<vmem_shared>> -> memref<102400x16xf32, #tpu.memory_space<vmem_shared>>
      tpu.wait_indirect_dma semaphore(%arg8 : memref<!tpu.dma_semaphore, #tpu.memory_space<semaphore_mem>>) src(%arg5 : memref<128x16xf32, #tpu.memory_space<vmem>>) dst(%dma_wait3A_94 : memref<102400x16xf32, #tpu.memory_space<vmem_shared>>)
      %dma_wait3A_95 = arith.constant 2 : i32
      %dma_wait3A_96 = arith.constant 0 : i32
      %dma_wait3A_97 = tpu.memref_slice %arg4[%dma_wait3A_95, %dma_wait3A_96] : memref<8x128xi32, #tpu.memory_space<vmem>> -> memref<1x128xi32, #tpu.memory_space<vmem>>
      %dma_wait3A_98 = tpu.memref_squeeze %dma_wait3A_97 : memref<1x128xi32, #tpu.memory_space<vmem>> -> memref<128xi32, #tpu.memory_space<vmem>>
      %dma_wait3A_99 = arith.constant 0 : i32
      %dma_wait3A_100 = arith.constant 0 : i32
      %dma_wait3A_101 = tpu.memref_slice %arg6[%dma_wait3A_99, %dma_wait3A_100] : memref<102400x16xf32, #tpu.memory_space<vmem_shared>> -> memref<102400x16xf32, #tpu.memory_space<vmem_shared>>
      tpu.wait_indirect_dma semaphore(%arg9 : memref<!tpu.dma_semaphore, #tpu.memory_space<semaphore_mem>>) src(%arg5 : memref<128x16xf32, #tpu.memory_space<vmem>>) dst(%dma_wait3A_101 : memref<102400x16xf32, #tpu.memory_space<vmem_shared>>)
      %dma_wait3A_102 = arith.constant 3 : i32
      %dma_wait3A_103 = arith.constant 0 : i32
      %dma_wait3A_104 = tpu.memref_slice %arg4[%dma_wait3A_102, %dma_wait3A_103] : memref<8x128xi32, #tpu.memory_space<vmem>> -> memref<1x128xi32, #tpu.memory_space<vmem>>
      %dma_wait3A_105 = tpu.memref_squeeze %dma_wait3A_104 : memref<1x128xi32, #tpu.memory_space<vmem>> -> memref<128xi32, #tpu.memory_space<vmem>>
      %dma_wait3A_106 = arith.constant 0 : i32
      %dma_wait3A_107 = arith.constant 0 : i32
      %dma_wait3A_108 = tpu.memref_slice %arg6[%dma_wait3A_106, %dma_wait3A_107] : memref<102400x16xf32, #tpu.memory_space<vmem_shared>> -> memref<102400x16xf32, #tpu.memory_space<vmem_shared>>
      tpu.wait_indirect_dma semaphore(%arg10 : memref<!tpu.dma_semaphore, #tpu.memory_space<semaphore_mem>>) src(%arg5 : memref<128x16xf32, #tpu.memory_space<vmem>>) dst(%dma_wait3A_108 : memref<102400x16xf32, #tpu.memory_space<vmem_shared>>)
      %dma_wait3A_109 = arith.constant 4 : i32
      %dma_wait3A_110 = arith.constant 0 : i32
      %dma_wait3A_111 = tpu.memref_slice %arg4[%dma_wait3A_109, %dma_wait3A_110] : memref<8x128xi32, #tpu.memory_space<vmem>> -> memref<1x128xi32, #tpu.memory_space<vmem>>
      %dma_wait3A_112 = tpu.memref_squeeze %dma_wait3A_111 : memref<1x128xi32, #tpu.memory_space<vmem>> -> memref<128xi32, #tpu.memory_space<vmem>>
      %dma_wait3A_113 = arith.constant 0 : i32
      %dma_wait3A_114 = arith.constant 0 : i32
      %dma_wait3A_115 = tpu.memref_slice %arg6[%dma_wait3A_113, %dma_wait3A_114] : memref<102400x16xf32, #tpu.memory_space<vmem_shared>> -> memref<102400x16xf32, #tpu.memory_space<vmem_shared>>
      tpu.wait_indirect_dma semaphore(%arg11 : memref<!tpu.dma_semaphore, #tpu.memory_space<semaphore_mem>>) src(%arg5 : memref<128x16xf32, #tpu.memory_space<vmem>>) dst(%dma_wait3A_115 : memref<102400x16xf32, #tpu.memory_space<vmem_shared>>)
      %dma_wait3A_116 = arith.constant 5 : i32
      %dma_wait3A_117 = arith.constant 0 : i32
      %dma_wait3A_118 = tpu.memref_slice %arg4[%dma_wait3A_116, %dma_wait3A_117] : memref<8x128xi32, #tpu.memory_space<vmem>> -> memref<1x128xi32, #tpu.memory_space<vmem>>
      %dma_wait3A_119 = tpu.memref_squeeze %dma_wait3A_118 : memref<1x128xi32, #tpu.memory_space<vmem>> -> memref<128xi32, #tpu.memory_space<vmem>>
      %dma_wait3A_120 = arith.constant 0 : i32
      %dma_wait3A_121 = arith.constant 0 : i32
      %dma_wait3A_122 = tpu.memref_slice %arg6[%dma_wait3A_120, %dma_wait3A_121] : memref<102400x16xf32, #tpu.memory_space<vmem_shared>> -> memref<102400x16xf32, #tpu.memory_space<vmem_shared>>
      tpu.wait_indirect_dma semaphore(%arg12 : memref<!tpu.dma_semaphore, #tpu.memory_space<semaphore_mem>>) src(%arg5 : memref<128x16xf32, #tpu.memory_space<vmem>>) dst(%dma_wait3A_122 : memref<102400x16xf32, #tpu.memory_space<vmem_shared>>)
      %dma_wait3A_123 = arith.constant 6 : i32
      %dma_wait3A_124 = arith.constant 0 : i32
      %dma_wait3A_125 = tpu.memref_slice %arg4[%dma_wait3A_123, %dma_wait3A_124] : memref<8x128xi32, #tpu.memory_space<vmem>> -> memref<1x128xi32, #tpu.memory_space<vmem>>
      %dma_wait3A_126 = tpu.memref_squeeze %dma_wait3A_125 : memref<1x128xi32, #tpu.memory_space<vmem>> -> memref<128xi32, #tpu.memory_space<vmem>>
      %dma_wait3A_127 = arith.constant 0 : i32
      %dma_wait3A_128 = arith.constant 0 : i32
      %dma_wait3A_129 = tpu.memref_slice %arg6[%dma_wait3A_127, %dma_wait3A_128] : memref<102400x16xf32, #tpu.memory_space<vmem_shared>> -> memref<102400x16xf32, #tpu.memory_space<vmem_shared>>
      tpu.wait_indirect_dma semaphore(%arg13 : memref<!tpu.dma_semaphore, #tpu.memory_space<semaphore_mem>>) src(%arg5 : memref<128x16xf32, #tpu.memory_space<vmem>>) dst(%dma_wait3A_129 : memref<102400x16xf32, #tpu.memory_space<vmem_shared>>)
      %dma_wait3A_130 = arith.constant 7 : i32
      %dma_wait3A_131 = arith.constant 0 : i32
      %dma_wait3A_132 = tpu.memref_slice %arg4[%dma_wait3A_130, %dma_wait3A_131] : memref<8x128xi32, #tpu.memory_space<vmem>> -> memref<1x128xi32, #tpu.memory_space<vmem>>
      %dma_wait3A_133 = tpu.memref_squeeze %dma_wait3A_132 : memref<1x128xi32, #tpu.memory_space<vmem>> -> memref<128xi32, #tpu.memory_space<vmem>>
      %dma_wait3A_134 = arith.constant 0 : i32
      %dma_wait3A_135 = arith.constant 0 : i32
      %dma_wait3A_136 = tpu.memref_slice %arg6[%dma_wait3A_134, %dma_wait3A_135] : memref<102400x16xf32, #tpu.memory_space<vmem_shared>> -> memref<102400x16xf32, #tpu.memory_space<vmem_shared>>
      tpu.wait_indirect_dma semaphore(%arg14 : memref<!tpu.dma_semaphore, #tpu.memory_space<semaphore_mem>>) src(%arg5 : memref<128x16xf32, #tpu.memory_space<vmem>>) dst(%dma_wait3A_136 : memref<102400x16xf32, #tpu.memory_space<vmem_shared>>)
    }
    %scan3A_21 = arith.constant 49 : i32
    %barrier3A_22 = arith.constant 0 : index
    tpu.barrier barrier_id(%barrier3A_22)
    "tpu.region"() ({
      %run_scoped3A = tpu.sem_alloc : memref<!tpu.dma_semaphore, #tpu.memory_space<semaphore_mem>>
      %dma_start3A = arith.constant 0 : i32
      %dma_start3A_23 = tpu.memref_slice %arg3[%arg0, %mul3A_2, %dma_start3A] : memref<2x102400x16xf32, #tpu.memory_space<hbm>> -> memref<1x6400x16xf32, #tpu.memory_space<hbm>>
      %dma_start3A_24 = tpu.memref_squeeze %dma_start3A_23 : memref<1x6400x16xf32, #tpu.memory_space<hbm>> -> memref<6400x16xf32, #tpu.memory_space<hbm>>
      %dma_start3A_25 = arith.constant 0 : i32
      %dma_start3A_26 = tpu.memref_slice %arg6[%mul3A_2, %dma_start3A_25] : memref<102400x16xf32, #tpu.memory_space<vmem_shared>> -> memref<6400x16xf32, #tpu.memory_space<vmem_shared>>
      tpu.enqueue_dma source(%dma_start3A_26 : memref<6400x16xf32, #tpu.memory_space<vmem_shared>>) target(%dma_start3A_24 : memref<6400x16xf32, #tpu.memory_space<hbm>>) target_semaphore(%run_scoped3A : memref<!tpu.dma_semaphore, #tpu.memory_space<semaphore_mem>>)
      %dma_wait3A = arith.constant 0 : i32
      %dma_wait3A_27 = tpu.memref_slice %arg3[%arg0, %mul3A_2, %dma_wait3A] : memref<2x102400x16xf32, #tpu.memory_space<hbm>> -> memref<1x6400x16xf32, #tpu.memory_space<hbm>>
      %dma_wait3A_28 = tpu.memref_squeeze %dma_wait3A_27 : memref<1x6400x16xf32, #tpu.memory_space<hbm>> -> memref<6400x16xf32, #tpu.memory_space<hbm>>
      %dma_wait3A_29 = arith.constant 0 : i32
      %dma_wait3A_30 = tpu.memref_slice %arg6[%mul3A_2, %dma_wait3A_29] : memref<102400x16xf32, #tpu.memory_space<vmem_shared>> -> memref<6400x16xf32, #tpu.memory_space<vmem_shared>>
      tpu.wait_dma2 semaphore(%run_scoped3A : memref<!tpu.dma_semaphore, #tpu.memory_space<semaphore_mem>>) src(%dma_wait3A_30 : memref<6400x16xf32, #tpu.memory_space<vmem_shared>>) dst(%dma_wait3A_28 : memref<6400x16xf32, #tpu.memory_space<hbm>>)
      tpu.yield
    }) : () -> ()
    return
  }
}

#map = affine_map<(d0, d1) -> (0, 0)>
#map1 = affine_map<(d0, d1) -> (0, 0, 0)>
module attributes {stable_mosaic.version = 14 : i64} {
  func.func @_edge_kernel(%arg0: i32, %arg1: i32, %arg2: memref<102400x16xf32, #tpu.memory_space<hbm>>, %arg3: memref<12544x128xi32, #tpu.memory_space<hbm>>, %arg4: memref<12544x128xi32, #tpu.memory_space<hbm>>, %arg5: memref<2x102400x16xf32, #tpu.memory_space<hbm>>, %arg6: memref<8x128xi32, #tpu.memory_space<vmem>>, %arg7: memref<8x128xi32, #tpu.memory_space<vmem>>, %arg8: memref<8x128x16xf32, #tpu.memory_space<vmem>>, %arg9: memref<102400x16xf32, #tpu.memory_space<vmem_shared>>, %arg10: memref<!tpu.dma_semaphore, #tpu.memory_space<semaphore_mem>>, %arg11: memref<!tpu.dma_semaphore, #tpu.memory_space<semaphore_mem>>, %arg12: memref<!tpu.dma_semaphore, #tpu.memory_space<semaphore_mem>>, %arg13: memref<!tpu.dma_semaphore, #tpu.memory_space<semaphore_mem>>, %arg14: memref<!tpu.dma_semaphore, #tpu.memory_space<semaphore_mem>>, %arg15: memref<!tpu.dma_semaphore, #tpu.memory_space<semaphore_mem>>, %arg16: memref<!tpu.dma_semaphore, #tpu.memory_space<semaphore_mem>>, %arg17: memref<!tpu.dma_semaphore, #tpu.memory_space<semaphore_mem>>, %arg18: memref<!tpu.dma_semaphore, #tpu.memory_space<semaphore_mem>>, %arg19: memref<!tpu.dma_semaphore, #tpu.memory_space<semaphore_mem>>, %arg20: memref<!tpu.dma_semaphore, #tpu.memory_space<semaphore_mem>>, %arg21: memref<!tpu.dma_semaphore, #tpu.memory_space<semaphore_mem>>, %arg22: memref<!tpu.dma_semaphore, #tpu.memory_space<semaphore_mem>>, %arg23: memref<!tpu.dma_semaphore, #tpu.memory_space<semaphore_mem>>, %arg24: memref<!tpu.dma_semaphore, #tpu.memory_space<semaphore_mem>>, %arg25: memref<!tpu.dma_semaphore, #tpu.memory_space<semaphore_mem>>) attributes {dimension_semantics = [#tpu.dimension_semantics<core_parallel>, #tpu.dimension_semantics<subcore_parallel>], iteration_bounds = array<i64: 2, 16>, scalar_prefetch = 0 : i64, scratch_operands = 20 : i64, tpu.core_type = #tpu.core_type<sc_vector_subcore>, window_params = [{transform_indices = #map}, {transform_indices = #map}, {transform_indices = #map}, {transform_indices = #map1}]} {
    %mul3A = arith.constant 2 : i32
    %mul3A_0 = arith.muli %arg1, %mul3A : i32
    %add3A = arith.addi %mul3A_0, %arg0 : i32
    %mul3A_1 = arith.constant 6400 : i32
    %mul3A_2 = arith.muli %arg1, %mul3A_1 : i32
    "tpu.region"() ({
      %run_scoped3A = tpu.sem_alloc : memref<!tpu.dma_semaphore, #tpu.memory_space<semaphore_mem>>
      %dma_start3A = arith.constant 0 : i32
      %dma_start3A_11 = tpu.memref_slice %arg9[%mul3A_2, %dma_start3A] : memref<102400x16xf32, #tpu.memory_space<vmem_shared>> -> memref<6400x16xf32, #tpu.memory_space<vmem_shared>>
      %dma_start3A_12 = arith.constant 0 : i32
      %dma_start3A_13 = tpu.memref_slice %arg2[%mul3A_2, %dma_start3A_12] : memref<102400x16xf32, #tpu.memory_space<hbm>> -> memref<6400x16xf32, #tpu.memory_space<hbm>>
      tpu.enqueue_dma source(%dma_start3A_13 : memref<6400x16xf32, #tpu.memory_space<hbm>>) target(%dma_start3A_11 : memref<6400x16xf32, #tpu.memory_space<vmem_shared>>) target_semaphore(%run_scoped3A : memref<!tpu.dma_semaphore, #tpu.memory_space<semaphore_mem>>)
      %dma_wait3A = arith.constant 0 : i32
      %dma_wait3A_14 = tpu.memref_slice %arg9[%mul3A_2, %dma_wait3A] : memref<102400x16xf32, #tpu.memory_space<vmem_shared>> -> memref<6400x16xf32, #tpu.memory_space<vmem_shared>>
      %dma_wait3A_15 = arith.constant 0 : i32
      %dma_wait3A_16 = tpu.memref_slice %arg2[%mul3A_2, %dma_wait3A_15] : memref<102400x16xf32, #tpu.memory_space<hbm>> -> memref<6400x16xf32, #tpu.memory_space<hbm>>
      tpu.wait_dma2 semaphore(%run_scoped3A : memref<!tpu.dma_semaphore, #tpu.memory_space<semaphore_mem>>) src(%dma_wait3A_16 : memref<6400x16xf32, #tpu.memory_space<hbm>>) dst(%dma_wait3A_14 : memref<6400x16xf32, #tpu.memory_space<vmem_shared>>)
      tpu.yield
    }) : () -> ()
    %barrier3A = arith.constant 0 : index
    tpu.barrier barrier_id(%barrier3A)
    %mul3A_3 = arith.constant 392 : i32
    %mul3A_4 = arith.muli %add3A, %mul3A_3 : i32
    %scan3A = arith.constant 0 : i32
    %scan3A_5 = arith.constant 0 : i32
    %scan3A_6 = arith.constant 49 : i32
    %scan3A_7 = arith.addi %scan3A_5, %scan3A_6 : i32
    %scan3A_8 = arith.constant 1 : i32
    scf.for %scan3A_11 = %scan3A_5 to %scan3A_7 step %scan3A_8  : i32 {
      %mul3A_12 = arith.constant 8 : i32
      %mul3A_13 = arith.muli %scan3A_11, %mul3A_12 : i32
      %add3A_14 = arith.addi %mul3A_4, %mul3A_13 : i32
      "tpu.region"() ({
        %run_scoped3A = tpu.sem_alloc : memref<!tpu.dma_semaphore, #tpu.memory_space<semaphore_mem>>
        %dma_start3A_400 = arith.constant 0 : i32
        %dma_start3A_401 = tpu.memref_slice %arg3[%add3A_14, %dma_start3A_400] : memref<12544x128xi32, #tpu.memory_space<hbm>> -> memref<8x128xi32, #tpu.memory_space<hbm>>
        %dma_start3A_402 = arith.constant 0 : i32
        %dma_start3A_403 = tpu.memref_slice %arg3[%add3A_14, %dma_start3A_402] : memref<12544x128xi32, #tpu.memory_space<hbm>> -> memref<8x128xi32, #tpu.memory_space<hbm>>
        tpu.enqueue_dma source(%dma_start3A_403 : memref<8x128xi32, #tpu.memory_space<hbm>>) target(%arg6 : memref<8x128xi32, #tpu.memory_space<vmem>>) target_semaphore(%run_scoped3A : memref<!tpu.dma_semaphore, #tpu.memory_space<semaphore_mem>>)
        %dma_wait3A_404 = arith.constant 0 : i32
        %dma_wait3A_405 = tpu.memref_slice %arg3[%add3A_14, %dma_wait3A_404] : memref<12544x128xi32, #tpu.memory_space<hbm>> -> memref<8x128xi32, #tpu.memory_space<hbm>>
        %dma_wait3A_406 = arith.constant 0 : i32
        %dma_wait3A_407 = tpu.memref_slice %arg3[%add3A_14, %dma_wait3A_406] : memref<12544x128xi32, #tpu.memory_space<hbm>> -> memref<8x128xi32, #tpu.memory_space<hbm>>
        tpu.wait_dma2 semaphore(%run_scoped3A : memref<!tpu.dma_semaphore, #tpu.memory_space<semaphore_mem>>) src(%dma_wait3A_407 : memref<8x128xi32, #tpu.memory_space<hbm>>) dst(%arg6 : memref<8x128xi32, #tpu.memory_space<vmem>>)
        tpu.yield
      }) : () -> ()
      %mul3A_15 = arith.constant 8 : i32
      %mul3A_16 = arith.muli %scan3A_11, %mul3A_15 : i32
      %add3A_17 = arith.addi %mul3A_4, %mul3A_16 : i32
      "tpu.region"() ({
        %run_scoped3A = tpu.sem_alloc : memref<!tpu.dma_semaphore, #tpu.memory_space<semaphore_mem>>
        %dma_start3A_400 = arith.constant 0 : i32
        %dma_start3A_401 = tpu.memref_slice %arg4[%add3A_17, %dma_start3A_400] : memref<12544x128xi32, #tpu.memory_space<hbm>> -> memref<8x128xi32, #tpu.memory_space<hbm>>
        %dma_start3A_402 = arith.constant 0 : i32
        %dma_start3A_403 = tpu.memref_slice %arg4[%add3A_17, %dma_start3A_402] : memref<12544x128xi32, #tpu.memory_space<hbm>> -> memref<8x128xi32, #tpu.memory_space<hbm>>
        tpu.enqueue_dma source(%dma_start3A_403 : memref<8x128xi32, #tpu.memory_space<hbm>>) target(%arg7 : memref<8x128xi32, #tpu.memory_space<vmem>>) target_semaphore(%run_scoped3A : memref<!tpu.dma_semaphore, #tpu.memory_space<semaphore_mem>>)
        %dma_wait3A_404 = arith.constant 0 : i32
        %dma_wait3A_405 = tpu.memref_slice %arg4[%add3A_17, %dma_wait3A_404] : memref<12544x128xi32, #tpu.memory_space<hbm>> -> memref<8x128xi32, #tpu.memory_space<hbm>>
        %dma_wait3A_406 = arith.constant 0 : i32
        %dma_wait3A_407 = tpu.memref_slice %arg4[%add3A_17, %dma_wait3A_406] : memref<12544x128xi32, #tpu.memory_space<hbm>> -> memref<8x128xi32, #tpu.memory_space<hbm>>
        tpu.wait_dma2 semaphore(%run_scoped3A : memref<!tpu.dma_semaphore, #tpu.memory_space<semaphore_mem>>) src(%dma_wait3A_407 : memref<8x128xi32, #tpu.memory_space<hbm>>) dst(%arg7 : memref<8x128xi32, #tpu.memory_space<vmem>>)
        tpu.yield
      }) : () -> ()
      %dma_start3A = arith.constant 0 : i32
      %dma_start3A_18 = arith.constant 0 : i32
      %dma_start3A_19 = arith.constant 0 : i32
      %dma_start3A_20 = arith.constant 0 : i32
      %dma_start3A_21 = tpu.memref_slice %arg8[%dma_start3A_18, %dma_start3A_19, %dma_start3A_20] : memref<8x128x16xf32, #tpu.memory_space<vmem>> -> memref<1x128x16xf32, #tpu.memory_space<vmem>>
      %dma_start3A_22 = tpu.memref_squeeze %dma_start3A_21 : memref<1x128x16xf32, #tpu.memory_space<vmem>> -> memref<128x16xf32, #tpu.memory_space<vmem>>
      %dma_start3A_23 = arith.constant 0 : i32
      %dma_start3A_24 = tpu.memref_slice %arg6[%dma_start3A, %dma_start3A_23] : memref<8x128xi32, #tpu.memory_space<vmem>> -> memref<1x128xi32, #tpu.memory_space<vmem>>
      %dma_start3A_25 = tpu.memref_squeeze %dma_start3A_24 : memref<1x128xi32, #tpu.memory_space<vmem>> -> memref<128xi32, #tpu.memory_space<vmem>>
      %dma_start3A_26 = arith.constant 0 : i32
      %dma_start3A_27 = arith.constant 0 : i32
      %dma_start3A_28 = tpu.memref_slice %arg2[%dma_start3A_26, %dma_start3A_27] : memref<102400x16xf32, #tpu.memory_space<hbm>> -> memref<102400x16xf32, #tpu.memory_space<hbm>>
      tpu.enqueue_indirect_dma source(%dma_start3A_28 : memref<102400x16xf32, #tpu.memory_space<hbm>>) target(%dma_start3A_22 : memref<128x16xf32, #tpu.memory_space<vmem>>) offsets(%dma_start3A_25 : memref<128xi32, #tpu.memory_space<vmem>>) semaphore(%arg10 : memref<!tpu.dma_semaphore, #tpu.memory_space<semaphore_mem>>)
      %dma_start3A_29 = arith.constant 1 : i32
      %dma_start3A_30 = arith.constant 1 : i32
      %dma_start3A_31 = arith.constant 0 : i32
      %dma_start3A_32 = arith.constant 0 : i32
      %dma_start3A_33 = tpu.memref_slice %arg8[%dma_start3A_30, %dma_start3A_31, %dma_start3A_32] : memref<8x128x16xf32, #tpu.memory_space<vmem>> -> memref<1x128x16xf32, #tpu.memory_space<vmem>>
      %dma_start3A_34 = tpu.memref_squeeze %dma_start3A_33 : memref<1x128x16xf32, #tpu.memory_space<vmem>> -> memref<128x16xf32, #tpu.memory_space<vmem>>
      %dma_start3A_35 = arith.constant 0 : i32
      %dma_start3A_36 = tpu.memref_slice %arg6[%dma_start3A_29, %dma_start3A_35] : memref<8x128xi32, #tpu.memory_space<vmem>> -> memref<1x128xi32, #tpu.memory_space<vmem>>
      %dma_start3A_37 = tpu.memref_squeeze %dma_start3A_36 : memref<1x128xi32, #tpu.memory_space<vmem>> -> memref<128xi32, #tpu.memory_space<vmem>>
      %dma_start3A_38 = arith.constant 0 : i32
      %dma_start3A_39 = arith.constant 0 : i32
      %dma_start3A_40 = tpu.memref_slice %arg2[%dma_start3A_38, %dma_start3A_39] : memref<102400x16xf32, #tpu.memory_space<hbm>> -> memref<102400x16xf32, #tpu.memory_space<hbm>>
      tpu.enqueue_indirect_dma source(%dma_start3A_40 : memref<102400x16xf32, #tpu.memory_space<hbm>>) target(%dma_start3A_34 : memref<128x16xf32, #tpu.memory_space<vmem>>) offsets(%dma_start3A_37 : memref<128xi32, #tpu.memory_space<vmem>>) semaphore(%arg11 : memref<!tpu.dma_semaphore, #tpu.memory_space<semaphore_mem>>)
      %dma_start3A_41 = arith.constant 2 : i32
      %dma_start3A_42 = arith.constant 2 : i32
      %dma_start3A_43 = arith.constant 0 : i32
      %dma_start3A_44 = arith.constant 0 : i32
      %dma_start3A_45 = tpu.memref_slice %arg8[%dma_start3A_42, %dma_start3A_43, %dma_start3A_44] : memref<8x128x16xf32, #tpu.memory_space<vmem>> -> memref<1x128x16xf32, #tpu.memory_space<vmem>>
      %dma_start3A_46 = tpu.memref_squeeze %dma_start3A_45 : memref<1x128x16xf32, #tpu.memory_space<vmem>> -> memref<128x16xf32, #tpu.memory_space<vmem>>
      %dma_start3A_47 = arith.constant 0 : i32
      %dma_start3A_48 = tpu.memref_slice %arg6[%dma_start3A_41, %dma_start3A_47] : memref<8x128xi32, #tpu.memory_space<vmem>> -> memref<1x128xi32, #tpu.memory_space<vmem>>
      %dma_start3A_49 = tpu.memref_squeeze %dma_start3A_48 : memref<1x128xi32, #tpu.memory_space<vmem>> -> memref<128xi32, #tpu.memory_space<vmem>>
      %dma_start3A_50 = arith.constant 0 : i32
      %dma_start3A_51 = arith.constant 0 : i32
      %dma_start3A_52 = tpu.memref_slice %arg2[%dma_start3A_50, %dma_start3A_51] : memref<102400x16xf32, #tpu.memory_space<hbm>> -> memref<102400x16xf32, #tpu.memory_space<hbm>>
      tpu.enqueue_indirect_dma source(%dma_start3A_52 : memref<102400x16xf32, #tpu.memory_space<hbm>>) target(%dma_start3A_46 : memref<128x16xf32, #tpu.memory_space<vmem>>) offsets(%dma_start3A_49 : memref<128xi32, #tpu.memory_space<vmem>>) semaphore(%arg12 : memref<!tpu.dma_semaphore, #tpu.memory_space<semaphore_mem>>)
      %dma_start3A_53 = arith.constant 3 : i32
      %dma_start3A_54 = arith.constant 3 : i32
      %dma_start3A_55 = arith.constant 0 : i32
      %dma_start3A_56 = arith.constant 0 : i32
      %dma_start3A_57 = tpu.memref_slice %arg8[%dma_start3A_54, %dma_start3A_55, %dma_start3A_56] : memref<8x128x16xf32, #tpu.memory_space<vmem>> -> memref<1x128x16xf32, #tpu.memory_space<vmem>>
      %dma_start3A_58 = tpu.memref_squeeze %dma_start3A_57 : memref<1x128x16xf32, #tpu.memory_space<vmem>> -> memref<128x16xf32, #tpu.memory_space<vmem>>
      %dma_start3A_59 = arith.constant 0 : i32
      %dma_start3A_60 = tpu.memref_slice %arg6[%dma_start3A_53, %dma_start3A_59] : memref<8x128xi32, #tpu.memory_space<vmem>> -> memref<1x128xi32, #tpu.memory_space<vmem>>
      %dma_start3A_61 = tpu.memref_squeeze %dma_start3A_60 : memref<1x128xi32, #tpu.memory_space<vmem>> -> memref<128xi32, #tpu.memory_space<vmem>>
      %dma_start3A_62 = arith.constant 0 : i32
      %dma_start3A_63 = arith.constant 0 : i32
      %dma_start3A_64 = tpu.memref_slice %arg2[%dma_start3A_62, %dma_start3A_63] : memref<102400x16xf32, #tpu.memory_space<hbm>> -> memref<102400x16xf32, #tpu.memory_space<hbm>>
      tpu.enqueue_indirect_dma source(%dma_start3A_64 : memref<102400x16xf32, #tpu.memory_space<hbm>>) target(%dma_start3A_58 : memref<128x16xf32, #tpu.memory_space<vmem>>) offsets(%dma_start3A_61 : memref<128xi32, #tpu.memory_space<vmem>>) semaphore(%arg13 : memref<!tpu.dma_semaphore, #tpu.memory_space<semaphore_mem>>)
      %dma_start3A_65 = arith.constant 4 : i32
      %dma_start3A_66 = arith.constant 4 : i32
      %dma_start3A_67 = arith.constant 0 : i32
      %dma_start3A_68 = arith.constant 0 : i32
      %dma_start3A_69 = tpu.memref_slice %arg8[%dma_start3A_66, %dma_start3A_67, %dma_start3A_68] : memref<8x128x16xf32, #tpu.memory_space<vmem>> -> memref<1x128x16xf32, #tpu.memory_space<vmem>>
      %dma_start3A_70 = tpu.memref_squeeze %dma_start3A_69 : memref<1x128x16xf32, #tpu.memory_space<vmem>> -> memref<128x16xf32, #tpu.memory_space<vmem>>
      %dma_start3A_71 = arith.constant 0 : i32
      %dma_start3A_72 = tpu.memref_slice %arg6[%dma_start3A_65, %dma_start3A_71] : memref<8x128xi32, #tpu.memory_space<vmem>> -> memref<1x128xi32, #tpu.memory_space<vmem>>
      %dma_start3A_73 = tpu.memref_squeeze %dma_start3A_72 : memref<1x128xi32, #tpu.memory_space<vmem>> -> memref<128xi32, #tpu.memory_space<vmem>>
      %dma_start3A_74 = arith.constant 0 : i32
      %dma_start3A_75 = arith.constant 0 : i32
      %dma_start3A_76 = tpu.memref_slice %arg2[%dma_start3A_74, %dma_start3A_75] : memref<102400x16xf32, #tpu.memory_space<hbm>> -> memref<102400x16xf32, #tpu.memory_space<hbm>>
      tpu.enqueue_indirect_dma source(%dma_start3A_76 : memref<102400x16xf32, #tpu.memory_space<hbm>>) target(%dma_start3A_70 : memref<128x16xf32, #tpu.memory_space<vmem>>) offsets(%dma_start3A_73 : memref<128xi32, #tpu.memory_space<vmem>>) semaphore(%arg14 : memref<!tpu.dma_semaphore, #tpu.memory_space<semaphore_mem>>)
      %dma_start3A_77 = arith.constant 5 : i32
      %dma_start3A_78 = arith.constant 5 : i32
      %dma_start3A_79 = arith.constant 0 : i32
      %dma_start3A_80 = arith.constant 0 : i32
      %dma_start3A_81 = tpu.memref_slice %arg8[%dma_start3A_78, %dma_start3A_79, %dma_start3A_80] : memref<8x128x16xf32, #tpu.memory_space<vmem>> -> memref<1x128x16xf32, #tpu.memory_space<vmem>>
      %dma_start3A_82 = tpu.memref_squeeze %dma_start3A_81 : memref<1x128x16xf32, #tpu.memory_space<vmem>> -> memref<128x16xf32, #tpu.memory_space<vmem>>
      %dma_start3A_83 = arith.constant 0 : i32
      %dma_start3A_84 = tpu.memref_slice %arg6[%dma_start3A_77, %dma_start3A_83] : memref<8x128xi32, #tpu.memory_space<vmem>> -> memref<1x128xi32, #tpu.memory_space<vmem>>
      %dma_start3A_85 = tpu.memref_squeeze %dma_start3A_84 : memref<1x128xi32, #tpu.memory_space<vmem>> -> memref<128xi32, #tpu.memory_space<vmem>>
      %dma_start3A_86 = arith.constant 0 : i32
      %dma_start3A_87 = arith.constant 0 : i32
      %dma_start3A_88 = tpu.memref_slice %arg2[%dma_start3A_86, %dma_start3A_87] : memref<102400x16xf32, #tpu.memory_space<hbm>> -> memref<102400x16xf32, #tpu.memory_space<hbm>>
      tpu.enqueue_indirect_dma source(%dma_start3A_88 : memref<102400x16xf32, #tpu.memory_space<hbm>>) target(%dma_start3A_82 : memref<128x16xf32, #tpu.memory_space<vmem>>) offsets(%dma_start3A_85 : memref<128xi32, #tpu.memory_space<vmem>>) semaphore(%arg15 : memref<!tpu.dma_semaphore, #tpu.memory_space<semaphore_mem>>)
      %dma_start3A_89 = arith.constant 6 : i32
      %dma_start3A_90 = arith.constant 6 : i32
      %dma_start3A_91 = arith.constant 0 : i32
      %dma_start3A_92 = arith.constant 0 : i32
      %dma_start3A_93 = tpu.memref_slice %arg8[%dma_start3A_90, %dma_start3A_91, %dma_start3A_92] : memref<8x128x16xf32, #tpu.memory_space<vmem>> -> memref<1x128x16xf32, #tpu.memory_space<vmem>>
      %dma_start3A_94 = tpu.memref_squeeze %dma_start3A_93 : memref<1x128x16xf32, #tpu.memory_space<vmem>> -> memref<128x16xf32, #tpu.memory_space<vmem>>
      %dma_start3A_95 = arith.constant 0 : i32
      %dma_start3A_96 = tpu.memref_slice %arg6[%dma_start3A_89, %dma_start3A_95] : memref<8x128xi32, #tpu.memory_space<vmem>> -> memref<1x128xi32, #tpu.memory_space<vmem>>
      %dma_start3A_97 = tpu.memref_squeeze %dma_start3A_96 : memref<1x128xi32, #tpu.memory_space<vmem>> -> memref<128xi32, #tpu.memory_space<vmem>>
      %dma_start3A_98 = arith.constant 0 : i32
      %dma_start3A_99 = arith.constant 0 : i32
      %dma_start3A_100 = tpu.memref_slice %arg2[%dma_start3A_98, %dma_start3A_99] : memref<102400x16xf32, #tpu.memory_space<hbm>> -> memref<102400x16xf32, #tpu.memory_space<hbm>>
      tpu.enqueue_indirect_dma source(%dma_start3A_100 : memref<102400x16xf32, #tpu.memory_space<hbm>>) target(%dma_start3A_94 : memref<128x16xf32, #tpu.memory_space<vmem>>) offsets(%dma_start3A_97 : memref<128xi32, #tpu.memory_space<vmem>>) semaphore(%arg16 : memref<!tpu.dma_semaphore, #tpu.memory_space<semaphore_mem>>)
      %dma_start3A_101 = arith.constant 7 : i32
      %dma_start3A_102 = arith.constant 7 : i32
      %dma_start3A_103 = arith.constant 0 : i32
      %dma_start3A_104 = arith.constant 0 : i32
      %dma_start3A_105 = tpu.memref_slice %arg8[%dma_start3A_102, %dma_start3A_103, %dma_start3A_104] : memref<8x128x16xf32, #tpu.memory_space<vmem>> -> memref<1x128x16xf32, #tpu.memory_space<vmem>>
      %dma_start3A_106 = tpu.memref_squeeze %dma_start3A_105 : memref<1x128x16xf32, #tpu.memory_space<vmem>> -> memref<128x16xf32, #tpu.memory_space<vmem>>
      %dma_start3A_107 = arith.constant 0 : i32
      %dma_start3A_108 = tpu.memref_slice %arg6[%dma_start3A_101, %dma_start3A_107] : memref<8x128xi32, #tpu.memory_space<vmem>> -> memref<1x128xi32, #tpu.memory_space<vmem>>
      %dma_start3A_109 = tpu.memref_squeeze %dma_start3A_108 : memref<1x128xi32, #tpu.memory_space<vmem>> -> memref<128xi32, #tpu.memory_space<vmem>>
      %dma_start3A_110 = arith.constant 0 : i32
      %dma_start3A_111 = arith.constant 0 : i32
      %dma_start3A_112 = tpu.memref_slice %arg2[%dma_start3A_110, %dma_start3A_111] : memref<102400x16xf32, #tpu.memory_space<hbm>> -> memref<102400x16xf32, #tpu.memory_space<hbm>>
      tpu.enqueue_indirect_dma source(%dma_start3A_112 : memref<102400x16xf32, #tpu.memory_space<hbm>>) target(%dma_start3A_106 : memref<128x16xf32, #tpu.memory_space<vmem>>) offsets(%dma_start3A_109 : memref<128xi32, #tpu.memory_space<vmem>>) semaphore(%arg17 : memref<!tpu.dma_semaphore, #tpu.memory_space<semaphore_mem>>)
      %dma_wait3A = arith.constant 0 : i32
      %dma_wait3A_113 = arith.constant 0 : i32
      %dma_wait3A_114 = arith.constant 0 : i32
      %dma_wait3A_115 = arith.constant 0 : i32
      %dma_wait3A_116 = tpu.memref_slice %arg8[%dma_wait3A_113, %dma_wait3A_114, %dma_wait3A_115] : memref<8x128x16xf32, #tpu.memory_space<vmem>> -> memref<1x128x16xf32, #tpu.memory_space<vmem>>
      %dma_wait3A_117 = tpu.memref_squeeze %dma_wait3A_116 : memref<1x128x16xf32, #tpu.memory_space<vmem>> -> memref<128x16xf32, #tpu.memory_space<vmem>>
      %dma_wait3A_118 = arith.constant 0 : i32
      %dma_wait3A_119 = tpu.memref_slice %arg6[%dma_wait3A, %dma_wait3A_118] : memref<8x128xi32, #tpu.memory_space<vmem>> -> memref<1x128xi32, #tpu.memory_space<vmem>>
      %dma_wait3A_120 = tpu.memref_squeeze %dma_wait3A_119 : memref<1x128xi32, #tpu.memory_space<vmem>> -> memref<128xi32, #tpu.memory_space<vmem>>
      %dma_wait3A_121 = arith.constant 0 : i32
      %dma_wait3A_122 = arith.constant 0 : i32
      %dma_wait3A_123 = tpu.memref_slice %arg2[%dma_wait3A_121, %dma_wait3A_122] : memref<102400x16xf32, #tpu.memory_space<hbm>> -> memref<102400x16xf32, #tpu.memory_space<hbm>>
      tpu.wait_indirect_dma semaphore(%arg10 : memref<!tpu.dma_semaphore, #tpu.memory_space<semaphore_mem>>) src(%dma_wait3A_123 : memref<102400x16xf32, #tpu.memory_space<hbm>>) dst(%dma_wait3A_117 : memref<128x16xf32, #tpu.memory_space<vmem>>)
      %dma_start3A_124 = arith.constant 0 : i32
      %dma_start3A_125 = arith.constant 0 : i32
      %dma_start3A_126 = arith.constant 0 : i32
      %dma_start3A_127 = arith.constant 0 : i32
      %dma_start3A_128 = tpu.memref_slice %arg8[%dma_start3A_124, %dma_start3A_126, %dma_start3A_127] : memref<8x128x16xf32, #tpu.memory_space<vmem>> -> memref<1x128x16xf32, #tpu.memory_space<vmem>>
      %dma_start3A_129 = tpu.memref_squeeze %dma_start3A_128 : memref<1x128x16xf32, #tpu.memory_space<vmem>> -> memref<128x16xf32, #tpu.memory_space<vmem>>
      %dma_start3A_130 = arith.constant 0 : i32
      %dma_start3A_131 = tpu.memref_slice %arg7[%dma_start3A_125, %dma_start3A_130] : memref<8x128xi32, #tpu.memory_space<vmem>> -> memref<1x128xi32, #tpu.memory_space<vmem>>
      %dma_start3A_132 = tpu.memref_squeeze %dma_start3A_131 : memref<1x128xi32, #tpu.memory_space<vmem>> -> memref<128xi32, #tpu.memory_space<vmem>>
      %dma_start3A_133 = arith.constant 0 : i32
      %dma_start3A_134 = arith.constant 0 : i32
      %dma_start3A_135 = tpu.memref_slice %arg9[%dma_start3A_133, %dma_start3A_134] : memref<102400x16xf32, #tpu.memory_space<vmem_shared>> -> memref<102400x16xf32, #tpu.memory_space<vmem_shared>>
      tpu.enqueue_indirect_dma source(%dma_start3A_129 : memref<128x16xf32, #tpu.memory_space<vmem>>) target(%dma_start3A_135 : memref<102400x16xf32, #tpu.memory_space<vmem_shared>>) offsets(%dma_start3A_132 : memref<128xi32, #tpu.memory_space<vmem>>) semaphore(%arg18 : memref<!tpu.dma_semaphore, #tpu.memory_space<semaphore_mem>>) {add = true}
      %dma_wait3A_136 = arith.constant 1 : i32
      %dma_wait3A_137 = arith.constant 1 : i32
      %dma_wait3A_138 = arith.constant 0 : i32
      %dma_wait3A_139 = arith.constant 0 : i32
      %dma_wait3A_140 = tpu.memref_slice %arg8[%dma_wait3A_137, %dma_wait3A_138, %dma_wait3A_139] : memref<8x128x16xf32, #tpu.memory_space<vmem>> -> memref<1x128x16xf32, #tpu.memory_space<vmem>>
      %dma_wait3A_141 = tpu.memref_squeeze %dma_wait3A_140 : memref<1x128x16xf32, #tpu.memory_space<vmem>> -> memref<128x16xf32, #tpu.memory_space<vmem>>
      %dma_wait3A_142 = arith.constant 0 : i32
      %dma_wait3A_143 = tpu.memref_slice %arg6[%dma_wait3A_136, %dma_wait3A_142] : memref<8x128xi32, #tpu.memory_space<vmem>> -> memref<1x128xi32, #tpu.memory_space<vmem>>
      %dma_wait3A_144 = tpu.memref_squeeze %dma_wait3A_143 : memref<1x128xi32, #tpu.memory_space<vmem>> -> memref<128xi32, #tpu.memory_space<vmem>>
      %dma_wait3A_145 = arith.constant 0 : i32
      %dma_wait3A_146 = arith.constant 0 : i32
      %dma_wait3A_147 = tpu.memref_slice %arg2[%dma_wait3A_145, %dma_wait3A_146] : memref<102400x16xf32, #tpu.memory_space<hbm>> -> memref<102400x16xf32, #tpu.memory_space<hbm>>
      tpu.wait_indirect_dma semaphore(%arg11 : memref<!tpu.dma_semaphore, #tpu.memory_space<semaphore_mem>>) src(%dma_wait3A_147 : memref<102400x16xf32, #tpu.memory_space<hbm>>) dst(%dma_wait3A_141 : memref<128x16xf32, #tpu.memory_space<vmem>>)
      %dma_start3A_148 = arith.constant 1 : i32
      %dma_start3A_149 = arith.constant 1 : i32
      %dma_start3A_150 = arith.constant 0 : i32
      %dma_start3A_151 = arith.constant 0 : i32
      %dma_start3A_152 = tpu.memref_slice %arg8[%dma_start3A_148, %dma_start3A_150, %dma_start3A_151] : memref<8x128x16xf32, #tpu.memory_space<vmem>> -> memref<1x128x16xf32, #tpu.memory_space<vmem>>
      %dma_start3A_153 = tpu.memref_squeeze %dma_start3A_152 : memref<1x128x16xf32, #tpu.memory_space<vmem>> -> memref<128x16xf32, #tpu.memory_space<vmem>>
      %dma_start3A_154 = arith.constant 0 : i32
      %dma_start3A_155 = tpu.memref_slice %arg7[%dma_start3A_149, %dma_start3A_154] : memref<8x128xi32, #tpu.memory_space<vmem>> -> memref<1x128xi32, #tpu.memory_space<vmem>>
      %dma_start3A_156 = tpu.memref_squeeze %dma_start3A_155 : memref<1x128xi32, #tpu.memory_space<vmem>> -> memref<128xi32, #tpu.memory_space<vmem>>
      %dma_start3A_157 = arith.constant 0 : i32
      %dma_start3A_158 = arith.constant 0 : i32
      %dma_start3A_159 = tpu.memref_slice %arg9[%dma_start3A_157, %dma_start3A_158] : memref<102400x16xf32, #tpu.memory_space<vmem_shared>> -> memref<102400x16xf32, #tpu.memory_space<vmem_shared>>
      tpu.enqueue_indirect_dma source(%dma_start3A_153 : memref<128x16xf32, #tpu.memory_space<vmem>>) target(%dma_start3A_159 : memref<102400x16xf32, #tpu.memory_space<vmem_shared>>) offsets(%dma_start3A_156 : memref<128xi32, #tpu.memory_space<vmem>>) semaphore(%arg19 : memref<!tpu.dma_semaphore, #tpu.memory_space<semaphore_mem>>) {add = true}
      %dma_wait3A_160 = arith.constant 2 : i32
      %dma_wait3A_161 = arith.constant 2 : i32
      %dma_wait3A_162 = arith.constant 0 : i32
      %dma_wait3A_163 = arith.constant 0 : i32
      %dma_wait3A_164 = tpu.memref_slice %arg8[%dma_wait3A_161, %dma_wait3A_162, %dma_wait3A_163] : memref<8x128x16xf32, #tpu.memory_space<vmem>> -> memref<1x128x16xf32, #tpu.memory_space<vmem>>
      %dma_wait3A_165 = tpu.memref_squeeze %dma_wait3A_164 : memref<1x128x16xf32, #tpu.memory_space<vmem>> -> memref<128x16xf32, #tpu.memory_space<vmem>>
      %dma_wait3A_166 = arith.constant 0 : i32
      %dma_wait3A_167 = tpu.memref_slice %arg6[%dma_wait3A_160, %dma_wait3A_166] : memref<8x128xi32, #tpu.memory_space<vmem>> -> memref<1x128xi32, #tpu.memory_space<vmem>>
      %dma_wait3A_168 = tpu.memref_squeeze %dma_wait3A_167 : memref<1x128xi32, #tpu.memory_space<vmem>> -> memref<128xi32, #tpu.memory_space<vmem>>
      %dma_wait3A_169 = arith.constant 0 : i32
      %dma_wait3A_170 = arith.constant 0 : i32
      %dma_wait3A_171 = tpu.memref_slice %arg2[%dma_wait3A_169, %dma_wait3A_170] : memref<102400x16xf32, #tpu.memory_space<hbm>> -> memref<102400x16xf32, #tpu.memory_space<hbm>>
      tpu.wait_indirect_dma semaphore(%arg12 : memref<!tpu.dma_semaphore, #tpu.memory_space<semaphore_mem>>) src(%dma_wait3A_171 : memref<102400x16xf32, #tpu.memory_space<hbm>>) dst(%dma_wait3A_165 : memref<128x16xf32, #tpu.memory_space<vmem>>)
      %dma_start3A_172 = arith.constant 2 : i32
      %dma_start3A_173 = arith.constant 2 : i32
      %dma_start3A_174 = arith.constant 0 : i32
      %dma_start3A_175 = arith.constant 0 : i32
      %dma_start3A_176 = tpu.memref_slice %arg8[%dma_start3A_172, %dma_start3A_174, %dma_start3A_175] : memref<8x128x16xf32, #tpu.memory_space<vmem>> -> memref<1x128x16xf32, #tpu.memory_space<vmem>>
      %dma_start3A_177 = tpu.memref_squeeze %dma_start3A_176 : memref<1x128x16xf32, #tpu.memory_space<vmem>> -> memref<128x16xf32, #tpu.memory_space<vmem>>
      %dma_start3A_178 = arith.constant 0 : i32
      %dma_start3A_179 = tpu.memref_slice %arg7[%dma_start3A_173, %dma_start3A_178] : memref<8x128xi32, #tpu.memory_space<vmem>> -> memref<1x128xi32, #tpu.memory_space<vmem>>
      %dma_start3A_180 = tpu.memref_squeeze %dma_start3A_179 : memref<1x128xi32, #tpu.memory_space<vmem>> -> memref<128xi32, #tpu.memory_space<vmem>>
      %dma_start3A_181 = arith.constant 0 : i32
      %dma_start3A_182 = arith.constant 0 : i32
      %dma_start3A_183 = tpu.memref_slice %arg9[%dma_start3A_181, %dma_start3A_182] : memref<102400x16xf32, #tpu.memory_space<vmem_shared>> -> memref<102400x16xf32, #tpu.memory_space<vmem_shared>>
      tpu.enqueue_indirect_dma source(%dma_start3A_177 : memref<128x16xf32, #tpu.memory_space<vmem>>) target(%dma_start3A_183 : memref<102400x16xf32, #tpu.memory_space<vmem_shared>>) offsets(%dma_start3A_180 : memref<128xi32, #tpu.memory_space<vmem>>) semaphore(%arg20 : memref<!tpu.dma_semaphore, #tpu.memory_space<semaphore_mem>>) {add = true}
      %dma_wait3A_184 = arith.constant 3 : i32
      %dma_wait3A_185 = arith.constant 3 : i32
      %dma_wait3A_186 = arith.constant 0 : i32
      %dma_wait3A_187 = arith.constant 0 : i32
      %dma_wait3A_188 = tpu.memref_slice %arg8[%dma_wait3A_185, %dma_wait3A_186, %dma_wait3A_187] : memref<8x128x16xf32, #tpu.memory_space<vmem>> -> memref<1x128x16xf32, #tpu.memory_space<vmem>>
      %dma_wait3A_189 = tpu.memref_squeeze %dma_wait3A_188 : memref<1x128x16xf32, #tpu.memory_space<vmem>> -> memref<128x16xf32, #tpu.memory_space<vmem>>
      %dma_wait3A_190 = arith.constant 0 : i32
      %dma_wait3A_191 = tpu.memref_slice %arg6[%dma_wait3A_184, %dma_wait3A_190] : memref<8x128xi32, #tpu.memory_space<vmem>> -> memref<1x128xi32, #tpu.memory_space<vmem>>
      %dma_wait3A_192 = tpu.memref_squeeze %dma_wait3A_191 : memref<1x128xi32, #tpu.memory_space<vmem>> -> memref<128xi32, #tpu.memory_space<vmem>>
      %dma_wait3A_193 = arith.constant 0 : i32
      %dma_wait3A_194 = arith.constant 0 : i32
      %dma_wait3A_195 = tpu.memref_slice %arg2[%dma_wait3A_193, %dma_wait3A_194] : memref<102400x16xf32, #tpu.memory_space<hbm>> -> memref<102400x16xf32, #tpu.memory_space<hbm>>
      tpu.wait_indirect_dma semaphore(%arg13 : memref<!tpu.dma_semaphore, #tpu.memory_space<semaphore_mem>>) src(%dma_wait3A_195 : memref<102400x16xf32, #tpu.memory_space<hbm>>) dst(%dma_wait3A_189 : memref<128x16xf32, #tpu.memory_space<vmem>>)
      %dma_start3A_196 = arith.constant 3 : i32
      %dma_start3A_197 = arith.constant 3 : i32
      %dma_start3A_198 = arith.constant 0 : i32
      %dma_start3A_199 = arith.constant 0 : i32
      %dma_start3A_200 = tpu.memref_slice %arg8[%dma_start3A_196, %dma_start3A_198, %dma_start3A_199] : memref<8x128x16xf32, #tpu.memory_space<vmem>> -> memref<1x128x16xf32, #tpu.memory_space<vmem>>
      %dma_start3A_201 = tpu.memref_squeeze %dma_start3A_200 : memref<1x128x16xf32, #tpu.memory_space<vmem>> -> memref<128x16xf32, #tpu.memory_space<vmem>>
      %dma_start3A_202 = arith.constant 0 : i32
      %dma_start3A_203 = tpu.memref_slice %arg7[%dma_start3A_197, %dma_start3A_202] : memref<8x128xi32, #tpu.memory_space<vmem>> -> memref<1x128xi32, #tpu.memory_space<vmem>>
      %dma_start3A_204 = tpu.memref_squeeze %dma_start3A_203 : memref<1x128xi32, #tpu.memory_space<vmem>> -> memref<128xi32, #tpu.memory_space<vmem>>
      %dma_start3A_205 = arith.constant 0 : i32
      %dma_start3A_206 = arith.constant 0 : i32
      %dma_start3A_207 = tpu.memref_slice %arg9[%dma_start3A_205, %dma_start3A_206] : memref<102400x16xf32, #tpu.memory_space<vmem_shared>> -> memref<102400x16xf32, #tpu.memory_space<vmem_shared>>
      tpu.enqueue_indirect_dma source(%dma_start3A_201 : memref<128x16xf32, #tpu.memory_space<vmem>>) target(%dma_start3A_207 : memref<102400x16xf32, #tpu.memory_space<vmem_shared>>) offsets(%dma_start3A_204 : memref<128xi32, #tpu.memory_space<vmem>>) semaphore(%arg21 : memref<!tpu.dma_semaphore, #tpu.memory_space<semaphore_mem>>) {add = true}
      %dma_wait3A_208 = arith.constant 4 : i32
      %dma_wait3A_209 = arith.constant 4 : i32
      %dma_wait3A_210 = arith.constant 0 : i32
      %dma_wait3A_211 = arith.constant 0 : i32
      %dma_wait3A_212 = tpu.memref_slice %arg8[%dma_wait3A_209, %dma_wait3A_210, %dma_wait3A_211] : memref<8x128x16xf32, #tpu.memory_space<vmem>> -> memref<1x128x16xf32, #tpu.memory_space<vmem>>
      %dma_wait3A_213 = tpu.memref_squeeze %dma_wait3A_212 : memref<1x128x16xf32, #tpu.memory_space<vmem>> -> memref<128x16xf32, #tpu.memory_space<vmem>>
      %dma_wait3A_214 = arith.constant 0 : i32
      %dma_wait3A_215 = tpu.memref_slice %arg6[%dma_wait3A_208, %dma_wait3A_214] : memref<8x128xi32, #tpu.memory_space<vmem>> -> memref<1x128xi32, #tpu.memory_space<vmem>>
      %dma_wait3A_216 = tpu.memref_squeeze %dma_wait3A_215 : memref<1x128xi32, #tpu.memory_space<vmem>> -> memref<128xi32, #tpu.memory_space<vmem>>
      %dma_wait3A_217 = arith.constant 0 : i32
      %dma_wait3A_218 = arith.constant 0 : i32
      %dma_wait3A_219 = tpu.memref_slice %arg2[%dma_wait3A_217, %dma_wait3A_218] : memref<102400x16xf32, #tpu.memory_space<hbm>> -> memref<102400x16xf32, #tpu.memory_space<hbm>>
      tpu.wait_indirect_dma semaphore(%arg14 : memref<!tpu.dma_semaphore, #tpu.memory_space<semaphore_mem>>) src(%dma_wait3A_219 : memref<102400x16xf32, #tpu.memory_space<hbm>>) dst(%dma_wait3A_213 : memref<128x16xf32, #tpu.memory_space<vmem>>)
      %dma_start3A_220 = arith.constant 4 : i32
      %dma_start3A_221 = arith.constant 4 : i32
      %dma_start3A_222 = arith.constant 0 : i32
      %dma_start3A_223 = arith.constant 0 : i32
      %dma_start3A_224 = tpu.memref_slice %arg8[%dma_start3A_220, %dma_start3A_222, %dma_start3A_223] : memref<8x128x16xf32, #tpu.memory_space<vmem>> -> memref<1x128x16xf32, #tpu.memory_space<vmem>>
      %dma_start3A_225 = tpu.memref_squeeze %dma_start3A_224 : memref<1x128x16xf32, #tpu.memory_space<vmem>> -> memref<128x16xf32, #tpu.memory_space<vmem>>
      %dma_start3A_226 = arith.constant 0 : i32
      %dma_start3A_227 = tpu.memref_slice %arg7[%dma_start3A_221, %dma_start3A_226] : memref<8x128xi32, #tpu.memory_space<vmem>> -> memref<1x128xi32, #tpu.memory_space<vmem>>
      %dma_start3A_228 = tpu.memref_squeeze %dma_start3A_227 : memref<1x128xi32, #tpu.memory_space<vmem>> -> memref<128xi32, #tpu.memory_space<vmem>>
      %dma_start3A_229 = arith.constant 0 : i32
      %dma_start3A_230 = arith.constant 0 : i32
      %dma_start3A_231 = tpu.memref_slice %arg9[%dma_start3A_229, %dma_start3A_230] : memref<102400x16xf32, #tpu.memory_space<vmem_shared>> -> memref<102400x16xf32, #tpu.memory_space<vmem_shared>>
      tpu.enqueue_indirect_dma source(%dma_start3A_225 : memref<128x16xf32, #tpu.memory_space<vmem>>) target(%dma_start3A_231 : memref<102400x16xf32, #tpu.memory_space<vmem_shared>>) offsets(%dma_start3A_228 : memref<128xi32, #tpu.memory_space<vmem>>) semaphore(%arg22 : memref<!tpu.dma_semaphore, #tpu.memory_space<semaphore_mem>>) {add = true}
      %dma_wait3A_232 = arith.constant 5 : i32
      %dma_wait3A_233 = arith.constant 5 : i32
      %dma_wait3A_234 = arith.constant 0 : i32
      %dma_wait3A_235 = arith.constant 0 : i32
      %dma_wait3A_236 = tpu.memref_slice %arg8[%dma_wait3A_233, %dma_wait3A_234, %dma_wait3A_235] : memref<8x128x16xf32, #tpu.memory_space<vmem>> -> memref<1x128x16xf32, #tpu.memory_space<vmem>>
      %dma_wait3A_237 = tpu.memref_squeeze %dma_wait3A_236 : memref<1x128x16xf32, #tpu.memory_space<vmem>> -> memref<128x16xf32, #tpu.memory_space<vmem>>
      %dma_wait3A_238 = arith.constant 0 : i32
      %dma_wait3A_239 = tpu.memref_slice %arg6[%dma_wait3A_232, %dma_wait3A_238] : memref<8x128xi32, #tpu.memory_space<vmem>> -> memref<1x128xi32, #tpu.memory_space<vmem>>
      %dma_wait3A_240 = tpu.memref_squeeze %dma_wait3A_239 : memref<1x128xi32, #tpu.memory_space<vmem>> -> memref<128xi32, #tpu.memory_space<vmem>>
      %dma_wait3A_241 = arith.constant 0 : i32
      %dma_wait3A_242 = arith.constant 0 : i32
      %dma_wait3A_243 = tpu.memref_slice %arg2[%dma_wait3A_241, %dma_wait3A_242] : memref<102400x16xf32, #tpu.memory_space<hbm>> -> memref<102400x16xf32, #tpu.memory_space<hbm>>
      tpu.wait_indirect_dma semaphore(%arg15 : memref<!tpu.dma_semaphore, #tpu.memory_space<semaphore_mem>>) src(%dma_wait3A_243 : memref<102400x16xf32, #tpu.memory_space<hbm>>) dst(%dma_wait3A_237 : memref<128x16xf32, #tpu.memory_space<vmem>>)
      %dma_start3A_244 = arith.constant 5 : i32
      %dma_start3A_245 = arith.constant 5 : i32
      %dma_start3A_246 = arith.constant 0 : i32
      %dma_start3A_247 = arith.constant 0 : i32
      %dma_start3A_248 = tpu.memref_slice %arg8[%dma_start3A_244, %dma_start3A_246, %dma_start3A_247] : memref<8x128x16xf32, #tpu.memory_space<vmem>> -> memref<1x128x16xf32, #tpu.memory_space<vmem>>
      %dma_start3A_249 = tpu.memref_squeeze %dma_start3A_248 : memref<1x128x16xf32, #tpu.memory_space<vmem>> -> memref<128x16xf32, #tpu.memory_space<vmem>>
      %dma_start3A_250 = arith.constant 0 : i32
      %dma_start3A_251 = tpu.memref_slice %arg7[%dma_start3A_245, %dma_start3A_250] : memref<8x128xi32, #tpu.memory_space<vmem>> -> memref<1x128xi32, #tpu.memory_space<vmem>>
      %dma_start3A_252 = tpu.memref_squeeze %dma_start3A_251 : memref<1x128xi32, #tpu.memory_space<vmem>> -> memref<128xi32, #tpu.memory_space<vmem>>
      %dma_start3A_253 = arith.constant 0 : i32
      %dma_start3A_254 = arith.constant 0 : i32
      %dma_start3A_255 = tpu.memref_slice %arg9[%dma_start3A_253, %dma_start3A_254] : memref<102400x16xf32, #tpu.memory_space<vmem_shared>> -> memref<102400x16xf32, #tpu.memory_space<vmem_shared>>
      tpu.enqueue_indirect_dma source(%dma_start3A_249 : memref<128x16xf32, #tpu.memory_space<vmem>>) target(%dma_start3A_255 : memref<102400x16xf32, #tpu.memory_space<vmem_shared>>) offsets(%dma_start3A_252 : memref<128xi32, #tpu.memory_space<vmem>>) semaphore(%arg23 : memref<!tpu.dma_semaphore, #tpu.memory_space<semaphore_mem>>) {add = true}
      %dma_wait3A_256 = arith.constant 6 : i32
      %dma_wait3A_257 = arith.constant 6 : i32
      %dma_wait3A_258 = arith.constant 0 : i32
      %dma_wait3A_259 = arith.constant 0 : i32
      %dma_wait3A_260 = tpu.memref_slice %arg8[%dma_wait3A_257, %dma_wait3A_258, %dma_wait3A_259] : memref<8x128x16xf32, #tpu.memory_space<vmem>> -> memref<1x128x16xf32, #tpu.memory_space<vmem>>
      %dma_wait3A_261 = tpu.memref_squeeze %dma_wait3A_260 : memref<1x128x16xf32, #tpu.memory_space<vmem>> -> memref<128x16xf32, #tpu.memory_space<vmem>>
      %dma_wait3A_262 = arith.constant 0 : i32
      %dma_wait3A_263 = tpu.memref_slice %arg6[%dma_wait3A_256, %dma_wait3A_262] : memref<8x128xi32, #tpu.memory_space<vmem>> -> memref<1x128xi32, #tpu.memory_space<vmem>>
      %dma_wait3A_264 = tpu.memref_squeeze %dma_wait3A_263 : memref<1x128xi32, #tpu.memory_space<vmem>> -> memref<128xi32, #tpu.memory_space<vmem>>
      %dma_wait3A_265 = arith.constant 0 : i32
      %dma_wait3A_266 = arith.constant 0 : i32
      %dma_wait3A_267 = tpu.memref_slice %arg2[%dma_wait3A_265, %dma_wait3A_266] : memref<102400x16xf32, #tpu.memory_space<hbm>> -> memref<102400x16xf32, #tpu.memory_space<hbm>>
      tpu.wait_indirect_dma semaphore(%arg16 : memref<!tpu.dma_semaphore, #tpu.memory_space<semaphore_mem>>) src(%dma_wait3A_267 : memref<102400x16xf32, #tpu.memory_space<hbm>>) dst(%dma_wait3A_261 : memref<128x16xf32, #tpu.memory_space<vmem>>)
      %dma_start3A_268 = arith.constant 6 : i32
      %dma_start3A_269 = arith.constant 6 : i32
      %dma_start3A_270 = arith.constant 0 : i32
      %dma_start3A_271 = arith.constant 0 : i32
      %dma_start3A_272 = tpu.memref_slice %arg8[%dma_start3A_268, %dma_start3A_270, %dma_start3A_271] : memref<8x128x16xf32, #tpu.memory_space<vmem>> -> memref<1x128x16xf32, #tpu.memory_space<vmem>>
      %dma_start3A_273 = tpu.memref_squeeze %dma_start3A_272 : memref<1x128x16xf32, #tpu.memory_space<vmem>> -> memref<128x16xf32, #tpu.memory_space<vmem>>
      %dma_start3A_274 = arith.constant 0 : i32
      %dma_start3A_275 = tpu.memref_slice %arg7[%dma_start3A_269, %dma_start3A_274] : memref<8x128xi32, #tpu.memory_space<vmem>> -> memref<1x128xi32, #tpu.memory_space<vmem>>
      %dma_start3A_276 = tpu.memref_squeeze %dma_start3A_275 : memref<1x128xi32, #tpu.memory_space<vmem>> -> memref<128xi32, #tpu.memory_space<vmem>>
      %dma_start3A_277 = arith.constant 0 : i32
      %dma_start3A_278 = arith.constant 0 : i32
      %dma_start3A_279 = tpu.memref_slice %arg9[%dma_start3A_277, %dma_start3A_278] : memref<102400x16xf32, #tpu.memory_space<vmem_shared>> -> memref<102400x16xf32, #tpu.memory_space<vmem_shared>>
      tpu.enqueue_indirect_dma source(%dma_start3A_273 : memref<128x16xf32, #tpu.memory_space<vmem>>) target(%dma_start3A_279 : memref<102400x16xf32, #tpu.memory_space<vmem_shared>>) offsets(%dma_start3A_276 : memref<128xi32, #tpu.memory_space<vmem>>) semaphore(%arg24 : memref<!tpu.dma_semaphore, #tpu.memory_space<semaphore_mem>>) {add = true}
      %dma_wait3A_280 = arith.constant 7 : i32
      %dma_wait3A_281 = arith.constant 7 : i32
      %dma_wait3A_282 = arith.constant 0 : i32
      %dma_wait3A_283 = arith.constant 0 : i32
      %dma_wait3A_284 = tpu.memref_slice %arg8[%dma_wait3A_281, %dma_wait3A_282, %dma_wait3A_283] : memref<8x128x16xf32, #tpu.memory_space<vmem>> -> memref<1x128x16xf32, #tpu.memory_space<vmem>>
      %dma_wait3A_285 = tpu.memref_squeeze %dma_wait3A_284 : memref<1x128x16xf32, #tpu.memory_space<vmem>> -> memref<128x16xf32, #tpu.memory_space<vmem>>
      %dma_wait3A_286 = arith.constant 0 : i32
      %dma_wait3A_287 = tpu.memref_slice %arg6[%dma_wait3A_280, %dma_wait3A_286] : memref<8x128xi32, #tpu.memory_space<vmem>> -> memref<1x128xi32, #tpu.memory_space<vmem>>
      %dma_wait3A_288 = tpu.memref_squeeze %dma_wait3A_287 : memref<1x128xi32, #tpu.memory_space<vmem>> -> memref<128xi32, #tpu.memory_space<vmem>>
      %dma_wait3A_289 = arith.constant 0 : i32
      %dma_wait3A_290 = arith.constant 0 : i32
      %dma_wait3A_291 = tpu.memref_slice %arg2[%dma_wait3A_289, %dma_wait3A_290] : memref<102400x16xf32, #tpu.memory_space<hbm>> -> memref<102400x16xf32, #tpu.memory_space<hbm>>
      tpu.wait_indirect_dma semaphore(%arg17 : memref<!tpu.dma_semaphore, #tpu.memory_space<semaphore_mem>>) src(%dma_wait3A_291 : memref<102400x16xf32, #tpu.memory_space<hbm>>) dst(%dma_wait3A_285 : memref<128x16xf32, #tpu.memory_space<vmem>>)
      %dma_start3A_292 = arith.constant 7 : i32
      %dma_start3A_293 = arith.constant 7 : i32
      %dma_start3A_294 = arith.constant 0 : i32
      %dma_start3A_295 = arith.constant 0 : i32
      %dma_start3A_296 = tpu.memref_slice %arg8[%dma_start3A_292, %dma_start3A_294, %dma_start3A_295] : memref<8x128x16xf32, #tpu.memory_space<vmem>> -> memref<1x128x16xf32, #tpu.memory_space<vmem>>
      %dma_start3A_297 = tpu.memref_squeeze %dma_start3A_296 : memref<1x128x16xf32, #tpu.memory_space<vmem>> -> memref<128x16xf32, #tpu.memory_space<vmem>>
      %dma_start3A_298 = arith.constant 0 : i32
      %dma_start3A_299 = tpu.memref_slice %arg7[%dma_start3A_293, %dma_start3A_298] : memref<8x128xi32, #tpu.memory_space<vmem>> -> memref<1x128xi32, #tpu.memory_space<vmem>>
      %dma_start3A_300 = tpu.memref_squeeze %dma_start3A_299 : memref<1x128xi32, #tpu.memory_space<vmem>> -> memref<128xi32, #tpu.memory_space<vmem>>
      %dma_start3A_301 = arith.constant 0 : i32
      %dma_start3A_302 = arith.constant 0 : i32
      %dma_start3A_303 = tpu.memref_slice %arg9[%dma_start3A_301, %dma_start3A_302] : memref<102400x16xf32, #tpu.memory_space<vmem_shared>> -> memref<102400x16xf32, #tpu.memory_space<vmem_shared>>
      tpu.enqueue_indirect_dma source(%dma_start3A_297 : memref<128x16xf32, #tpu.memory_space<vmem>>) target(%dma_start3A_303 : memref<102400x16xf32, #tpu.memory_space<vmem_shared>>) offsets(%dma_start3A_300 : memref<128xi32, #tpu.memory_space<vmem>>) semaphore(%arg25 : memref<!tpu.dma_semaphore, #tpu.memory_space<semaphore_mem>>) {add = true}
      %dma_wait3A_304 = arith.constant 0 : i32
      %dma_wait3A_305 = arith.constant 0 : i32
      %dma_wait3A_306 = arith.constant 0 : i32
      %dma_wait3A_307 = arith.constant 0 : i32
      %dma_wait3A_308 = tpu.memref_slice %arg8[%dma_wait3A_304, %dma_wait3A_306, %dma_wait3A_307] : memref<8x128x16xf32, #tpu.memory_space<vmem>> -> memref<1x128x16xf32, #tpu.memory_space<vmem>>
      %dma_wait3A_309 = tpu.memref_squeeze %dma_wait3A_308 : memref<1x128x16xf32, #tpu.memory_space<vmem>> -> memref<128x16xf32, #tpu.memory_space<vmem>>
      %dma_wait3A_310 = arith.constant 0 : i32
      %dma_wait3A_311 = tpu.memref_slice %arg7[%dma_wait3A_305, %dma_wait3A_310] : memref<8x128xi32, #tpu.memory_space<vmem>> -> memref<1x128xi32, #tpu.memory_space<vmem>>
      %dma_wait3A_312 = tpu.memref_squeeze %dma_wait3A_311 : memref<1x128xi32, #tpu.memory_space<vmem>> -> memref<128xi32, #tpu.memory_space<vmem>>
      %dma_wait3A_313 = arith.constant 0 : i32
      %dma_wait3A_314 = arith.constant 0 : i32
      %dma_wait3A_315 = tpu.memref_slice %arg9[%dma_wait3A_313, %dma_wait3A_314] : memref<102400x16xf32, #tpu.memory_space<vmem_shared>> -> memref<102400x16xf32, #tpu.memory_space<vmem_shared>>
      tpu.wait_indirect_dma semaphore(%arg18 : memref<!tpu.dma_semaphore, #tpu.memory_space<semaphore_mem>>) src(%dma_wait3A_309 : memref<128x16xf32, #tpu.memory_space<vmem>>) dst(%dma_wait3A_315 : memref<102400x16xf32, #tpu.memory_space<vmem_shared>>)
      %dma_wait3A_316 = arith.constant 1 : i32
      %dma_wait3A_317 = arith.constant 1 : i32
      %dma_wait3A_318 = arith.constant 0 : i32
      %dma_wait3A_319 = arith.constant 0 : i32
      %dma_wait3A_320 = tpu.memref_slice %arg8[%dma_wait3A_316, %dma_wait3A_318, %dma_wait3A_319] : memref<8x128x16xf32, #tpu.memory_space<vmem>> -> memref<1x128x16xf32, #tpu.memory_space<vmem>>
      %dma_wait3A_321 = tpu.memref_squeeze %dma_wait3A_320 : memref<1x128x16xf32, #tpu.memory_space<vmem>> -> memref<128x16xf32, #tpu.memory_space<vmem>>
      %dma_wait3A_322 = arith.constant 0 : i32
      %dma_wait3A_323 = tpu.memref_slice %arg7[%dma_wait3A_317, %dma_wait3A_322] : memref<8x128xi32, #tpu.memory_space<vmem>> -> memref<1x128xi32, #tpu.memory_space<vmem>>
      %dma_wait3A_324 = tpu.memref_squeeze %dma_wait3A_323 : memref<1x128xi32, #tpu.memory_space<vmem>> -> memref<128xi32, #tpu.memory_space<vmem>>
      %dma_wait3A_325 = arith.constant 0 : i32
      %dma_wait3A_326 = arith.constant 0 : i32
      %dma_wait3A_327 = tpu.memref_slice %arg9[%dma_wait3A_325, %dma_wait3A_326] : memref<102400x16xf32, #tpu.memory_space<vmem_shared>> -> memref<102400x16xf32, #tpu.memory_space<vmem_shared>>
      tpu.wait_indirect_dma semaphore(%arg19 : memref<!tpu.dma_semaphore, #tpu.memory_space<semaphore_mem>>) src(%dma_wait3A_321 : memref<128x16xf32, #tpu.memory_space<vmem>>) dst(%dma_wait3A_327 : memref<102400x16xf32, #tpu.memory_space<vmem_shared>>)
      %dma_wait3A_328 = arith.constant 2 : i32
      %dma_wait3A_329 = arith.constant 2 : i32
      %dma_wait3A_330 = arith.constant 0 : i32
      %dma_wait3A_331 = arith.constant 0 : i32
      %dma_wait3A_332 = tpu.memref_slice %arg8[%dma_wait3A_328, %dma_wait3A_330, %dma_wait3A_331] : memref<8x128x16xf32, #tpu.memory_space<vmem>> -> memref<1x128x16xf32, #tpu.memory_space<vmem>>
      %dma_wait3A_333 = tpu.memref_squeeze %dma_wait3A_332 : memref<1x128x16xf32, #tpu.memory_space<vmem>> -> memref<128x16xf32, #tpu.memory_space<vmem>>
      %dma_wait3A_334 = arith.constant 0 : i32
      %dma_wait3A_335 = tpu.memref_slice %arg7[%dma_wait3A_329, %dma_wait3A_334] : memref<8x128xi32, #tpu.memory_space<vmem>> -> memref<1x128xi32, #tpu.memory_space<vmem>>
      %dma_wait3A_336 = tpu.memref_squeeze %dma_wait3A_335 : memref<1x128xi32, #tpu.memory_space<vmem>> -> memref<128xi32, #tpu.memory_space<vmem>>
      %dma_wait3A_337 = arith.constant 0 : i32
      %dma_wait3A_338 = arith.constant 0 : i32
      %dma_wait3A_339 = tpu.memref_slice %arg9[%dma_wait3A_337, %dma_wait3A_338] : memref<102400x16xf32, #tpu.memory_space<vmem_shared>> -> memref<102400x16xf32, #tpu.memory_space<vmem_shared>>
      tpu.wait_indirect_dma semaphore(%arg20 : memref<!tpu.dma_semaphore, #tpu.memory_space<semaphore_mem>>) src(%dma_wait3A_333 : memref<128x16xf32, #tpu.memory_space<vmem>>) dst(%dma_wait3A_339 : memref<102400x16xf32, #tpu.memory_space<vmem_shared>>)
      %dma_wait3A_340 = arith.constant 3 : i32
      %dma_wait3A_341 = arith.constant 3 : i32
      %dma_wait3A_342 = arith.constant 0 : i32
      %dma_wait3A_343 = arith.constant 0 : i32
      %dma_wait3A_344 = tpu.memref_slice %arg8[%dma_wait3A_340, %dma_wait3A_342, %dma_wait3A_343] : memref<8x128x16xf32, #tpu.memory_space<vmem>> -> memref<1x128x16xf32, #tpu.memory_space<vmem>>
      %dma_wait3A_345 = tpu.memref_squeeze %dma_wait3A_344 : memref<1x128x16xf32, #tpu.memory_space<vmem>> -> memref<128x16xf32, #tpu.memory_space<vmem>>
      %dma_wait3A_346 = arith.constant 0 : i32
      %dma_wait3A_347 = tpu.memref_slice %arg7[%dma_wait3A_341, %dma_wait3A_346] : memref<8x128xi32, #tpu.memory_space<vmem>> -> memref<1x128xi32, #tpu.memory_space<vmem>>
      %dma_wait3A_348 = tpu.memref_squeeze %dma_wait3A_347 : memref<1x128xi32, #tpu.memory_space<vmem>> -> memref<128xi32, #tpu.memory_space<vmem>>
      %dma_wait3A_349 = arith.constant 0 : i32
      %dma_wait3A_350 = arith.constant 0 : i32
      %dma_wait3A_351 = tpu.memref_slice %arg9[%dma_wait3A_349, %dma_wait3A_350] : memref<102400x16xf32, #tpu.memory_space<vmem_shared>> -> memref<102400x16xf32, #tpu.memory_space<vmem_shared>>
      tpu.wait_indirect_dma semaphore(%arg21 : memref<!tpu.dma_semaphore, #tpu.memory_space<semaphore_mem>>) src(%dma_wait3A_345 : memref<128x16xf32, #tpu.memory_space<vmem>>) dst(%dma_wait3A_351 : memref<102400x16xf32, #tpu.memory_space<vmem_shared>>)
      %dma_wait3A_352 = arith.constant 4 : i32
      %dma_wait3A_353 = arith.constant 4 : i32
      %dma_wait3A_354 = arith.constant 0 : i32
      %dma_wait3A_355 = arith.constant 0 : i32
      %dma_wait3A_356 = tpu.memref_slice %arg8[%dma_wait3A_352, %dma_wait3A_354, %dma_wait3A_355] : memref<8x128x16xf32, #tpu.memory_space<vmem>> -> memref<1x128x16xf32, #tpu.memory_space<vmem>>
      %dma_wait3A_357 = tpu.memref_squeeze %dma_wait3A_356 : memref<1x128x16xf32, #tpu.memory_space<vmem>> -> memref<128x16xf32, #tpu.memory_space<vmem>>
      %dma_wait3A_358 = arith.constant 0 : i32
      %dma_wait3A_359 = tpu.memref_slice %arg7[%dma_wait3A_353, %dma_wait3A_358] : memref<8x128xi32, #tpu.memory_space<vmem>> -> memref<1x128xi32, #tpu.memory_space<vmem>>
      %dma_wait3A_360 = tpu.memref_squeeze %dma_wait3A_359 : memref<1x128xi32, #tpu.memory_space<vmem>> -> memref<128xi32, #tpu.memory_space<vmem>>
      %dma_wait3A_361 = arith.constant 0 : i32
      %dma_wait3A_362 = arith.constant 0 : i32
      %dma_wait3A_363 = tpu.memref_slice %arg9[%dma_wait3A_361, %dma_wait3A_362] : memref<102400x16xf32, #tpu.memory_space<vmem_shared>> -> memref<102400x16xf32, #tpu.memory_space<vmem_shared>>
      tpu.wait_indirect_dma semaphore(%arg22 : memref<!tpu.dma_semaphore, #tpu.memory_space<semaphore_mem>>) src(%dma_wait3A_357 : memref<128x16xf32, #tpu.memory_space<vmem>>) dst(%dma_wait3A_363 : memref<102400x16xf32, #tpu.memory_space<vmem_shared>>)
      %dma_wait3A_364 = arith.constant 5 : i32
      %dma_wait3A_365 = arith.constant 5 : i32
      %dma_wait3A_366 = arith.constant 0 : i32
      %dma_wait3A_367 = arith.constant 0 : i32
      %dma_wait3A_368 = tpu.memref_slice %arg8[%dma_wait3A_364, %dma_wait3A_366, %dma_wait3A_367] : memref<8x128x16xf32, #tpu.memory_space<vmem>> -> memref<1x128x16xf32, #tpu.memory_space<vmem>>
      %dma_wait3A_369 = tpu.memref_squeeze %dma_wait3A_368 : memref<1x128x16xf32, #tpu.memory_space<vmem>> -> memref<128x16xf32, #tpu.memory_space<vmem>>
      %dma_wait3A_370 = arith.constant 0 : i32
      %dma_wait3A_371 = tpu.memref_slice %arg7[%dma_wait3A_365, %dma_wait3A_370] : memref<8x128xi32, #tpu.memory_space<vmem>> -> memref<1x128xi32, #tpu.memory_space<vmem>>
      %dma_wait3A_372 = tpu.memref_squeeze %dma_wait3A_371 : memref<1x128xi32, #tpu.memory_space<vmem>> -> memref<128xi32, #tpu.memory_space<vmem>>
      %dma_wait3A_373 = arith.constant 0 : i32
      %dma_wait3A_374 = arith.constant 0 : i32
      %dma_wait3A_375 = tpu.memref_slice %arg9[%dma_wait3A_373, %dma_wait3A_374] : memref<102400x16xf32, #tpu.memory_space<vmem_shared>> -> memref<102400x16xf32, #tpu.memory_space<vmem_shared>>
      tpu.wait_indirect_dma semaphore(%arg23 : memref<!tpu.dma_semaphore, #tpu.memory_space<semaphore_mem>>) src(%dma_wait3A_369 : memref<128x16xf32, #tpu.memory_space<vmem>>) dst(%dma_wait3A_375 : memref<102400x16xf32, #tpu.memory_space<vmem_shared>>)
      %dma_wait3A_376 = arith.constant 6 : i32
      %dma_wait3A_377 = arith.constant 6 : i32
      %dma_wait3A_378 = arith.constant 0 : i32
      %dma_wait3A_379 = arith.constant 0 : i32
      %dma_wait3A_380 = tpu.memref_slice %arg8[%dma_wait3A_376, %dma_wait3A_378, %dma_wait3A_379] : memref<8x128x16xf32, #tpu.memory_space<vmem>> -> memref<1x128x16xf32, #tpu.memory_space<vmem>>
      %dma_wait3A_381 = tpu.memref_squeeze %dma_wait3A_380 : memref<1x128x16xf32, #tpu.memory_space<vmem>> -> memref<128x16xf32, #tpu.memory_space<vmem>>
      %dma_wait3A_382 = arith.constant 0 : i32
      %dma_wait3A_383 = tpu.memref_slice %arg7[%dma_wait3A_377, %dma_wait3A_382] : memref<8x128xi32, #tpu.memory_space<vmem>> -> memref<1x128xi32, #tpu.memory_space<vmem>>
      %dma_wait3A_384 = tpu.memref_squeeze %dma_wait3A_383 : memref<1x128xi32, #tpu.memory_space<vmem>> -> memref<128xi32, #tpu.memory_space<vmem>>
      %dma_wait3A_385 = arith.constant 0 : i32
      %dma_wait3A_386 = arith.constant 0 : i32
      %dma_wait3A_387 = tpu.memref_slice %arg9[%dma_wait3A_385, %dma_wait3A_386] : memref<102400x16xf32, #tpu.memory_space<vmem_shared>> -> memref<102400x16xf32, #tpu.memory_space<vmem_shared>>
      tpu.wait_indirect_dma semaphore(%arg24 : memref<!tpu.dma_semaphore, #tpu.memory_space<semaphore_mem>>) src(%dma_wait3A_381 : memref<128x16xf32, #tpu.memory_space<vmem>>) dst(%dma_wait3A_387 : memref<102400x16xf32, #tpu.memory_space<vmem_shared>>)
      %dma_wait3A_388 = arith.constant 7 : i32
      %dma_wait3A_389 = arith.constant 7 : i32
      %dma_wait3A_390 = arith.constant 0 : i32
      %dma_wait3A_391 = arith.constant 0 : i32
      %dma_wait3A_392 = tpu.memref_slice %arg8[%dma_wait3A_388, %dma_wait3A_390, %dma_wait3A_391] : memref<8x128x16xf32, #tpu.memory_space<vmem>> -> memref<1x128x16xf32, #tpu.memory_space<vmem>>
      %dma_wait3A_393 = tpu.memref_squeeze %dma_wait3A_392 : memref<1x128x16xf32, #tpu.memory_space<vmem>> -> memref<128x16xf32, #tpu.memory_space<vmem>>
      %dma_wait3A_394 = arith.constant 0 : i32
      %dma_wait3A_395 = tpu.memref_slice %arg7[%dma_wait3A_389, %dma_wait3A_394] : memref<8x128xi32, #tpu.memory_space<vmem>> -> memref<1x128xi32, #tpu.memory_space<vmem>>
      %dma_wait3A_396 = tpu.memref_squeeze %dma_wait3A_395 : memref<1x128xi32, #tpu.memory_space<vmem>> -> memref<128xi32, #tpu.memory_space<vmem>>
      %dma_wait3A_397 = arith.constant 0 : i32
      %dma_wait3A_398 = arith.constant 0 : i32
      %dma_wait3A_399 = tpu.memref_slice %arg9[%dma_wait3A_397, %dma_wait3A_398] : memref<102400x16xf32, #tpu.memory_space<vmem_shared>> -> memref<102400x16xf32, #tpu.memory_space<vmem_shared>>
      tpu.wait_indirect_dma semaphore(%arg25 : memref<!tpu.dma_semaphore, #tpu.memory_space<semaphore_mem>>) src(%dma_wait3A_393 : memref<128x16xf32, #tpu.memory_space<vmem>>) dst(%dma_wait3A_399 : memref<102400x16xf32, #tpu.memory_space<vmem_shared>>)
    }
    %scan3A_9 = arith.constant 49 : i32
    %barrier3A_10 = arith.constant 0 : index
    tpu.barrier barrier_id(%barrier3A_10)
    "tpu.region"() ({
      %run_scoped3A = tpu.sem_alloc : memref<!tpu.dma_semaphore, #tpu.memory_space<semaphore_mem>>
      %dma_start3A = arith.constant 0 : i32
      %dma_start3A_11 = tpu.memref_slice %arg5[%arg0, %mul3A_2, %dma_start3A] : memref<2x102400x16xf32, #tpu.memory_space<hbm>> -> memref<1x6400x16xf32, #tpu.memory_space<hbm>>
      %dma_start3A_12 = tpu.memref_squeeze %dma_start3A_11 : memref<1x6400x16xf32, #tpu.memory_space<hbm>> -> memref<6400x16xf32, #tpu.memory_space<hbm>>
      %dma_start3A_13 = arith.constant 0 : i32
      %dma_start3A_14 = tpu.memref_slice %arg9[%mul3A_2, %dma_start3A_13] : memref<102400x16xf32, #tpu.memory_space<vmem_shared>> -> memref<6400x16xf32, #tpu.memory_space<vmem_shared>>
      tpu.enqueue_dma source(%dma_start3A_14 : memref<6400x16xf32, #tpu.memory_space<vmem_shared>>) target(%dma_start3A_12 : memref<6400x16xf32, #tpu.memory_space<hbm>>) target_semaphore(%run_scoped3A : memref<!tpu.dma_semaphore, #tpu.memory_space<semaphore_mem>>)
      %dma_wait3A = arith.constant 0 : i32
      %dma_wait3A_15 = tpu.memref_slice %arg5[%arg0, %mul3A_2, %dma_wait3A] : memref<2x102400x16xf32, #tpu.memory_space<hbm>> -> memref<1x6400x16xf32, #tpu.memory_space<hbm>>
      %dma_wait3A_16 = tpu.memref_squeeze %dma_wait3A_15 : memref<1x6400x16xf32, #tpu.memory_space<hbm>> -> memref<6400x16xf32, #tpu.memory_space<hbm>>
      %dma_wait3A_17 = arith.constant 0 : i32
      %dma_wait3A_18 = tpu.memref_slice %arg9[%mul3A_2, %dma_wait3A_17] : memref<102400x16xf32, #tpu.memory_space<vmem_shared>> -> memref<6400x16xf32, #tpu.memory_space<vmem_shared>>
      tpu.wait_dma2 semaphore(%run_scoped3A : memref<!tpu.dma_semaphore, #tpu.memory_space<semaphore_mem>>) src(%dma_wait3A_18 : memref<6400x16xf32, #tpu.memory_space<vmem_shared>>) dst(%dma_wait3A_16 : memref<6400x16xf32, #tpu.memory_space<hbm>>)
      tpu.yield
    }) : () -> ()
    return
  }
}

module attributes {stable_mosaic.version = 14 : i64} {
  func.func @_t1_body(%arg0: i32, %arg1: memref<1x1600x128xf32, #tpu.memory_space<vmem>>, %arg2: memref<1x1600x128xf32, #tpu.memory_space<vmem>>, %arg3: memref<1600x34xf32, #tpu.memory_space<vmem>>, %arg4: memref<1600x34xf32, #tpu.memory_space<vmem>>, %arg5: memref<1600x34xf32, #tpu.memory_space<vmem>>, %arg6: memref<1600x34xf32, #tpu.memory_space<vmem>>, %arg7: memref<1600x34xf32, #tpu.memory_space<vmem>>, %arg8: memref<1600x34xf32, #tpu.memory_space<vmem>>, %arg9: memref<1600x34xf32, #tpu.memory_space<vmem>>, %arg10: memref<1600x34xf32, #tpu.memory_space<vmem>>, %arg11: memref<34x16xf32, #tpu.memory_space<vmem>>, %arg12: memref<1600x128xf32, #tpu.memory_space<vmem>>, %arg13: memref<1600x128xf32, #tpu.memory_space<vmem>>) attributes {dimension_semantics = [#tpu.dimension_semantics<arbitrary>], iteration_bounds = array<i64: 8>, scalar_prefetch = 0 : i64, scratch_operands = 0 : i64, tpu.core_type = #tpu.core_type<tc>, window_params = [{transform_indices = @transform_0, window_bounds = array<i64: 1, 1600, 128>}, {transform_indices = @transform_1, window_bounds = array<i64: 1, 1600, 128>}, {transform_indices = @transform_2, window_bounds = array<i64: 1600, 34>}, {transform_indices = @transform_3, window_bounds = array<i64: 1600, 34>}, {transform_indices = @transform_4, window_bounds = array<i64: 1600, 34>}, {transform_indices = @transform_5, window_bounds = array<i64: 1600, 34>}, {transform_indices = @transform_6, window_bounds = array<i64: 1600, 34>}, {transform_indices = @transform_7, window_bounds = array<i64: 1600, 34>}, {transform_indices = @transform_8, window_bounds = array<i64: 1600, 34>}, {transform_indices = @transform_9, window_bounds = array<i64: 1600, 34>}, {pipeline_mode = #tpu.pipeline_mode<synchronous>, transform_indices = @transform_10, window_bounds = array<i64: 34, 16>}, {transform_indices = @transform_11, window_bounds = array<i64: 1600, 128>}, {transform_indices = @transform_12, window_bounds = array<i64: 1600, 128>}]} {
    %get3A = arith.constant 0 : index
    %get3A_0 = arith.constant 0 : index
    %get3A_1 = arith.constant 0 : index
    %get3A_2 = vector.load %arg1[%get3A, %get3A_0, %get3A_1] : memref<1x1600x128xf32, #tpu.memory_space<vmem>>, vector<1x1600x128xf32>
    %get3A_3 = vector.shape_cast %get3A_2 : vector<1x1600x128xf32> to vector<1600x128xf32>
    %get3A_4 = arith.constant 0 : index
    %get3A_5 = arith.constant 0 : index
    %get3A_6 = arith.constant 0 : index
    %get3A_7 = vector.load %arg2[%get3A_4, %get3A_5, %get3A_6] : memref<1x1600x128xf32, #tpu.memory_space<vmem>>, vector<1x1600x128xf32>
    %get3A_8 = vector.shape_cast %get3A_7 : vector<1x1600x128xf32> to vector<1600x128xf32>
    %add3A = arith.addf %get3A_3, %get3A_8 : vector<1600x128xf32>
    %sub3A = arith.constant 1.000000e+00 : f32
    %sub3A_9 = vector.broadcast %sub3A : f32 to vector<1600x128xf32>
    %sub3A_10 = arith.subf %add3A, %sub3A_9 : vector<1600x128xf32>
    %rsqrt3A = math.rsqrt %sub3A_10 : vector<1600x128xf32>
    %swap3A = arith.constant 0 : index
    %swap3A_11 = arith.constant 0 : index
    %swap3A_12 = vector.load %arg12[%swap3A, %swap3A_11] : memref<1600x128xf32, #tpu.memory_space<vmem>>, vector<1600x128xf32>
    tpu.vector_store %arg12[%swap3A, %swap3A_11], %rsqrt3A {strides = array<i32>} : memref<1600x128xf32, #tpu.memory_space<vmem>>, vector<1600x128xf32>,
    %get3A_13 = arith.constant 0 : index
    %get3A_14 = arith.constant 0 : index
    %get3A_15 = vector.load %arg3[%get3A_13, %get3A_14] : memref<1600x34xf32, #tpu.memory_space<vmem>>, vector<1600x34xf32>
    %get3A_16 = arith.constant 0 : index
    %get3A_17 = arith.constant 0 : index
    %get3A_18 = vector.load %arg11[%get3A_16, %get3A_17] : memref<34x16xf32, #tpu.memory_space<vmem>>, vector<34x16xf32>
    %dot_general3A = arith.constant dense<0.000000e+00> : vector<1600x16xf32>
    %dot_general3A_19 = tpu.matmul %get3A_15, %get3A_18, %dot_general3A {dimension_numbers = #tpu.dot_dimension_numbers<[1], [0], [0], [1], [0, 0, 1, 1], [], []>, transpose_lhs_hint = false} : vector<1600x34xf32>, vector<34x16xf32>, vector<1600x16xf32> -> vector<1600x16xf32>
    %get3A_20 = arith.constant 0 : index
    %get3A_21 = arith.constant 0 : index
    %get3A_22 = vector.load %arg4[%get3A_20, %get3A_21] : memref<1600x34xf32, #tpu.memory_space<vmem>>, vector<1600x34xf32>
    %get3A_23 = arith.constant 0 : index
    %get3A_24 = arith.constant 0 : index
    %get3A_25 = vector.load %arg11[%get3A_23, %get3A_24] : memref<34x16xf32, #tpu.memory_space<vmem>>, vector<34x16xf32>
    %dot_general3A_26 = arith.constant dense<0.000000e+00> : vector<1600x16xf32>
    %dot_general3A_27 = tpu.matmul %get3A_22, %get3A_25, %dot_general3A_26 {dimension_numbers = #tpu.dot_dimension_numbers<[1], [0], [0], [1], [0, 0, 1, 1], [], []>, transpose_lhs_hint = false} : vector<1600x34xf32>, vector<34x16xf32>, vector<1600x16xf32> -> vector<1600x16xf32>
    %get3A_28 = arith.constant 0 : index
    %get3A_29 = arith.constant 0 : index
    %get3A_30 = vector.load %arg5[%get3A_28, %get3A_29] : memref<1600x34xf32, #tpu.memory_space<vmem>>, vector<1600x34xf32>
    %get3A_31 = arith.constant 0 : index
    %get3A_32 = arith.constant 0 : index
    %get3A_33 = vector.load %arg11[%get3A_31, %get3A_32] : memref<34x16xf32, #tpu.memory_space<vmem>>, vector<34x16xf32>
    %dot_general3A_34 = arith.constant dense<0.000000e+00> : vector<1600x16xf32>
    %dot_general3A_35 = tpu.matmul %get3A_30, %get3A_33, %dot_general3A_34 {dimension_numbers = #tpu.dot_dimension_numbers<[1], [0], [0], [1], [0, 0, 1, 1], [], []>, transpose_lhs_hint = false} : vector<1600x34xf32>, vector<34x16xf32>, vector<1600x16xf32> -> vector<1600x16xf32>
    %get3A_36 = arith.constant 0 : index
    %get3A_37 = arith.constant 0 : index
    %get3A_38 = vector.load %arg6[%get3A_36, %get3A_37] : memref<1600x34xf32, #tpu.memory_space<vmem>>, vector<1600x34xf32>
    %get3A_39 = arith.constant 0 : index
    %get3A_40 = arith.constant 0 : index
    %get3A_41 = vector.load %arg11[%get3A_39, %get3A_40] : memref<34x16xf32, #tpu.memory_space<vmem>>, vector<34x16xf32>
    %dot_general3A_42 = arith.constant dense<0.000000e+00> : vector<1600x16xf32>
    %dot_general3A_43 = tpu.matmul %get3A_38, %get3A_41, %dot_general3A_42 {dimension_numbers = #tpu.dot_dimension_numbers<[1], [0], [0], [1], [0, 0, 1, 1], [], []>, transpose_lhs_hint = false} : vector<1600x34xf32>, vector<34x16xf32>, vector<1600x16xf32> -> vector<1600x16xf32>
    %get3A_44 = arith.constant 0 : index
    %get3A_45 = arith.constant 0 : index
    %get3A_46 = vector.load %arg7[%get3A_44, %get3A_45] : memref<1600x34xf32, #tpu.memory_space<vmem>>, vector<1600x34xf32>
    %get3A_47 = arith.constant 0 : index
    %get3A_48 = arith.constant 0 : index
    %get3A_49 = vector.load %arg11[%get3A_47, %get3A_48] : memref<34x16xf32, #tpu.memory_space<vmem>>, vector<34x16xf32>
    %dot_general3A_50 = arith.constant dense<0.000000e+00> : vector<1600x16xf32>
    %dot_general3A_51 = tpu.matmul %get3A_46, %get3A_49, %dot_general3A_50 {dimension_numbers = #tpu.dot_dimension_numbers<[1], [0], [0], [1], [0, 0, 1, 1], [], []>, transpose_lhs_hint = false} : vector<1600x34xf32>, vector<34x16xf32>, vector<1600x16xf32> -> vector<1600x16xf32>
    %get3A_52 = arith.constant 0 : index
    %get3A_53 = arith.constant 0 : index
    %get3A_54 = vector.load %arg8[%get3A_52, %get3A_53] : memref<1600x34xf32, #tpu.memory_space<vmem>>, vector<1600x34xf32>
    %get3A_55 = arith.constant 0 : index
    %get3A_56 = arith.constant 0 : index
    %get3A_57 = vector.load %arg11[%get3A_55, %get3A_56] : memref<34x16xf32, #tpu.memory_space<vmem>>, vector<34x16xf32>
    %dot_general3A_58 = arith.constant dense<0.000000e+00> : vector<1600x16xf32>
    %dot_general3A_59 = tpu.matmul %get3A_54, %get3A_57, %dot_general3A_58 {dimension_numbers = #tpu.dot_dimension_numbers<[1], [0], [0], [1], [0, 0, 1, 1], [], []>, transpose_lhs_hint = false} : vector<1600x34xf32>, vector<34x16xf32>, vector<1600x16xf32> -> vector<1600x16xf32>
    %get3A_60 = arith.constant 0 : index
    %get3A_61 = arith.constant 0 : index
    %get3A_62 = vector.load %arg9[%get3A_60, %get3A_61] : memref<1600x34xf32, #tpu.memory_space<vmem>>, vector<1600x34xf32>
    %get3A_63 = arith.constant 0 : index
    %get3A_64 = arith.constant 0 : index
    %get3A_65 = vector.load %arg11[%get3A_63, %get3A_64] : memref<34x16xf32, #tpu.memory_space<vmem>>, vector<34x16xf32>
    %dot_general3A_66 = arith.constant dense<0.000000e+00> : vector<1600x16xf32>
    %dot_general3A_67 = tpu.matmul %get3A_62, %get3A_65, %dot_general3A_66 {dimension_numbers = #tpu.dot_dimension_numbers<[1], [0], [0], [1], [0, 0, 1, 1], [], []>, transpose_lhs_hint = false} : vector<1600x34xf32>, vector<34x16xf32>, vector<1600x16xf32> -> vector<1600x16xf32>
    %get3A_68 = arith.constant 0 : index
    %get3A_69 = arith.constant 0 : index
    %get3A_70 = vector.load %arg10[%get3A_68, %get3A_69] : memref<1600x34xf32, #tpu.memory_space<vmem>>, vector<1600x34xf32>
    %get3A_71 = arith.constant 0 : index
    %get3A_72 = arith.constant 0 : index
    %get3A_73 = vector.load %arg11[%get3A_71, %get3A_72] : memref<34x16xf32, #tpu.memory_space<vmem>>, vector<34x16xf32>
    %dot_general3A_74 = arith.constant dense<0.000000e+00> : vector<1600x16xf32>
    %dot_general3A_75 = tpu.matmul %get3A_70, %get3A_73, %dot_general3A_74 {dimension_numbers = #tpu.dot_dimension_numbers<[1], [0], [0], [1], [0, 0, 1, 1], [], []>, transpose_lhs_hint = false} : vector<1600x34xf32>, vector<34x16xf32>, vector<1600x16xf32> -> vector<1600x16xf32>
    %concatenate3A = tpu.concatenate %dot_general3A_19, %dot_general3A_27, %dot_general3A_35, %dot_general3A_43, %dot_general3A_51, %dot_general3A_59, %dot_general3A_67, %dot_general3A_75 in 1 : vector<1600x16xf32>, vector<1600x16xf32>, vector<1600x16xf32>, vector<1600x16xf32>, vector<1600x16xf32>, vector<1600x16xf32>, vector<1600x16xf32>, vector<1600x16xf32> -> vector<1600x128xf32>
    %mul3A = arith.mulf %concatenate3A, %rsqrt3A : vector<1600x128xf32>
    %swap3A_76 = arith.constant 0 : index
    %swap3A_77 = arith.constant 0 : index
    %swap3A_78 = vector.load %arg13[%swap3A_76, %swap3A_77] : memref<1600x128xf32, #tpu.memory_space<vmem>>, vector<1600x128xf32>
    tpu.vector_store %arg13[%swap3A_76, %swap3A_77], %mul3A {strides = array<i32>} : memref<1600x128xf32, #tpu.memory_space<vmem>>, vector<1600x128xf32>,
    return
  }
  func.func @transform_0(%arg0: i32) -> (i32, i32, i32) {
    %c0_i32 = arith.constant 0 : i32
    %c0_i32_0 = arith.constant 0 : i32
    %c0_i32_1 = arith.constant 0 : i32
    return %c0_i32, %arg0, %c0_i32_0 : i32, i32, i32
  }
  func.func @transform_1(%arg0: i32) -> (i32, i32, i32) {
    %c1_i32 = arith.constant 1 : i32
    %c0_i32 = arith.constant 0 : i32
    %c0_i32_0 = arith.constant 0 : i32
    return %c1_i32, %arg0, %c0_i32 : i32, i32, i32
  }
  func.func @transform_2(%arg0: i32) -> (i32, i32) {
    %add3A = arith.constant 0 : i32
    %add3A_0 = arith.addi %add3A, %arg0 : i32
    %c0_i32 = arith.constant 0 : i32
    %c0_i32_1 = arith.constant 0 : i32
    return %add3A_0, %c0_i32 : i32, i32
  }
  func.func @transform_3(%arg0: i32) -> (i32, i32) {
    %add3A = arith.constant 8 : i32
    %add3A_0 = arith.addi %add3A, %arg0 : i32
    %c0_i32 = arith.constant 0 : i32
    %c0_i32_1 = arith.constant 0 : i32
    return %add3A_0, %c0_i32 : i32, i32
  }
  func.func @transform_4(%arg0: i32) -> (i32, i32) {
    %add3A = arith.constant 16 : i32
    %add3A_0 = arith.addi %add3A, %arg0 : i32
    %c0_i32 = arith.constant 0 : i32
    %c0_i32_1 = arith.constant 0 : i32
    return %add3A_0, %c0_i32 : i32, i32
  }
  func.func @transform_5(%arg0: i32) -> (i32, i32) {
    %add3A = arith.constant 24 : i32
    %add3A_0 = arith.addi %add3A, %arg0 : i32
    %c0_i32 = arith.constant 0 : i32
    %c0_i32_1 = arith.constant 0 : i32
    return %add3A_0, %c0_i32 : i32, i32
  }
  func.func @transform_6(%arg0: i32) -> (i32, i32) {
    %add3A = arith.constant 32 : i32
    %add3A_0 = arith.addi %add3A, %arg0 : i32
    %c0_i32 = arith.constant 0 : i32
    %c0_i32_1 = arith.constant 0 : i32
    return %add3A_0, %c0_i32 : i32, i32
  }
  func.func @transform_7(%arg0: i32) -> (i32, i32) {
    %add3A = arith.constant 40 : i32
    %add3A_0 = arith.addi %add3A, %arg0 : i32
    %c0_i32 = arith.constant 0 : i32
    %c0_i32_1 = arith.constant 0 : i32
    return %add3A_0, %c0_i32 : i32, i32
  }
  func.func @transform_8(%arg0: i32) -> (i32, i32) {
    %add3A = arith.constant 48 : i32
    %add3A_0 = arith.addi %add3A, %arg0 : i32
    %c0_i32 = arith.constant 0 : i32
    %c0_i32_1 = arith.constant 0 : i32
    return %add3A_0, %c0_i32 : i32, i32
  }
  func.func @transform_9(%arg0: i32) -> (i32, i32) {
    %add3A = arith.constant 56 : i32
    %add3A_0 = arith.addi %add3A, %arg0 : i32
    %c0_i32 = arith.constant 0 : i32
    %c0_i32_1 = arith.constant 0 : i32
    return %add3A_0, %c0_i32 : i32, i32
  }
  func.func @transform_10(%arg0: i32) -> (i32, i32) {
    %c0_i32 = arith.constant 0 : i32
    %c0_i32_0 = arith.constant 0 : i32
    %c0_i32_1 = arith.constant 0 : i32
    return %c0_i32, %c0_i32_0 : i32, i32
  }
  func.func @transform_11(%arg0: i32) -> (i32, i32) {
    %c0_i32 = arith.constant 0 : i32
    %c0_i32_0 = arith.constant 0 : i32
    return %arg0, %c0_i32 : i32, i32
  }
  func.func @transform_12(%arg0: i32) -> (i32, i32) {
    %c0_i32 = arith.constant 0 : i32
    %c0_i32_0 = arith.constant 0 : i32
    return %arg0, %c0_i32 : i32, i32
  }
}

module attributes {stable_mosaic.version = 14 : i64} {
  func.func @_tmid_body(%arg0: i32, %arg1: memref<256x128xf32, #tpu.memory_space<vmem>>, %arg2: memref<1x256x128xf32, #tpu.memory_space<vmem>>, %arg3: memref<1x256x128xf32, #tpu.memory_space<vmem>>, %arg4: memref<1x128xf32, #tpu.memory_space<vmem>>, %arg5: memref<256x128xf32, #tpu.memory_space<vmem>>, %arg6: memref<128x128xf32, #tpu.memory_space<vmem>>, %arg7: memref<256x128xf32, #tpu.memory_space<vmem>>) attributes {dimension_semantics = [#tpu.dimension_semantics<arbitrary>], iteration_bounds = array<i64: 50>, scalar_prefetch = 0 : i64, scratch_operands = 0 : i64, tpu.core_type = #tpu.core_type<tc>, window_params = [{transform_indices = @transform_0, window_bounds = array<i64: 256, 128>}, {transform_indices = @transform_1, window_bounds = array<i64: 1, 256, 128>}, {transform_indices = @transform_2, window_bounds = array<i64: 1, 256, 128>}, {pipeline_mode = #tpu.pipeline_mode<synchronous>, transform_indices = @transform_3, window_bounds = array<i64: 1, 128>}, {transform_indices = @transform_4, window_bounds = array<i64: 256, 128>}, {pipeline_mode = #tpu.pipeline_mode<synchronous>, transform_indices = @transform_5, window_bounds = array<i64: 128, 128>}, {transform_indices = @transform_6, window_bounds = array<i64: 256, 128>}]} {
    %get3A = arith.constant 0 : index
    %get3A_0 = arith.constant 0 : index
    %get3A_1 = arith.constant 0 : index
    %get3A_2 = vector.load %arg2[%get3A, %get3A_0, %get3A_1] : memref<1x256x128xf32, #tpu.memory_space<vmem>>, vector<1x256x128xf32>
    %get3A_3 = vector.shape_cast %get3A_2 : vector<1x256x128xf32> to vector<256x128xf32>
    %get3A_4 = arith.constant 0 : index
    %get3A_5 = arith.constant 0 : index
    %get3A_6 = arith.constant 0 : index
    %get3A_7 = vector.load %arg3[%get3A_4, %get3A_5, %get3A_6] : memref<1x256x128xf32, #tpu.memory_space<vmem>>, vector<1x256x128xf32>
    %get3A_8 = vector.shape_cast %get3A_7 : vector<1x256x128xf32> to vector<256x128xf32>
    %add3A = arith.addf %get3A_3, %get3A_8 : vector<256x128xf32>
    %get3A_9 = arith.constant 0 : index
    %get3A_10 = arith.constant 0 : index
    %get3A_11 = vector.load %arg1[%get3A_9, %get3A_10] : memref<256x128xf32, #tpu.memory_space<vmem>>, vector<256x128xf32>
    %sub3A = arith.subf %add3A, %get3A_11 : vector<256x128xf32>
    %get3A_12 = arith.constant 0 : index
    %get3A_13 = arith.constant 0 : index
    %get3A_14 = vector.load %arg5[%get3A_12, %get3A_13] : memref<256x128xf32, #tpu.memory_space<vmem>>, vector<256x128xf32>
    %mul3A = arith.mulf %get3A_14, %sub3A : vector<256x128xf32>
    %get3A_15 = arith.constant 0 : index
    %get3A_16 = arith.constant 0 : index
    %get3A_17 = vector.load %arg4[%get3A_15, %get3A_16] : memref<1x128xf32, #tpu.memory_space<vmem>>, vector<1x128xf32>
    %add3A_18 = vector.broadcast %get3A_17 : vector<1x128xf32> to vector<256x128xf32>
    %add3A_19 = arith.addf %mul3A, %add3A_18 : vector<256x128xf32>
    %tanh3A = math.tanh %add3A_19 : vector<256x128xf32>
    %get3A_20 = arith.constant 0 : index
    %get3A_21 = arith.constant 0 : index
    %get3A_22 = vector.load %arg6[%get3A_20, %get3A_21] : memref<128x128xf32, #tpu.memory_space<vmem>>, vector<128x128xf32>
    %dot_general3A = arith.constant dense<0.000000e+00> : vector<256x128xf32>
    %dot_general3A_23 = tpu.matmul %tanh3A, %get3A_22, %dot_general3A {dimension_numbers = #tpu.dot_dimension_numbers<[1], [0], [0], [1], [0, 0, 1, 1], [], []>, transpose_lhs_hint = false} : vector<256x128xf32>, vector<128x128xf32>, vector<256x128xf32> -> vector<256x128xf32>
    %get3A_24 = arith.constant 0 : index
    %get3A_25 = arith.constant 0 : index
    %get3A_26 = vector.load %arg5[%get3A_24, %get3A_25] : memref<256x128xf32, #tpu.memory_space<vmem>>, vector<256x128xf32>
    %mul3A_27 = arith.mulf %dot_general3A_23, %get3A_26 : vector<256x128xf32>
    %swap3A = arith.constant 0 : index
    %swap3A_28 = arith.constant 0 : index
    %swap3A_29 = vector.load %arg7[%swap3A, %swap3A_28] : memref<256x128xf32, #tpu.memory_space<vmem>>, vector<256x128xf32>
    tpu.vector_store %arg7[%swap3A, %swap3A_28], %mul3A_27 {strides = array<i32>} : memref<256x128xf32, #tpu.memory_space<vmem>>, vector<256x128xf32>,
    return
  }
  func.func @transform_0(%arg0: i32) -> (i32, i32) {
    %c0_i32 = arith.constant 0 : i32
    %c0_i32_0 = arith.constant 0 : i32
    return %arg0, %c0_i32 : i32, i32
  }
  func.func @transform_1(%arg0: i32) -> (i32, i32, i32) {
    %c0_i32 = arith.constant 0 : i32
    %c0_i32_0 = arith.constant 0 : i32
    %c0_i32_1 = arith.constant 0 : i32
    return %c0_i32, %arg0, %c0_i32_0 : i32, i32, i32
  }
  func.func @transform_2(%arg0: i32) -> (i32, i32, i32) {
    %c1_i32 = arith.constant 1 : i32
    %c0_i32 = arith.constant 0 : i32
    %c0_i32_0 = arith.constant 0 : i32
    return %c1_i32, %arg0, %c0_i32 : i32, i32, i32
  }
  func.func @transform_3(%arg0: i32) -> (i32, i32) {
    %c0_i32 = arith.constant 0 : i32
    %c0_i32_0 = arith.constant 0 : i32
    %c0_i32_1 = arith.constant 0 : i32
    return %c0_i32, %c0_i32_0 : i32, i32
  }
  func.func @transform_4(%arg0: i32) -> (i32, i32) {
    %c0_i32 = arith.constant 0 : i32
    %c0_i32_0 = arith.constant 0 : i32
    return %arg0, %c0_i32 : i32, i32
  }
  func.func @transform_5(%arg0: i32) -> (i32, i32) {
    %c0_i32 = arith.constant 0 : i32
    %c0_i32_0 = arith.constant 0 : i32
    %c0_i32_1 = arith.constant 0 : i32
    return %c0_i32, %c0_i32_0 : i32, i32
  }
  func.func @transform_6(%arg0: i32) -> (i32, i32) {
    %c0_i32 = arith.constant 0 : i32
    %c0_i32_0 = arith.constant 0 : i32
    return %arg0, %c0_i32 : i32, i32
  }
}

module attributes {stable_mosaic.version = 14 : i64} {
  func.func @_t4_body(%arg0: i32, %arg1: memref<1600x128xf32, #tpu.memory_space<vmem>>, %arg2: memref<1x1600x128xf32, #tpu.memory_space<vmem>>, %arg3: memref<1x1600x128xf32, #tpu.memory_space<vmem>>, %arg4: memref<1x2xf32, #tpu.memory_space<vmem>>, %arg5: memref<1600x128xf32, #tpu.memory_space<vmem>>, %arg6: memref<2x4xf32, #tpu.memory_space<vmem>>, %arg7: memref<1x4xf32, #tpu.memory_space<vmem>>, %arg8: memref<1600x32xf32, #tpu.memory_space<vmem>>, %arg9: memref<1600x16xf32, #tpu.memory_space<vmem>>) attributes {dimension_semantics = [#tpu.dimension_semantics<arbitrary>], iteration_bounds = array<i64: 8>, scalar_prefetch = 0 : i64, scratch_operands = 0 : i64, tpu.core_type = #tpu.core_type<tc>, window_params = [{transform_indices = @transform_0, window_bounds = array<i64: 1600, 128>}, {transform_indices = @transform_1, window_bounds = array<i64: 1, 1600, 128>}, {transform_indices = @transform_2, window_bounds = array<i64: 1, 1600, 128>}, {pipeline_mode = #tpu.pipeline_mode<synchronous>, transform_indices = @transform_3, window_bounds = array<i64: 1, 2>}, {transform_indices = @transform_4, window_bounds = array<i64: 1600, 128>}, {pipeline_mode = #tpu.pipeline_mode<synchronous>, transform_indices = @transform_5, window_bounds = array<i64: 2, 4>}, {pipeline_mode = #tpu.pipeline_mode<synchronous>, transform_indices = @transform_6, window_bounds = array<i64: 1, 4>}, {transform_indices = @transform_7, window_bounds = array<i64: 1600, 32>}, {transform_indices = @transform_8, window_bounds = array<i64: 1600, 16>}]} {
    %get3A = arith.constant 0 : index
    %get3A_0 = arith.constant 0 : index
    %get3A_1 = vector.load %arg1[%get3A, %get3A_0] : memref<1600x128xf32, #tpu.memory_space<vmem>>, vector<1600x128xf32>
    %get3A_2 = arith.constant 0 : index
    %get3A_3 = arith.constant 0 : index
    %get3A_4 = arith.constant 0 : index
    %get3A_5 = vector.load %arg2[%get3A_2, %get3A_3, %get3A_4] : memref<1x1600x128xf32, #tpu.memory_space<vmem>>, vector<1x1600x128xf32>
    %get3A_6 = vector.shape_cast %get3A_5 : vector<1x1600x128xf32> to vector<1600x128xf32>
    %get3A_7 = arith.constant 0 : index
    %get3A_8 = arith.constant 0 : index
    %get3A_9 = arith.constant 0 : index
    %get3A_10 = vector.load %arg3[%get3A_7, %get3A_8, %get3A_9] : memref<1x1600x128xf32, #tpu.memory_space<vmem>>, vector<1x1600x128xf32>
    %get3A_11 = vector.shape_cast %get3A_10 : vector<1x1600x128xf32> to vector<1600x128xf32>
    %get3A_12 = arith.constant 0 : index
    %get3A_13 = arith.constant 0 : index
    %get3A_14 = vector.load %arg5[%get3A_12, %get3A_13] : memref<1600x128xf32, #tpu.memory_space<vmem>>, vector<1600x128xf32>
    %slice3A = vector.extract_strided_slice %get3A_14 {offsets = [0, 0], sizes = [1600, 1], strides = [1, 1]} : vector<1600x128xf32> to vector<1600x1xf32>
    %slice3A_15 = vector.extract_strided_slice %get3A_6 {offsets = [0, 0], sizes = [1600, 2], strides = [1, 1]} : vector<1600x128xf32> to vector<1600x2xf32>
    %slice3A_16 = vector.extract_strided_slice %get3A_11 {offsets = [0, 0], sizes = [1600, 2], strides = [1, 1]} : vector<1600x128xf32> to vector<1600x2xf32>
    %add3A = arith.addf %slice3A_15, %slice3A_16 : vector<1600x2xf32>
    %slice3A_17 = vector.extract_strided_slice %get3A_1 {offsets = [0, 0], sizes = [1600, 2], strides = [1, 1]} : vector<1600x128xf32> to vector<1600x2xf32>
    %sub3A = arith.subf %add3A, %slice3A_17 : vector<1600x2xf32>
    %mul3A = vector.broadcast %slice3A : vector<1600x1xf32> to vector<1600x2xf32>
    %mul3A_18 = arith.mulf %mul3A, %sub3A : vector<1600x2xf32>
    %get3A_19 = arith.constant 0 : index
    %get3A_20 = arith.constant 0 : index
    %get3A_21 = vector.load %arg4[%get3A_19, %get3A_20] : memref<1x2xf32, #tpu.memory_space<vmem>>, vector<1x2xf32>
    %add3A_22 = vector.broadcast %get3A_21 : vector<1x2xf32> to vector<1600x2xf32>
    %add3A_23 = arith.addf %mul3A_18, %add3A_22 : vector<1600x2xf32>
    %tanh3A = math.tanh %add3A_23 : vector<1600x2xf32>
    %get3A_24 = arith.constant 0 : index
    %get3A_25 = arith.constant 0 : index
    %get3A_26 = vector.load %arg6[%get3A_24, %get3A_25] : memref<2x4xf32, #tpu.memory_space<vmem>>, vector<2x4xf32>
    %dot_general3A = arith.constant dense<0.000000e+00> : vector<1600x4xf32>
    %dot_general3A_27 = tpu.matmul %tanh3A, %get3A_26, %dot_general3A {dimension_numbers = #tpu.dot_dimension_numbers<[1], [0], [0], [1], [0, 0, 1, 1], [], []>, transpose_lhs_hint = false} : vector<1600x2xf32>, vector<2x4xf32>, vector<1600x4xf32> -> vector<1600x4xf32>
    %get3A_28 = arith.constant 0 : index
    %get3A_29 = arith.constant 0 : index
    %get3A_30 = vector.load %arg7[%get3A_28, %get3A_29] : memref<1x4xf32, #tpu.memory_space<vmem>>, vector<1x4xf32>
    %add3A_31 = vector.broadcast %get3A_30 : vector<1x4xf32> to vector<1600x4xf32>
    %add3A_32 = arith.addf %dot_general3A_27, %add3A_31 : vector<1600x4xf32>
    %slice3A_33 = vector.extract_strided_slice %get3A_14 {offsets = [0, 16], sizes = [1600, 1], strides = [1, 1]} : vector<1600x128xf32> to vector<1600x1xf32>
    %slice3A_34 = vector.extract_strided_slice %get3A_6 {offsets = [0, 16], sizes = [1600, 2], strides = [1, 1]} : vector<1600x128xf32> to vector<1600x2xf32>
    %slice3A_35 = vector.extract_strided_slice %get3A_11 {offsets = [0, 16], sizes = [1600, 2], strides = [1, 1]} : vector<1600x128xf32> to vector<1600x2xf32>
    %add3A_36 = arith.addf %slice3A_34, %slice3A_35 : vector<1600x2xf32>
    %slice3A_37 = vector.extract_strided_slice %get3A_1 {offsets = [0, 16], sizes = [1600, 2], strides = [1, 1]} : vector<1600x128xf32> to vector<1600x2xf32>
    %sub3A_38 = arith.subf %add3A_36, %slice3A_37 : vector<1600x2xf32>
    %mul3A_39 = vector.broadcast %slice3A_33 : vector<1600x1xf32> to vector<1600x2xf32>
    %mul3A_40 = arith.mulf %mul3A_39, %sub3A_38 : vector<1600x2xf32>
    %get3A_41 = arith.constant 0 : index
    %get3A_42 = arith.constant 0 : index
    %get3A_43 = vector.load %arg4[%get3A_41, %get3A_42] : memref<1x2xf32, #tpu.memory_space<vmem>>, vector<1x2xf32>
    %add3A_44 = vector.broadcast %get3A_43 : vector<1x2xf32> to vector<1600x2xf32>
    %add3A_45 = arith.addf %mul3A_40, %add3A_44 : vector<1600x2xf32>
    %tanh3A_46 = math.tanh %add3A_45 : vector<1600x2xf32>
    %get3A_47 = arith.constant 0 : index
    %get3A_48 = arith.constant 0 : index
    %get3A_49 = vector.load %arg6[%get3A_47, %get3A_48] : memref<2x4xf32, #tpu.memory_space<vmem>>, vector<2x4xf32>
    %dot_general3A_50 = arith.constant dense<0.000000e+00> : vector<1600x4xf32>
    %dot_general3A_51 = tpu.matmul %tanh3A_46, %get3A_49, %dot_general3A_50 {dimension_numbers = #tpu.dot_dimension_numbers<[1], [0], [0], [1], [0, 0, 1, 1], [], []>, transpose_lhs_hint = false} : vector<1600x2xf32>, vector<2x4xf32>, vector<1600x4xf32> -> vector<1600x4xf32>
    %get3A_52 = arith.constant 0 : index
    %get3A_53 = arith.constant 0 : index
    %get3A_54 = vector.load %arg7[%get3A_52, %get3A_53] : memref<1x4xf32, #tpu.memory_space<vmem>>, vector<1x4xf32>
    %add3A_55 = vector.broadcast %get3A_54 : vector<1x4xf32> to vector<1600x4xf32>
    %add3A_56 = arith.addf %dot_general3A_51, %add3A_55 : vector<1600x4xf32>
    %slice3A_57 = vector.extract_strided_slice %get3A_14 {offsets = [0, 32], sizes = [1600, 1], strides = [1, 1]} : vector<1600x128xf32> to vector<1600x1xf32>
    %slice3A_58 = vector.extract_strided_slice %get3A_6 {offsets = [0, 32], sizes = [1600, 2], strides = [1, 1]} : vector<1600x128xf32> to vector<1600x2xf32>
    %slice3A_59 = vector.extract_strided_slice %get3A_11 {offsets = [0, 32], sizes = [1600, 2], strides = [1, 1]} : vector<1600x128xf32> to vector<1600x2xf32>
    %add3A_60 = arith.addf %slice3A_58, %slice3A_59 : vector<1600x2xf32>
    %slice3A_61 = vector.extract_strided_slice %get3A_1 {offsets = [0, 32], sizes = [1600, 2], strides = [1, 1]} : vector<1600x128xf32> to vector<1600x2xf32>
    %sub3A_62 = arith.subf %add3A_60, %slice3A_61 : vector<1600x2xf32>
    %mul3A_63 = vector.broadcast %slice3A_57 : vector<1600x1xf32> to vector<1600x2xf32>
    %mul3A_64 = arith.mulf %mul3A_63, %sub3A_62 : vector<1600x2xf32>
    %get3A_65 = arith.constant 0 : index
    %get3A_66 = arith.constant 0 : index
    %get3A_67 = vector.load %arg4[%get3A_65, %get3A_66] : memref<1x2xf32, #tpu.memory_space<vmem>>, vector<1x2xf32>
    %add3A_68 = vector.broadcast %get3A_67 : vector<1x2xf32> to vector<1600x2xf32>
    %add3A_69 = arith.addf %mul3A_64, %add3A_68 : vector<1600x2xf32>
    %tanh3A_70 = math.tanh %add3A_69 : vector<1600x2xf32>
    %get3A_71 = arith.constant 0 : index
    %get3A_72 = arith.constant 0 : index
    %get3A_73 = vector.load %arg6[%get3A_71, %get3A_72] : memref<2x4xf32, #tpu.memory_space<vmem>>, vector<2x4xf32>
    %dot_general3A_74 = arith.constant dense<0.000000e+00> : vector<1600x4xf32>
    %dot_general3A_75 = tpu.matmul %tanh3A_70, %get3A_73, %dot_general3A_74 {dimension_numbers = #tpu.dot_dimension_numbers<[1], [0], [0], [1], [0, 0, 1, 1], [], []>, transpose_lhs_hint = false} : vector<1600x2xf32>, vector<2x4xf32>, vector<1600x4xf32> -> vector<1600x4xf32>
    %get3A_76 = arith.constant 0 : index
    %get3A_77 = arith.constant 0 : index
    %get3A_78 = vector.load %arg7[%get3A_76, %get3A_77] : memref<1x4xf32, #tpu.memory_space<vmem>>, vector<1x4xf32>
    %add3A_79 = vector.broadcast %get3A_78 : vector<1x4xf32> to vector<1600x4xf32>
    %add3A_80 = arith.addf %dot_general3A_75, %add3A_79 : vector<1600x4xf32>
    %slice3A_81 = vector.extract_strided_slice %get3A_14 {offsets = [0, 48], sizes = [1600, 1], strides = [1, 1]} : vector<1600x128xf32> to vector<1600x1xf32>
    %slice3A_82 = vector.extract_strided_slice %get3A_6 {offsets = [0, 48], sizes = [1600, 2], strides = [1, 1]} : vector<1600x128xf32> to vector<1600x2xf32>
    %slice3A_83 = vector.extract_strided_slice %get3A_11 {offsets = [0, 48], sizes = [1600, 2], strides = [1, 1]} : vector<1600x128xf32> to vector<1600x2xf32>
    %add3A_84 = arith.addf %slice3A_82, %slice3A_83 : vector<1600x2xf32>
    %slice3A_85 = vector.extract_strided_slice %get3A_1 {offsets = [0, 48], sizes = [1600, 2], strides = [1, 1]} : vector<1600x128xf32> to vector<1600x2xf32>
    %sub3A_86 = arith.subf %add3A_84, %slice3A_85 : vector<1600x2xf32>
    %mul3A_87 = vector.broadcast %slice3A_81 : vector<1600x1xf32> to vector<1600x2xf32>
    %mul3A_88 = arith.mulf %mul3A_87, %sub3A_86 : vector<1600x2xf32>
    %get3A_89 = arith.constant 0 : index
    %get3A_90 = arith.constant 0 : index
    %get3A_91 = vector.load %arg4[%get3A_89, %get3A_90] : memref<1x2xf32, #tpu.memory_space<vmem>>, vector<1x2xf32>
    %add3A_92 = vector.broadcast %get3A_91 : vector<1x2xf32> to vector<1600x2xf32>
    %add3A_93 = arith.addf %mul3A_88, %add3A_92 : vector<1600x2xf32>
    %tanh3A_94 = math.tanh %add3A_93 : vector<1600x2xf32>
    %get3A_95 = arith.constant 0 : index
    %get3A_96 = arith.constant 0 : index
    %get3A_97 = vector.load %arg6[%get3A_95, %get3A_96] : memref<2x4xf32, #tpu.memory_space<vmem>>, vector<2x4xf32>
    %dot_general3A_98 = arith.constant dense<0.000000e+00> : vector<1600x4xf32>
    %dot_general3A_99 = tpu.matmul %tanh3A_94, %get3A_97, %dot_general3A_98 {dimension_numbers = #tpu.dot_dimension_numbers<[1], [0], [0], [1], [0, 0, 1, 1], [], []>, transpose_lhs_hint = false} : vector<1600x2xf32>, vector<2x4xf32>, vector<1600x4xf32> -> vector<1600x4xf32>
    %get3A_100 = arith.constant 0 : index
    %get3A_101 = arith.constant 0 : index
    %get3A_102 = vector.load %arg7[%get3A_100, %get3A_101] : memref<1x4xf32, #tpu.memory_space<vmem>>, vector<1x4xf32>
    %add3A_103 = vector.broadcast %get3A_102 : vector<1x4xf32> to vector<1600x4xf32>
    %add3A_104 = arith.addf %dot_general3A_99, %add3A_103 : vector<1600x4xf32>
    %slice3A_105 = vector.extract_strided_slice %get3A_14 {offsets = [0, 64], sizes = [1600, 1], strides = [1, 1]} : vector<1600x128xf32> to vector<1600x1xf32>
    %slice3A_106 = vector.extract_strided_slice %get3A_6 {offsets = [0, 64], sizes = [1600, 2], strides = [1, 1]} : vector<1600x128xf32> to vector<1600x2xf32>
    %slice3A_107 = vector.extract_strided_slice %get3A_11 {offsets = [0, 64], sizes = [1600, 2], strides = [1, 1]} : vector<1600x128xf32> to vector<1600x2xf32>
    %add3A_108 = arith.addf %slice3A_106, %slice3A_107 : vector<1600x2xf32>
    %slice3A_109 = vector.extract_strided_slice %get3A_1 {offsets = [0, 64], sizes = [1600, 2], strides = [1, 1]} : vector<1600x128xf32> to vector<1600x2xf32>
    %sub3A_110 = arith.subf %add3A_108, %slice3A_109 : vector<1600x2xf32>
    %mul3A_111 = vector.broadcast %slice3A_105 : vector<1600x1xf32> to vector<1600x2xf32>
    %mul3A_112 = arith.mulf %mul3A_111, %sub3A_110 : vector<1600x2xf32>
    %get3A_113 = arith.constant 0 : index
    %get3A_114 = arith.constant 0 : index
    %get3A_115 = vector.load %arg4[%get3A_113, %get3A_114] : memref<1x2xf32, #tpu.memory_space<vmem>>, vector<1x2xf32>
    %add3A_116 = vector.broadcast %get3A_115 : vector<1x2xf32> to vector<1600x2xf32>
    %add3A_117 = arith.addf %mul3A_112, %add3A_116 : vector<1600x2xf32>
    %tanh3A_118 = math.tanh %add3A_117 : vector<1600x2xf32>
    %get3A_119 = arith.constant 0 : index
    %get3A_120 = arith.constant 0 : index
    %get3A_121 = vector.load %arg6[%get3A_119, %get3A_120] : memref<2x4xf32, #tpu.memory_space<vmem>>, vector<2x4xf32>
    %dot_general3A_122 = arith.constant dense<0.000000e+00> : vector<1600x4xf32>
    %dot_general3A_123 = tpu.matmul %tanh3A_118, %get3A_121, %dot_general3A_122 {dimension_numbers = #tpu.dot_dimension_numbers<[1], [0], [0], [1], [0, 0, 1, 1], [], []>, transpose_lhs_hint = false} : vector<1600x2xf32>, vector<2x4xf32>, vector<1600x4xf32> -> vector<1600x4xf32>
    %get3A_124 = arith.constant 0 : index
    %get3A_125 = arith.constant 0 : index
    %get3A_126 = vector.load %arg7[%get3A_124, %get3A_125] : memref<1x4xf32, #tpu.memory_space<vmem>>, vector<1x4xf32>
    %add3A_127 = vector.broadcast %get3A_126 : vector<1x4xf32> to vector<1600x4xf32>
    %add3A_128 = arith.addf %dot_general3A_123, %add3A_127 : vector<1600x4xf32>
    %slice3A_129 = vector.extract_strided_slice %get3A_14 {offsets = [0, 80], sizes = [1600, 1], strides = [1, 1]} : vector<1600x128xf32> to vector<1600x1xf32>
    %slice3A_130 = vector.extract_strided_slice %get3A_6 {offsets = [0, 80], sizes = [1600, 2], strides = [1, 1]} : vector<1600x128xf32> to vector<1600x2xf32>
    %slice3A_131 = vector.extract_strided_slice %get3A_11 {offsets = [0, 80], sizes = [1600, 2], strides = [1, 1]} : vector<1600x128xf32> to vector<1600x2xf32>
    %add3A_132 = arith.addf %slice3A_130, %slice3A_131 : vector<1600x2xf32>
    %slice3A_133 = vector.extract_strided_slice %get3A_1 {offsets = [0, 80], sizes = [1600, 2], strides = [1, 1]} : vector<1600x128xf32> to vector<1600x2xf32>
    %sub3A_134 = arith.subf %add3A_132, %slice3A_133 : vector<1600x2xf32>
    %mul3A_135 = vector.broadcast %slice3A_129 : vector<1600x1xf32> to vector<1600x2xf32>
    %mul3A_136 = arith.mulf %mul3A_135, %sub3A_134 : vector<1600x2xf32>
    %get3A_137 = arith.constant 0 : index
    %get3A_138 = arith.constant 0 : index
    %get3A_139 = vector.load %arg4[%get3A_137, %get3A_138] : memref<1x2xf32, #tpu.memory_space<vmem>>, vector<1x2xf32>
    %add3A_140 = vector.broadcast %get3A_139 : vector<1x2xf32> to vector<1600x2xf32>
    %add3A_141 = arith.addf %mul3A_136, %add3A_140 : vector<1600x2xf32>
    %tanh3A_142 = math.tanh %add3A_141 : vector<1600x2xf32>
    %get3A_143 = arith.constant 0 : index
    %get3A_144 = arith.constant 0 : index
    %get3A_145 = vector.load %arg6[%get3A_143, %get3A_144] : memref<2x4xf32, #tpu.memory_space<vmem>>, vector<2x4xf32>
    %dot_general3A_146 = arith.constant dense<0.000000e+00> : vector<1600x4xf32>
    %dot_general3A_147 = tpu.matmul %tanh3A_142, %get3A_145, %dot_general3A_146 {dimension_numbers = #tpu.dot_dimension_numbers<[1], [0], [0], [1], [0, 0, 1, 1], [], []>, transpose_lhs_hint = false} : vector<1600x2xf32>, vector<2x4xf32>, vector<1600x4xf32> -> vector<1600x4xf32>
    %get3A_148 = arith.constant 0 : index
    %get3A_149 = arith.constant 0 : index
    %get3A_150 = vector.load %arg7[%get3A_148, %get3A_149] : memref<1x4xf32, #tpu.memory_space<vmem>>, vector<1x4xf32>
    %add3A_151 = vector.broadcast %get3A_150 : vector<1x4xf32> to vector<1600x4xf32>
    %add3A_152 = arith.addf %dot_general3A_147, %add3A_151 : vector<1600x4xf32>
    %slice3A_153 = vector.extract_strided_slice %get3A_14 {offsets = [0, 96], sizes = [1600, 1], strides = [1, 1]} : vector<1600x128xf32> to vector<1600x1xf32>
    %slice3A_154 = vector.extract_strided_slice %get3A_6 {offsets = [0, 96], sizes = [1600, 2], strides = [1, 1]} : vector<1600x128xf32> to vector<1600x2xf32>
    %slice3A_155 = vector.extract_strided_slice %get3A_11 {offsets = [0, 96], sizes = [1600, 2], strides = [1, 1]} : vector<1600x128xf32> to vector<1600x2xf32>
    %add3A_156 = arith.addf %slice3A_154, %slice3A_155 : vector<1600x2xf32>
    %slice3A_157 = vector.extract_strided_slice %get3A_1 {offsets = [0, 96], sizes = [1600, 2], strides = [1, 1]} : vector<1600x128xf32> to vector<1600x2xf32>
    %sub3A_158 = arith.subf %add3A_156, %slice3A_157 : vector<1600x2xf32>
    %mul3A_159 = vector.broadcast %slice3A_153 : vector<1600x1xf32> to vector<1600x2xf32>
    %mul3A_160 = arith.mulf %mul3A_159, %sub3A_158 : vector<1600x2xf32>
    %get3A_161 = arith.constant 0 : index
    %get3A_162 = arith.constant 0 : index
    %get3A_163 = vector.load %arg4[%get3A_161, %get3A_162] : memref<1x2xf32, #tpu.memory_space<vmem>>, vector<1x2xf32>
    %add3A_164 = vector.broadcast %get3A_163 : vector<1x2xf32> to vector<1600x2xf32>
    %add3A_165 = arith.addf %mul3A_160, %add3A_164 : vector<1600x2xf32>
    %tanh3A_166 = math.tanh %add3A_165 : vector<1600x2xf32>
    %get3A_167 = arith.constant 0 : index
    %get3A_168 = arith.constant 0 : index
    %get3A_169 = vector.load %arg6[%get3A_167, %get3A_168] : memref<2x4xf32, #tpu.memory_space<vmem>>, vector<2x4xf32>
    %dot_general3A_170 = arith.constant dense<0.000000e+00> : vector<1600x4xf32>
    %dot_general3A_171 = tpu.matmul %tanh3A_166, %get3A_169, %dot_general3A_170 {dimension_numbers = #tpu.dot_dimension_numbers<[1], [0], [0], [1], [0, 0, 1, 1], [], []>, transpose_lhs_hint = false} : vector<1600x2xf32>, vector<2x4xf32>, vector<1600x4xf32> -> vector<1600x4xf32>
    %get3A_172 = arith.constant 0 : index
    %get3A_173 = arith.constant 0 : index
    %get3A_174 = vector.load %arg7[%get3A_172, %get3A_173] : memref<1x4xf32, #tpu.memory_space<vmem>>, vector<1x4xf32>
    %add3A_175 = vector.broadcast %get3A_174 : vector<1x4xf32> to vector<1600x4xf32>
    %add3A_176 = arith.addf %dot_general3A_171, %add3A_175 : vector<1600x4xf32>
    %slice3A_177 = vector.extract_strided_slice %get3A_14 {offsets = [0, 112], sizes = [1600, 1], strides = [1, 1]} : vector<1600x128xf32> to vector<1600x1xf32>
    %slice3A_178 = vector.extract_strided_slice %get3A_6 {offsets = [0, 112], sizes = [1600, 2], strides = [1, 1]} : vector<1600x128xf32> to vector<1600x2xf32>
    %slice3A_179 = vector.extract_strided_slice %get3A_11 {offsets = [0, 112], sizes = [1600, 2], strides = [1, 1]} : vector<1600x128xf32> to vector<1600x2xf32>
    %add3A_180 = arith.addf %slice3A_178, %slice3A_179 : vector<1600x2xf32>
    %slice3A_181 = vector.extract_strided_slice %get3A_1 {offsets = [0, 112], sizes = [1600, 2], strides = [1, 1]} : vector<1600x128xf32> to vector<1600x2xf32>
    %sub3A_182 = arith.subf %add3A_180, %slice3A_181 : vector<1600x2xf32>
    %mul3A_183 = vector.broadcast %slice3A_177 : vector<1600x1xf32> to vector<1600x2xf32>
    %mul3A_184 = arith.mulf %mul3A_183, %sub3A_182 : vector<1600x2xf32>
    %get3A_185 = arith.constant 0 : index
    %get3A_186 = arith.constant 0 : index
    %get3A_187 = vector.load %arg4[%get3A_185, %get3A_186] : memref<1x2xf32, #tpu.memory_space<vmem>>, vector<1x2xf32>
    %add3A_188 = vector.broadcast %get3A_187 : vector<1x2xf32> to vector<1600x2xf32>
    %add3A_189 = arith.addf %mul3A_184, %add3A_188 : vector<1600x2xf32>
    %tanh3A_190 = math.tanh %add3A_189 : vector<1600x2xf32>
    %get3A_191 = arith.constant 0 : index
    %get3A_192 = arith.constant 0 : index
    %get3A_193 = vector.load %arg6[%get3A_191, %get3A_192] : memref<2x4xf32, #tpu.memory_space<vmem>>, vector<2x4xf32>
    %dot_general3A_194 = arith.constant dense<0.000000e+00> : vector<1600x4xf32>
    %dot_general3A_195 = tpu.matmul %tanh3A_190, %get3A_193, %dot_general3A_194 {dimension_numbers = #tpu.dot_dimension_numbers<[1], [0], [0], [1], [0, 0, 1, 1], [], []>, transpose_lhs_hint = false} : vector<1600x2xf32>, vector<2x4xf32>, vector<1600x4xf32> -> vector<1600x4xf32>
    %get3A_196 = arith.constant 0 : index
    %get3A_197 = arith.constant 0 : index
    %get3A_198 = vector.load %arg7[%get3A_196, %get3A_197] : memref<1x4xf32, #tpu.memory_space<vmem>>, vector<1x4xf32>
    %add3A_199 = vector.broadcast %get3A_198 : vector<1x4xf32> to vector<1600x4xf32>
    %add3A_200 = arith.addf %dot_general3A_195, %add3A_199 : vector<1600x4xf32>
    %concatenate3A = tpu.concatenate %tanh3A, %tanh3A_46, %tanh3A_70, %tanh3A_94, %tanh3A_118, %tanh3A_142, %tanh3A_166, %tanh3A_190 in 1 : vector<1600x2xf32>, vector<1600x2xf32>, vector<1600x2xf32>, vector<1600x2xf32>, vector<1600x2xf32>, vector<1600x2xf32>, vector<1600x2xf32>, vector<1600x2xf32> -> vector<1600x16xf32>
    %swap3A = arith.constant 0 : index
    %swap3A_201 = arith.constant 0 : index
    %swap3A_202 = vector.load %arg9[%swap3A, %swap3A_201] : memref<1600x16xf32, #tpu.memory_space<vmem>>, vector<1600x16xf32>
    tpu.vector_store %arg9[%swap3A, %swap3A_201], %concatenate3A {strides = array<i32>} : memref<1600x16xf32, #tpu.memory_space<vmem>>, vector<1600x16xf32>,
    %concatenate3A_203 = tpu.concatenate %add3A_32, %add3A_56, %add3A_80, %add3A_104, %add3A_128, %add3A_152, %add3A_176, %add3A_200 in 1 : vector<1600x4xf32>, vector<1600x4xf32>, vector<1600x4xf32>, vector<1600x4xf32>, vector<1600x4xf32>, vector<1600x4xf32>, vector<1600x4xf32>, vector<1600x4xf32> -> vector<1600x32xf32>
    %swap3A_204 = arith.constant 0 : index
    %swap3A_205 = arith.constant 0 : index
    %swap3A_206 = vector.load %arg8[%swap3A_204, %swap3A_205] : memref<1600x32xf32, #tpu.memory_space<vmem>>, vector<1600x32xf32>
    tpu.vector_store %arg8[%swap3A_204, %swap3A_205], %concatenate3A_203 {strides = array<i32>} : memref<1600x32xf32, #tpu.memory_space<vmem>>, vector<1600x32xf32>,
    return
  }
  func.func @transform_0(%arg0: i32) -> (i32, i32) {
    %c0_i32 = arith.constant 0 : i32
    %c0_i32_0 = arith.constant 0 : i32
    return %arg0, %c0_i32 : i32, i32
  }
  func.func @transform_1(%arg0: i32) -> (i32, i32, i32) {
    %c0_i32 = arith.constant 0 : i32
    %c0_i32_0 = arith.constant 0 : i32
    %c0_i32_1 = arith.constant 0 : i32
    return %c0_i32, %arg0, %c0_i32_0 : i32, i32, i32
  }
  func.func @transform_2(%arg0: i32) -> (i32, i32, i32) {
    %c1_i32 = arith.constant 1 : i32
    %c0_i32 = arith.constant 0 : i32
    %c0_i32_0 = arith.constant 0 : i32
    return %c1_i32, %arg0, %c0_i32 : i32, i32, i32
  }
  func.func @transform_3(%arg0: i32) -> (i32, i32) {
    %c0_i32 = arith.constant 0 : i32
    %c0_i32_0 = arith.constant 0 : i32
    %c0_i32_1 = arith.constant 0 : i32
    return %c0_i32, %c0_i32_0 : i32, i32
  }
  func.func @transform_4(%arg0: i32) -> (i32, i32) {
    %c0_i32 = arith.constant 0 : i32
    %c0_i32_0 = arith.constant 0 : i32
    return %arg0, %c0_i32 : i32, i32
  }
  func.func @transform_5(%arg0: i32) -> (i32, i32) {
    %c0_i32 = arith.constant 0 : i32
    %c0_i32_0 = arith.constant 0 : i32
    %c0_i32_1 = arith.constant 0 : i32
    return %c0_i32, %c0_i32_0 : i32, i32
  }
  func.func @transform_6(%arg0: i32) -> (i32, i32) {
    %c0_i32 = arith.constant 0 : i32
    %c0_i32_0 = arith.constant 0 : i32
    %c0_i32_1 = arith.constant 0 : i32
    return %c0_i32, %c0_i32_0 : i32, i32
  }
  func.func @transform_7(%arg0: i32) -> (i32, i32) {
    %c0_i32 = arith.constant 0 : i32
    %c0_i32_0 = arith.constant 0 : i32
    return %arg0, %c0_i32 : i32, i32
  }
  func.func @transform_8(%arg0: i32) -> (i32, i32) {
    %c0_i32 = arith.constant 0 : i32
    %c0_i32_0 = arith.constant 0 : i32
    return %arg0, %c0_i32 : i32, i32
  }
}

</mosaic_0001>

<sc_bundles>
// kernel: kernel.10.cloned.1.call-start
scs
__scs_entry_jumppad:
0x0: {  	(pc) =	sbr.rel $0x88, $3  }
0x1: {  	(tag) =	ssettag $0x0;
	lr =	simm.s32 $0x1  }
0x2: {  	[smem:$0x3F97] =	sst lr;
	_ =	strace $0xD0000000  }
0x3: {  	_ = 	snop  }
0x4: {  	_ = 	snop  }
0x5: {  	_ = 	snop  }
0x6: {  	_ = 	snop  }
0x7: {  	_ = 	snop  }
__scs_overlays_trampoline_lowered:
0x8: {  	[smem:$0x3FA6] =	sst s0  }
0x9: {  	[smem:$0x3FA7] =	sst s1  }
0xa: {  	[smem:$0x3FA8] =	sst s2  }
0xb: {  	[smem:$0x3FA9] =	sst s3  }
0xc: {  	[smem:$0x3FAA] =	sst s4  }
0xd: {  	[smem:$0x3FAB] =	sst s5  }
0xe: {  	[smem:$0x3FAC] =	sst s6  }
0xf: {  	[smem:$0x3FAD] =	sst s7  }
0x10: {  	[smem:$0x3FAE] =	sst s8  }
0x11: {  	[smem:$0x3FAF] =	sst s9;
	s0 =	simm.s32 @!p0 $0x0  }
0x12: {  	s1 =	sld [smem:$0x3F95];
	s0 =	simm.s32 @p0 $0x1  }
0x13: {  	[smem:$0x3FB0] =	sst s0;
	s0 =	simm.s32 @!p1 $0x0  }
0x14: {  	s2 =	sld [smem:$0x3F94];
	s0 =	simm.s32 @p1 $0x1  }
0x15: {  	[smem:$0x3FB1] =	sst s0;
	s0 =	simm.s32 @!p2 $0x0  }
0x16: {  	s3 =	sld [smem:$0x3FDB];
	s0 =	simm.s32 @p2 $0x1  }
0x17: {  	s4 =	simm.s32 $0x1BF5;
	[smem:$0x3FB3] =	sst s0  }
0x18: {  	s0 =	sld [smem:$0x3F96];
	_ =	swait.ge [sflag:s4], $0x0  }
0x19: {  	s7 =	sld [smem:$0x3F97]  }
0x1a: {  	s8 =	sadd.s32 $0xFFFFE003, lr  }
0x1b: {  	s9 =	sadd.s32 $0xFFFFFEF7, lr;
	s5 =	simm.s32 $0xFFFFFFFF;
	p2 =	slt.u32 s8, $0xFFFFF086  }
0x1c: {  	p1 =	slt.u32 s9, $0xF7A;
	s5 =	simm.s32 @!p2 $0x0  }
0x1d: {  	s5 =	simm.s32 @p1 $0x1;
	p0 =	seq.s32 s7, s2  }
0x1e: {  	s7 =	smul.u32 @!p0 $0xF7A, s2;
	p2 =	seq.s32 @!p0 s5, $0x0  }
0x1f: {  	s9 =	smul.u32 $0xF7A, s1;
	s8 =	simm.s32 @!p0 $0x1BF5;
	p2 =	por !p2, p0  }
0x20: {  	[sflag:s8] =	ssyncset.s32 @!p0 $0xFFFFF086;
	s6 =	sadd.s32 @!p0 s3, s7;
	s7 =	simm.s32 @!p0 $0x108  }
0x21: {  	s3 =	sadd.s32 s3, s9;
	s6 =	sadd.s32 @!p0 $0x88, s6;
	s7 =	simm.s32 @p2 $0x1082  }
0x22: {  	[simem:s7], [sflag:s8] =	dma.local @!p0 [hbm:s6], $0xF7A  }
0x23: {  	s9 =	sor.u32 $0xD0000000, s2;
	s6 =	simm.s32 $0x108;
	_ =	swait.ge @!p0 [sflag:s8], $0x0  }
0x24: {  	s3 =	sadd.s32 $0x88, s3;
	s6 =	simm.s32 @!p1 $0x1082;
	[sflag:s4] =	ssyncset.s32 $0xFFFFF086  }
0x25: {  	[simem:s6], [sflag:s4] =	dma.local [hbm:s3], $0xF7A  }
0x26: {  	[smem:$0x3F97] =	sst s1;
	(tag) =	ssettag s2;
	_ =	strace s9  }
0x27: {  	s1 =	sld [smem:$0x3FA7]  }
0x28: {  	s2 =	sld [smem:$0x3FA8]  }
0x29: {  	s4 =	sld [smem:$0x3FAA]  }
0x2a: {  	p0 =	seq.s32 s5, $0x0;
	s5 =	sld [smem:$0x3FAB]  }
0x2b: {  	s6 =	sld [smem:$0x3FAC]  }
0x2c: {  	s7 =	sld [smem:$0x3FAD]  }
0x2d: {  	s3 =	simm.s32 $0x108;
	s8 =	sld [smem:$0x3FAE]  }
0x2e: {  	s3 =	simm.s32 @!p0 $0x1082;
	s9 =	sld [smem:$0x3FAF]  }
0x2f: {  	lr =	sadd.s32 s0, s3;
	s0 =	sld [smem:$0x3FA6]  }
0x30: {  	s3 =	sld [smem:$0x3FA9]  }
0x31: {  	[smem:$0x3FB2] =	sst s10  }
0x32: {  	s10 =	sld [smem:$0x3FB0];
	_ =	sdelay $0x3  }
0x33: {  	p0 =	seq.s32 s10, $0x1;
	s10 =	sld [smem:$0x3FB2];
	_ =	sdelay $0x3  }
0x34: {  	[smem:$0x3FB2] =	sst s10  }
0x35: {  	s10 =	sld [smem:$0x3FB1];
	_ =	sdelay $0x3  }
0x36: {  	p1 =	seq.s32 s10, $0x1;
	s10 =	sld [smem:$0x3FB2];
	_ =	sdelay $0x3  }
0x37: {  	[smem:$0x3FB2] =	sst s10  }
0x38: {  	s10 =	sld [smem:$0x3FB3]  }
0x39: {  	_ = 	snop;
	(pc) =	sbr.ind lr, $3  }
0x3a: {  	_ = 	snop  }
0x3b: {  	_ = 	snop  }
0x3c: {  	p2 =	seq.s32 s10, $0x1;
	s10 =	sld [smem:$0x3FB2]  }
0x3d: {  	_ =	shalt  }
0x3e: {  	_ =	shalt  }
0x3f: {  	_ =	shalt  }
0x40: {  	_ =	shalt  }
0x41: {  	_ =	shalt  }
0x42: {  	_ =	shalt  }
0x43: {  	_ =	shalt  }
0x44: {  	_ =	shalt  }
0x45: {  	_ =	shalt  }
0x46: {  	_ =	shalt  }
0x47: {  	_ =	shalt  }
0x48: {  	_ =	shalt  }
0x49: {  	_ =	shalt  }
0x4a: {  	_ =	shalt  }
0x4b: {  	_ =	shalt  }
0x4c: {  	_ =	shalt  }
0x4d: {  	_ =	shalt  }
0x4e: {  	_ =	shalt  }
0x4f: {  	_ =	shalt  }
0x50: {  	_ =	shalt  }
0x51: {  	_ =	shalt  }
0x52: {  	_ =	shalt  }
0x53: {  	_ =	shalt  }
0x54: {  	_ =	shalt  }
0x55: {  	_ =	shalt  }
0x56: {  	_ =	shalt  }
0x57: {  	_ =	shalt  }
0x58: {  	_ =	shalt  }
0x59: {  	_ =	shalt  }
0x5a: {  	_ =	shalt  }
0x5b: {  	_ =	shalt  }
0x5c: {  	_ =	shalt  }
0x5d: {  	_ =	shalt  }
0x5e: {  	_ =	shalt  }
0x5f: {  	_ =	shalt  }
0x60: {  	_ =	shalt  }
0x61: {  	_ =	shalt  }
0x62: {  	_ =	shalt  }
0x63: {  	_ =	shalt  }
0x64: {  	_ =	shalt  }
0x65: {  	_ =	shalt  }
0x66: {  	_ =	shalt  }
0x67: {  	_ =	shalt  }
0x68: {  	_ =	shalt  }
0x69: {  	_ =	shalt  }
0x6a: {  	_ =	shalt  }
0x6b: {  	_ =	shalt  }
0x6c: {  	_ =	shalt  }
0x6d: {  	_ =	shalt  }
0x6e: {  	_ =	shalt  }
0x6f: {  	_ =	shalt  }
0x70: {  	_ =	shalt  }
0x71: {  	_ =	shalt  }
0x72: {  	_ =	shalt  }
0x73: {  	_ =	shalt  }
0x74: {  	_ =	shalt  }
0x75: {  	_ =	shalt  }
0x76: {  	_ =	shalt  }
0x77: {  	_ =	shalt  }
0x78: {  	_ =	shalt  }
0x79: {  	_ =	shalt  }
0x7a: {  	_ =	shalt  }
0x7b: {  	_ =	shalt  }
0x7c: {  	_ =	shalt  }
0x7d: {  	_ =	shalt  }
0x7e: {  	_ =	shalt  }
0x7f: {  	_ =	shalt  }
0x80: {  	_ =	shalt  }
0x81: {  	_ =	shalt  }
0x82: {  	_ =	shalt  }
0x83: {  	_ =	shalt  }
0x84: {  	_ =	shalt  }
0x85: {  	_ =	shalt  }
0x86: {  	_ =	shalt  }
0x87: {  	_ =	shalt  }
.Lfunc_end0:
.L_simem_size_0:
called_computation_lowered:
.L_overlay_start_0:
0x88: {  	s2 =	sld [smem:$0x3FD9]  }
0x89: {  	s3 =	sld [smem:$0x3FFE];
	_ =	sdelay $0x1  }
0x8a: {  	s1 =	srdreg.scid  }
0x8b: {  	s0 =	sand.u32 $0x1, s1  }
0x8c: {  	s16 =	sshll.u32 s0, $0xA;
	s2 =	sadd.s32 s3, s2  }
0x8d: {  	s2 =	sadd.s32 s2, s16  }
0x8e: {  	[smem:$0x3FBE] =	sst s2  }
0x8f: {  	_ = 	snop  }
0x90: {  	(tm) =	ssettm $0x1  }
0x91: {  	s17 =	sld [smem:$0x3FFB];
	_ =	sdelay $0x3  }
0x92: {  	_ =	strace s17  }
0x93: {  	s2 =	sld [smem:$0x3FFC];
	_ =	sdelay $0x3  }
0x94: {  	_ =	strace s2  }
0x95: {  	s2 =	sld [smem:$0x3FFD];
	_ =	sdelay $0x3  }
0x96: {  	_ =	strace s2  }
0x97: {  	_ =	strace $0x8FFFFFFF  }
0x98: {  	s18 =	sld [smem:$0x3FDB];
	_ =	sdelay $0x1  }
0x99: {  	s19 =	simm.s32 $_scs_section_size  }
0x9a: {  	s4 =	simm.s32 $_size__tile_overlayer_lowered;
	s5 =	simm.s32 $_tile_overlayer_lowered  }
0x9b: {  	s22 =	simm.s32 $0x1BFF;
	s21 =	sshll.u32 s5, $0x1;
	s2 =	sadd.s32 s19, s18  }
0x9c: {  	s6 =	simm.s32 $0x0;
	s20 =	sshll.u32 s4, $0x1;
	s4 =	sadd.s32 s21, s2  }
0x9d: {  	[timem:s6], [sflag:s22] =	dma.local [hbm:s4], s20  }
0x9e: {  	_ =	swait.ge [sflag:s22], s20  }
0x9f: {  	s3 =	ssub.s32 $0x0, s20;
	[sflag:s22] =	ssyncset.done $0x0  }
0xa0: {  	[sflag:s22] =	ssyncadd.s32 s3;
	_ =	sdelay $0x1  }
0xa1: {  	s23 =	simm.s32 $0x1B8B  }
0xa2: {  	_ =	swait.ge [sflag:s23], $0x1  }
0xa3: {  	[sflag:s23] =	ssyncset.done $0x0  }
0xa4: {  	s25 =	simm.s32 $0x1B8E;
	s24 =	sld [smem:$0x3FFE];
	[sflag:s23] =	ssyncadd.s32 $0xFFFFFFFF  }
0xa5: {  	s26 =	simm.s32 $execute0_lowered;
	[smem:$0x3FD2] =	sst s25  }
0xa6: {  	s4 =	sshll.u32 s26, $0x1;
	_ =	strace $0x80000046;
	[dreg:$0x1] =	wrdreg $0xFFFFFFFF  }
0xa7: {  	s28 =	simm.s32 $_size_execute0_lowered;
	s2 =	sadd.s32 s2, s4;
	[dreg:$0x0] =	wrdreg $0x0  }
0xa8: {  	s4 =	sshll.u32 s28, $0x1;
	[dreg:$0x2] =	wrdreg s2  }
0xa9: {  	[dreg:$0x3] =	wrdreg s4  }
0xaa: {  	[dreg:$0x4] =	wrdreg $0xC0  }
0xab: {  	_ =	task [dreg:s6], $0x5FFFF  }
0xac: {  	[dreg:$0x1] =	wrdreg $0xFFFFFFFF  }
0xad: {  	[dreg:$0x0] =	wrdreg $0x60  }
0xae: {  	[dreg:$0x2] =	wrdreg s24  }
0xaf: {  	[dreg:$0x3] =	wrdreg $0xC000  }
0xb0: {  	[dreg:$0x4] =	wrdreg $0x9  }
0xb1: {  	_ =	task.clear_ibuf [dreg:s6], $0x5FFFF;
	_ =	strace $0x90000046  }
0xb2: {  	s29 =	simm.s32 $0x9;
	_ =	strace $0x80000048  }
0xb3: {  	_ =	swait.ge [sflag:s29], $0x1  }
0xb4: {  	[sflag:s29] =	ssyncadd.s32 $0xFFFFFFFF  }
0xb5: {  	_ =	strace $0x90000048  }
0xb6: {  	_ =	sfence  }
0xb7: {  	s30 =	sld [smem:$0x0];
	_ =	sdelay $0x2  }
0xb8: {  	s31 =	sshll.u32 s1, $0xD;
	s1 =	sshrl.u32 s1, $0x2  }
0xb9: {  	s3 =	sand.u32 $0x4000, s31;
	s1 =	sadd.s32 s1, s30  }
0xba: {  	s0 =	sor.u32 s3, s0;
	s1 =	sshll.u32 s1, $0x11  }
0xbb: {  	s0 =	sor.u32 s1, s0  }
0xbc: {  	s0 =	sadd.s32 $0x8F2B, s0  }
0xbd: {  	[sflag:s0] =	ssyncadd.remote.s32 $0x1  }
0xbe: {  	_ =	sfence.sel $0xFFFF  }
0xbf: {  	[dreg:$0x0] =	wrdreg $0xFFFFFFFF;
	(pc) =	sbr.abs _section_cstart, $3  }
0xc0: {  	[dreg:$0x1] =	wrdreg $0xFFFFFFFF  }
0xc1: {  	_ =	task.clear_ibuf [dreg:s6], $0x2FFFF;
	_ =	strace $0x9FFFFFFF  }
0xc2: {  	(tm) =	ssettm $0x7FFFFFFF  }
0xc3: {  	_ =	shalt  }
tec
execute0_lowered:
.L_overlay_start_1:
0x0: {  	(tag) =	ssettag $0x1  }
0x1: {  	s1 =	srdreg.scid  }
0x2: {  	s0 =	stileid.u32;
	s4 =	rddreg [dreg:$0x0]  }
0x3: {  	s2 =	rddreg [dreg:$0x1];
	s3 =	simm.s32 $0x0;
	s11 =	simm.s32 $0x100  }
0x4: {  	s12 =	simm.s32 $0x180;
	s13 =	simm.s32 $0x200;
	s14 =	simm.s32 $0x280  }
0x5: {  	s15 =	simm.s32 $0x300;
	s16 =	simm.s32 $0x380;
	s17 =	simm.s32 $0x1  }
0x6: {  	s18 =	simm.s32 $0x2;
	s19 =	simm.s32 $0x3;
	s20 =	simm.s32 $0x4  }
0x7: {  	s21 =	simm.s32 $0x5;
	s22 =	simm.s32 $0x6;
	s6 =	smul.u32 $0x18800, s0  }
0x8: {  	s23 =	simm.s32 $0x7;
	s24 =	simm.s32 $0x8;
	s28 =	smul.u32 $0x19000, s0  }
0x9: {  	s5 =	sand.u32 $0x1, s1;
	s1 =	rddreg [dreg:$0x2];
	s9 =	smul.u32 $0x64000, s0  }
0xa: {  	s26 =	simm.s32 $0x0;
	[smem:$0x7FF] =	sst s3;
	s7 =	smul.u32 $0xC400, s5  }
0xb: {  	s8 =	smul.u32 $0x190000, s5;
	_ =	strace $0x80000047;
	s5 =	ssub.s32 $0x2, s5  }
0xc: {  	s30 =	sshrl.u32 s5, $0x1;
	s31 =	sshrl.u32 s9, $0x2;
	s25 =	sadd.s32 s28, s2  }
0xd: {  	s9 =	simm.s32 $0x9;
	s6 =	sadd.s32 s7, s6;
	s8 =	sadd.s32 s28, s8  }
0xe: {  	s25 =	sshrl.u32 s25, $0x3;
	s6 =	sshrl.u32 s6, $0x3;
	s29 =	sshrl.u32 s8, $0x3  }
0xf: {  	s8 =	ssub.s32 s5, s30;
	s10 =	sadd.s32 s6, s4;
	s6 =	sadd.s32 s29, s4  }
0x10: {  	s4 =	sadd.s32 s31, s2;
	s5 =	sadd.s32 $0x65800, s6;
	s6 =	smax.u32 s8, $0x1  }
0x11: {  	v0 =	vimm.f32 $1.000000000e+00;
	s7 =	sadd.s32 $0x3800, s10;
	s8 =	simm.s32 $0x400;
	s10 =	simm.s32 $0x80  }
.LBB2_1:
0x12: {  	s28 =	simm.s32 $0x0  }
.LBB2_2:
0x13: {  	p0 =	sne.s32 s28, $0x1FC0  }
.Ltmp0:
0x14: {  	_ = 	snop;
	(pc) =	sbr.rel @p0 .LBB2_2-.Ltmp0, $3  }
0x15: {  	_ =	sdelay $0x1  }
0x16: {  	s29 =	sshra.s32 s28, $0x2  }
0x17: {  	s28 =	sadd.s32 $0x40, s28;
	[tilespmem:s29+$0x400] =	vst v0  }
0x18: {  	s28 =	sadd.s32 $0x0, s4  }
0x19: {  	[spmem:s28] =	stream.linear.scatter [tilespmem:s8], [sflag:$0x9], $0x800, $0x38;
	[tilespmem:$0x19C00] =	vst v63  }
0x1a: {  	s28 =	simm.s32 $0x2000;
	_ =	swait.ge [sflag:s9], $0x800  }
.LBB2_4:
0x1b: {  	s29 =	sshra.s32 s28, $0x2;
	[sflag:s9] =	ssyncset.done $0x0;
	p0 =	sne.s32 s28, $0x62000  }
.Ltmp1:
0x1c: {  	s29 =	sadd.s32 s29, s4;
	[sflag:s9] =	ssyncadd.s32 $0xFFFFF800;
	(pc) =	sbr.rel @p0 .LBB2_4-.Ltmp1, $3  }
0x1d: {  	[spmem:s29] =	stream.linear.scatter [tilespmem:s8], [sflag:$0x9], $0x800, $0x38;
	[tilespmem:$0x19C00] =	vst v63  }
0x1e: {  	s28 =	sadd.s32 $0x2000, s28;
	_ =	sdelay $0x1  }
0x1f: {  	_ =	swait.ge [sflag:s9], $0x800  }
0x20: {  	[sflag:s9] =	ssyncset.done $0x0  }
0x21: {  	[sflag:s9] =	ssyncadd.s32 $0xFFFFF800  }
0x22: {  	s28 =	sadd.s32 $0x0, s7;
	[bflag:$0x0] =	sbarrier.arrive $0xFFFF  }
0x23: {  	[tilespmem:s3], [sflag:$0x9] =	stream.linear.gather [hbm4b:s28+s3], $0x400, $0x38;
	[tilespmem:$0x19C00] =	vst v63  }
0x24: {  	_ =	swait.ge [sflag:s9], $0x400  }
0x25: {  	[sflag:s9] =	ssyncset.done $0x0  }
0x26: {  	[sflag:s9] =	ssyncadd.s32 $0xFFFFFC00  }
0x27: {  	[spmem:s2] =	stream.indirect.scatter.add.f32 [tilespmem:s8], [sflag:$0x1], $0x10, s3, s10, $0xb8;
	[tilespmem:$0x19C00] =	vst v63  }
0x28: {  	_ = 	snop  }
0x29: {  	[spmem:s2] =	stream.indirect.scatter.add.f32 [tilespmem:s8], [sflag:$0x2], $0x10, s10, s10, $0xb8;
	[tilespmem:$0x19C00] =	vst v63  }
0x2a: {  	_ = 	snop  }
0x2b: {  	[spmem:s2] =	stream.indirect.scatter.add.f32 [tilespmem:s8], [sflag:$0x3], $0x10, s11, s10, $0xb8;
	[tilespmem:$0x19C00] =	vst v63  }
0x2c: {  	_ = 	snop  }
0x2d: {  	[spmem:s2] =	stream.indirect.scatter.add.f32 [tilespmem:s8], [sflag:$0x4], $0x10, s12, s10, $0xb8;
	[tilespmem:$0x19C00] =	vst v63  }
0x2e: {  	_ = 	snop  }
0x2f: {  	[spmem:s2] =	stream.indirect.scatter.add.f32 [tilespmem:s8], [sflag:$0x5], $0x10, s13, s10, $0xb8;
	[tilespmem:$0x19C00] =	vst v63  }
0x30: {  	_ = 	snop  }
0x31: {  	[spmem:s2] =	stream.indirect.scatter.add.f32 [tilespmem:s8], [sflag:$0x6], $0x10, s14, s10, $0xb8;
	[tilespmem:$0x19C00] =	vst v63  }
0x32: {  	_ = 	snop  }
0x33: {  	[spmem:s2] =	stream.indirect.scatter.add.f32 [tilespmem:s8], [sflag:$0x7], $0x10, s15, s10, $0xb8;
	[tilespmem:$0x19C00] =	vst v63  }
0x34: {  	_ = 	snop  }
0x35: {  	[spmem:s2] =	stream.indirect.scatter.add.f32 [tilespmem:s8], [sflag:$0x8], $0x10, s16, s10, $0xb8;
	[tilespmem:$0x19C00] =	vst v63  }
0x36: {  	_ =	swait.ge [sflag:s17], $0x800  }
0x37: {  	[sflag:s17] =	ssyncset.done $0x0  }
0x38: {  	[sflag:s17] =	ssyncadd.s32 $0xFFFFF800  }
0x39: {  	_ =	swait.ge [sflag:s18], $0x800  }
0x3a: {  	[sflag:s18] =	ssyncset.done $0x0  }
0x3b: {  	[sflag:s18] =	ssyncadd.s32 $0xFFFFF800  }
0x3c: {  	_ =	swait.ge [sflag:s19], $0x800  }
0x3d: {  	[sflag:s19] =	ssyncset.done $0x0  }
0x3e: {  	[sflag:s19] =	ssyncadd.s32 $0xFFFFF800  }
0x3f: {  	_ =	swait.ge [sflag:s20], $0x800  }
0x40: {  	[sflag:s20] =	ssyncset.done $0x0  }
0x41: {  	[sflag:s20] =	ssyncadd.s32 $0xFFFFF800  }
0x42: {  	_ =	swait.ge [sflag:s21], $0x800  }
0x43: {  	[sflag:s21] =	ssyncset.done $0x0  }
0x44: {  	[sflag:s21] =	ssyncadd.s32 $0xFFFFF800  }
0x45: {  	_ =	swait.ge [sflag:s22], $0x800  }
0x46: {  	[sflag:s22] =	ssyncset.done $0x0  }
0x47: {  	[sflag:s22] =	ssyncadd.s32 $0xFFFFF800  }
0x48: {  	_ =	swait.ge [sflag:s23], $0x800  }
0x49: {  	[sflag:s23] =	ssyncset.done $0x0  }
0x4a: {  	[sflag:s23] =	ssyncadd.s32 $0xFFFFF800  }
0x4b: {  	_ =	swait.ge [sflag:s24], $0x800  }
0x4c: {  	s30 =	simm.s32 $0x100;
	s28 =	simm.s32 $0x80;
	[sflag:s24] =	ssyncset.done $0x0  }
.LBB2_6:
0x4d: {  	s31 =	sadd.s32 s28, s7  }
0x4e: {  	[sflag:s24] =	ssyncadd.s32 $0xFFFFF800;
	s28 =	smov.u32 s30;
	s29 =	sadd.s32 $0x80, s30  }
0x4f: {  	[tilespmem:s3], [sflag:$0x9] =	stream.linear.gather [hbm4b:s31+s3], $0x400, $0x38;
	[tilespmem:$0x19C00] =	vst v63  }
0x50: {  	p0 =	sne.s32 s30, $0x1800;
	_ =	swait.ge [sflag:s9], $0x400  }
0x51: {  	[sflag:s9] =	ssyncset.done $0x0  }
0x52: {  	[sflag:s9] =	ssyncadd.s32 $0xFFFFFC00  }
0x53: {  	[spmem:s2] =	stream.indirect.scatter.add.f32 [tilespmem:s8], [sflag:$0x1], $0x10, s3, s10, $0xb8;
	[tilespmem:$0x19C00] =	vst v63  }
0x54: {  	_ = 	snop  }
0x55: {  	[spmem:s2] =	stream.indirect.scatter.add.f32 [tilespmem:s8], [sflag:$0x2], $0x10, s10, s10, $0xb8;
	[tilespmem:$0x19C00] =	vst v63  }
0x56: {  	_ = 	snop  }
0x57: {  	[spmem:s2] =	stream.indirect.scatter.add.f32 [tilespmem:s8], [sflag:$0x3], $0x10, s11, s10, $0xb8;
	[tilespmem:$0x19C00] =	vst v63  }
0x58: {  	_ = 	snop  }
0x59: {  	[spmem:s2] =	stream.indirect.scatter.add.f32 [tilespmem:s8], [sflag:$0x4], $0x10, s12, s10, $0xb8;
	[tilespmem:$0x19C00] =	vst v63  }
0x5a: {  	_ = 	snop  }
0x5b: {  	[spmem:s2] =	stream.indirect.scatter.add.f32 [tilespmem:s8], [sflag:$0x5], $0x10, s13, s10, $0xb8;
	[tilespmem:$0x19C00] =	vst v63  }
0x5c: {  	_ = 	snop  }
0x5d: {  	[spmem:s2] =	stream.indirect.scatter.add.f32 [tilespmem:s8], [sflag:$0x6], $0x10, s14, s10, $0xb8;
	[tilespmem:$0x19C00] =	vst v63  }
0x5e: {  	_ = 	snop  }
0x5f: {  	[spmem:s2] =	stream.indirect.scatter.add.f32 [tilespmem:s8], [sflag:$0x7], $0x10, s15, s10, $0xb8;
	[tilespmem:$0x19C00] =	vst v63  }
0x60: {  	_ = 	snop  }
0x61: {  	[spmem:s2] =	stream.indirect.scatter.add.f32 [tilespmem:s8], [sflag:$0x8], $0x10, s16, s10, $0xb8;
	[tilespmem:$0x19C00] =	vst v63  }
0x62: {  	_ =	swait.ge [sflag:s17], $0x800  }
0x63: {  	[sflag:s17] =	ssyncset.done $0x0  }
0x64: {  	[sflag:s17] =	ssyncadd.s32 $0xFFFFF800  }
0x65: {  	_ =	swait.ge [sflag:s18], $0x800  }
0x66: {  	[sflag:s18] =	ssyncset.done $0x0  }
0x67: {  	[sflag:s18] =	ssyncadd.s32 $0xFFFFF800  }
0x68: {  	_ =	swait.ge [sflag:s19], $0x800  }
0x69: {  	[sflag:s19] =	ssyncset.done $0x0  }
0x6a: {  	[sflag:s19] =	ssyncadd.s32 $0xFFFFF800  }
0x6b: {  	_ =	swait.ge [sflag:s20], $0x800  }
0x6c: {  	[sflag:s20] =	ssyncset.done $0x0  }
0x6d: {  	[sflag:s20] =	ssyncadd.s32 $0xFFFFF800  }
0x6e: {  	_ =	swait.ge [sflag:s21], $0x800  }
0x6f: {  	[sflag:s21] =	ssyncset.done $0x0  }
0x70: {  	[sflag:s21] =	ssyncadd.s32 $0xFFFFF800  }
0x71: {  	_ =	swait.ge [sflag:s22], $0x800  }
0x72: {  	[sflag:s22] =	ssyncset.done $0x0  }
0x73: {  	[sflag:s22] =	ssyncadd.s32 $0xFFFFF800  }
.Ltmp2:
0x74: {  	_ =	swait.ge [sflag:s23], $0x800;
	(pc) =	sbr.rel @p0 .LBB2_6-.Ltmp2, $4  }
0x75: {  	[sflag:s23] =	ssyncset.done $0x0  }
0x76: {  	[sflag:s23] =	ssyncadd.s32 $0xFFFFF800  }
0x77: {  	_ =	swait.ge [sflag:s24], $0x800  }
0x78: {  	s30 =	smov.u32 s29;
	[sflag:s24] =	ssyncset.done $0x0  }
0x79: {  	s28 =	sadd.s32 s28, s7;
	[sflag:s24] =	ssyncadd.s32 $0xFFFFF800  }
0x7a: {  	[tilespmem:s3], [sflag:$0x9] =	stream.linear.gather [hbm4b:s28+s3], $0x400, $0x38;
	[tilespmem:$0x19C00] =	vst v63  }
0x7b: {  	_ =	swait.ge [sflag:s9], $0x400  }
0x7c: {  	[sflag:s9] =	ssyncset.done $0x0  }
0x7d: {  	[sflag:s9] =	ssyncadd.s32 $0xFFFFFC00  }
0x7e: {  	[spmem:s2] =	stream.indirect.scatter.add.f32 [tilespmem:s8], [sflag:$0x1], $0x10, s3, s10, $0xb8;
	[tilespmem:$0x19C00] =	vst v63  }
0x7f: {  	_ = 	snop  }
0x80: {  	[spmem:s2] =	stream.indirect.scatter.add.f32 [tilespmem:s8], [sflag:$0x2], $0x10, s10, s10, $0xb8;
	[tilespmem:$0x19C00] =	vst v63  }
0x81: {  	_ = 	snop  }
0x82: {  	[spmem:s2] =	stream.indirect.scatter.add.f32 [tilespmem:s8], [sflag:$0x3], $0x10, s11, s10, $0xb8;
	[tilespmem:$0x19C00] =	vst v63  }
0x83: {  	_ = 	snop  }
0x84: {  	[spmem:s2] =	stream.indirect.scatter.add.f32 [tilespmem:s8], [sflag:$0x4], $0x10, s12, s10, $0xb8;
	[tilespmem:$0x19C00] =	vst v63  }
0x85: {  	_ = 	snop  }
0x86: {  	[spmem:s2] =	stream.indirect.scatter.add.f32 [tilespmem:s8], [sflag:$0x5], $0x10, s13, s10, $0xb8;
	[tilespmem:$0x19C00] =	vst v63  }
0x87: {  	_ = 	snop  }
0x88: {  	[spmem:s2] =	stream.indirect.scatter.add.f32 [tilespmem:s8], [sflag:$0x6], $0x10, s14, s10, $0xb8;
	[tilespmem:$0x19C00] =	vst v63  }
0x89: {  	_ = 	snop  }
0x8a: {  	[spmem:s2] =	stream.indirect.scatter.add.f32 [tilespmem:s8], [sflag:$0x7], $0x10, s15, s10, $0xb8;
	[tilespmem:$0x19C00] =	vst v63  }
0x8b: {  	_ = 	snop  }
0x8c: {  	[spmem:s2] =	stream.indirect.scatter.add.f32 [tilespmem:s8], [sflag:$0x8], $0x10, s16, s10, $0xb8;
	[tilespmem:$0x19C00] =	vst v63  }
0x8d: {  	_ =	swait.ge [sflag:s17], $0x800  }
0x8e: {  	[sflag:s17] =	ssyncset.done $0x0  }
0x8f: {  	[sflag:s17] =	ssyncadd.s32 $0xFFFFF800  }
0x90: {  	_ =	swait.ge [sflag:s18], $0x800  }
0x91: {  	[sflag:s18] =	ssyncset.done $0x0  }
0x92: {  	[sflag:s18] =	ssyncadd.s32 $0xFFFFF800  }
0x93: {  	_ =	swait.ge [sflag:s19], $0x800  }
0x94: {  	[sflag:s19] =	ssyncset.done $0x0  }
0x95: {  	[sflag:s19] =	ssyncadd.s32 $0xFFFFF800  }
0x96: {  	_ =	swait.ge [sflag:s20], $0x800  }
0x97: {  	[sflag:s20] =	ssyncset.done $0x0  }
0x98: {  	[sflag:s20] =	ssyncadd.s32 $0xFFFFF800  }
0x99: {  	_ =	swait.ge [sflag:s21], $0x800  }
0x9a: {  	[sflag:s21] =	ssyncset.done $0x0  }
0x9b: {  	[sflag:s21] =	ssyncadd.s32 $0xFFFFF800  }
0x9c: {  	_ =	swait.ge [sflag:s22], $0x800  }
0x9d: {  	[sflag:s22] =	ssyncset.done $0x0  }
0x9e: {  	[sflag:s22] =	ssyncadd.s32 $0xFFFFF800  }
0x9f: {  	_ =	swait.ge [sflag:s23], $0x800  }
0xa0: {  	[sflag:s23] =	ssyncset.done $0x0  }
0xa1: {  	[sflag:s23] =	ssyncadd.s32 $0xFFFFF800  }
0xa2: {  	_ =	swait.ge [sflag:s24], $0x800  }
0xa3: {  	s26 =	sadd.s32 $0x1, s26;
	[sflag:s24] =	ssyncset.done $0x0  }
0xa4: {  	s31 =	sshll.u32 s0, $0x6;
	p0 =	sne.s32 s26, s6;
	[sflag:s24] =	ssyncadd.s32 $0xFFFFF800  }
.Ltmp3:
0xa5: {  	s28 =	sor.u32 $0x1C09, s31;
	[bflag:$0x0] =	sbarrier.arrive $0xFFFF;
	(pc) =	sbr.rel @p0 .LBB2_1-.Ltmp3, $4  }
0xa6: {  	[hbm:s5], [sflag:s28] =	dma.local [spmem:s25], $0x3200  }
0xa7: {  	_ =	swait.ge [sflag:s9], $0x3200  }
0xa8: {  	[sflag:s9] =	ssyncset.done $0x0  }
0xa9: {  	[sflag:s9] =	ssyncadd.s32 $0xFFFFCE00  }
0xaa: {  	_ =	sfence.sel $0x180000  }
0xab: {  	[bflag:$0x0] =	sbarrier.arrive $0xFFFF  }
0xac: {  	p0 =	sne.s32 s0, $0x0;
	_ =	strace $0x90000047  }
0xad: {  	s0 =	sadd.s32 @!p0 $0x100000, s1;
	[bflag:$0x2] =	sbarrier.arrive $0xFFFF  }
0xae: {  	[sflag:s0] =	ssyncadd.tile.s32 @!p0 $0x1;
	_ =	shalt  }
.Lfunc_end2:
_tile_overlayer_lowered:
.L_overlay_start_2:
0xaf: {  	(tag) =	ssettag $0x2  }
0xb0: {  	s0 =	rddreg [dreg:$0x0];
	s2 =	stileid.u32  }
0xb1: {  	s1 =	rddreg [dreg:$0x1];
	p0 =	sne.s32 s2, $0x0  }
0xb2: {  	s3 =	rddreg [dreg:$0x2];
	[bflag:$0x3] =	sbarrier.arrive $0xFFFF;
	s2 =	simm.s32 @!p0 $0x1C09  }
0xb3: {  	[timem:s3], [sflag:s2] =	dma.local @!p0 [hbm:s0], s1  }
0xb4: {  	s0 =	simm.s32 @!p0 $0x9  }
0xb5: {  	_ =	swait.ge @!p0 [sflag:s0], s1  }
0xb6: {  	s1 =	ssub.s32 @!p0 $0x0, s1;
	[sflag:s0] =	ssyncset.done @!p0 $0x0  }
0xb7: {  	[sflag:s0] =	ssyncadd.s32 @!p0 s1  }
0xb8: {  	[bflag:$0x3] =	sbarrier.arrive $0xFFFF  }
0xb9: {  	_ =	shalt  }

// kernel: kernel.13.cloned.1.call-start
scs
__scs_entry_jumppad:
0x0: {  	(pc) =	sbr.rel $0x88, $3  }
0x1: {  	(tag) =	ssettag $0x0;
	lr =	simm.s32 $0x1  }
0x2: {  	[smem:$0x3F97] =	sst lr;
	_ =	strace $0xD0000000  }
0x3: {  	_ = 	snop  }
0x4: {  	_ = 	snop  }
0x5: {  	_ = 	snop  }
0x6: {  	_ = 	snop  }
0x7: {  	_ = 	snop  }
__scs_overlays_trampoline_lowered:
0x8: {  	[smem:$0x3FA6] =	sst s0  }
0x9: {  	[smem:$0x3FA7] =	sst s1  }
0xa: {  	[smem:$0x3FA8] =	sst s2  }
0xb: {  	[smem:$0x3FA9] =	sst s3  }
0xc: {  	[smem:$0x3FAA] =	sst s4  }
0xd: {  	[smem:$0x3FAB] =	sst s5  }
0xe: {  	[smem:$0x3FAC] =	sst s6  }
0xf: {  	[smem:$0x3FAD] =	sst s7  }
0x10: {  	[smem:$0x3FAE] =	sst s8  }
0x11: {  	[smem:$0x3FAF] =	sst s9;
	s0 =	simm.s32 @!p0 $0x0  }
0x12: {  	s1 =	sld [smem:$0x3F95];
	s0 =	simm.s32 @p0 $0x1  }
0x13: {  	[smem:$0x3FB0] =	sst s0;
	s0 =	simm.s32 @!p1 $0x0  }
0x14: {  	s2 =	sld [smem:$0x3F94];
	s0 =	simm.s32 @p1 $0x1  }
0x15: {  	[smem:$0x3FB1] =	sst s0;
	s0 =	simm.s32 @!p2 $0x0  }
0x16: {  	s3 =	sld [smem:$0x3FDB];
	s0 =	simm.s32 @p2 $0x1  }
0x17: {  	s4 =	simm.s32 $0x1BF5;
	[smem:$0x3FB3] =	sst s0  }
0x18: {  	s0 =	sld [smem:$0x3F96];
	_ =	swait.ge [sflag:s4], $0x0  }
0x19: {  	s7 =	sld [smem:$0x3F97]  }
0x1a: {  	s8 =	sadd.s32 $0xFFFFE003, lr  }
0x1b: {  	s9 =	sadd.s32 $0xFFFFFEF7, lr;
	s5 =	simm.s32 $0xFFFFFFFF;
	p2 =	slt.u32 s8, $0xFFFFF086  }
0x1c: {  	p1 =	slt.u32 s9, $0xF7A;
	s5 =	simm.s32 @!p2 $0x0  }
0x1d: {  	s5 =	simm.s32 @p1 $0x1;
	p0 =	seq.s32 s7, s2  }
0x1e: {  	s7 =	smul.u32 @!p0 $0xF7A, s2;
	p2 =	seq.s32 @!p0 s5, $0x0  }
0x1f: {  	s9 =	smul.u32 $0xF7A, s1;
	s8 =	simm.s32 @!p0 $0x1BF5;
	p2 =	por !p2, p0  }
0x20: {  	[sflag:s8] =	ssyncset.s32 @!p0 $0xFFFFF086;
	s6 =	sadd.s32 @!p0 s3, s7;
	s7 =	simm.s32 @!p0 $0x108  }
0x21: {  	s3 =	sadd.s32 s3, s9;
	s6 =	sadd.s32 @!p0 $0x88, s6;
	s7 =	simm.s32 @p2 $0x1082  }
0x22: {  	[simem:s7], [sflag:s8] =	dma.local @!p0 [hbm:s6], $0xF7A  }
0x23: {  	s9 =	sor.u32 $0xD0000000, s2;
	s6 =	simm.s32 $0x108;
	_ =	swait.ge @!p0 [sflag:s8], $0x0  }
0x24: {  	s3 =	sadd.s32 $0x88, s3;
	s6 =	simm.s32 @!p1 $0x1082;
	[sflag:s4] =	ssyncset.s32 $0xFFFFF086  }
0x25: {  	[simem:s6], [sflag:s4] =	dma.local [hbm:s3], $0xF7A  }
0x26: {  	[smem:$0x3F97] =	sst s1;
	(tag) =	ssettag s2;
	_ =	strace s9  }
0x27: {  	s1 =	sld [smem:$0x3FA7]  }
0x28: {  	s2 =	sld [smem:$0x3FA8]  }
0x29: {  	s4 =	sld [smem:$0x3FAA]  }
0x2a: {  	p0 =	seq.s32 s5, $0x0;
	s5 =	sld [smem:$0x3FAB]  }
0x2b: {  	s6 =	sld [smem:$0x3FAC]  }
0x2c: {  	s7 =	sld [smem:$0x3FAD]  }
0x2d: {  	s3 =	simm.s32 $0x108;
	s8 =	sld [smem:$0x3FAE]  }
0x2e: {  	s3 =	simm.s32 @!p0 $0x1082;
	s9 =	sld [smem:$0x3FAF]  }
0x2f: {  	lr =	sadd.s32 s0, s3;
	s0 =	sld [smem:$0x3FA6]  }
0x30: {  	s3 =	sld [smem:$0x3FA9]  }
0x31: {  	[smem:$0x3FB2] =	sst s10  }
0x32: {  	s10 =	sld [smem:$0x3FB0];
	_ =	sdelay $0x3  }
0x33: {  	p0 =	seq.s32 s10, $0x1;
	s10 =	sld [smem:$0x3FB2];
	_ =	sdelay $0x3  }
0x34: {  	[smem:$0x3FB2] =	sst s10  }
0x35: {  	s10 =	sld [smem:$0x3FB1];
	_ =	sdelay $0x3  }
0x36: {  	p1 =	seq.s32 s10, $0x1;
	s10 =	sld [smem:$0x3FB2];
	_ =	sdelay $0x3  }
0x37: {  	[smem:$0x3FB2] =	sst s10  }
0x38: {  	s10 =	sld [smem:$0x3FB3]  }
0x39: {  	_ = 	snop;
	(pc) =	sbr.ind lr, $3  }
0x3a: {  	_ = 	snop  }
0x3b: {  	_ = 	snop  }
0x3c: {  	p2 =	seq.s32 s10, $0x1;
	s10 =	sld [smem:$0x3FB2]  }
0x3d: {  	_ =	shalt  }
0x3e: {  	_ =	shalt  }
0x3f: {  	_ =	shalt  }
0x40: {  	_ =	shalt  }
0x41: {  	_ =	shalt  }
0x42: {  	_ =	shalt  }
0x43: {  	_ =	shalt  }
0x44: {  	_ =	shalt  }
0x45: {  	_ =	shalt  }
0x46: {  	_ =	shalt  }
0x47: {  	_ =	shalt  }
0x48: {  	_ =	shalt  }
0x49: {  	_ =	shalt  }
0x4a: {  	_ =	shalt  }
0x4b: {  	_ =	shalt  }
0x4c: {  	_ =	shalt  }
0x4d: {  	_ =	shalt  }
0x4e: {  	_ =	shalt  }
0x4f: {  	_ =	shalt  }
0x50: {  	_ =	shalt  }
0x51: {  	_ =	shalt  }
0x52: {  	_ =	shalt  }
0x53: {  	_ =	shalt  }
0x54: {  	_ =	shalt  }
0x55: {  	_ =	shalt  }
0x56: {  	_ =	shalt  }
0x57: {  	_ =	shalt  }
0x58: {  	_ =	shalt  }
0x59: {  	_ =	shalt  }
0x5a: {  	_ =	shalt  }
0x5b: {  	_ =	shalt  }
0x5c: {  	_ =	shalt  }
0x5d: {  	_ =	shalt  }
0x5e: {  	_ =	shalt  }
0x5f: {  	_ =	shalt  }
0x60: {  	_ =	shalt  }
0x61: {  	_ =	shalt  }
0x62: {  	_ =	shalt  }
0x63: {  	_ =	shalt  }
0x64: {  	_ =	shalt  }
0x65: {  	_ =	shalt  }
0x66: {  	_ =	shalt  }
0x67: {  	_ =	shalt  }
0x68: {  	_ =	shalt  }
0x69: {  	_ =	shalt  }
0x6a: {  	_ =	shalt  }
0x6b: {  	_ =	shalt  }
0x6c: {  	_ =	shalt  }
0x6d: {  	_ =	shalt  }
0x6e: {  	_ =	shalt  }
0x6f: {  	_ =	shalt  }
0x70: {  	_ =	shalt  }
0x71: {  	_ =	shalt  }
0x72: {  	_ =	shalt  }
0x73: {  	_ =	shalt  }
0x74: {  	_ =	shalt  }
0x75: {  	_ =	shalt  }
0x76: {  	_ =	shalt  }
0x77: {  	_ =	shalt  }
0x78: {  	_ =	shalt  }
0x79: {  	_ =	shalt  }
0x7a: {  	_ =	shalt  }
0x7b: {  	_ =	shalt  }
0x7c: {  	_ =	shalt  }
0x7d: {  	_ =	shalt  }
0x7e: {  	_ =	shalt  }
0x7f: {  	_ =	shalt  }
0x80: {  	_ =	shalt  }
0x81: {  	_ =	shalt  }
0x82: {  	_ =	shalt  }
0x83: {  	_ =	shalt  }
0x84: {  	_ =	shalt  }
0x85: {  	_ =	shalt  }
0x86: {  	_ =	shalt  }
0x87: {  	_ =	shalt  }
.Lfunc_end0:
.L_simem_size_0:
called_computation.1_lowered:
.L_overlay_start_0:
0x88: {  	s2 =	sld [smem:$0x3FD9]  }
0x89: {  	s3 =	sld [smem:$0x3FFE];
	_ =	sdelay $0x1  }
0x8a: {  	s1 =	srdreg.scid  }
0x8b: {  	s0 =	sand.u32 $0x1, s1  }
0x8c: {  	s16 =	sshll.u32 s0, $0xA;
	s2 =	sadd.s32 s3, s2  }
0x8d: {  	s2 =	sadd.s32 s2, s16  }
0x8e: {  	[smem:$0x3FBE] =	sst s2  }
0x8f: {  	_ = 	snop  }
0x90: {  	(tm) =	ssettm $0x1  }
0x91: {  	s17 =	sld [smem:$0x3FFB];
	_ =	sdelay $0x3  }
0x92: {  	_ =	strace s17  }
0x93: {  	s2 =	sld [smem:$0x3FFC];
	_ =	sdelay $0x3  }
0x94: {  	_ =	strace s2  }
0x95: {  	s2 =	sld [smem:$0x3FFD];
	_ =	sdelay $0x3  }
0x96: {  	_ =	strace s2  }
0x97: {  	_ =	strace $0x8FFFFFFF  }
0x98: {  	s18 =	sld [smem:$0x3FDB];
	_ =	sdelay $0x1  }
0x99: {  	s19 =	simm.s32 $_scs_section_size  }
0x9a: {  	s4 =	simm.s32 $_size__tile_overlayer_lowered;
	s5 =	simm.s32 $_tile_overlayer_lowered  }
0x9b: {  	s22 =	simm.s32 $0x1BFF;
	s21 =	sshll.u32 s5, $0x1;
	s2 =	sadd.s32 s19, s18  }
0x9c: {  	s6 =	simm.s32 $0x0;
	s20 =	sshll.u32 s4, $0x1;
	s4 =	sadd.s32 s21, s2  }
0x9d: {  	[timem:s6], [sflag:s22] =	dma.local [hbm:s4], s20  }
0x9e: {  	_ =	swait.ge [sflag:s22], s20  }
0x9f: {  	s3 =	ssub.s32 $0x0, s20;
	[sflag:s22] =	ssyncset.done $0x0  }
0xa0: {  	[sflag:s22] =	ssyncadd.s32 s3;
	_ =	sdelay $0x1  }
0xa1: {  	s23 =	simm.s32 $0x1B8B  }
0xa2: {  	_ =	swait.ge [sflag:s23], $0x1  }
0xa3: {  	[sflag:s23] =	ssyncset.done $0x0  }
0xa4: {  	s25 =	simm.s32 $0x1B8E;
	s24 =	sld [smem:$0x3FFE];
	[sflag:s23] =	ssyncadd.s32 $0xFFFFFFFF  }
0xa5: {  	s26 =	simm.s32 $execute0_lowered;
	[smem:$0x3FD2] =	sst s25  }
0xa6: {  	s4 =	sshll.u32 s26, $0x1;
	_ =	strace $0x80000049;
	[dreg:$0x1] =	wrdreg $0xFFFFFFFF  }
0xa7: {  	s28 =	simm.s32 $_size_execute0_lowered;
	s2 =	sadd.s32 s2, s4;
	[dreg:$0x0] =	wrdreg $0x0  }
0xa8: {  	s4 =	sshll.u32 s28, $0x1;
	[dreg:$0x2] =	wrdreg s2  }
0xa9: {  	[dreg:$0x3] =	wrdreg s4  }
0xaa: {  	[dreg:$0x4] =	wrdreg $0xC0  }
0xab: {  	_ =	task [dreg:s6], $0x5FFFF  }
0xac: {  	[dreg:$0x1] =	wrdreg $0xFFFFFFFF  }
0xad: {  	[dreg:$0x0] =	wrdreg $0x60  }
0xae: {  	[dreg:$0x2] =	wrdreg s24  }
0xaf: {  	[dreg:$0x3] =	wrdreg $0x48000  }
0xb0: {  	[dreg:$0x4] =	wrdreg $0x9  }
0xb1: {  	_ =	task.clear_ibuf [dreg:s6], $0x5FFFF;
	_ =	strace $0x90000049  }
0xb2: {  	s29 =	simm.s32 $0x9;
	_ =	strace $0x8000004B  }
0xb3: {  	_ =	swait.ge [sflag:s29], $0x1  }
0xb4: {  	[sflag:s29] =	ssyncadd.s32 $0xFFFFFFFF  }
0xb5: {  	_ =	strace $0x9000004B  }
0xb6: {  	_ =	sfence  }
0xb7: {  	s30 =	sld [smem:$0x0];
	_ =	sdelay $0x2  }
0xb8: {  	s31 =	sshll.u32 s1, $0xD;
	s1 =	sshrl.u32 s1, $0x2  }
0xb9: {  	s3 =	sand.u32 $0x4000, s31;
	s1 =	sadd.s32 s1, s30  }
0xba: {  	s0 =	sor.u32 s3, s0;
	s1 =	sshll.u32 s1, $0x11  }
0xbb: {  	s0 =	sor.u32 s1, s0  }
0xbc: {  	s0 =	sadd.s32 $0x8F2B, s0  }
0xbd: {  	[sflag:s0] =	ssyncadd.remote.s32 $0x1  }
0xbe: {  	_ =	sfence.sel $0xFFFF  }
0xbf: {  	[dreg:$0x0] =	wrdreg $0xFFFFFFFF;
	(pc) =	sbr.abs _section_cstart, $3  }
0xc0: {  	[dreg:$0x1] =	wrdreg $0xFFFFFFFF  }
0xc1: {  	_ =	task.clear_ibuf [dreg:s6], $0x2FFFF;
	_ =	strace $0x9FFFFFFF  }
0xc2: {  	(tm) =	ssettm $0x7FFFFFFF  }
0xc3: {  	_ =	shalt  }
tec
execute0_lowered:
.L_overlay_start_1:
0x0: {  	(tag) =	ssettag $0x1  }
0x1: {  	s0 =	srdreg.scid  }
0x2: {  	s9 =	stileid.u32;
	s1 =	rddreg [dreg:$0x0]  }
0x3: {  	s2 =	rddreg [dreg:$0x1];
	s3 =	simm.s32 $0x0;
	s14 =	simm.s32 $0x100  }
0x4: {  	s15 =	simm.s32 $0x180;
	s16 =	simm.s32 $0x200;
	[smem:$0x7FF] =	sst s3  }
0x5: {  	s17 =	simm.s32 $0x280;
	_ =	strace $0x8000004A;
	[dreg:$0x5] =	wrdreg s14  }
0x6: {  	s18 =	simm.s32 $0x300;
	s19 =	simm.s32 $0x380;
	[dreg:$0x6] =	wrdreg s15  }
0x7: {  	s20 =	simm.s32 $0x480;
	s21 =	simm.s32 $0x500;
	[dreg:$0x7] =	wrdreg s16  }
0x8: {  	s22 =	simm.s32 $0x580;
	s23 =	simm.s32 $0x600;
	[dreg:$0x8] =	wrdreg s17  }
0x9: {  	s24 =	simm.s32 $0x680;
	s25 =	simm.s32 $0x700;
	[dreg:$0x9] =	wrdreg s18  }
0xa: {  	s28 =	simm.s32 $0x7;
	s29 =	simm.s32 $0x8;
	[dreg:$0xa] =	wrdreg s19  }
0xb: {  	s30 =	simm.s32 $0x9;
	s31 =	simm.s32 $0xA;
	[dreg:$0xb] =	wrdreg s20  }
0xc: {  	s0 =	sand.u32 $0x1, s0;
	s5 =	smul.u32 $0x18800, s9;
	[dreg:$0xc] =	wrdreg s21  }
0xd: {  	s7 =	smul.u32 $0x19000, s9;
	s4 =	sadd.s32 $0x65800, s1;
	[dreg:$0xd] =	wrdreg s22  }
0xe: {  	s11 =	sshll.u32 s9, $0x6;
	s6 =	smul.u32 $0xC400, s0;
	[dreg:$0xe] =	wrdreg s23  }
0xf: {  	s8 =	smul.u32 $0x190000, s0;
	s0 =	ssub.s32 $0x2, s0;
	[dreg:$0xf] =	wrdreg s24  }
0x10: {  	s11 =	sor.u32 $0x1C11, s11;
	s23 =	simm.s32 $0x3;
	[dreg:$0x10] =	wrdreg s25  }
0x11: {  	s24 =	simm.s32 $0x4;
	s25 =	simm.s32 $0x5;
	s21 =	simm.s32 $0x3800  }
0x12: {  	s22 =	simm.s32 $0x4000;
	s3 =	sshrl.u32 s0, $0x1;
	s10 =	sadd.s32 s7, s2  }
0x13: {  	[dreg:$0x13] =	wrdreg s11;
	s5 =	sadd.s32 s6, s5;
	s26 =	sadd.s32 s7, s8  }
0x14: {  	s0 =	ssub.s32 s0, s3;
	s7 =	sshrl.u32 s7, $0x3;
	s8 =	simm.s32 $0xF  }
0x15: {  	s3 =	simm.s32 $0x0;
	s5 =	sshrl.u32 s5, $0x3;
	s7 =	sadd.s32 s4, s7  }
0x16: {  	s6 =	sshrl.u32 s26, $0x3;
	s0 =	smax.u32 s0, $0x1;
	[dreg:$0x12] =	wrdreg s7  }
0x17: {  	s26 =	simm.s32 $0x780;
	s5 =	sadd.s32 s5, s1;
	[dreg:$0x15] =	wrdreg s0  }
0x18: {  	s1 =	sadd.s32 s6, s1;
	[dreg:$0x11] =	wrdreg s26;
	s26 =	simm.s32 $0x6  }
0x19: {  	s0 =	simm.s32 $0xC;
	s7 =	simm.s32 $0xE;
	s1 =	sadd.s32 $0xC9800, s1  }
0x1a: {  	s6 =	simm.s32 $0x10;
	s12 =	sadd.s32 $0x3800, s5;
	[dreg:$0x14] =	wrdreg s1  }
0x1b: {  	s13 =	sadd.s32 $0x34800, s5;
	s5 =	simm.s32 $0xD;
	[dreg:$0x3] =	wrdreg s12  }
0x1c: {  	[dreg:$0x4] =	wrdreg s13;
	s13 =	sshrl.u32 s10, $0x3;
	s10 =	simm.s32 $0x11  }
0x1d: {  	s12 =	simm.s32 $0x80;
	s1 =	simm.s32 $0xB;
	[dreg:$0x16] =	wrdreg s13  }
.LBB2_1:
0x1e: {  	[dreg:$0x17] =	wrdreg s3  }
0x1f: {  	s9 =	rddreg [dreg:$0x12]  }
0x20: {  	[spmem:s13], [sflag:s11] =	dma.local [hbm:s9], $0x3200  }
0x21: {  	_ =	swait.ge [sflag:s10], $0x3200  }
0x22: {  	[sflag:s10] =	ssyncset.done $0x0  }
0x23: {  	[sflag:s10] =	ssyncadd.s32 $0xFFFFCE00  }
0x24: {  	[bflag:$0x0] =	sbarrier.arrive $0xFFFF  }
0x25: {  	s16 =	rddreg [dreg:$0x4]  }
0x26: {  	s17 =	simm.s32 $0x0;
	s9 =	sadd.s32 $0x0, s16  }
0x27: {  	[tilespmem:s17], [sflag:$0x11] =	stream.linear.gather [hbm4b:s9+s17], $0x400, $0x38;
	[tilespmem:$0x1D800] =	vst v63  }
0x28: {  	_ =	swait.ge [sflag:s10], $0x400  }
0x29: {  	s18 =	rddreg [dreg:$0x3];
	[sflag:s10] =	ssyncset.done $0x0  }
0x2a: {  	s13 =	simm.s32 $0x400;
	[sflag:s10] =	ssyncadd.s32 $0xFFFFFC00;
	s9 =	sadd.s32 $0x0, s18  }
0x2b: {  	[tilespmem:s13], [sflag:$0x11] =	stream.linear.gather [hbm4b:s9+s17], $0x400, $0x38;
	[tilespmem:$0x1D800] =	vst v63  }
0x2c: {  	_ =	swait.ge [sflag:s10], $0x400  }
0x2d: {  	[sflag:s10] =	ssyncset.done $0x0  }
0x2e: {  	s14 =	simm.s32 $0x800;
	[sflag:s10] =	ssyncadd.s32 $0xFFFFFC00  }
0x2f: {  	[tilespmem:s14], [sflag:$0x1] =	stream.indirect.gather [hbm4b:s4+s12], $0x10, s17, s12, $0xb8;
	[tilespmem:$0x1D800] =	vst v63  }
0x30: {  	s15 =	simm.s32 $0x1000  }
0x31: {  	[tilespmem:s15], [sflag:$0x2] =	stream.indirect.gather [hbm4b:s4+s12], $0x10, s12, s12, $0xb8;
	[tilespmem:$0x1D800] =	vst v63  }
0x32: {  	s16 =	simm.s32 $0x1800;
	s19 =	rddreg [dreg:$0x5]  }
0x33: {  	[tilespmem:s16], [sflag:$0x3] =	stream.indirect.gather [hbm4b:s4+s12], $0x10, s19, s12, $0xb8;
	[tilespmem:$0x1D800] =	vst v63  }
0x34: {  	s20 =	rddreg [dreg:$0x6];
	s17 =	simm.s32 $0x2000  }
0x35: {  	[tilespmem:s17], [sflag:$0x4] =	stream.indirect.gather [hbm4b:s4+s12], $0x10, s20, s12, $0xb8;
	[tilespmem:$0x1D800] =	vst v63  }
0x36: {  	s18 =	simm.s32 $0x2800;
	s3 =	rddreg [dreg:$0x7]  }
0x37: {  	[tilespmem:s18], [sflag:$0x5] =	stream.indirect.gather [hbm4b:s4+s12], $0x10, s3, s12, $0xb8;
	[tilespmem:$0x1D800] =	vst v63  }
0x38: {  	s19 =	rddreg [dreg:$0x8];
	s3 =	simm.s32 $0x3000  }
0x39: {  	[tilespmem:s3], [sflag:$0x6] =	stream.indirect.gather [hbm4b:s4+s12], $0x10, s19, s12, $0xb8;
	[tilespmem:$0x1D800] =	vst v63  }
0x3a: {  	s20 =	rddreg [dreg:$0x9];
	s19 =	simm.s32 $0x3800  }
0x3b: {  	[tilespmem:s19], [sflag:$0x7] =	stream.indirect.gather [hbm4b:s4+s12], $0x10, s20, s12, $0xb8;
	[tilespmem:$0x1D800] =	vst v63  }
0x3c: {  	s11 =	rddreg [dreg:$0xa];
	s20 =	simm.s32 $0x4000  }
0x3d: {  	[tilespmem:s20], [sflag:$0x8] =	stream.indirect.gather [hbm4b:s4+s12], $0x10, s11, s12, $0xb8;
	[tilespmem:$0x1D800] =	vst v63  }
0x3e: {  	s11 =	simm.s32 $0x1  }
0x3f: {  	_ =	swait.ge [sflag:s11], $0x800  }
0x40: {  	[sflag:s11] =	ssyncset.done $0x0  }
0x41: {  	s9 =	simm.s32 $0x2;
	[sflag:s11] =	ssyncadd.s32 $0xFFFFF800  }
0x42: {  	[spmem:s2] =	stream.indirect.scatter.add.f32 [tilespmem:s14], [sflag:$0x9], $0x10, s13, s12, $0xb8;
	[tilespmem:$0x1D800] =	vst v63  }
0x43: {  	_ =	swait.ge [sflag:s9], $0x800  }
0x44: {  	[sflag:s9] =	ssyncset.done $0x0  }
0x45: {  	s13 =	rddreg [dreg:$0xb];
	[sflag:s9] =	ssyncadd.s32 $0xFFFFF800  }
0x46: {  	[spmem:s2] =	stream.indirect.scatter.add.f32 [tilespmem:s15], [sflag:$0xA], $0x10, s13, s12, $0xb8;
	[tilespmem:$0x1D800] =	vst v63  }
0x47: {  	_ =	swait.ge [sflag:s23], $0x800  }
0x48: {  	[sflag:s23] =	ssyncset.done $0x0  }
0x49: {  	s14 =	rddreg [dreg:$0xc];
	[sflag:s23] =	ssyncadd.s32 $0xFFFFF800  }
0x4a: {  	[spmem:s2] =	stream.indirect.scatter.add.f32 [tilespmem:s16], [sflag:$0xB], $0x10, s14, s12, $0xb8;
	[tilespmem:$0x1D800] =	vst v63  }
0x4b: {  	_ =	swait.ge [sflag:s24], $0x800  }
0x4c: {  	[sflag:s24] =	ssyncset.done $0x0  }
0x4d: {  	s15 =	rddreg [dreg:$0xd];
	[sflag:s24] =	ssyncadd.s32 $0xFFFFF800  }
0x4e: {  	[spmem:s2] =	stream.indirect.scatter.add.f32 [tilespmem:s17], [sflag:$0xC], $0x10, s15, s12, $0xb8;
	[tilespmem:$0x1D800] =	vst v63  }
0x4f: {  	_ =	swait.ge [sflag:s25], $0x800  }
0x50: {  	[sflag:s25] =	ssyncset.done $0x0  }
0x51: {  	s16 =	rddreg [dreg:$0xe];
	[sflag:s25] =	ssyncadd.s32 $0xFFFFF800  }
0x52: {  	[spmem:s2] =	stream.indirect.scatter.add.f32 [tilespmem:s18], [sflag:$0xD], $0x10, s16, s12, $0xb8;
	[tilespmem:$0x1D800] =	vst v63  }
0x53: {  	_ =	swait.ge [sflag:s26], $0x800  }
0x54: {  	[sflag:s26] =	ssyncset.done $0x0  }
0x55: {  	s17 =	rddreg [dreg:$0xf];
	[sflag:s26] =	ssyncadd.s32 $0xFFFFF800  }
0x56: {  	[spmem:s2] =	stream.indirect.scatter.add.f32 [tilespmem:s3], [sflag:$0xE], $0x10, s17, s12, $0xb8;
	[tilespmem:$0x1D800] =	vst v63  }
0x57: {  	_ =	swait.ge [sflag:s28], $0x800  }
0x58: {  	[sflag:s28] =	ssyncset.done $0x0  }
0x59: {  	s18 =	rddreg [dreg:$0x10];
	[sflag:s28] =	ssyncadd.s32 $0xFFFFF800  }
0x5a: {  	[spmem:s2] =	stream.indirect.scatter.add.f32 [tilespmem:s19], [sflag:$0xF], $0x10, s18, s12, $0xb8;
	[tilespmem:$0x1D800] =	vst v63  }
0x5b: {  	_ =	swait.ge [sflag:s29], $0x800  }
0x5c: {  	[sflag:s29] =	ssyncset.done $0x0  }
0x5d: {  	s19 =	rddreg [dreg:$0x11];
	[sflag:s29] =	ssyncadd.s32 $0xFFFFF800  }
0x5e: {  	[spmem:s2] =	stream.indirect.scatter.add.f32 [tilespmem:s20], [sflag:$0x10], $0x10, s19, s12, $0xb8;
	[tilespmem:$0x1D800] =	vst v63  }
0x5f: {  	_ =	swait.ge [sflag:s30], $0x800  }
0x60: {  	[sflag:s30] =	ssyncset.done $0x0  }
0x61: {  	[sflag:s30] =	ssyncadd.s32 $0xFFFFF800  }
0x62: {  	_ =	swait.ge [sflag:s31], $0x800  }
0x63: {  	[sflag:s31] =	ssyncset.done $0x0  }
0x64: {  	[sflag:s31] =	ssyncadd.s32 $0xFFFFF800  }
0x65: {  	_ =	swait.ge [sflag:s1], $0x800  }
0x66: {  	[sflag:s1] =	ssyncset.done $0x0  }
0x67: {  	[sflag:s1] =	ssyncadd.s32 $0xFFFFF800  }
0x68: {  	_ =	swait.ge [sflag:s0], $0x800  }
0x69: {  	[sflag:s0] =	ssyncset.done $0x0  }
0x6a: {  	[sflag:s0] =	ssyncadd.s32 $0xFFFFF800  }
0x6b: {  	_ =	swait.ge [sflag:s5], $0x800  }
0x6c: {  	[sflag:s5] =	ssyncset.done $0x0  }
0x6d: {  	[sflag:s5] =	ssyncadd.s32 $0xFFFFF800  }
0x6e: {  	_ =	swait.ge [sflag:s7], $0x800  }
0x6f: {  	[sflag:s7] =	ssyncset.done $0x0  }
0x70: {  	[sflag:s7] =	ssyncadd.s32 $0xFFFFF800  }
0x71: {  	_ =	swait.ge [sflag:s8], $0x800  }
0x72: {  	[sflag:s8] =	ssyncset.done $0x0  }
0x73: {  	[sflag:s8] =	ssyncadd.s32 $0xFFFFF800  }
0x74: {  	s11 =	simm.s32 $0x100;
	_ =	swait.ge [sflag:s6], $0x800  }
0x75: {  	s9 =	simm.s32 $0x80;
	s13 =	rddreg [dreg:$0x4];
	[sflag:s6] =	ssyncset.done $0x0  }
.LBB2_2:
0x76: {  	[sflag:s6] =	ssyncadd.s32 $0xFFFFF800;
	s13 =	sadd.s32 s9, s13;
	s3 =	simm.s32 $0x0  }
0x77: {  	[tilespmem:s3], [sflag:$0x11] =	stream.linear.gather [hbm4b:s13+s3], $0x400, $0x38;
	[tilespmem:$0x1D800] =	vst v63  }
0x78: {  	_ =	swait.ge [sflag:s10], $0x400  }
0x79: {  	s18 =	rddreg [dreg:$0x3];
	[sflag:s10] =	ssyncset.done $0x0  }
0x7a: {  	s15 =	simm.s32 $0x400;
	[sflag:s10] =	ssyncadd.s32 $0xFFFFFC00;
	s13 =	sadd.s32 s9, s18  }
0x7b: {  	[tilespmem:s15], [sflag:$0x11] =	stream.linear.gather [hbm4b:s13+s3], $0x400, $0x38;
	[tilespmem:$0x1D800] =	vst v63  }
0x7c: {  	_ =	swait.ge [sflag:s10], $0x400  }
0x7d: {  	[sflag:s10] =	ssyncset.done $0x0  }
0x7e: {  	s16 =	simm.s32 $0x800;
	[sflag:s10] =	ssyncadd.s32 $0xFFFFFC00  }
0x7f: {  	[tilespmem:s16], [sflag:$0x1] =	stream.indirect.gather [hbm4b:s4+s12], $0x10, s3, s12, $0xb8;
	[tilespmem:$0x1D800] =	vst v63  }
0x80: {  	s17 =	simm.s32 $0x1000  }
0x81: {  	[tilespmem:s17], [sflag:$0x2] =	stream.indirect.gather [hbm4b:s4+s12], $0x10, s12, s12, $0xb8;
	[tilespmem:$0x1D800] =	vst v63  }
0x82: {  	s18 =	simm.s32 $0x1800;
	s19 =	rddreg [dreg:$0x5]  }
0x83: {  	[tilespmem:s18], [sflag:$0x3] =	stream.indirect.gather [hbm4b:s4+s12], $0x10, s19, s12, $0xb8;
	[tilespmem:$0x1D800] =	vst v63  }
0x84: {  	s20 =	rddreg [dreg:$0x6];
	s19 =	simm.s32 $0x2000  }
0x85: {  	[tilespmem:s19], [sflag:$0x4] =	stream.indirect.gather [hbm4b:s4+s12], $0x10, s20, s12, $0xb8;
	[tilespmem:$0x1D800] =	vst v63  }
0x86: {  	s14 =	smov.u32 s11;
	s3 =	rddreg [dreg:$0x7];
	s20 =	simm.s32 $0x2800  }
0x87: {  	[tilespmem:s20], [sflag:$0x5] =	stream.indirect.gather [hbm4b:s4+s12], $0x10, s3, s12, $0xb8;
	[tilespmem:$0x1D800] =	vst v63  }
0x88: {  	s9 =	smov.u32 s14;
	s14 =	rddreg [dreg:$0x8];
	s3 =	simm.s32 $0x3000  }
0x89: {  	[tilespmem:s3], [sflag:$0x6] =	stream.indirect.gather [hbm4b:s4+s12], $0x10, s14, s12, $0xb8;
	[tilespmem:$0x1D800] =	vst v63  }
0x8a: {  	s13 =	rddreg [dreg:$0x9]  }
0x8b: {  	[tilespmem:s21], [sflag:$0x7] =	stream.indirect.gather [hbm4b:s4+s12], $0x10, s13, s12, $0xb8;
	[tilespmem:$0x1D800] =	vst v63  }
0x8c: {  	s14 =	rddreg [dreg:$0xa]  }
0x8d: {  	[tilespmem:s22], [sflag:$0x8] =	stream.indirect.gather [hbm4b:s4+s12], $0x10, s14, s12, $0xb8;
	[tilespmem:$0x1D800] =	vst v63  }
0x8e: {  	s14 =	simm.s32 $0x1  }
0x8f: {  	_ =	swait.ge [sflag:s14], $0x800  }
0x90: {  	[sflag:s14] =	ssyncset.done $0x0  }
0x91: {  	[sflag:s14] =	ssyncadd.s32 $0xFFFFF800  }
0x92: {  	[spmem:s2] =	stream.indirect.scatter.add.f32 [tilespmem:s16], [sflag:$0x9], $0x10, s15, s12, $0xb8;
	[tilespmem:$0x1D800] =	vst v63  }
0x93: {  	s15 =	simm.s32 $0x2  }
0x94: {  	_ =	swait.ge [sflag:s15], $0x800  }
0x95: {  	[sflag:s15] =	ssyncset.done $0x0  }
0x96: {  	s16 =	rddreg [dreg:$0xb];
	[sflag:s15] =	ssyncadd.s32 $0xFFFFF800  }
0x97: {  	[spmem:s2] =	stream.indirect.scatter.add.f32 [tilespmem:s17], [sflag:$0xA], $0x10, s16, s12, $0xb8;
	[tilespmem:$0x1D800] =	vst v63  }
0x98: {  	_ =	swait.ge [sflag:s23], $0x800  }
0x99: {  	[sflag:s23] =	ssyncset.done $0x0  }
0x9a: {  	s15 =	rddreg [dreg:$0xc];
	[sflag:s23] =	ssyncadd.s32 $0xFFFFF800  }
0x9b: {  	[spmem:s2] =	stream.indirect.scatter.add.f32 [tilespmem:s18], [sflag:$0xB], $0x10, s15, s12, $0xb8;
	[tilespmem:$0x1D800] =	vst v63  }
0x9c: {  	_ =	swait.ge [sflag:s24], $0x800  }
0x9d: {  	[sflag:s24] =	ssyncset.done $0x0  }
0x9e: {  	s16 =	rddreg [dreg:$0xd];
	[sflag:s24] =	ssyncadd.s32 $0xFFFFF800  }
0x9f: {  	[spmem:s2] =	stream.indirect.scatter.add.f32 [tilespmem:s19], [sflag:$0xC], $0x10, s16, s12, $0xb8;
	[tilespmem:$0x1D800] =	vst v63  }
0xa0: {  	_ =	swait.ge [sflag:s25], $0x800  }
0xa1: {  	[sflag:s25] =	ssyncset.done $0x0  }
0xa2: {  	s17 =	rddreg [dreg:$0xe];
	[sflag:s25] =	ssyncadd.s32 $0xFFFFF800  }
0xa3: {  	[spmem:s2] =	stream.indirect.scatter.add.f32 [tilespmem:s20], [sflag:$0xD], $0x10, s17, s12, $0xb8;
	[tilespmem:$0x1D800] =	vst v63  }
0xa4: {  	_ =	swait.ge [sflag:s26], $0x800  }
0xa5: {  	[sflag:s26] =	ssyncset.done $0x0  }
0xa6: {  	s18 =	rddreg [dreg:$0xf];
	[sflag:s26] =	ssyncadd.s32 $0xFFFFF800  }
0xa7: {  	[spmem:s2] =	stream.indirect.scatter.add.f32 [tilespmem:s3], [sflag:$0xE], $0x10, s18, s12, $0xb8;
	[tilespmem:$0x1D800] =	vst v63  }
0xa8: {  	_ =	swait.ge [sflag:s28], $0x800  }
0xa9: {  	[sflag:s28] =	ssyncset.done $0x0  }
0xaa: {  	s19 =	rddreg [dreg:$0x10];
	[sflag:s28] =	ssyncadd.s32 $0xFFFFF800  }
0xab: {  	[spmem:s2] =	stream.indirect.scatter.add.f32 [tilespmem:s21], [sflag:$0xF], $0x10, s19, s12, $0xb8;
	[tilespmem:$0x1D800] =	vst v63  }
0xac: {  	_ =	swait.ge [sflag:s29], $0x800  }
0xad: {  	[sflag:s29] =	ssyncset.done $0x0  }
0xae: {  	s20 =	rddreg [dreg:$0x11];
	[sflag:s29] =	ssyncadd.s32 $0xFFFFF800  }
0xaf: {  	[spmem:s2] =	stream.indirect.scatter.add.f32 [tilespmem:s22], [sflag:$0x10], $0x10, s20, s12, $0xb8;
	[tilespmem:$0x1D800] =	vst v63  }
0xb0: {  	_ =	swait.ge [sflag:s30], $0x800  }
0xb1: {  	[sflag:s30] =	ssyncset.done $0x0  }
0xb2: {  	[sflag:s30] =	ssyncadd.s32 $0xFFFFF800  }
0xb3: {  	_ =	swait.ge [sflag:s31], $0x800  }
0xb4: {  	[sflag:s31] =	ssyncset.done $0x0  }
0xb5: {  	[sflag:s31] =	ssyncadd.s32 $0xFFFFF800  }
0xb6: {  	_ =	swait.ge [sflag:s1], $0x800  }
0xb7: {  	[sflag:s1] =	ssyncset.done $0x0  }
0xb8: {  	[sflag:s1] =	ssyncadd.s32 $0xFFFFF800  }
0xb9: {  	_ =	swait.ge [sflag:s0], $0x800  }
0xba: {  	[sflag:s0] =	ssyncset.done $0x0  }
0xbb: {  	[sflag:s0] =	ssyncadd.s32 $0xFFFFF800  }
0xbc: {  	_ =	swait.ge [sflag:s5], $0x800  }
0xbd: {  	[sflag:s5] =	ssyncset.done $0x0  }
0xbe: {  	[sflag:s5] =	ssyncadd.s32 $0xFFFFF800  }
0xbf: {  	_ =	swait.ge [sflag:s7], $0x800  }
0xc0: {  	[sflag:s7] =	ssyncset.done $0x0  }
0xc1: {  	p0 =	sne.s32 s11, $0x1800;
	[sflag:s7] =	ssyncadd.s32 $0xFFFFF800  }
.Ltmp0:
0xc2: {  	_ =	swait.ge [sflag:s8], $0x800;
	(pc) =	sbr.rel @p0 .LBB2_2-.Ltmp0, $4  }
0xc3: {  	[sflag:s8] =	ssyncset.done $0x0  }
0xc4: {  	[sflag:s8] =	ssyncadd.s32 $0xFFFFF800  }
0xc5: {  	_ =	swait.ge [sflag:s6], $0x800  }
0xc6: {  	s11 =	sadd.s32 $0x80, s11;
	s13 =	rddreg [dreg:$0x4];
	[sflag:s6] =	ssyncset.done $0x0  }
0xc7: {  	[sflag:s6] =	ssyncadd.s32 $0xFFFFF800;
	s11 =	sadd.s32 s9, s13;
	s3 =	simm.s32 $0x0  }
0xc8: {  	[tilespmem:s3], [sflag:$0x11] =	stream.linear.gather [hbm4b:s11+s3], $0x400, $0x38;
	[tilespmem:$0x1D800] =	vst v63  }
0xc9: {  	_ =	swait.ge [sflag:s10], $0x400  }
0xca: {  	s17 =	rddreg [dreg:$0x3];
	[sflag:s10] =	ssyncset.done $0x0  }
0xcb: {  	s13 =	simm.s32 $0x400;
	[sflag:s10] =	ssyncadd.s32 $0xFFFFFC00;
	s18 =	sadd.s32 s9, s17  }
0xcc: {  	[tilespmem:s13], [sflag:$0x11] =	stream.linear.gather [hbm4b:s18+s3], $0x400, $0x38;
	[tilespmem:$0x1D800] =	vst v63  }
0xcd: {  	_ =	swait.ge [sflag:s10], $0x400  }
0xce: {  	[sflag:s10] =	ssyncset.done $0x0  }
0xcf: {  	s14 =	simm.s32 $0x800;
	[sflag:s10] =	ssyncadd.s32 $0xFFFFFC00  }
0xd0: {  	[tilespmem:s14], [sflag:$0x1] =	stream.indirect.gather [hbm4b:s4+s12], $0x10, s3, s12, $0xb8;
	[tilespmem:$0x1D800] =	vst v63  }
0xd1: {  	s15 =	simm.s32 $0x1000  }
0xd2: {  	[tilespmem:s15], [sflag:$0x2] =	stream.indirect.gather [hbm4b:s4+s12], $0x10, s12, s12, $0xb8;
	[tilespmem:$0x1D800] =	vst v63  }
0xd3: {  	s16 =	simm.s32 $0x1800;
	s19 =	rddreg [dreg:$0x5]  }
0xd4: {  	[tilespmem:s16], [sflag:$0x3] =	stream.indirect.gather [hbm4b:s4+s12], $0x10, s19, s12, $0xb8;
	[tilespmem:$0x1D800] =	vst v63  }
0xd5: {  	s17 =	simm.s32 $0x2000;
	s20 =	rddreg [dreg:$0x6]  }
0xd6: {  	[tilespmem:s17], [sflag:$0x4] =	stream.indirect.gather [hbm4b:s4+s12], $0x10, s20, s12, $0xb8;
	[tilespmem:$0x1D800] =	vst v63  }
0xd7: {  	s18 =	simm.s32 $0x2800;
	s3 =	rddreg [dreg:$0x7]  }
0xd8: {  	[tilespmem:s18], [sflag:$0x5] =	stream.indirect.gather [hbm4b:s4+s12], $0x10, s3, s12, $0xb8;
	[tilespmem:$0x1D800] =	vst v63  }
0xd9: {  	s19 =	rddreg [dreg:$0x8];
	s3 =	simm.s32 $0x3000  }
0xda: {  	[tilespmem:s3], [sflag:$0x6] =	stream.indirect.gather [hbm4b:s4+s12], $0x10, s19, s12, $0xb8;
	[tilespmem:$0x1D800] =	vst v63  }
0xdb: {  	s20 =	rddreg [dreg:$0x9];
	s19 =	simm.s32 $0x3800  }
0xdc: {  	[tilespmem:s19], [sflag:$0x7] =	stream.indirect.gather [hbm4b:s4+s12], $0x10, s20, s12, $0xb8;
	[tilespmem:$0x1D800] =	vst v63  }
0xdd: {  	s11 =	rddreg [dreg:$0xa];
	s20 =	simm.s32 $0x4000  }
0xde: {  	[tilespmem:s20], [sflag:$0x8] =	stream.indirect.gather [hbm4b:s4+s12], $0x10, s11, s12, $0xb8;
	[tilespmem:$0x1D800] =	vst v63  }
0xdf: {  	s11 =	simm.s32 $0x1  }
0xe0: {  	_ =	swait.ge [sflag:s11], $0x800  }
0xe1: {  	[sflag:s11] =	ssyncset.done $0x0  }
0xe2: {  	[sflag:s11] =	ssyncadd.s32 $0xFFFFF800  }
0xe3: {  	[spmem:s2] =	stream.indirect.scatter.add.f32 [tilespmem:s14], [sflag:$0x9], $0x10, s13, s12, $0xb8;
	[tilespmem:$0x1D800] =	vst v63  }
0xe4: {  	s13 =	simm.s32 $0x2  }
0xe5: {  	_ =	swait.ge [sflag:s13], $0x800  }
0xe6: {  	[sflag:s13] =	ssyncset.done $0x0  }
0xe7: {  	s14 =	rddreg [dreg:$0xb];
	[sflag:s13] =	ssyncadd.s32 $0xFFFFF800  }
0xe8: {  	[spmem:s2] =	stream.indirect.scatter.add.f32 [tilespmem:s15], [sflag:$0xA], $0x10, s14, s12, $0xb8;
	[tilespmem:$0x1D800] =	vst v63  }
0xe9: {  	_ =	swait.ge [sflag:s23], $0x800  }
0xea: {  	[sflag:s23] =	ssyncset.done $0x0  }
0xeb: {  	s11 =	rddreg [dreg:$0xc];
	[sflag:s23] =	ssyncadd.s32 $0xFFFFF800  }
0xec: {  	[spmem:s2] =	stream.indirect.scatter.add.f32 [tilespmem:s16], [sflag:$0xB], $0x10, s11, s12, $0xb8;
	[tilespmem:$0x1D800] =	vst v63  }
0xed: {  	_ =	swait.ge [sflag:s24], $0x800  }
0xee: {  	[sflag:s24] =	ssyncset.done $0x0  }
0xef: {  	s13 =	rddreg [dreg:$0xd];
	[sflag:s24] =	ssyncadd.s32 $0xFFFFF800  }
0xf0: {  	[spmem:s2] =	stream.indirect.scatter.add.f32 [tilespmem:s17], [sflag:$0xC], $0x10, s13, s12, $0xb8;
	[tilespmem:$0x1D800] =	vst v63  }
0xf1: {  	_ =	swait.ge [sflag:s25], $0x800  }
0xf2: {  	[sflag:s25] =	ssyncset.done $0x0  }
0xf3: {  	s14 =	rddreg [dreg:$0xe];
	[sflag:s25] =	ssyncadd.s32 $0xFFFFF800  }
0xf4: {  	[spmem:s2] =	stream.indirect.scatter.add.f32 [tilespmem:s18], [sflag:$0xD], $0x10, s14, s12, $0xb8;
	[tilespmem:$0x1D800] =	vst v63  }
0xf5: {  	_ =	swait.ge [sflag:s26], $0x800  }
0xf6: {  	[sflag:s26] =	ssyncset.done $0x0  }
0xf7: {  	s15 =	rddreg [dreg:$0xf];
	[sflag:s26] =	ssyncadd.s32 $0xFFFFF800  }
0xf8: {  	[spmem:s2] =	stream.indirect.scatter.add.f32 [tilespmem:s3], [sflag:$0xE], $0x10, s15, s12, $0xb8;
	[tilespmem:$0x1D800] =	vst v63  }
0xf9: {  	_ =	swait.ge [sflag:s28], $0x800  }
0xfa: {  	[sflag:s28] =	ssyncset.done $0x0  }
0xfb: {  	s16 =	rddreg [dreg:$0x10];
	[sflag:s28] =	ssyncadd.s32 $0xFFFFF800  }
0xfc: {  	[spmem:s2] =	stream.indirect.scatter.add.f32 [tilespmem:s19], [sflag:$0xF], $0x10, s16, s12, $0xb8;
	[tilespmem:$0x1D800] =	vst v63  }
0xfd: {  	_ =	swait.ge [sflag:s29], $0x800  }
0xfe: {  	[sflag:s29] =	ssyncset.done $0x0  }
0xff: {  	s17 =	rddreg [dreg:$0x11];
	[sflag:s29] =	ssyncadd.s32 $0xFFFFF800  }
0x100: {  	[spmem:s2] =	stream.indirect.scatter.add.f32 [tilespmem:s20], [sflag:$0x10], $0x10, s17, s12, $0xb8;
	[tilespmem:$0x1D800] =	vst v63  }
0x101: {  	_ =	swait.ge [sflag:s30], $0x800  }
0x102: {  	[sflag:s30] =	ssyncset.done $0x0  }
0x103: {  	[sflag:s30] =	ssyncadd.s32 $0xFFFFF800  }
0x104: {  	_ =	swait.ge [sflag:s31], $0x800  }
0x105: {  	[sflag:s31] =	ssyncset.done $0x0  }
0x106: {  	[sflag:s31] =	ssyncadd.s32 $0xFFFFF800  }
0x107: {  	_ =	swait.ge [sflag:s1], $0x800  }
0x108: {  	[sflag:s1] =	ssyncset.done $0x0  }
0x109: {  	[sflag:s1] =	ssyncadd.s32 $0xFFFFF800  }
0x10a: {  	_ =	swait.ge [sflag:s0], $0x800  }
0x10b: {  	[sflag:s0] =	ssyncset.done $0x0  }
0x10c: {  	[sflag:s0] =	ssyncadd.s32 $0xFFFFF800  }
0x10d: {  	_ =	swait.ge [sflag:s5], $0x800  }
0x10e: {  	[sflag:s5] =	ssyncset.done $0x0  }
0x10f: {  	[sflag:s5] =	ssyncadd.s32 $0xFFFFF800  }
0x110: {  	_ =	swait.ge [sflag:s7], $0x800  }
0x111: {  	[sflag:s7] =	ssyncset.done $0x0  }
0x112: {  	[sflag:s7] =	ssyncadd.s32 $0xFFFFF800  }
0x113: {  	_ =	swait.ge [sflag:s8], $0x800  }
0x114: {  	[sflag:s8] =	ssyncset.done $0x0  }
0x115: {  	[sflag:s8] =	ssyncadd.s32 $0xFFFFF800  }
0x116: {  	_ =	swait.ge [sflag:s6], $0x800  }
0x117: {  	[sflag:s6] =	ssyncset.done $0x0  }
0x118: {  	[sflag:s6] =	ssyncadd.s32 $0xFFFFF800  }
0x119: {  	[bflag:$0x0] =	sbarrier.arrive $0xFFFF  }
0x11a: {  	s11 =	rddreg [dreg:$0x13]  }
0x11b: {  	s18 =	rddreg [dreg:$0x14]  }
0x11c: {  	s13 =	rddreg [dreg:$0x16]  }
0x11d: {  	[hbm:s18], [sflag:s11] =	dma.local [spmem:s13], $0x3200  }
0x11e: {  	_ =	swait.ge [sflag:s10], $0x3200  }
0x11f: {  	s19 =	rddreg [dreg:$0x17]  }
0x120: {  	s20 =	rddreg [dreg:$0x15];
	s3 =	sadd.s32 $0x1, s19  }
0x121: {  	p0 =	sne.s32 s3, s20  }
.Ltmp1:
0x122: {  	_ = 	snop;
	(pc) =	sbr.rel @p0 .LBB2_1-.Ltmp1, $3  }
0x123: {  	_ =	sdelay $0x1  }
0x124: {  	[sflag:s10] =	ssyncset.done $0x0  }
0x125: {  	[sflag:s10] =	ssyncadd.s32 $0xFFFFCE00  }
0x126: {  	_ =	sfence.sel $0x180000  }
0x127: {  	[bflag:$0x0] =	sbarrier.arrive $0xFFFF  }
0x128: {  	_ =	strace $0x9000004A  }
0x129: {  	s0 =	stileid.u32;
	[bflag:$0x2] =	sbarrier.arrive $0xFFFF  }
0x12a: {  	p0 =	sne.s32 s0, $0x0;
	s0 =	rddreg [dreg:$0x2]  }
0x12b: {  	s0 =	sadd.s32 @!p0 $0x100000, s0  }
0x12c: {  	[sflag:s0] =	ssyncadd.tile.s32 @!p0 $0x1;
	_ =	shalt  }
.Lfunc_end2:
_tile_overlayer_lowered:
.L_overlay_start_2:
0x12d: {  	(tag) =	ssettag $0x2  }
0x12e: {  	s0 =	rddreg [dreg:$0x0];
	s2 =	stileid.u32  }
0x12f: {  	s1 =	rddreg [dreg:$0x1];
	p0 =	sne.s32 s2, $0x0  }
0x130: {  	s3 =	rddreg [dreg:$0x2];
	[bflag:$0x3] =	sbarrier.arrive $0xFFFF;
	s2 =	simm.s32 @!p0 $0x1C11  }
0x131: {  	[timem:s3], [sflag:s2] =	dma.local @!p0 [hbm:s0], s1  }
0x132: {  	s0 =	simm.s32 @!p0 $0x11  }
0x133: {  	_ =	swait.ge @!p0 [sflag:s0], s1  }
0x134: {  	s1 =	ssub.s32 @!p0 $0x0, s1;
	[sflag:s0] =	ssyncset.done @!p0 $0x0  }
0x135: {  	[sflag:s0] =	ssyncadd.s32 @!p0 s1  }
0x136: {  	[bflag:$0x3] =	sbarrier.arrive $0xFFFF  }
0x137: {  	_ =	shalt  }

// kernel: kernel.16.cloned.1.call-start
scs
__scs_entry_jumppad:
0x0: {  	(pc) =	sbr.rel $0x88, $3  }
0x1: {  	(tag) =	ssettag $0x0;
	lr =	simm.s32 $0x1  }
0x2: {  	[smem:$0x3F97] =	sst lr;
	_ =	strace $0xD0000000  }
0x3: {  	_ = 	snop  }
0x4: {  	_ = 	snop  }
0x5: {  	_ = 	snop  }
0x6: {  	_ = 	snop  }
0x7: {  	_ = 	snop  }
__scs_overlays_trampoline_lowered:
0x8: {  	[smem:$0x3FA6] =	sst s0  }
0x9: {  	[smem:$0x3FA7] =	sst s1  }
0xa: {  	[smem:$0x3FA8] =	sst s2  }
0xb: {  	[smem:$0x3FA9] =	sst s3  }
0xc: {  	[smem:$0x3FAA] =	sst s4  }
0xd: {  	[smem:$0x3FAB] =	sst s5  }
0xe: {  	[smem:$0x3FAC] =	sst s6  }
0xf: {  	[smem:$0x3FAD] =	sst s7  }
0x10: {  	[smem:$0x3FAE] =	sst s8  }
0x11: {  	[smem:$0x3FAF] =	sst s9;
	s0 =	simm.s32 @!p0 $0x0  }
0x12: {  	s1 =	sld [smem:$0x3F95];
	s0 =	simm.s32 @p0 $0x1  }
0x13: {  	[smem:$0x3FB0] =	sst s0;
	s0 =	simm.s32 @!p1 $0x0  }
0x14: {  	s2 =	sld [smem:$0x3F94];
	s0 =	simm.s32 @p1 $0x1  }
0x15: {  	[smem:$0x3FB1] =	sst s0;
	s0 =	simm.s32 @!p2 $0x0  }
0x16: {  	s3 =	sld [smem:$0x3FDB];
	s0 =	simm.s32 @p2 $0x1  }
0x17: {  	s4 =	simm.s32 $0x1BF5;
	[smem:$0x3FB3] =	sst s0  }
0x18: {  	s0 =	sld [smem:$0x3F96];
	_ =	swait.ge [sflag:s4], $0x0  }
0x19: {  	s7 =	sld [smem:$0x3F97]  }
0x1a: {  	s8 =	sadd.s32 $0xFFFFE003, lr  }
0x1b: {  	s9 =	sadd.s32 $0xFFFFFEF7, lr;
	s5 =	simm.s32 $0xFFFFFFFF;
	p2 =	slt.u32 s8, $0xFFFFF086  }
0x1c: {  	p1 =	slt.u32 s9, $0xF7A;
	s5 =	simm.s32 @!p2 $0x0  }
0x1d: {  	s5 =	simm.s32 @p1 $0x1;
	p0 =	seq.s32 s7, s2  }
0x1e: {  	s7 =	smul.u32 @!p0 $0xF7A, s2;
	p2 =	seq.s32 @!p0 s5, $0x0  }
0x1f: {  	s9 =	smul.u32 $0xF7A, s1;
	s8 =	simm.s32 @!p0 $0x1BF5;
	p2 =	por !p2, p0  }
0x20: {  	[sflag:s8] =	ssyncset.s32 @!p0 $0xFFFFF086;
	s6 =	sadd.s32 @!p0 s3, s7;
	s7 =	simm.s32 @!p0 $0x108  }
0x21: {  	s3 =	sadd.s32 s3, s9;
	s6 =	sadd.s32 @!p0 $0x88, s6;
	s7 =	simm.s32 @p2 $0x1082  }
0x22: {  	[simem:s7], [sflag:s8] =	dma.local @!p0 [hbm:s6], $0xF7A  }
0x23: {  	s9 =	sor.u32 $0xD0000000, s2;
	s6 =	simm.s32 $0x108;
	_ =	swait.ge @!p0 [sflag:s8], $0x0  }
0x24: {  	s3 =	sadd.s32 $0x88, s3;
	s6 =	simm.s32 @!p1 $0x1082;
	[sflag:s4] =	ssyncset.s32 $0xFFFFF086  }
0x25: {  	[simem:s6], [sflag:s4] =	dma.local [hbm:s3], $0xF7A  }
0x26: {  	[smem:$0x3F97] =	sst s1;
	(tag) =	ssettag s2;
	_ =	strace s9  }
0x27: {  	s1 =	sld [smem:$0x3FA7]  }
0x28: {  	s2 =	sld [smem:$0x3FA8]  }
0x29: {  	s4 =	sld [smem:$0x3FAA]  }
0x2a: {  	p0 =	seq.s32 s5, $0x0;
	s5 =	sld [smem:$0x3FAB]  }
0x2b: {  	s6 =	sld [smem:$0x3FAC]  }
0x2c: {  	s7 =	sld [smem:$0x3FAD]  }
0x2d: {  	s3 =	simm.s32 $0x108;
	s8 =	sld [smem:$0x3FAE]  }
0x2e: {  	s3 =	simm.s32 @!p0 $0x1082;
	s9 =	sld [smem:$0x3FAF]  }
0x2f: {  	lr =	sadd.s32 s0, s3;
	s0 =	sld [smem:$0x3FA6]  }
0x30: {  	s3 =	sld [smem:$0x3FA9]  }
0x31: {  	[smem:$0x3FB2] =	sst s10  }
0x32: {  	s10 =	sld [smem:$0x3FB0];
	_ =	sdelay $0x3  }
0x33: {  	p0 =	seq.s32 s10, $0x1;
	s10 =	sld [smem:$0x3FB2];
	_ =	sdelay $0x3  }
0x34: {  	[smem:$0x3FB2] =	sst s10  }
0x35: {  	s10 =	sld [smem:$0x3FB1];
	_ =	sdelay $0x3  }
0x36: {  	p1 =	seq.s32 s10, $0x1;
	s10 =	sld [smem:$0x3FB2];
	_ =	sdelay $0x3  }
0x37: {  	[smem:$0x3FB2] =	sst s10  }
0x38: {  	s10 =	sld [smem:$0x3FB3]  }
0x39: {  	_ = 	snop;
	(pc) =	sbr.ind lr, $3  }
0x3a: {  	_ = 	snop  }
0x3b: {  	_ = 	snop  }
0x3c: {  	p2 =	seq.s32 s10, $0x1;
	s10 =	sld [smem:$0x3FB2]  }
0x3d: {  	_ =	shalt  }
0x3e: {  	_ =	shalt  }
0x3f: {  	_ =	shalt  }
0x40: {  	_ =	shalt  }
0x41: {  	_ =	shalt  }
0x42: {  	_ =	shalt  }
0x43: {  	_ =	shalt  }
0x44: {  	_ =	shalt  }
0x45: {  	_ =	shalt  }
0x46: {  	_ =	shalt  }
0x47: {  	_ =	shalt  }
0x48: {  	_ =	shalt  }
0x49: {  	_ =	shalt  }
0x4a: {  	_ =	shalt  }
0x4b: {  	_ =	shalt  }
0x4c: {  	_ =	shalt  }
0x4d: {  	_ =	shalt  }
0x4e: {  	_ =	shalt  }
0x4f: {  	_ =	shalt  }
0x50: {  	_ =	shalt  }
0x51: {  	_ =	shalt  }
0x52: {  	_ =	shalt  }
0x53: {  	_ =	shalt  }
0x54: {  	_ =	shalt  }
0x55: {  	_ =	shalt  }
0x56: {  	_ =	shalt  }
0x57: {  	_ =	shalt  }
0x58: {  	_ =	shalt  }
0x59: {  	_ =	shalt  }
0x5a: {  	_ =	shalt  }
0x5b: {  	_ =	shalt  }
0x5c: {  	_ =	shalt  }
0x5d: {  	_ =	shalt  }
0x5e: {  	_ =	shalt  }
0x5f: {  	_ =	shalt  }
0x60: {  	_ =	shalt  }
0x61: {  	_ =	shalt  }
0x62: {  	_ =	shalt  }
0x63: {  	_ =	shalt  }
0x64: {  	_ =	shalt  }
0x65: {  	_ =	shalt  }
0x66: {  	_ =	shalt  }
0x67: {  	_ =	shalt  }
0x68: {  	_ =	shalt  }
0x69: {  	_ =	shalt  }
0x6a: {  	_ =	shalt  }
0x6b: {  	_ =	shalt  }
0x6c: {  	_ =	shalt  }
0x6d: {  	_ =	shalt  }
0x6e: {  	_ =	shalt  }
0x6f: {  	_ =	shalt  }
0x70: {  	_ =	shalt  }
0x71: {  	_ =	shalt  }
0x72: {  	_ =	shalt  }
0x73: {  	_ =	shalt  }
0x74: {  	_ =	shalt  }
0x75: {  	_ =	shalt  }
0x76: {  	_ =	shalt  }
0x77: {  	_ =	shalt  }
0x78: {  	_ =	shalt  }
0x79: {  	_ =	shalt  }
0x7a: {  	_ =	shalt  }
0x7b: {  	_ =	shalt  }
0x7c: {  	_ =	shalt  }
0x7d: {  	_ =	shalt  }
0x7e: {  	_ =	shalt  }
0x7f: {  	_ =	shalt  }
0x80: {  	_ =	shalt  }
0x81: {  	_ =	shalt  }
0x82: {  	_ =	shalt  }
0x83: {  	_ =	shalt  }
0x84: {  	_ =	shalt  }
0x85: {  	_ =	shalt  }
0x86: {  	_ =	shalt  }
0x87: {  	_ =	shalt  }
.Lfunc_end0:
.L_simem_size_0:
called_computation.2_lowered:
.L_overlay_start_0:
0x88: {  	s2 =	sld [smem:$0x3FD9]  }
0x89: {  	s3 =	sld [smem:$0x3FFE];
	_ =	sdelay $0x1  }
0x8a: {  	s1 =	srdreg.scid  }
0x8b: {  	s0 =	sand.u32 $0x1, s1  }
0x8c: {  	s16 =	sshll.u32 s0, $0xA;
	s2 =	sadd.s32 s3, s2  }
0x8d: {  	s2 =	sadd.s32 s2, s16  }
0x8e: {  	[smem:$0x3FBE] =	sst s2  }
0x8f: {  	_ = 	snop  }
0x90: {  	(tm) =	ssettm $0x1  }
0x91: {  	s17 =	sld [smem:$0x3FFB];
	_ =	sdelay $0x3  }
0x92: {  	_ =	strace s17  }
0x93: {  	s2 =	sld [smem:$0x3FFC];
	_ =	sdelay $0x3  }
0x94: {  	_ =	strace s2  }
0x95: {  	s2 =	sld [smem:$0x3FFD];
	_ =	sdelay $0x3  }
0x96: {  	_ =	strace s2  }
0x97: {  	_ =	strace $0x8FFFFFFF  }
0x98: {  	s18 =	sld [smem:$0x3FDB];
	_ =	sdelay $0x1  }
0x99: {  	s19 =	simm.s32 $_scs_section_size  }
0x9a: {  	s4 =	simm.s32 $_size__tile_overlayer_lowered;
	s5 =	simm.s32 $_tile_overlayer_lowered  }
0x9b: {  	s22 =	simm.s32 $0x1BFF;
	s21 =	sshll.u32 s5, $0x1;
	s2 =	sadd.s32 s19, s18  }
0x9c: {  	s6 =	simm.s32 $0x0;
	s20 =	sshll.u32 s4, $0x1;
	s4 =	sadd.s32 s21, s2  }
0x9d: {  	[timem:s6], [sflag:s22] =	dma.local [hbm:s4], s20  }
0x9e: {  	_ =	swait.ge [sflag:s22], s20  }
0x9f: {  	s3 =	ssub.s32 $0x0, s20;
	[sflag:s22] =	ssyncset.done $0x0  }
0xa0: {  	[sflag:s22] =	ssyncadd.s32 s3;
	_ =	sdelay $0x1  }
0xa1: {  	s23 =	simm.s32 $0x1B8B  }
0xa2: {  	_ =	swait.ge [sflag:s23], $0x1  }
0xa3: {  	[sflag:s23] =	ssyncset.done $0x0  }
0xa4: {  	s25 =	simm.s32 $0x1B8E;
	s24 =	sld [smem:$0x3FFE];
	[sflag:s23] =	ssyncadd.s32 $0xFFFFFFFF  }
0xa5: {  	s26 =	simm.s32 $execute0_lowered;
	[smem:$0x3FD2] =	sst s25  }
0xa6: {  	s4 =	sshll.u32 s26, $0x1;
	_ =	strace $0x8000004C;
	[dreg:$0x1] =	wrdreg $0xFFFFFFFF  }
0xa7: {  	s28 =	simm.s32 $_size_execute0_lowered;
	s2 =	sadd.s32 s2, s4;
	[dreg:$0x0] =	wrdreg $0x0  }
0xa8: {  	s4 =	sshll.u32 s28, $0x1;
	[dreg:$0x2] =	wrdreg s2  }
0xa9: {  	[dreg:$0x3] =	wrdreg s4  }
0xaa: {  	[dreg:$0x4] =	wrdreg $0xC0  }
0xab: {  	_ =	task [dreg:s6], $0x5FFFF  }
0xac: {  	[dreg:$0x1] =	wrdreg $0xFFFFFFFF  }
0xad: {  	[dreg:$0x0] =	wrdreg $0x60  }
0xae: {  	[dreg:$0x2] =	wrdreg s24  }
0xaf: {  	[dreg:$0x3] =	wrdreg $0x48000  }
0xb0: {  	[dreg:$0x4] =	wrdreg $0x9  }
0xb1: {  	_ =	task.clear_ibuf [dreg:s6], $0x5FFFF;
	_ =	strace $0x9000004C  }
0xb2: {  	s29 =	simm.s32 $0x9;
	_ =	strace $0x8000004E  }
0xb3: {  	_ =	swait.ge [sflag:s29], $0x1  }
0xb4: {  	[sflag:s29] =	ssyncadd.s32 $0xFFFFFFFF  }
0xb5: {  	_ =	strace $0x9000004E  }
0xb6: {  	_ =	sfence  }
0xb7: {  	s30 =	sld [smem:$0x0];
	_ =	sdelay $0x2  }
0xb8: {  	s31 =	sshll.u32 s1, $0xD;
	s1 =	sshrl.u32 s1, $0x2  }
0xb9: {  	s3 =	sand.u32 $0x4000, s31;
	s1 =	sadd.s32 s1, s30  }
0xba: {  	s0 =	sor.u32 s3, s0;
	s1 =	sshll.u32 s1, $0x11  }
0xbb: {  	s0 =	sor.u32 s1, s0  }
0xbc: {  	s0 =	sadd.s32 $0x8F2B, s0  }
0xbd: {  	[sflag:s0] =	ssyncadd.remote.s32 $0x1  }
0xbe: {  	_ =	sfence.sel $0xFFFF  }
0xbf: {  	[dreg:$0x0] =	wrdreg $0xFFFFFFFF;
	(pc) =	sbr.abs _section_cstart, $3  }
0xc0: {  	[dreg:$0x1] =	wrdreg $0xFFFFFFFF  }
0xc1: {  	_ =	task.clear_ibuf [dreg:s6], $0x2FFFF;
	_ =	strace $0x9FFFFFFF  }
0xc2: {  	(tm) =	ssettm $0x7FFFFFFF  }
0xc3: {  	_ =	shalt  }
tec
execute0_lowered:
.L_overlay_start_1:
0x0: {  	(tag) =	ssettag $0x1  }
0x1: {  	s0 =	srdreg.scid  }
0x2: {  	s9 =	stileid.u32;
	s1 =	rddreg [dreg:$0x0]  }
0x3: {  	s2 =	rddreg [dreg:$0x1];
	s3 =	simm.s32 $0x0;
	s14 =	simm.s32 $0x100  }
0x4: {  	s15 =	simm.s32 $0x180;
	s16 =	simm.s32 $0x200;
	[smem:$0x7FF] =	sst s3  }
0x5: {  	s17 =	simm.s32 $0x280;
	_ =	strace $0x8000004D;
	[dreg:$0x5] =	wrdreg s14  }
0x6: {  	s18 =	simm.s32 $0x300;
	s19 =	simm.s32 $0x380;
	[dreg:$0x6] =	wrdreg s15  }
0x7: {  	s20 =	simm.s32 $0x480;
	s21 =	simm.s32 $0x500;
	[dreg:$0x7] =	wrdreg s16  }
0x8: {  	s22 =	simm.s32 $0x580;
	s23 =	simm.s32 $0x600;
	[dreg:$0x8] =	wrdreg s17  }
0x9: {  	s24 =	simm.s32 $0x680;
	s25 =	simm.s32 $0x700;
	[dreg:$0x9] =	wrdreg s18  }
0xa: {  	s28 =	simm.s32 $0x7;
	s29 =	simm.s32 $0x8;
	[dreg:$0xa] =	wrdreg s19  }
0xb: {  	s30 =	simm.s32 $0x9;
	s31 =	simm.s32 $0xA;
	[dreg:$0xb] =	wrdreg s20  }
0xc: {  	s0 =	sand.u32 $0x1, s0;
	s5 =	smul.u32 $0x18800, s9;
	[dreg:$0xc] =	wrdreg s21  }
0xd: {  	s7 =	smul.u32 $0x19000, s9;
	s4 =	sadd.s32 $0x65800, s1;
	[dreg:$0xd] =	wrdreg s22  }
0xe: {  	s11 =	sshll.u32 s9, $0x6;
	s6 =	smul.u32 $0xC400, s0;
	[dreg:$0xe] =	wrdreg s23  }
0xf: {  	s8 =	smul.u32 $0x190000, s0;
	s0 =	ssub.s32 $0x2, s0;
	[dreg:$0xf] =	wrdreg s24  }
0x10: {  	s11 =	sor.u32 $0x1C11, s11;
	s23 =	simm.s32 $0x3;
	[dreg:$0x10] =	wrdreg s25  }
0x11: {  	s24 =	simm.s32 $0x4;
	s25 =	simm.s32 $0x5;
	s21 =	simm.s32 $0x3800  }
0x12: {  	s22 =	simm.s32 $0x4000;
	s3 =	sshrl.u32 s0, $0x1;
	s10 =	sadd.s32 s7, s2  }
0x13: {  	[dreg:$0x13] =	wrdreg s11;
	s5 =	sadd.s32 s6, s5;
	s26 =	sadd.s32 s7, s8  }
0x14: {  	s0 =	ssub.s32 s0, s3;
	s7 =	sshrl.u32 s7, $0x3;
	s8 =	simm.s32 $0xF  }
0x15: {  	s3 =	simm.s32 $0x0;
	s5 =	sshrl.u32 s5, $0x3;
	s7 =	sadd.s32 s4, s7  }
0x16: {  	s6 =	sshrl.u32 s26, $0x3;
	s0 =	smax.u32 s0, $0x1;
	[dreg:$0x12] =	wrdreg s7  }
0x17: {  	s26 =	simm.s32 $0x780;
	s5 =	sadd.s32 s5, s1;
	[dreg:$0x15] =	wrdreg s0  }
0x18: {  	s1 =	sadd.s32 s6, s1;
	[dreg:$0x11] =	wrdreg s26;
	s26 =	simm.s32 $0x6  }
0x19: {  	s0 =	simm.s32 $0xC;
	s7 =	simm.s32 $0xE;
	s1 =	sadd.s32 $0xC9800, s1  }
0x1a: {  	s6 =	simm.s32 $0x10;
	s12 =	sadd.s32 $0x3800, s5;
	[dreg:$0x14] =	wrdreg s1  }
0x1b: {  	s13 =	sadd.s32 $0x34800, s5;
	s5 =	simm.s32 $0xD;
	[dreg:$0x3] =	wrdreg s12  }
0x1c: {  	[dreg:$0x4] =	wrdreg s13;
	s13 =	sshrl.u32 s10, $0x3;
	s10 =	simm.s32 $0x11  }
0x1d: {  	s12 =	simm.s32 $0x80;
	s1 =	simm.s32 $0xB;
	[dreg:$0x16] =	wrdreg s13  }
.LBB2_1:
0x1e: {  	[dreg:$0x17] =	wrdreg s3  }
0x1f: {  	s9 =	rddreg [dreg:$0x12]  }
0x20: {  	[spmem:s13], [sflag:s11] =	dma.local [hbm:s9], $0x3200  }
0x21: {  	_ =	swait.ge [sflag:s10], $0x3200  }
0x22: {  	[sflag:s10] =	ssyncset.done $0x0  }
0x23: {  	[sflag:s10] =	ssyncadd.s32 $0xFFFFCE00  }
0x24: {  	[bflag:$0x0] =	sbarrier.arrive $0xFFFF  }
0x25: {  	s16 =	rddreg [dreg:$0x4]  }
0x26: {  	s17 =	simm.s32 $0x0;
	s9 =	sadd.s32 $0x0, s16  }
0x27: {  	[tilespmem:s17], [sflag:$0x11] =	stream.linear.gather [hbm4b:s9+s17], $0x400, $0x38;
	[tilespmem:$0x1D800] =	vst v63  }
0x28: {  	_ =	swait.ge [sflag:s10], $0x400  }
0x29: {  	s18 =	rddreg [dreg:$0x3];
	[sflag:s10] =	ssyncset.done $0x0  }
0x2a: {  	s13 =	simm.s32 $0x400;
	[sflag:s10] =	ssyncadd.s32 $0xFFFFFC00;
	s9 =	sadd.s32 $0x0, s18  }
0x2b: {  	[tilespmem:s13], [sflag:$0x11] =	stream.linear.gather [hbm4b:s9+s17], $0x400, $0x38;
	[tilespmem:$0x1D800] =	vst v63  }
0x2c: {  	_ =	swait.ge [sflag:s10], $0x400  }
0x2d: {  	[sflag:s10] =	ssyncset.done $0x0  }
0x2e: {  	s14 =	simm.s32 $0x800;
	[sflag:s10] =	ssyncadd.s32 $0xFFFFFC00  }
0x2f: {  	[tilespmem:s14], [sflag:$0x1] =	stream.indirect.gather [hbm4b:s4+s12], $0x10, s17, s12, $0xb8;
	[tilespmem:$0x1D800] =	vst v63  }
0x30: {  	s15 =	simm.s32 $0x1000  }
0x31: {  	[tilespmem:s15], [sflag:$0x2] =	stream.indirect.gather [hbm4b:s4+s12], $0x10, s12, s12, $0xb8;
	[tilespmem:$0x1D800] =	vst v63  }
0x32: {  	s16 =	simm.s32 $0x1800;
	s19 =	rddreg [dreg:$0x5]  }
0x33: {  	[tilespmem:s16], [sflag:$0x3] =	stream.indirect.gather [hbm4b:s4+s12], $0x10, s19, s12, $0xb8;
	[tilespmem:$0x1D800] =	vst v63  }
0x34: {  	s20 =	rddreg [dreg:$0x6];
	s17 =	simm.s32 $0x2000  }
0x35: {  	[tilespmem:s17], [sflag:$0x4] =	stream.indirect.gather [hbm4b:s4+s12], $0x10, s20, s12, $0xb8;
	[tilespmem:$0x1D800] =	vst v63  }
0x36: {  	s18 =	simm.s32 $0x2800;
	s3 =	rddreg [dreg:$0x7]  }
0x37: {  	[tilespmem:s18], [sflag:$0x5] =	stream.indirect.gather [hbm4b:s4+s12], $0x10, s3, s12, $0xb8;
	[tilespmem:$0x1D800] =	vst v63  }
0x38: {  	s19 =	rddreg [dreg:$0x8];
	s3 =	simm.s32 $0x3000  }
0x39: {  	[tilespmem:s3], [sflag:$0x6] =	stream.indirect.gather [hbm4b:s4+s12], $0x10, s19, s12, $0xb8;
	[tilespmem:$0x1D800] =	vst v63  }
0x3a: {  	s20 =	rddreg [dreg:$0x9];
	s19 =	simm.s32 $0x3800  }
0x3b: {  	[tilespmem:s19], [sflag:$0x7] =	stream.indirect.gather [hbm4b:s4+s12], $0x10, s20, s12, $0xb8;
	[tilespmem:$0x1D800] =	vst v63  }
0x3c: {  	s11 =	rddreg [dreg:$0xa];
	s20 =	simm.s32 $0x4000  }
0x3d: {  	[tilespmem:s20], [sflag:$0x8] =	stream.indirect.gather [hbm4b:s4+s12], $0x10, s11, s12, $0xb8;
	[tilespmem:$0x1D800] =	vst v63  }
0x3e: {  	s11 =	simm.s32 $0x1  }
0x3f: {  	_ =	swait.ge [sflag:s11], $0x800  }
0x40: {  	[sflag:s11] =	ssyncset.done $0x0  }
0x41: {  	s9 =	simm.s32 $0x2;
	[sflag:s11] =	ssyncadd.s32 $0xFFFFF800  }
0x42: {  	[spmem:s2] =	stream.indirect.scatter.add.f32 [tilespmem:s14], [sflag:$0x9], $0x10, s13, s12, $0xb8;
	[tilespmem:$0x1D800] =	vst v63  }
0x43: {  	_ =	swait.ge [sflag:s9], $0x800  }
0x44: {  	[sflag:s9] =	ssyncset.done $0x0  }
0x45: {  	s13 =	rddreg [dreg:$0xb];
	[sflag:s9] =	ssyncadd.s32 $0xFFFFF800  }
0x46: {  	[spmem:s2] =	stream.indirect.scatter.add.f32 [tilespmem:s15], [sflag:$0xA], $0x10, s13, s12, $0xb8;
	[tilespmem:$0x1D800] =	vst v63  }
0x47: {  	_ =	swait.ge [sflag:s23], $0x800  }
0x48: {  	[sflag:s23] =	ssyncset.done $0x0  }
0x49: {  	s14 =	rddreg [dreg:$0xc];
	[sflag:s23] =	ssyncadd.s32 $0xFFFFF800  }
0x4a: {  	[spmem:s2] =	stream.indirect.scatter.add.f32 [tilespmem:s16], [sflag:$0xB], $0x10, s14, s12, $0xb8;
	[tilespmem:$0x1D800] =	vst v63  }
0x4b: {  	_ =	swait.ge [sflag:s24], $0x800  }
0x4c: {  	[sflag:s24] =	ssyncset.done $0x0  }
0x4d: {  	s15 =	rddreg [dreg:$0xd];
	[sflag:s24] =	ssyncadd.s32 $0xFFFFF800  }
0x4e: {  	[spmem:s2] =	stream.indirect.scatter.add.f32 [tilespmem:s17], [sflag:$0xC], $0x10, s15, s12, $0xb8;
	[tilespmem:$0x1D800] =	vst v63  }
0x4f: {  	_ =	swait.ge [sflag:s25], $0x800  }
0x50: {  	[sflag:s25] =	ssyncset.done $0x0  }
0x51: {  	s16 =	rddreg [dreg:$0xe];
	[sflag:s25] =	ssyncadd.s32 $0xFFFFF800  }
0x52: {  	[spmem:s2] =	stream.indirect.scatter.add.f32 [tilespmem:s18], [sflag:$0xD], $0x10, s16, s12, $0xb8;
	[tilespmem:$0x1D800] =	vst v63  }
0x53: {  	_ =	swait.ge [sflag:s26], $0x800  }
0x54: {  	[sflag:s26] =	ssyncset.done $0x0  }
0x55: {  	s17 =	rddreg [dreg:$0xf];
	[sflag:s26] =	ssyncadd.s32 $0xFFFFF800  }
0x56: {  	[spmem:s2] =	stream.indirect.scatter.add.f32 [tilespmem:s3], [sflag:$0xE], $0x10, s17, s12, $0xb8;
	[tilespmem:$0x1D800] =	vst v63  }
0x57: {  	_ =	swait.ge [sflag:s28], $0x800  }
0x58: {  	[sflag:s28] =	ssyncset.done $0x0  }
0x59: {  	s18 =	rddreg [dreg:$0x10];
	[sflag:s28] =	ssyncadd.s32 $0xFFFFF800  }
0x5a: {  	[spmem:s2] =	stream.indirect.scatter.add.f32 [tilespmem:s19], [sflag:$0xF], $0x10, s18, s12, $0xb8;
	[tilespmem:$0x1D800] =	vst v63  }
0x5b: {  	_ =	swait.ge [sflag:s29], $0x800  }
0x5c: {  	[sflag:s29] =	ssyncset.done $0x0  }
0x5d: {  	s19 =	rddreg [dreg:$0x11];
	[sflag:s29] =	ssyncadd.s32 $0xFFFFF800  }
0x5e: {  	[spmem:s2] =	stream.indirect.scatter.add.f32 [tilespmem:s20], [sflag:$0x10], $0x10, s19, s12, $0xb8;
	[tilespmem:$0x1D800] =	vst v63  }
0x5f: {  	_ =	swait.ge [sflag:s30], $0x800  }
0x60: {  	[sflag:s30] =	ssyncset.done $0x0  }
0x61: {  	[sflag:s30] =	ssyncadd.s32 $0xFFFFF800  }
0x62: {  	_ =	swait.ge [sflag:s31], $0x800  }
0x63: {  	[sflag:s31] =	ssyncset.done $0x0  }
0x64: {  	[sflag:s31] =	ssyncadd.s32 $0xFFFFF800  }
0x65: {  	_ =	swait.ge [sflag:s1], $0x800  }
0x66: {  	[sflag:s1] =	ssyncset.done $0x0  }
0x67: {  	[sflag:s1] =	ssyncadd.s32 $0xFFFFF800  }
0x68: {  	_ =	swait.ge [sflag:s0], $0x800  }
0x69: {  	[sflag:s0] =	ssyncset.done $0x0  }
0x6a: {  	[sflag:s0] =	ssyncadd.s32 $0xFFFFF800  }
0x6b: {  	_ =	swait.ge [sflag:s5], $0x800  }
0x6c: {  	[sflag:s5] =	ssyncset.done $0x0  }
0x6d: {  	[sflag:s5] =	ssyncadd.s32 $0xFFFFF800  }
0x6e: {  	_ =	swait.ge [sflag:s7], $0x800  }
0x6f: {  	[sflag:s7] =	ssyncset.done $0x0  }
0x70: {  	[sflag:s7] =	ssyncadd.s32 $0xFFFFF800  }
0x71: {  	_ =	swait.ge [sflag:s8], $0x800  }
0x72: {  	[sflag:s8] =	ssyncset.done $0x0  }
0x73: {  	[sflag:s8] =	ssyncadd.s32 $0xFFFFF800  }
0x74: {  	s11 =	simm.s32 $0x100;
	_ =	swait.ge [sflag:s6], $0x800  }
0x75: {  	s9 =	simm.s32 $0x80;
	s13 =	rddreg [dreg:$0x4];
	[sflag:s6] =	ssyncset.done $0x0  }
.LBB2_2:
0x76: {  	[sflag:s6] =	ssyncadd.s32 $0xFFFFF800;
	s13 =	sadd.s32 s9, s13;
	s3 =	simm.s32 $0x0  }
0x77: {  	[tilespmem:s3], [sflag:$0x11] =	stream.linear.gather [hbm4b:s13+s3], $0x400, $0x38;
	[tilespmem:$0x1D800] =	vst v63  }
0x78: {  	_ =	swait.ge [sflag:s10], $0x400  }
0x79: {  	s18 =	rddreg [dreg:$0x3];
	[sflag:s10] =	ssyncset.done $0x0  }
0x7a: {  	s15 =	simm.s32 $0x400;
	[sflag:s10] =	ssyncadd.s32 $0xFFFFFC00;
	s13 =	sadd.s32 s9, s18  }
0x7b: {  	[tilespmem:s15], [sflag:$0x11] =	stream.linear.gather [hbm4b:s13+s3], $0x400, $0x38;
	[tilespmem:$0x1D800] =	vst v63  }
0x7c: {  	_ =	swait.ge [sflag:s10], $0x400  }
0x7d: {  	[sflag:s10] =	ssyncset.done $0x0  }
0x7e: {  	s16 =	simm.s32 $0x800;
	[sflag:s10] =	ssyncadd.s32 $0xFFFFFC00  }
0x7f: {  	[tilespmem:s16], [sflag:$0x1] =	stream.indirect.gather [hbm4b:s4+s12], $0x10, s3, s12, $0xb8;
	[tilespmem:$0x1D800] =	vst v63  }
0x80: {  	s17 =	simm.s32 $0x1000  }
0x81: {  	[tilespmem:s17], [sflag:$0x2] =	stream.indirect.gather [hbm4b:s4+s12], $0x10, s12, s12, $0xb8;
	[tilespmem:$0x1D800] =	vst v63  }
0x82: {  	s18 =	simm.s32 $0x1800;
	s19 =	rddreg [dreg:$0x5]  }
0x83: {  	[tilespmem:s18], [sflag:$0x3] =	stream.indirect.gather [hbm4b:s4+s12], $0x10, s19, s12, $0xb8;
	[tilespmem:$0x1D800] =	vst v63  }
0x84: {  	s20 =	rddreg [dreg:$0x6];
	s19 =	simm.s32 $0x2000  }
0x85: {  	[tilespmem:s19], [sflag:$0x4] =	stream.indirect.gather [hbm4b:s4+s12], $0x10, s20, s12, $0xb8;
	[tilespmem:$0x1D800] =	vst v63  }
0x86: {  	s14 =	smov.u32 s11;
	s3 =	rddreg [dreg:$0x7];
	s20 =	simm.s32 $0x2800  }
0x87: {  	[tilespmem:s20], [sflag:$0x5] =	stream.indirect.gather [hbm4b:s4+s12], $0x10, s3, s12, $0xb8;
	[tilespmem:$0x1D800] =	vst v63  }
0x88: {  	s9 =	smov.u32 s14;
	s14 =	rddreg [dreg:$0x8];
	s3 =	simm.s32 $0x3000  }
0x89: {  	[tilespmem:s3], [sflag:$0x6] =	stream.indirect.gather [hbm4b:s4+s12], $0x10, s14, s12, $0xb8;
	[tilespmem:$0x1D800] =	vst v63  }
0x8a: {  	s13 =	rddreg [dreg:$0x9]  }
0x8b: {  	[tilespmem:s21], [sflag:$0x7] =	stream.indirect.gather [hbm4b:s4+s12], $0x10, s13, s12, $0xb8;
	[tilespmem:$0x1D800] =	vst v63  }
0x8c: {  	s14 =	rddreg [dreg:$0xa]  }
0x8d: {  	[tilespmem:s22], [sflag:$0x8] =	stream.indirect.gather [hbm4b:s4+s12], $0x10, s14, s12, $0xb8;
	[tilespmem:$0x1D800] =	vst v63  }
0x8e: {  	s14 =	simm.s32 $0x1  }
0x8f: {  	_ =	swait.ge [sflag:s14], $0x800  }
0x90: {  	[sflag:s14] =	ssyncset.done $0x0  }
0x91: {  	[sflag:s14] =	ssyncadd.s32 $0xFFFFF800  }
0x92: {  	[spmem:s2] =	stream.indirect.scatter.add.f32 [tilespmem:s16], [sflag:$0x9], $0x10, s15, s12, $0xb8;
	[tilespmem:$0x1D800] =	vst v63  }
0x93: {  	s15 =	simm.s32 $0x2  }
0x94: {  	_ =	swait.ge [sflag:s15], $0x800  }
0x95: {  	[sflag:s15] =	ssyncset.done $0x0  }
0x96: {  	s16 =	rddreg [dreg:$0xb];
	[sflag:s15] =	ssyncadd.s32 $0xFFFFF800  }
0x97: {  	[spmem:s2] =	stream.indirect.scatter.add.f32 [tilespmem:s17], [sflag:$0xA], $0x10, s16, s12, $0xb8;
	[tilespmem:$0x1D800] =	vst v63  }
0x98: {  	_ =	swait.ge [sflag:s23], $0x800  }
0x99: {  	[sflag:s23] =	ssyncset.done $0x0  }
0x9a: {  	s15 =	rddreg [dreg:$0xc];
	[sflag:s23] =	ssyncadd.s32 $0xFFFFF800  }
0x9b: {  	[spmem:s2] =	stream.indirect.scatter.add.f32 [tilespmem:s18], [sflag:$0xB], $0x10, s15, s12, $0xb8;
	[tilespmem:$0x1D800] =	vst v63  }
0x9c: {  	_ =	swait.ge [sflag:s24], $0x800  }
0x9d: {  	[sflag:s24] =	ssyncset.done $0x0  }
0x9e: {  	s16 =	rddreg [dreg:$0xd];
	[sflag:s24] =	ssyncadd.s32 $0xFFFFF800  }
0x9f: {  	[spmem:s2] =	stream.indirect.scatter.add.f32 [tilespmem:s19], [sflag:$0xC], $0x10, s16, s12, $0xb8;
	[tilespmem:$0x1D800] =	vst v63  }
0xa0: {  	_ =	swait.ge [sflag:s25], $0x800  }
0xa1: {  	[sflag:s25] =	ssyncset.done $0x0  }
0xa2: {  	s17 =	rddreg [dreg:$0xe];
	[sflag:s25] =	ssyncadd.s32 $0xFFFFF800  }
0xa3: {  	[spmem:s2] =	stream.indirect.scatter.add.f32 [tilespmem:s20], [sflag:$0xD], $0x10, s17, s12, $0xb8;
	[tilespmem:$0x1D800] =	vst v63  }
0xa4: {  	_ =	swait.ge [sflag:s26], $0x800  }
0xa5: {  	[sflag:s26] =	ssyncset.done $0x0  }
0xa6: {  	s18 =	rddreg [dreg:$0xf];
	[sflag:s26] =	ssyncadd.s32 $0xFFFFF800  }
0xa7: {  	[spmem:s2] =	stream.indirect.scatter.add.f32 [tilespmem:s3], [sflag:$0xE], $0x10, s18, s12, $0xb8;
	[tilespmem:$0x1D800] =	vst v63  }
0xa8: {  	_ =	swait.ge [sflag:s28], $0x800  }
0xa9: {  	[sflag:s28] =	ssyncset.done $0x0  }
0xaa: {  	s19 =	rddreg [dreg:$0x10];
	[sflag:s28] =	ssyncadd.s32 $0xFFFFF800  }
0xab: {  	[spmem:s2] =	stream.indirect.scatter.add.f32 [tilespmem:s21], [sflag:$0xF], $0x10, s19, s12, $0xb8;
	[tilespmem:$0x1D800] =	vst v63  }
0xac: {  	_ =	swait.ge [sflag:s29], $0x800  }
0xad: {  	[sflag:s29] =	ssyncset.done $0x0  }
0xae: {  	s20 =	rddreg [dreg:$0x11];
	[sflag:s29] =	ssyncadd.s32 $0xFFFFF800  }
0xaf: {  	[spmem:s2] =	stream.indirect.scatter.add.f32 [tilespmem:s22], [sflag:$0x10], $0x10, s20, s12, $0xb8;
	[tilespmem:$0x1D800] =	vst v63  }
0xb0: {  	_ =	swait.ge [sflag:s30], $0x800  }
0xb1: {  	[sflag:s30] =	ssyncset.done $0x0  }
0xb2: {  	[sflag:s30] =	ssyncadd.s32 $0xFFFFF800  }
0xb3: {  	_ =	swait.ge [sflag:s31], $0x800  }
0xb4: {  	[sflag:s31] =	ssyncset.done $0x0  }
0xb5: {  	[sflag:s31] =	ssyncadd.s32 $0xFFFFF800  }
0xb6: {  	_ =	swait.ge [sflag:s1], $0x800  }
0xb7: {  	[sflag:s1] =	ssyncset.done $0x0  }
0xb8: {  	[sflag:s1] =	ssyncadd.s32 $0xFFFFF800  }
0xb9: {  	_ =	swait.ge [sflag:s0], $0x800  }
0xba: {  	[sflag:s0] =	ssyncset.done $0x0  }
0xbb: {  	[sflag:s0] =	ssyncadd.s32 $0xFFFFF800  }
0xbc: {  	_ =	swait.ge [sflag:s5], $0x800  }
0xbd: {  	[sflag:s5] =	ssyncset.done $0x0  }
0xbe: {  	[sflag:s5] =	ssyncadd.s32 $0xFFFFF800  }
0xbf: {  	_ =	swait.ge [sflag:s7], $0x800  }
0xc0: {  	[sflag:s7] =	ssyncset.done $0x0  }
0xc1: {  	p0 =	sne.s32 s11, $0x1800;
	[sflag:s7] =	ssyncadd.s32 $0xFFFFF800  }
.Ltmp0:
0xc2: {  	_ =	swait.ge [sflag:s8], $0x800;
	(pc) =	sbr.rel @p0 .LBB2_2-.Ltmp0, $4  }
0xc3: {  	[sflag:s8] =	ssyncset.done $0x0  }
0xc4: {  	[sflag:s8] =	ssyncadd.s32 $0xFFFFF800  }
0xc5: {  	_ =	swait.ge [sflag:s6], $0x800  }
0xc6: {  	s11 =	sadd.s32 $0x80, s11;
	s13 =	rddreg [dreg:$0x4];
	[sflag:s6] =	ssyncset.done $0x0  }
0xc7: {  	[sflag:s6] =	ssyncadd.s32 $0xFFFFF800;
	s11 =	sadd.s32 s9, s13;
	s3 =	simm.s32 $0x0  }
0xc8: {  	[tilespmem:s3], [sflag:$0x11] =	stream.linear.gather [hbm4b:s11+s3], $0x400, $0x38;
	[tilespmem:$0x1D800] =	vst v63  }
0xc9: {  	_ =	swait.ge [sflag:s10], $0x400  }
0xca: {  	s17 =	rddreg [dreg:$0x3];
	[sflag:s10] =	ssyncset.done $0x0  }
0xcb: {  	s13 =	simm.s32 $0x400;
	[sflag:s10] =	ssyncadd.s32 $0xFFFFFC00;
	s18 =	sadd.s32 s9, s17  }
0xcc: {  	[tilespmem:s13], [sflag:$0x11] =	stream.linear.gather [hbm4b:s18+s3], $0x400, $0x38;
	[tilespmem:$0x1D800] =	vst v63  }
0xcd: {  	_ =	swait.ge [sflag:s10], $0x400  }
0xce: {  	[sflag:s10] =	ssyncset.done $0x0  }
0xcf: {  	s14 =	simm.s32 $0x800;
	[sflag:s10] =	ssyncadd.s32 $0xFFFFFC00  }
0xd0: {  	[tilespmem:s14], [sflag:$0x1] =	stream.indirect.gather [hbm4b:s4+s12], $0x10, s3, s12, $0xb8;
	[tilespmem:$0x1D800] =	vst v63  }
0xd1: {  	s15 =	simm.s32 $0x1000  }
0xd2: {  	[tilespmem:s15], [sflag:$0x2] =	stream.indirect.gather [hbm4b:s4+s12], $0x10, s12, s12, $0xb8;
	[tilespmem:$0x1D800] =	vst v63  }
0xd3: {  	s16 =	simm.s32 $0x1800;
	s19 =	rddreg [dreg:$0x5]  }
0xd4: {  	[tilespmem:s16], [sflag:$0x3] =	stream.indirect.gather [hbm4b:s4+s12], $0x10, s19, s12, $0xb8;
	[tilespmem:$0x1D800] =	vst v63  }
0xd5: {  	s17 =	simm.s32 $0x2000;
	s20 =	rddreg [dreg:$0x6]  }
0xd6: {  	[tilespmem:s17], [sflag:$0x4] =	stream.indirect.gather [hbm4b:s4+s12], $0x10, s20, s12, $0xb8;
	[tilespmem:$0x1D800] =	vst v63  }
0xd7: {  	s18 =	simm.s32 $0x2800;
	s3 =	rddreg [dreg:$0x7]  }
0xd8: {  	[tilespmem:s18], [sflag:$0x5] =	stream.indirect.gather [hbm4b:s4+s12], $0x10, s3, s12, $0xb8;
	[tilespmem:$0x1D800] =	vst v63  }
0xd9: {  	s19 =	rddreg [dreg:$0x8];
	s3 =	simm.s32 $0x3000  }
0xda: {  	[tilespmem:s3], [sflag:$0x6] =	stream.indirect.gather [hbm4b:s4+s12], $0x10, s19, s12, $0xb8;
	[tilespmem:$0x1D800] =	vst v63  }
0xdb: {  	s20 =	rddreg [dreg:$0x9];
	s19 =	simm.s32 $0x3800  }
0xdc: {  	[tilespmem:s19], [sflag:$0x7] =	stream.indirect.gather [hbm4b:s4+s12], $0x10, s20, s12, $0xb8;
	[tilespmem:$0x1D800] =	vst v63  }
0xdd: {  	s11 =	rddreg [dreg:$0xa];
	s20 =	simm.s32 $0x4000  }
0xde: {  	[tilespmem:s20], [sflag:$0x8] =	stream.indirect.gather [hbm4b:s4+s12], $0x10, s11, s12, $0xb8;
	[tilespmem:$0x1D800] =	vst v63  }
0xdf: {  	s11 =	simm.s32 $0x1  }
0xe0: {  	_ =	swait.ge [sflag:s11], $0x800  }
0xe1: {  	[sflag:s11] =	ssyncset.done $0x0  }
0xe2: {  	[sflag:s11] =	ssyncadd.s32 $0xFFFFF800  }
0xe3: {  	[spmem:s2] =	stream.indirect.scatter.add.f32 [tilespmem:s14], [sflag:$0x9], $0x10, s13, s12, $0xb8;
	[tilespmem:$0x1D800] =	vst v63  }
0xe4: {  	s13 =	simm.s32 $0x2  }
0xe5: {  	_ =	swait.ge [sflag:s13], $0x800  }
0xe6: {  	[sflag:s13] =	ssyncset.done $0x0  }
0xe7: {  	s14 =	rddreg [dreg:$0xb];
	[sflag:s13] =	ssyncadd.s32 $0xFFFFF800  }
0xe8: {  	[spmem:s2] =	stream.indirect.scatter.add.f32 [tilespmem:s15], [sflag:$0xA], $0x10, s14, s12, $0xb8;
	[tilespmem:$0x1D800] =	vst v63  }
0xe9: {  	_ =	swait.ge [sflag:s23], $0x800  }
0xea: {  	[sflag:s23] =	ssyncset.done $0x0  }
0xeb: {  	s11 =	rddreg [dreg:$0xc];
	[sflag:s23] =	ssyncadd.s32 $0xFFFFF800  }
0xec: {  	[spmem:s2] =	stream.indirect.scatter.add.f32 [tilespmem:s16], [sflag:$0xB], $0x10, s11, s12, $0xb8;
	[tilespmem:$0x1D800] =	vst v63  }
0xed: {  	_ =	swait.ge [sflag:s24], $0x800  }
0xee: {  	[sflag:s24] =	ssyncset.done $0x0  }
0xef: {  	s13 =	rddreg [dreg:$0xd];
	[sflag:s24] =	ssyncadd.s32 $0xFFFFF800  }
0xf0: {  	[spmem:s2] =	stream.indirect.scatter.add.f32 [tilespmem:s17], [sflag:$0xC], $0x10, s13, s12, $0xb8;
	[tilespmem:$0x1D800] =	vst v63  }
0xf1: {  	_ =	swait.ge [sflag:s25], $0x800  }
0xf2: {  	[sflag:s25] =	ssyncset.done $0x0  }
0xf3: {  	s14 =	rddreg [dreg:$0xe];
	[sflag:s25] =	ssyncadd.s32 $0xFFFFF800  }
0xf4: {  	[spmem:s2] =	stream.indirect.scatter.add.f32 [tilespmem:s18], [sflag:$0xD], $0x10, s14, s12, $0xb8;
	[tilespmem:$0x1D800] =	vst v63  }
0xf5: {  	_ =	swait.ge [sflag:s26], $0x800  }
0xf6: {  	[sflag:s26] =	ssyncset.done $0x0  }
0xf7: {  	s15 =	rddreg [dreg:$0xf];
	[sflag:s26] =	ssyncadd.s32 $0xFFFFF800  }
0xf8: {  	[spmem:s2] =	stream.indirect.scatter.add.f32 [tilespmem:s3], [sflag:$0xE], $0x10, s15, s12, $0xb8;
	[tilespmem:$0x1D800] =	vst v63  }
0xf9: {  	_ =	swait.ge [sflag:s28], $0x800  }
0xfa: {  	[sflag:s28] =	ssyncset.done $0x0  }
0xfb: {  	s16 =	rddreg [dreg:$0x10];
	[sflag:s28] =	ssyncadd.s32 $0xFFFFF800  }
0xfc: {  	[spmem:s2] =	stream.indirect.scatter.add.f32 [tilespmem:s19], [sflag:$0xF], $0x10, s16, s12, $0xb8;
	[tilespmem:$0x1D800] =	vst v63  }
0xfd: {  	_ =	swait.ge [sflag:s29], $0x800  }
0xfe: {  	[sflag:s29] =	ssyncset.done $0x0  }
0xff: {  	s17 =	rddreg [dreg:$0x11];
	[sflag:s29] =	ssyncadd.s32 $0xFFFFF800  }
0x100: {  	[spmem:s2] =	stream.indirect.scatter.add.f32 [tilespmem:s20], [sflag:$0x10], $0x10, s17, s12, $0xb8;
	[tilespmem:$0x1D800] =	vst v63  }
0x101: {  	_ =	swait.ge [sflag:s30], $0x800  }
0x102: {  	[sflag:s30] =	ssyncset.done $0x0  }
0x103: {  	[sflag:s30] =	ssyncadd.s32 $0xFFFFF800  }
0x104: {  	_ =	swait.ge [sflag:s31], $0x800  }
0x105: {  	[sflag:s31] =	ssyncset.done $0x0  }
0x106: {  	[sflag:s31] =	ssyncadd.s32 $0xFFFFF800  }
0x107: {  	_ =	swait.ge [sflag:s1], $0x800  }
0x108: {  	[sflag:s1] =	ssyncset.done $0x0  }
0x109: {  	[sflag:s1] =	ssyncadd.s32 $0xFFFFF800  }
0x10a: {  	_ =	swait.ge [sflag:s0], $0x800  }
0x10b: {  	[sflag:s0] =	ssyncset.done $0x0  }
0x10c: {  	[sflag:s0] =	ssyncadd.s32 $0xFFFFF800  }
0x10d: {  	_ =	swait.ge [sflag:s5], $0x800  }
0x10e: {  	[sflag:s5] =	ssyncset.done $0x0  }
0x10f: {  	[sflag:s5] =	ssyncadd.s32 $0xFFFFF800  }
0x110: {  	_ =	swait.ge [sflag:s7], $0x800  }
0x111: {  	[sflag:s7] =	ssyncset.done $0x0  }
0x112: {  	[sflag:s7] =	ssyncadd.s32 $0xFFFFF800  }
0x113: {  	_ =	swait.ge [sflag:s8], $0x800  }
0x114: {  	[sflag:s8] =	ssyncset.done $0x0  }
0x115: {  	[sflag:s8] =	ssyncadd.s32 $0xFFFFF800  }
0x116: {  	_ =	swait.ge [sflag:s6], $0x800  }
0x117: {  	[sflag:s6] =	ssyncset.done $0x0  }
0x118: {  	[sflag:s6] =	ssyncadd.s32 $0xFFFFF800  }
0x119: {  	[bflag:$0x0] =	sbarrier.arrive $0xFFFF  }
0x11a: {  	s11 =	rddreg [dreg:$0x13]  }
0x11b: {  	s18 =	rddreg [dreg:$0x14]  }
0x11c: {  	s13 =	rddreg [dreg:$0x16]  }
0x11d: {  	[hbm:s18], [sflag:s11] =	dma.local [spmem:s13], $0x3200  }
0x11e: {  	_ =	swait.ge [sflag:s10], $0x3200  }
0x11f: {  	s19 =	rddreg [dreg:$0x17]  }
0x120: {  	s20 =	rddreg [dreg:$0x15];
	s3 =	sadd.s32 $0x1, s19  }
0x121: {  	p0 =	sne.s32 s3, s20  }
.Ltmp1:
0x122: {  	_ = 	snop;
	(pc) =	sbr.rel @p0 .LBB2_1-.Ltmp1, $3  }
0x123: {  	_ =	sdelay $0x1  }
0x124: {  	[sflag:s10] =	ssyncset.done $0x0  }
0x125: {  	[sflag:s10] =	ssyncadd.s32 $0xFFFFCE00  }
0x126: {  	_ =	sfence.sel $0x180000  }
0x127: {  	[bflag:$0x0] =	sbarrier.arrive $0xFFFF  }
0x128: {  	_ =	strace $0x9000004D  }
0x129: {  	s0 =	stileid.u32;
	[bflag:$0x2] =	sbarrier.arrive $0xFFFF  }
0x12a: {  	p0 =	sne.s32 s0, $0x0;
	s0 =	rddreg [dreg:$0x2]  }
0x12b: {  	s0 =	sadd.s32 @!p0 $0x100000, s0  }
0x12c: {  	[sflag:s0] =	ssyncadd.tile.s32 @!p0 $0x1;
	_ =	shalt  }
.Lfunc_end2:
_tile_overlayer_lowered:
.L_overlay_start_2:
0x12d: {  	(tag) =	ssettag $0x2  }
0x12e: {  	s0 =	rddreg [dreg:$0x0];
	s2 =	stileid.u32  }
0x12f: {  	s1 =	rddreg [dreg:$0x1];
	p0 =	sne.s32 s2, $0x0  }
0x130: {  	s3 =	rddreg [dreg:$0x2];
	[bflag:$0x3] =	sbarrier.arrive $0xFFFF;
	s2 =	simm.s32 @!p0 $0x1C11  }
0x131: {  	[timem:s3], [sflag:s2] =	dma.local @!p0 [hbm:s0], s1  }
0x132: {  	s0 =	simm.s32 @!p0 $0x11  }
0x133: {  	_ =	swait.ge @!p0 [sflag:s0], s1  }
0x134: {  	s1 =	ssub.s32 @!p0 $0x0, s1;
	[sflag:s0] =	ssyncset.done @!p0 $0x0  }
0x135: {  	[sflag:s0] =	ssyncadd.s32 @!p0 s1  }
0x136: {  	[bflag:$0x3] =	sbarrier.arrive $0xFFFF  }
0x137: {  	_ =	shalt  }

// kernel: kernel.19.cloned.1.call-start
scs
__scs_entry_jumppad:
0x0: {  	(pc) =	sbr.rel $0x88, $3  }
0x1: {  	(tag) =	ssettag $0x0;
	lr =	simm.s32 $0x1  }
0x2: {  	[smem:$0x3F97] =	sst lr;
	_ =	strace $0xD0000000  }
0x3: {  	_ = 	snop  }
0x4: {  	_ = 	snop  }
0x5: {  	_ = 	snop  }
0x6: {  	_ = 	snop  }
0x7: {  	_ = 	snop  }
__scs_overlays_trampoline_lowered:
0x8: {  	[smem:$0x3FA6] =	sst s0  }
0x9: {  	[smem:$0x3FA7] =	sst s1  }
0xa: {  	[smem:$0x3FA8] =	sst s2  }
0xb: {  	[smem:$0x3FA9] =	sst s3  }
0xc: {  	[smem:$0x3FAA] =	sst s4  }
0xd: {  	[smem:$0x3FAB] =	sst s5  }
0xe: {  	[smem:$0x3FAC] =	sst s6  }
0xf: {  	[smem:$0x3FAD] =	sst s7  }
0x10: {  	[smem:$0x3FAE] =	sst s8  }
0x11: {  	[smem:$0x3FAF] =	sst s9;
	s0 =	simm.s32 @!p0 $0x0  }
0x12: {  	s1 =	sld [smem:$0x3F95];
	s0 =	simm.s32 @p0 $0x1  }
0x13: {  	[smem:$0x3FB0] =	sst s0;
	s0 =	simm.s32 @!p1 $0x0  }
0x14: {  	s2 =	sld [smem:$0x3F94];
	s0 =	simm.s32 @p1 $0x1  }
0x15: {  	[smem:$0x3FB1] =	sst s0;
	s0 =	simm.s32 @!p2 $0x0  }
0x16: {  	s3 =	sld [smem:$0x3FDB];
	s0 =	simm.s32 @p2 $0x1  }
0x17: {  	s4 =	simm.s32 $0x1BF5;
	[smem:$0x3FB3] =	sst s0  }
0x18: {  	s0 =	sld [smem:$0x3F96];
	_ =	swait.ge [sflag:s4], $0x0  }
0x19: {  	s7 =	sld [smem:$0x3F97]  }
0x1a: {  	s8 =	sadd.s32 $0xFFFFE003, lr  }
0x1b: {  	s9 =	sadd.s32 $0xFFFFFEF7, lr;
	s5 =	simm.s32 $0xFFFFFFFF;
	p2 =	slt.u32 s8, $0xFFFFF086  }
0x1c: {  	p1 =	slt.u32 s9, $0xF7A;
	s5 =	simm.s32 @!p2 $0x0  }
0x1d: {  	s5 =	simm.s32 @p1 $0x1;
	p0 =	seq.s32 s7, s2  }
0x1e: {  	s7 =	smul.u32 @!p0 $0xF7A, s2;
	p2 =	seq.s32 @!p0 s5, $0x0  }
0x1f: {  	s9 =	smul.u32 $0xF7A, s1;
	s8 =	simm.s32 @!p0 $0x1BF5;
	p2 =	por !p2, p0  }
0x20: {  	[sflag:s8] =	ssyncset.s32 @!p0 $0xFFFFF086;
	s6 =	sadd.s32 @!p0 s3, s7;
	s7 =	simm.s32 @!p0 $0x108  }
0x21: {  	s3 =	sadd.s32 s3, s9;
	s6 =	sadd.s32 @!p0 $0x88, s6;
	s7 =	simm.s32 @p2 $0x1082  }
0x22: {  	[simem:s7], [sflag:s8] =	dma.local @!p0 [hbm:s6], $0xF7A  }
0x23: {  	s9 =	sor.u32 $0xD0000000, s2;
	s6 =	simm.s32 $0x108;
	_ =	swait.ge @!p0 [sflag:s8], $0x0  }
0x24: {  	s3 =	sadd.s32 $0x88, s3;
	s6 =	simm.s32 @!p1 $0x1082;
	[sflag:s4] =	ssyncset.s32 $0xFFFFF086  }
0x25: {  	[simem:s6], [sflag:s4] =	dma.local [hbm:s3], $0xF7A  }
0x26: {  	[smem:$0x3F97] =	sst s1;
	(tag) =	ssettag s2;
	_ =	strace s9  }
0x27: {  	s1 =	sld [smem:$0x3FA7]  }
0x28: {  	s2 =	sld [smem:$0x3FA8]  }
0x29: {  	s4 =	sld [smem:$0x3FAA]  }
0x2a: {  	p0 =	seq.s32 s5, $0x0;
	s5 =	sld [smem:$0x3FAB]  }
0x2b: {  	s6 =	sld [smem:$0x3FAC]  }
0x2c: {  	s7 =	sld [smem:$0x3FAD]  }
0x2d: {  	s3 =	simm.s32 $0x108;
	s8 =	sld [smem:$0x3FAE]  }
0x2e: {  	s3 =	simm.s32 @!p0 $0x1082;
	s9 =	sld [smem:$0x3FAF]  }
0x2f: {  	lr =	sadd.s32 s0, s3;
	s0 =	sld [smem:$0x3FA6]  }
0x30: {  	s3 =	sld [smem:$0x3FA9]  }
0x31: {  	[smem:$0x3FB2] =	sst s10  }
0x32: {  	s10 =	sld [smem:$0x3FB0];
	_ =	sdelay $0x3  }
0x33: {  	p0 =	seq.s32 s10, $0x1;
	s10 =	sld [smem:$0x3FB2];
	_ =	sdelay $0x3  }
0x34: {  	[smem:$0x3FB2] =	sst s10  }
0x35: {  	s10 =	sld [smem:$0x3FB1];
	_ =	sdelay $0x3  }
0x36: {  	p1 =	seq.s32 s10, $0x1;
	s10 =	sld [smem:$0x3FB2];
	_ =	sdelay $0x3  }
0x37: {  	[smem:$0x3FB2] =	sst s10  }
0x38: {  	s10 =	sld [smem:$0x3FB3]  }
0x39: {  	_ = 	snop;
	(pc) =	sbr.ind lr, $3  }
0x3a: {  	_ = 	snop  }
0x3b: {  	_ = 	snop  }
0x3c: {  	p2 =	seq.s32 s10, $0x1;
	s10 =	sld [smem:$0x3FB2]  }
0x3d: {  	_ =	shalt  }
0x3e: {  	_ =	shalt  }
0x3f: {  	_ =	shalt  }
0x40: {  	_ =	shalt  }
0x41: {  	_ =	shalt  }
0x42: {  	_ =	shalt  }
0x43: {  	_ =	shalt  }
0x44: {  	_ =	shalt  }
0x45: {  	_ =	shalt  }
0x46: {  	_ =	shalt  }
0x47: {  	_ =	shalt  }
0x48: {  	_ =	shalt  }
0x49: {  	_ =	shalt  }
0x4a: {  	_ =	shalt  }
0x4b: {  	_ =	shalt  }
0x4c: {  	_ =	shalt  }
0x4d: {  	_ =	shalt  }
0x4e: {  	_ =	shalt  }
0x4f: {  	_ =	shalt  }
0x50: {  	_ =	shalt  }
0x51: {  	_ =	shalt  }
0x52: {  	_ =	shalt  }
0x53: {  	_ =	shalt  }
0x54: {  	_ =	shalt  }
0x55: {  	_ =	shalt  }
0x56: {  	_ =	shalt  }
0x57: {  	_ =	shalt  }
0x58: {  	_ =	shalt  }
0x59: {  	_ =	shalt  }
0x5a: {  	_ =	shalt  }
0x5b: {  	_ =	shalt  }
0x5c: {  	_ =	shalt  }
0x5d: {  	_ =	shalt  }
0x5e: {  	_ =	shalt  }
0x5f: {  	_ =	shalt  }
0x60: {  	_ =	shalt  }
0x61: {  	_ =	shalt  }
0x62: {  	_ =	shalt  }
0x63: {  	_ =	shalt  }
0x64: {  	_ =	shalt  }
0x65: {  	_ =	shalt  }
0x66: {  	_ =	shalt  }
0x67: {  	_ =	shalt  }
0x68: {  	_ =	shalt  }
0x69: {  	_ =	shalt  }
0x6a: {  	_ =	shalt  }
0x6b: {  	_ =	shalt  }
0x6c: {  	_ =	shalt  }
0x6d: {  	_ =	shalt  }
0x6e: {  	_ =	shalt  }
0x6f: {  	_ =	shalt  }
0x70: {  	_ =	shalt  }
0x71: {  	_ =	shalt  }
0x72: {  	_ =	shalt  }
0x73: {  	_ =	shalt  }
0x74: {  	_ =	shalt  }
0x75: {  	_ =	shalt  }
0x76: {  	_ =	shalt  }
0x77: {  	_ =	shalt  }
0x78: {  	_ =	shalt  }
0x79: {  	_ =	shalt  }
0x7a: {  	_ =	shalt  }
0x7b: {  	_ =	shalt  }
0x7c: {  	_ =	shalt  }
0x7d: {  	_ =	shalt  }
0x7e: {  	_ =	shalt  }
0x7f: {  	_ =	shalt  }
0x80: {  	_ =	shalt  }
0x81: {  	_ =	shalt  }
0x82: {  	_ =	shalt  }
0x83: {  	_ =	shalt  }
0x84: {  	_ =	shalt  }
0x85: {  	_ =	shalt  }
0x86: {  	_ =	shalt  }
0x87: {  	_ =	shalt  }
.Lfunc_end0:
.L_simem_size_0:
called_computation.3_lowered:
.L_overlay_start_0:
0x88: {  	s2 =	sld [smem:$0x3FD9]  }
0x89: {  	s3 =	sld [smem:$0x3FFE];
	_ =	sdelay $0x1  }
0x8a: {  	s1 =	srdreg.scid  }
0x8b: {  	s0 =	sand.u32 $0x1, s1  }
0x8c: {  	s16 =	sshll.u32 s0, $0xA;
	s2 =	sadd.s32 s3, s2  }
0x8d: {  	s2 =	sadd.s32 s2, s16  }
0x8e: {  	[smem:$0x3FBE] =	sst s2  }
0x8f: {  	_ = 	snop  }
0x90: {  	(tm) =	ssettm $0x1  }
0x91: {  	s17 =	sld [smem:$0x3FFB];
	_ =	sdelay $0x3  }
0x92: {  	_ =	strace s17  }
0x93: {  	s2 =	sld [smem:$0x3FFC];
	_ =	sdelay $0x3  }
0x94: {  	_ =	strace s2  }
0x95: {  	s2 =	sld [smem:$0x3FFD];
	_ =	sdelay $0x3  }
0x96: {  	_ =	strace s2  }
0x97: {  	_ =	strace $0x8FFFFFFF  }
0x98: {  	s18 =	sld [smem:$0x3FDB];
	_ =	sdelay $0x1  }
0x99: {  	s19 =	simm.s32 $_scs_section_size  }
0x9a: {  	s4 =	simm.s32 $_size__tile_overlayer_lowered;
	s5 =	simm.s32 $_tile_overlayer_lowered  }
0x9b: {  	s22 =	simm.s32 $0x1BFF;
	s21 =	sshll.u32 s5, $0x1;
	s2 =	sadd.s32 s19, s18  }
0x9c: {  	s6 =	simm.s32 $0x0;
	s20 =	sshll.u32 s4, $0x1;
	s4 =	sadd.s32 s21, s2  }
0x9d: {  	[timem:s6], [sflag:s22] =	dma.local [hbm:s4], s20  }
0x9e: {  	_ =	swait.ge [sflag:s22], s20  }
0x9f: {  	s3 =	ssub.s32 $0x0, s20;
	[sflag:s22] =	ssyncset.done $0x0  }
0xa0: {  	[sflag:s22] =	ssyncadd.s32 s3;
	_ =	sdelay $0x1  }
0xa1: {  	s23 =	simm.s32 $0x1B8B  }
0xa2: {  	_ =	swait.ge [sflag:s23], $0x1  }
0xa3: {  	[sflag:s23] =	ssyncset.done $0x0  }
0xa4: {  	s25 =	simm.s32 $0x1B8E;
	s24 =	sld [smem:$0x3FFE];
	[sflag:s23] =	ssyncadd.s32 $0xFFFFFFFF  }
0xa5: {  	s26 =	simm.s32 $execute0_lowered;
	[smem:$0x3FD2] =	sst s25  }
0xa6: {  	s4 =	sshll.u32 s26, $0x1;
	_ =	strace $0x8000004F;
	[dreg:$0x1] =	wrdreg $0xFFFFFFFF  }
0xa7: {  	s28 =	simm.s32 $_size_execute0_lowered;
	s2 =	sadd.s32 s2, s4;
	[dreg:$0x0] =	wrdreg $0x0  }
0xa8: {  	s4 =	sshll.u32 s28, $0x1;
	[dreg:$0x2] =	wrdreg s2  }
0xa9: {  	[dreg:$0x3] =	wrdreg s4  }
0xaa: {  	[dreg:$0x4] =	wrdreg $0xC0  }
0xab: {  	_ =	task [dreg:s6], $0x5FFFF  }
0xac: {  	[dreg:$0x1] =	wrdreg $0xFFFFFFFF  }
0xad: {  	[dreg:$0x0] =	wrdreg $0x60  }
0xae: {  	[dreg:$0x2] =	wrdreg s24  }
0xaf: {  	[dreg:$0x3] =	wrdreg $0x48000  }
0xb0: {  	[dreg:$0x4] =	wrdreg $0x9  }
0xb1: {  	_ =	task.clear_ibuf [dreg:s6], $0x5FFFF;
	_ =	strace $0x9000004F  }
0xb2: {  	s29 =	simm.s32 $0x9;
	_ =	strace $0x80000051  }
0xb3: {  	_ =	swait.ge [sflag:s29], $0x1  }
0xb4: {  	[sflag:s29] =	ssyncadd.s32 $0xFFFFFFFF  }
0xb5: {  	_ =	strace $0x90000051  }
0xb6: {  	_ =	sfence  }
0xb7: {  	s30 =	sld [smem:$0x0];
	_ =	sdelay $0x2  }
0xb8: {  	s31 =	sshll.u32 s1, $0xD;
	s1 =	sshrl.u32 s1, $0x2  }
0xb9: {  	s3 =	sand.u32 $0x4000, s31;
	s1 =	sadd.s32 s1, s30  }
0xba: {  	s0 =	sor.u32 s3, s0;
	s1 =	sshll.u32 s1, $0x11  }
0xbb: {  	s0 =	sor.u32 s1, s0  }
0xbc: {  	s0 =	sadd.s32 $0x8F2B, s0  }
0xbd: {  	[sflag:s0] =	ssyncadd.remote.s32 $0x1  }
0xbe: {  	_ =	sfence.sel $0xFFFF  }
0xbf: {  	[dreg:$0x0] =	wrdreg $0xFFFFFFFF;
	(pc) =	sbr.abs _section_cstart, $3  }
0xc0: {  	[dreg:$0x1] =	wrdreg $0xFFFFFFFF  }
0xc1: {  	_ =	task.clear_ibuf [dreg:s6], $0x2FFFF;
	_ =	strace $0x9FFFFFFF  }
0xc2: {  	(tm) =	ssettm $0x7FFFFFFF  }
0xc3: {  	_ =	shalt  }
tec
execute0_lowered:
.L_overlay_start_1:
0x0: {  	(tag) =	ssettag $0x1  }
0x1: {  	s0 =	srdreg.scid  }
0x2: {  	s9 =	stileid.u32;
	s1 =	rddreg [dreg:$0x0]  }
0x3: {  	s2 =	rddreg [dreg:$0x1];
	s3 =	simm.s32 $0x0;
	s14 =	simm.s32 $0x100  }
0x4: {  	s15 =	simm.s32 $0x180;
	s16 =	simm.s32 $0x200;
	[smem:$0x7FF] =	sst s3  }
0x5: {  	s17 =	simm.s32 $0x280;
	_ =	strace $0x80000050;
	[dreg:$0x5] =	wrdreg s14  }
0x6: {  	s18 =	simm.s32 $0x300;
	s19 =	simm.s32 $0x380;
	[dreg:$0x6] =	wrdreg s15  }
0x7: {  	s20 =	simm.s32 $0x480;
	s21 =	simm.s32 $0x500;
	[dreg:$0x7] =	wrdreg s16  }
0x8: {  	s22 =	simm.s32 $0x580;
	s23 =	simm.s32 $0x600;
	[dreg:$0x8] =	wrdreg s17  }
0x9: {  	s24 =	simm.s32 $0x680;
	s25 =	simm.s32 $0x700;
	[dreg:$0x9] =	wrdreg s18  }
0xa: {  	s28 =	simm.s32 $0x7;
	s29 =	simm.s32 $0x8;
	[dreg:$0xa] =	wrdreg s19  }
0xb: {  	s30 =	simm.s32 $0x9;
	s31 =	simm.s32 $0xA;
	[dreg:$0xb] =	wrdreg s20  }
0xc: {  	s0 =	sand.u32 $0x1, s0;
	s5 =	smul.u32 $0x18800, s9;
	[dreg:$0xc] =	wrdreg s21  }
0xd: {  	s7 =	smul.u32 $0x19000, s9;
	s4 =	sadd.s32 $0x65800, s1;
	[dreg:$0xd] =	wrdreg s22  }
0xe: {  	s11 =	sshll.u32 s9, $0x6;
	s6 =	smul.u32 $0xC400, s0;
	[dreg:$0xe] =	wrdreg s23  }
0xf: {  	s8 =	smul.u32 $0x190000, s0;
	s0 =	ssub.s32 $0x2, s0;
	[dreg:$0xf] =	wrdreg s24  }
0x10: {  	s11 =	sor.u32 $0x1C11, s11;
	s23 =	simm.s32 $0x3;
	[dreg:$0x10] =	wrdreg s25  }
0x11: {  	s24 =	simm.s32 $0x4;
	s25 =	simm.s32 $0x5;
	s21 =	simm.s32 $0x3800  }
0x12: {  	s22 =	simm.s32 $0x4000;
	s3 =	sshrl.u32 s0, $0x1;
	s10 =	sadd.s32 s7, s2  }
0x13: {  	[dreg:$0x13] =	wrdreg s11;
	s5 =	sadd.s32 s6, s5;
	s26 =	sadd.s32 s7, s8  }
0x14: {  	s0 =	ssub.s32 s0, s3;
	s7 =	sshrl.u32 s7, $0x3;
	s8 =	simm.s32 $0xF  }
0x15: {  	s3 =	simm.s32 $0x0;
	s5 =	sshrl.u32 s5, $0x3;
	s7 =	sadd.s32 s4, s7  }
0x16: {  	s6 =	sshrl.u32 s26, $0x3;
	s0 =	smax.u32 s0, $0x1;
	[dreg:$0x12] =	wrdreg s7  }
0x17: {  	s26 =	simm.s32 $0x780;
	s5 =	sadd.s32 s5, s1;
	[dreg:$0x15] =	wrdreg s0  }
0x18: {  	s1 =	sadd.s32 s6, s1;
	[dreg:$0x11] =	wrdreg s26;
	s26 =	simm.s32 $0x6  }
0x19: {  	s0 =	simm.s32 $0xC;
	s7 =	simm.s32 $0xE;
	s1 =	sadd.s32 $0xC9800, s1  }
0x1a: {  	s6 =	simm.s32 $0x10;
	s12 =	sadd.s32 $0x3800, s5;
	[dreg:$0x14] =	wrdreg s1  }
0x1b: {  	s13 =	sadd.s32 $0x34800, s5;
	s5 =	simm.s32 $0xD;
	[dreg:$0x3] =	wrdreg s12  }
0x1c: {  	[dreg:$0x4] =	wrdreg s13;
	s13 =	sshrl.u32 s10, $0x3;
	s10 =	simm.s32 $0x11  }
0x1d: {  	s12 =	simm.s32 $0x80;
	s1 =	simm.s32 $0xB;
	[dreg:$0x16] =	wrdreg s13  }
.LBB2_1:
0x1e: {  	[dreg:$0x17] =	wrdreg s3  }
0x1f: {  	s9 =	rddreg [dreg:$0x12]  }
0x20: {  	[spmem:s13], [sflag:s11] =	dma.local [hbm:s9], $0x3200  }
0x21: {  	_ =	swait.ge [sflag:s10], $0x3200  }
0x22: {  	[sflag:s10] =	ssyncset.done $0x0  }
0x23: {  	[sflag:s10] =	ssyncadd.s32 $0xFFFFCE00  }
0x24: {  	[bflag:$0x0] =	sbarrier.arrive $0xFFFF  }
0x25: {  	s16 =	rddreg [dreg:$0x4]  }
0x26: {  	s17 =	simm.s32 $0x0;
	s9 =	sadd.s32 $0x0, s16  }
0x27: {  	[tilespmem:s17], [sflag:$0x11] =	stream.linear.gather [hbm4b:s9+s17], $0x400, $0x38;
	[tilespmem:$0x1D800] =	vst v63  }
0x28: {  	_ =	swait.ge [sflag:s10], $0x400  }
0x29: {  	s18 =	rddreg [dreg:$0x3];
	[sflag:s10] =	ssyncset.done $0x0  }
0x2a: {  	s13 =	simm.s32 $0x400;
	[sflag:s10] =	ssyncadd.s32 $0xFFFFFC00;
	s9 =	sadd.s32 $0x0, s18  }
0x2b: {  	[tilespmem:s13], [sflag:$0x11] =	stream.linear.gather [hbm4b:s9+s17], $0x400, $0x38;
	[tilespmem:$0x1D800] =	vst v63  }
0x2c: {  	_ =	swait.ge [sflag:s10], $0x400  }
0x2d: {  	[sflag:s10] =	ssyncset.done $0x0  }
0x2e: {  	s14 =	simm.s32 $0x800;
	[sflag:s10] =	ssyncadd.s32 $0xFFFFFC00  }
0x2f: {  	[tilespmem:s14], [sflag:$0x1] =	stream.indirect.gather [hbm4b:s4+s12], $0x10, s17, s12, $0xb8;
	[tilespmem:$0x1D800] =	vst v63  }
0x30: {  	s15 =	simm.s32 $0x1000  }
0x31: {  	[tilespmem:s15], [sflag:$0x2] =	stream.indirect.gather [hbm4b:s4+s12], $0x10, s12, s12, $0xb8;
	[tilespmem:$0x1D800] =	vst v63  }
0x32: {  	s16 =	simm.s32 $0x1800;
	s19 =	rddreg [dreg:$0x5]  }
0x33: {  	[tilespmem:s16], [sflag:$0x3] =	stream.indirect.gather [hbm4b:s4+s12], $0x10, s19, s12, $0xb8;
	[tilespmem:$0x1D800] =	vst v63  }
0x34: {  	s20 =	rddreg [dreg:$0x6];
	s17 =	simm.s32 $0x2000  }
0x35: {  	[tilespmem:s17], [sflag:$0x4] =	stream.indirect.gather [hbm4b:s4+s12], $0x10, s20, s12, $0xb8;
	[tilespmem:$0x1D800] =	vst v63  }
0x36: {  	s18 =	simm.s32 $0x2800;
	s3 =	rddreg [dreg:$0x7]  }
0x37: {  	[tilespmem:s18], [sflag:$0x5] =	stream.indirect.gather [hbm4b:s4+s12], $0x10, s3, s12, $0xb8;
	[tilespmem:$0x1D800] =	vst v63  }
0x38: {  	s19 =	rddreg [dreg:$0x8];
	s3 =	simm.s32 $0x3000  }
0x39: {  	[tilespmem:s3], [sflag:$0x6] =	stream.indirect.gather [hbm4b:s4+s12], $0x10, s19, s12, $0xb8;
	[tilespmem:$0x1D800] =	vst v63  }
0x3a: {  	s20 =	rddreg [dreg:$0x9];
	s19 =	simm.s32 $0x3800  }
0x3b: {  	[tilespmem:s19], [sflag:$0x7] =	stream.indirect.gather [hbm4b:s4+s12], $0x10, s20, s12, $0xb8;
	[tilespmem:$0x1D800] =	vst v63  }
0x3c: {  	s11 =	rddreg [dreg:$0xa];
	s20 =	simm.s32 $0x4000  }
0x3d: {  	[tilespmem:s20], [sflag:$0x8] =	stream.indirect.gather [hbm4b:s4+s12], $0x10, s11, s12, $0xb8;
	[tilespmem:$0x1D800] =	vst v63  }
0x3e: {  	s11 =	simm.s32 $0x1  }
0x3f: {  	_ =	swait.ge [sflag:s11], $0x800  }
0x40: {  	[sflag:s11] =	ssyncset.done $0x0  }
0x41: {  	s9 =	simm.s32 $0x2;
	[sflag:s11] =	ssyncadd.s32 $0xFFFFF800  }
0x42: {  	[spmem:s2] =	stream.indirect.scatter.add.f32 [tilespmem:s14], [sflag:$0x9], $0x10, s13, s12, $0xb8;
	[tilespmem:$0x1D800] =	vst v63  }
0x43: {  	_ =	swait.ge [sflag:s9], $0x800  }
0x44: {  	[sflag:s9] =	ssyncset.done $0x0  }
0x45: {  	s13 =	rddreg [dreg:$0xb];
	[sflag:s9] =	ssyncadd.s32 $0xFFFFF800  }
0x46: {  	[spmem:s2] =	stream.indirect.scatter.add.f32 [tilespmem:s15], [sflag:$0xA], $0x10, s13, s12, $0xb8;
	[tilespmem:$0x1D800] =	vst v63  }
0x47: {  	_ =	swait.ge [sflag:s23], $0x800  }
0x48: {  	[sflag:s23] =	ssyncset.done $0x0  }
0x49: {  	s14 =	rddreg [dreg:$0xc];
	[sflag:s23] =	ssyncadd.s32 $0xFFFFF800  }
0x4a: {  	[spmem:s2] =	stream.indirect.scatter.add.f32 [tilespmem:s16], [sflag:$0xB], $0x10, s14, s12, $0xb8;
	[tilespmem:$0x1D800] =	vst v63  }
0x4b: {  	_ =	swait.ge [sflag:s24], $0x800  }
0x4c: {  	[sflag:s24] =	ssyncset.done $0x0  }
0x4d: {  	s15 =	rddreg [dreg:$0xd];
	[sflag:s24] =	ssyncadd.s32 $0xFFFFF800  }
0x4e: {  	[spmem:s2] =	stream.indirect.scatter.add.f32 [tilespmem:s17], [sflag:$0xC], $0x10, s15, s12, $0xb8;
	[tilespmem:$0x1D800] =	vst v63  }
0x4f: {  	_ =	swait.ge [sflag:s25], $0x800  }
0x50: {  	[sflag:s25] =	ssyncset.done $0x0  }
0x51: {  	s16 =	rddreg [dreg:$0xe];
	[sflag:s25] =	ssyncadd.s32 $0xFFFFF800  }
0x52: {  	[spmem:s2] =	stream.indirect.scatter.add.f32 [tilespmem:s18], [sflag:$0xD], $0x10, s16, s12, $0xb8;
	[tilespmem:$0x1D800] =	vst v63  }
0x53: {  	_ =	swait.ge [sflag:s26], $0x800  }
0x54: {  	[sflag:s26] =	ssyncset.done $0x0  }
0x55: {  	s17 =	rddreg [dreg:$0xf];
	[sflag:s26] =	ssyncadd.s32 $0xFFFFF800  }
0x56: {  	[spmem:s2] =	stream.indirect.scatter.add.f32 [tilespmem:s3], [sflag:$0xE], $0x10, s17, s12, $0xb8;
	[tilespmem:$0x1D800] =	vst v63  }
0x57: {  	_ =	swait.ge [sflag:s28], $0x800  }
0x58: {  	[sflag:s28] =	ssyncset.done $0x0  }
0x59: {  	s18 =	rddreg [dreg:$0x10];
	[sflag:s28] =	ssyncadd.s32 $0xFFFFF800  }
0x5a: {  	[spmem:s2] =	stream.indirect.scatter.add.f32 [tilespmem:s19], [sflag:$0xF], $0x10, s18, s12, $0xb8;
	[tilespmem:$0x1D800] =	vst v63  }
0x5b: {  	_ =	swait.ge [sflag:s29], $0x800  }
0x5c: {  	[sflag:s29] =	ssyncset.done $0x0  }
0x5d: {  	s19 =	rddreg [dreg:$0x11];
	[sflag:s29] =	ssyncadd.s32 $0xFFFFF800  }
0x5e: {  	[spmem:s2] =	stream.indirect.scatter.add.f32 [tilespmem:s20], [sflag:$0x10], $0x10, s19, s12, $0xb8;
	[tilespmem:$0x1D800] =	vst v63  }
0x5f: {  	_ =	swait.ge [sflag:s30], $0x800  }
0x60: {  	[sflag:s30] =	ssyncset.done $0x0  }
0x61: {  	[sflag:s30] =	ssyncadd.s32 $0xFFFFF800  }
0x62: {  	_ =	swait.ge [sflag:s31], $0x800  }
0x63: {  	[sflag:s31] =	ssyncset.done $0x0  }
0x64: {  	[sflag:s31] =	ssyncadd.s32 $0xFFFFF800  }
0x65: {  	_ =	swait.ge [sflag:s1], $0x800  }
0x66: {  	[sflag:s1] =	ssyncset.done $0x0  }
0x67: {  	[sflag:s1] =	ssyncadd.s32 $0xFFFFF800  }
0x68: {  	_ =	swait.ge [sflag:s0], $0x800  }
0x69: {  	[sflag:s0] =	ssyncset.done $0x0  }
0x6a: {  	[sflag:s0] =	ssyncadd.s32 $0xFFFFF800  }
0x6b: {  	_ =	swait.ge [sflag:s5], $0x800  }
0x6c: {  	[sflag:s5] =	ssyncset.done $0x0  }
0x6d: {  	[sflag:s5] =	ssyncadd.s32 $0xFFFFF800  }
0x6e: {  	_ =	swait.ge [sflag:s7], $0x800  }
0x6f: {  	[sflag:s7] =	ssyncset.done $0x0  }
0x70: {  	[sflag:s7] =	ssyncadd.s32 $0xFFFFF800  }
0x71: {  	_ =	swait.ge [sflag:s8], $0x800  }
0x72: {  	[sflag:s8] =	ssyncset.done $0x0  }
0x73: {  	[sflag:s8] =	ssyncadd.s32 $0xFFFFF800  }
0x74: {  	s11 =	simm.s32 $0x100;
	_ =	swait.ge [sflag:s6], $0x800  }
0x75: {  	s9 =	simm.s32 $0x80;
	s13 =	rddreg [dreg:$0x4];
	[sflag:s6] =	ssyncset.done $0x0  }
.LBB2_2:
0x76: {  	[sflag:s6] =	ssyncadd.s32 $0xFFFFF800;
	s13 =	sadd.s32 s9, s13;
	s3 =	simm.s32 $0x0  }
0x77: {  	[tilespmem:s3], [sflag:$0x11] =	stream.linear.gather [hbm4b:s13+s3], $0x400, $0x38;
	[tilespmem:$0x1D800] =	vst v63  }
0x78: {  	_ =	swait.ge [sflag:s10], $0x400  }
0x79: {  	s18 =	rddreg [dreg:$0x3];
	[sflag:s10] =	ssyncset.done $0x0  }
0x7a: {  	s15 =	simm.s32 $0x400;
	[sflag:s10] =	ssyncadd.s32 $0xFFFFFC00;
	s13 =	sadd.s32 s9, s18  }
0x7b: {  	[tilespmem:s15], [sflag:$0x11] =	stream.linear.gather [hbm4b:s13+s3], $0x400, $0x38;
	[tilespmem:$0x1D800] =	vst v63  }
0x7c: {  	_ =	swait.ge [sflag:s10], $0x400  }
0x7d: {  	[sflag:s10] =	ssyncset.done $0x0  }
0x7e: {  	s16 =	simm.s32 $0x800;
	[sflag:s10] =	ssyncadd.s32 $0xFFFFFC00  }
0x7f: {  	[tilespmem:s16], [sflag:$0x1] =	stream.indirect.gather [hbm4b:s4+s12], $0x10, s3, s12, $0xb8;
	[tilespmem:$0x1D800] =	vst v63  }
0x80: {  	s17 =	simm.s32 $0x1000  }
0x81: {  	[tilespmem:s17], [sflag:$0x2] =	stream.indirect.gather [hbm4b:s4+s12], $0x10, s12, s12, $0xb8;
	[tilespmem:$0x1D800] =	vst v63  }
0x82: {  	s18 =	simm.s32 $0x1800;
	s19 =	rddreg [dreg:$0x5]  }
0x83: {  	[tilespmem:s18], [sflag:$0x3] =	stream.indirect.gather [hbm4b:s4+s12], $0x10, s19, s12, $0xb8;
	[tilespmem:$0x1D800] =	vst v63  }
0x84: {  	s20 =	rddreg [dreg:$0x6];
	s19 =	simm.s32 $0x2000  }
0x85: {  	[tilespmem:s19], [sflag:$0x4] =	stream.indirect.gather [hbm4b:s4+s12], $0x10, s20, s12, $0xb8;
	[tilespmem:$0x1D800] =	vst v63  }
0x86: {  	s14 =	smov.u32 s11;
	s3 =	rddreg [dreg:$0x7];
	s20 =	simm.s32 $0x2800  }
0x87: {  	[tilespmem:s20], [sflag:$0x5] =	stream.indirect.gather [hbm4b:s4+s12], $0x10, s3, s12, $0xb8;
	[tilespmem:$0x1D800] =	vst v63  }
0x88: {  	s9 =	smov.u32 s14;
	s14 =	rddreg [dreg:$0x8];
	s3 =	simm.s32 $0x3000  }
0x89: {  	[tilespmem:s3], [sflag:$0x6] =	stream.indirect.gather [hbm4b:s4+s12], $0x10, s14, s12, $0xb8;
	[tilespmem:$0x1D800] =	vst v63  }
0x8a: {  	s13 =	rddreg [dreg:$0x9]  }
0x8b: {  	[tilespmem:s21], [sflag:$0x7] =	stream.indirect.gather [hbm4b:s4+s12], $0x10, s13, s12, $0xb8;
	[tilespmem:$0x1D800] =	vst v63  }
0x8c: {  	s14 =	rddreg [dreg:$0xa]  }
0x8d: {  	[tilespmem:s22], [sflag:$0x8] =	stream.indirect.gather [hbm4b:s4+s12], $0x10, s14, s12, $0xb8;
	[tilespmem:$0x1D800] =	vst v63  }
0x8e: {  	s14 =	simm.s32 $0x1  }
0x8f: {  	_ =	swait.ge [sflag:s14], $0x800  }
0x90: {  	[sflag:s14] =	ssyncset.done $0x0  }
0x91: {  	[sflag:s14] =	ssyncadd.s32 $0xFFFFF800  }
0x92: {  	[spmem:s2] =	stream.indirect.scatter.add.f32 [tilespmem:s16], [sflag:$0x9], $0x10, s15, s12, $0xb8;
	[tilespmem:$0x1D800] =	vst v63  }
0x93: {  	s15 =	simm.s32 $0x2  }
0x94: {  	_ =	swait.ge [sflag:s15], $0x800  }
0x95: {  	[sflag:s15] =	ssyncset.done $0x0  }
0x96: {  	s16 =	rddreg [dreg:$0xb];
	[sflag:s15] =	ssyncadd.s32 $0xFFFFF800  }
0x97: {  	[spmem:s2] =	stream.indirect.scatter.add.f32 [tilespmem:s17], [sflag:$0xA], $0x10, s16, s12, $0xb8;
	[tilespmem:$0x1D800] =	vst v63  }
0x98: {  	_ =	swait.ge [sflag:s23], $0x800  }
0x99: {  	[sflag:s23] =	ssyncset.done $0x0  }
0x9a: {  	s15 =	rddreg [dreg:$0xc];
	[sflag:s23] =	ssyncadd.s32 $0xFFFFF800  }
0x9b: {  	[spmem:s2] =	stream.indirect.scatter.add.f32 [tilespmem:s18], [sflag:$0xB], $0x10, s15, s12, $0xb8;
	[tilespmem:$0x1D800] =	vst v63  }
0x9c: {  	_ =	swait.ge [sflag:s24], $0x800  }
0x9d: {  	[sflag:s24] =	ssyncset.done $0x0  }
0x9e: {  	s16 =	rddreg [dreg:$0xd];
	[sflag:s24] =	ssyncadd.s32 $0xFFFFF800  }
0x9f: {  	[spmem:s2] =	stream.indirect.scatter.add.f32 [tilespmem:s19], [sflag:$0xC], $0x10, s16, s12, $0xb8;
	[tilespmem:$0x1D800] =	vst v63  }
0xa0: {  	_ =	swait.ge [sflag:s25], $0x800  }
0xa1: {  	[sflag:s25] =	ssyncset.done $0x0  }
0xa2: {  	s17 =	rddreg [dreg:$0xe];
	[sflag:s25] =	ssyncadd.s32 $0xFFFFF800  }
0xa3: {  	[spmem:s2] =	stream.indirect.scatter.add.f32 [tilespmem:s20], [sflag:$0xD], $0x10, s17, s12, $0xb8;
	[tilespmem:$0x1D800] =	vst v63  }
0xa4: {  	_ =	swait.ge [sflag:s26], $0x800  }
0xa5: {  	[sflag:s26] =	ssyncset.done $0x0  }
0xa6: {  	s18 =	rddreg [dreg:$0xf];
	[sflag:s26] =	ssyncadd.s32 $0xFFFFF800  }
0xa7: {  	[spmem:s2] =	stream.indirect.scatter.add.f32 [tilespmem:s3], [sflag:$0xE], $0x10, s18, s12, $0xb8;
	[tilespmem:$0x1D800] =	vst v63  }
0xa8: {  	_ =	swait.ge [sflag:s28], $0x800  }
0xa9: {  	[sflag:s28] =	ssyncset.done $0x0  }
0xaa: {  	s19 =	rddreg [dreg:$0x10];
	[sflag:s28] =	ssyncadd.s32 $0xFFFFF800  }
0xab: {  	[spmem:s2] =	stream.indirect.scatter.add.f32 [tilespmem:s21], [sflag:$0xF], $0x10, s19, s12, $0xb8;
	[tilespmem:$0x1D800] =	vst v63  }
0xac: {  	_ =	swait.ge [sflag:s29], $0x800  }
0xad: {  	[sflag:s29] =	ssyncset.done $0x0  }
0xae: {  	s20 =	rddreg [dreg:$0x11];
	[sflag:s29] =	ssyncadd.s32 $0xFFFFF800  }
0xaf: {  	[spmem:s2] =	stream.indirect.scatter.add.f32 [tilespmem:s22], [sflag:$0x10], $0x10, s20, s12, $0xb8;
	[tilespmem:$0x1D800] =	vst v63  }
0xb0: {  	_ =	swait.ge [sflag:s30], $0x800  }
0xb1: {  	[sflag:s30] =	ssyncset.done $0x0  }
0xb2: {  	[sflag:s30] =	ssyncadd.s32 $0xFFFFF800  }
0xb3: {  	_ =	swait.ge [sflag:s31], $0x800  }
0xb4: {  	[sflag:s31] =	ssyncset.done $0x0  }
0xb5: {  	[sflag:s31] =	ssyncadd.s32 $0xFFFFF800  }
0xb6: {  	_ =	swait.ge [sflag:s1], $0x800  }
0xb7: {  	[sflag:s1] =	ssyncset.done $0x0  }
0xb8: {  	[sflag:s1] =	ssyncadd.s32 $0xFFFFF800  }
0xb9: {  	_ =	swait.ge [sflag:s0], $0x800  }
0xba: {  	[sflag:s0] =	ssyncset.done $0x0  }
0xbb: {  	[sflag:s0] =	ssyncadd.s32 $0xFFFFF800  }
0xbc: {  	_ =	swait.ge [sflag:s5], $0x800  }
0xbd: {  	[sflag:s5] =	ssyncset.done $0x0  }
0xbe: {  	[sflag:s5] =	ssyncadd.s32 $0xFFFFF800  }
0xbf: {  	_ =	swait.ge [sflag:s7], $0x800  }
0xc0: {  	[sflag:s7] =	ssyncset.done $0x0  }
0xc1: {  	p0 =	sne.s32 s11, $0x1800;
	[sflag:s7] =	ssyncadd.s32 $0xFFFFF800  }
.Ltmp0:
0xc2: {  	_ =	swait.ge [sflag:s8], $0x800;
	(pc) =	sbr.rel @p0 .LBB2_2-.Ltmp0, $4  }
0xc3: {  	[sflag:s8] =	ssyncset.done $0x0  }
0xc4: {  	[sflag:s8] =	ssyncadd.s32 $0xFFFFF800  }
0xc5: {  	_ =	swait.ge [sflag:s6], $0x800  }
0xc6: {  	s11 =	sadd.s32 $0x80, s11;
	s13 =	rddreg [dreg:$0x4];
	[sflag:s6] =	ssyncset.done $0x0  }
0xc7: {  	[sflag:s6] =	ssyncadd.s32 $0xFFFFF800;
	s11 =	sadd.s32 s9, s13;
	s3 =	simm.s32 $0x0  }
0xc8: {  	[tilespmem:s3], [sflag:$0x11] =	stream.linear.gather [hbm4b:s11+s3], $0x400, $0x38;
	[tilespmem:$0x1D800] =	vst v63  }
0xc9: {  	_ =	swait.ge [sflag:s10], $0x400  }
0xca: {  	s17 =	rddreg [dreg:$0x3];
	[sflag:s10] =	ssyncset.done $0x0  }
0xcb: {  	s13 =	simm.s32 $0x400;
	[sflag:s10] =	ssyncadd.s32 $0xFFFFFC00;
	s18 =	sadd.s32 s9, s17  }
0xcc: {  	[tilespmem:s13], [sflag:$0x11] =	stream.linear.gather [hbm4b:s18+s3], $0x400, $0x38;
	[tilespmem:$0x1D800] =	vst v63  }
0xcd: {  	_ =	swait.ge [sflag:s10], $0x400  }
0xce: {  	[sflag:s10] =	ssyncset.done $0x0  }
0xcf: {  	s14 =	simm.s32 $0x800;
	[sflag:s10] =	ssyncadd.s32 $0xFFFFFC00  }
0xd0: {  	[tilespmem:s14], [sflag:$0x1] =	stream.indirect.gather [hbm4b:s4+s12], $0x10, s3, s12, $0xb8;
	[tilespmem:$0x1D800] =	vst v63  }
0xd1: {  	s15 =	simm.s32 $0x1000  }
0xd2: {  	[tilespmem:s15], [sflag:$0x2] =	stream.indirect.gather [hbm4b:s4+s12], $0x10, s12, s12, $0xb8;
	[tilespmem:$0x1D800] =	vst v63  }
0xd3: {  	s16 =	simm.s32 $0x1800;
	s19 =	rddreg [dreg:$0x5]  }
0xd4: {  	[tilespmem:s16], [sflag:$0x3] =	stream.indirect.gather [hbm4b:s4+s12], $0x10, s19, s12, $0xb8;
	[tilespmem:$0x1D800] =	vst v63  }
0xd5: {  	s17 =	simm.s32 $0x2000;
	s20 =	rddreg [dreg:$0x6]  }
0xd6: {  	[tilespmem:s17], [sflag:$0x4] =	stream.indirect.gather [hbm4b:s4+s12], $0x10, s20, s12, $0xb8;
	[tilespmem:$0x1D800] =	vst v63  }
0xd7: {  	s18 =	simm.s32 $0x2800;
	s3 =	rddreg [dreg:$0x7]  }
0xd8: {  	[tilespmem:s18], [sflag:$0x5] =	stream.indirect.gather [hbm4b:s4+s12], $0x10, s3, s12, $0xb8;
	[tilespmem:$0x1D800] =	vst v63  }
0xd9: {  	s19 =	rddreg [dreg:$0x8];
	s3 =	simm.s32 $0x3000  }
0xda: {  	[tilespmem:s3], [sflag:$0x6] =	stream.indirect.gather [hbm4b:s4+s12], $0x10, s19, s12, $0xb8;
	[tilespmem:$0x1D800] =	vst v63  }
0xdb: {  	s20 =	rddreg [dreg:$0x9];
	s19 =	simm.s32 $0x3800  }
0xdc: {  	[tilespmem:s19], [sflag:$0x7] =	stream.indirect.gather [hbm4b:s4+s12], $0x10, s20, s12, $0xb8;
	[tilespmem:$0x1D800] =	vst v63  }
0xdd: {  	s11 =	rddreg [dreg:$0xa];
	s20 =	simm.s32 $0x4000  }
0xde: {  	[tilespmem:s20], [sflag:$0x8] =	stream.indirect.gather [hbm4b:s4+s12], $0x10, s11, s12, $0xb8;
	[tilespmem:$0x1D800] =	vst v63  }
0xdf: {  	s11 =	simm.s32 $0x1  }
0xe0: {  	_ =	swait.ge [sflag:s11], $0x800  }
0xe1: {  	[sflag:s11] =	ssyncset.done $0x0  }
0xe2: {  	[sflag:s11] =	ssyncadd.s32 $0xFFFFF800  }
0xe3: {  	[spmem:s2] =	stream.indirect.scatter.add.f32 [tilespmem:s14], [sflag:$0x9], $0x10, s13, s12, $0xb8;
	[tilespmem:$0x1D800] =	vst v63  }
0xe4: {  	s13 =	simm.s32 $0x2  }
0xe5: {  	_ =	swait.ge [sflag:s13], $0x800  }
0xe6: {  	[sflag:s13] =	ssyncset.done $0x0  }
0xe7: {  	s14 =	rddreg [dreg:$0xb];
	[sflag:s13] =	ssyncadd.s32 $0xFFFFF800  }
0xe8: {  	[spmem:s2] =	stream.indirect.scatter.add.f32 [tilespmem:s15], [sflag:$0xA], $0x10, s14, s12, $0xb8;
	[tilespmem:$0x1D800] =	vst v63  }
0xe9: {  	_ =	swait.ge [sflag:s23], $0x800  }
0xea: {  	[sflag:s23] =	ssyncset.done $0x0  }
0xeb: {  	s11 =	rddreg [dreg:$0xc];
	[sflag:s23] =	ssyncadd.s32 $0xFFFFF800  }
0xec: {  	[spmem:s2] =	stream.indirect.scatter.add.f32 [tilespmem:s16], [sflag:$0xB], $0x10, s11, s12, $0xb8;
	[tilespmem:$0x1D800] =	vst v63  }
0xed: {  	_ =	swait.ge [sflag:s24], $0x800  }
0xee: {  	[sflag:s24] =	ssyncset.done $0x0  }
0xef: {  	s13 =	rddreg [dreg:$0xd];
	[sflag:s24] =	ssyncadd.s32 $0xFFFFF800  }
0xf0: {  	[spmem:s2] =	stream.indirect.scatter.add.f32 [tilespmem:s17], [sflag:$0xC], $0x10, s13, s12, $0xb8;
	[tilespmem:$0x1D800] =	vst v63  }
0xf1: {  	_ =	swait.ge [sflag:s25], $0x800  }
0xf2: {  	[sflag:s25] =	ssyncset.done $0x0  }
0xf3: {  	s14 =	rddreg [dreg:$0xe];
	[sflag:s25] =	ssyncadd.s32 $0xFFFFF800  }
0xf4: {  	[spmem:s2] =	stream.indirect.scatter.add.f32 [tilespmem:s18], [sflag:$0xD], $0x10, s14, s12, $0xb8;
	[tilespmem:$0x1D800] =	vst v63  }
0xf5: {  	_ =	swait.ge [sflag:s26], $0x800  }
0xf6: {  	[sflag:s26] =	ssyncset.done $0x0  }
0xf7: {  	s15 =	rddreg [dreg:$0xf];
	[sflag:s26] =	ssyncadd.s32 $0xFFFFF800  }
0xf8: {  	[spmem:s2] =	stream.indirect.scatter.add.f32 [tilespmem:s3], [sflag:$0xE], $0x10, s15, s12, $0xb8;
	[tilespmem:$0x1D800] =	vst v63  }
0xf9: {  	_ =	swait.ge [sflag:s28], $0x800  }
0xfa: {  	[sflag:s28] =	ssyncset.done $0x0  }
0xfb: {  	s16 =	rddreg [dreg:$0x10];
	[sflag:s28] =	ssyncadd.s32 $0xFFFFF800  }
0xfc: {  	[spmem:s2] =	stream.indirect.scatter.add.f32 [tilespmem:s19], [sflag:$0xF], $0x10, s16, s12, $0xb8;
	[tilespmem:$0x1D800] =	vst v63  }
0xfd: {  	_ =	swait.ge [sflag:s29], $0x800  }
0xfe: {  	[sflag:s29] =	ssyncset.done $0x0  }
0xff: {  	s17 =	rddreg [dreg:$0x11];
	[sflag:s29] =	ssyncadd.s32 $0xFFFFF800  }
0x100: {  	[spmem:s2] =	stream.indirect.scatter.add.f32 [tilespmem:s20], [sflag:$0x10], $0x10, s17, s12, $0xb8;
	[tilespmem:$0x1D800] =	vst v63  }
0x101: {  	_ =	swait.ge [sflag:s30], $0x800  }
0x102: {  	[sflag:s30] =	ssyncset.done $0x0  }
0x103: {  	[sflag:s30] =	ssyncadd.s32 $0xFFFFF800  }
0x104: {  	_ =	swait.ge [sflag:s31], $0x800  }
0x105: {  	[sflag:s31] =	ssyncset.done $0x0  }
0x106: {  	[sflag:s31] =	ssyncadd.s32 $0xFFFFF800  }
0x107: {  	_ =	swait.ge [sflag:s1], $0x800  }
0x108: {  	[sflag:s1] =	ssyncset.done $0x0  }
0x109: {  	[sflag:s1] =	ssyncadd.s32 $0xFFFFF800  }
0x10a: {  	_ =	swait.ge [sflag:s0], $0x800  }
0x10b: {  	[sflag:s0] =	ssyncset.done $0x0  }
0x10c: {  	[sflag:s0] =	ssyncadd.s32 $0xFFFFF800  }
0x10d: {  	_ =	swait.ge [sflag:s5], $0x800  }
0x10e: {  	[sflag:s5] =	ssyncset.done $0x0  }
0x10f: {  	[sflag:s5] =	ssyncadd.s32 $0xFFFFF800  }
0x110: {  	_ =	swait.ge [sflag:s7], $0x800  }
0x111: {  	[sflag:s7] =	ssyncset.done $0x0  }
0x112: {  	[sflag:s7] =	ssyncadd.s32 $0xFFFFF800  }
0x113: {  	_ =	swait.ge [sflag:s8], $0x800  }
0x114: {  	[sflag:s8] =	ssyncset.done $0x0  }
0x115: {  	[sflag:s8] =	ssyncadd.s32 $0xFFFFF800  }
0x116: {  	_ =	swait.ge [sflag:s6], $0x800  }
0x117: {  	[sflag:s6] =	ssyncset.done $0x0  }
0x118: {  	[sflag:s6] =	ssyncadd.s32 $0xFFFFF800  }
0x119: {  	[bflag:$0x0] =	sbarrier.arrive $0xFFFF  }
0x11a: {  	s11 =	rddreg [dreg:$0x13]  }
0x11b: {  	s18 =	rddreg [dreg:$0x14]  }
0x11c: {  	s13 =	rddreg [dreg:$0x16]  }
0x11d: {  	[hbm:s18], [sflag:s11] =	dma.local [spmem:s13], $0x3200  }
0x11e: {  	_ =	swait.ge [sflag:s10], $0x3200  }
0x11f: {  	s19 =	rddreg [dreg:$0x17]  }
0x120: {  	s20 =	rddreg [dreg:$0x15];
	s3 =	sadd.s32 $0x1, s19  }
0x121: {  	p0 =	sne.s32 s3, s20  }
.Ltmp1:
0x122: {  	_ = 	snop;
	(pc) =	sbr.rel @p0 .LBB2_1-.Ltmp1, $3  }
0x123: {  	_ =	sdelay $0x1  }
0x124: {  	[sflag:s10] =	ssyncset.done $0x0  }
0x125: {  	[sflag:s10] =	ssyncadd.s32 $0xFFFFCE00  }
0x126: {  	_ =	sfence.sel $0x180000  }
0x127: {  	[bflag:$0x0] =	sbarrier.arrive $0xFFFF  }
0x128: {  	_ =	strace $0x90000050  }
0x129: {  	s0 =	stileid.u32;
	[bflag:$0x2] =	sbarrier.arrive $0xFFFF  }
0x12a: {  	p0 =	sne.s32 s0, $0x0;
	s0 =	rddreg [dreg:$0x2]  }
0x12b: {  	s0 =	sadd.s32 @!p0 $0x100000, s0  }
0x12c: {  	[sflag:s0] =	ssyncadd.tile.s32 @!p0 $0x1;
	_ =	shalt  }
.Lfunc_end2:
_tile_overlayer_lowered:
.L_overlay_start_2:
0x12d: {  	(tag) =	ssettag $0x2  }
0x12e: {  	s0 =	rddreg [dreg:$0x0];
	s2 =	stileid.u32  }
0x12f: {  	s1 =	rddreg [dreg:$0x1];
	p0 =	sne.s32 s2, $0x0  }
0x130: {  	s3 =	rddreg [dreg:$0x2];
	[bflag:$0x3] =	sbarrier.arrive $0xFFFF;
	s2 =	simm.s32 @!p0 $0x1C11  }
0x131: {  	[timem:s3], [sflag:s2] =	dma.local @!p0 [hbm:s0], s1  }
0x132: {  	s0 =	simm.s32 @!p0 $0x11  }
0x133: {  	_ =	swait.ge @!p0 [sflag:s0], s1  }
0x134: {  	s1 =	ssub.s32 @!p0 $0x0, s1;
	[sflag:s0] =	ssyncset.done @!p0 $0x0  }
0x135: {  	[sflag:s0] =	ssyncadd.s32 @!p0 s1  }
0x136: {  	[bflag:$0x3] =	sbarrier.arrive $0xFFFF  }
0x137: {  	_ =	shalt  }

</sc_bundles>
